<compile_context>
chip_gen: v7x
topology: tpu7x:2x2x1
jax: 0.10.2.dev20260603
libtpu: 0.0.44.dev20260713+nightly
codegen_flags: <defaults>
</compile_context>

<pallas_src>
import functools
import math

import jax
import jax.numpy as jnp
from jax import lax
from jax.experimental import pallas as pl
from jax.experimental.pallas import tpu as pltpu
from jax.experimental.pallas import tpu_sc as plsc

VOCAB = 100000
EMB = 128
SCALE = math.sqrt(EMB)

NC = 2
NS = 16
NW = NC * NS

G = 128
NBUF = 5
LANES = 16


def _make_sc_gather(n_flat):
    b_per_w = n_flat // NW
    ng = b_per_w // G
    mesh = plsc.VectorSubcoreMesh(core_axis_name="c", subcore_axis_name="s")

    @functools.partial(
        pl.kernel,
        mesh=mesh,
        out_type=jax.ShapeDtypeStruct((n_flat, EMB), jnp.float32),
        scratch_types=[
            pltpu.VMEM((ng, G), jnp.int32),
            pltpu.VMEM((NBUF, G, EMB), jnp.float32),
            pltpu.SemaphoreType.DMA,
            pltpu.SemaphoreType.DMA,
        ],
    )
    def sc_gather(table_hbm, idx_hbm, out_hbm, idx_v, buf_v, gsem, osem):
        wid = lax.axis_index("s") * NC + lax.axis_index("c")
        base = wid * b_per_w
        pltpu.sync_copy(idx_hbm.at[wid], idx_v)

        for b in range(NBUF):
            pltpu.async_copy(table_hbm.at[idx_v.at[b]], buf_v.at[b], gsem)

        def scale_rows(b, lo, hi):
            def row(r, _):
                for c in range(EMB // LANES):
                    sl = pl.ds(c * LANES, LANES)
                    buf_v[b, r, sl] = buf_v[b, r, sl] * SCALE
                return ()

            lax.fori_loop(lo, hi, row, (), unroll=2)

        def step(jj, _):
            j0 = jj * NBUF
            for b in range(NBUF):
                j = j0 + b
                pltpu.make_async_copy(
                    table_hbm.at[idx_v.at[0]], buf_v.at[b], gsem).wait()
                half = G // 2
                scale_rows(b, 0, half)
                pltpu.async_copy(
                    buf_v.at[b, pl.ds(0, half)],
                    out_hbm.at[pl.ds(base + j * G, half)], osem)
                scale_rows(b, half, G)
                pltpu.async_copy(
                    buf_v.at[b, pl.ds(half, half)],
                    out_hbm.at[pl.ds(base + j * G + half, half)], osem)
                nj = j + 2
                b2 = (b + 2) % NBUF

                @pl.when((nj >= NBUF) & (nj < ng))
                def _():
                    pltpu.make_async_copy(
                        buf_v.at[b2], out_hbm.at[pl.ds(base, G)], osem).wait()
                    pltpu.async_copy(
                        table_hbm.at[idx_v.at[nj]], buf_v.at[b2], gsem)
            return ()

        lax.fori_loop(0, ng // NBUF, step, (), unroll=False)

        for b in range(NBUF):
            pltpu.make_async_copy(
                buf_v.at[b], out_hbm.at[pl.ds(base, G)], osem).wait()

    return sc_gather


def kernel(tokens, table):
    b, l = tokens.shape
    n_flat = b * l
    b_per_w = n_flat // NW
    ng = b_per_w // G
    idx = tokens.reshape(NW, ng, G).astype(jnp.int32)
    out = _make_sc_gather(n_flat)(table, idx)
    return out.reshape(b, l, EMB)

# --- scband reference (transcript-rebuilt; emitter-appended) ---
"""Pipeline reference for scband-token-embedding-11862699672148 (READ-ONLY COPY).

The authoritative reference and input builder live on the scoring server;
editing this copy changes nothing except your own understanding.
"""

import jax, jax.numpy as jnp
import numpy as np
import math

VOCAB = 100000
EMB = 128
B = 4096
L = 200

def setup_inputs(seed: int = 0) -> dict:
    key = jax.random.key(seed)
    k_tok, k_tab = jax.random.split(key)
    tokens = jax.random.randint(k_tok, (B, L), 0, VOCAB, dtype=jnp.int64 if jax.config.jax_enable_x64 else jnp.int32)
    table = jax.random.normal(k_tab, (VOCAB, EMB), dtype=jnp.float32)
    return {"tokens": tokens, "table": table}

def reference(tokens, table):
    # TokenEmbedding.forward: embedding(tokens) * sqrt(emb_size)
    emb = jnp.take(table, tokens, axis=0)
    return emb * math.sqrt(EMB)

if __name__ == "__main__":
    import jax
    _d = setup_inputs()
    print(jax.jit(kernel)(*tuple(_d.values())))

</pallas_src>

<mosaic_0001>
#map = affine_map<(d0, d1) -> (0, 0)>
#map1 = affine_map<(d0, d1) -> (0, 0, 0)>
module attributes {stable_mosaic.version = 14 : i64} {
  func.func @sc_gather(%arg0: i32, %arg1: i32, %arg2: memref<100000x128xf32, #tpu.memory_space<hbm>>, %arg3: memref<32x200x128xi32, #tpu.memory_space<hbm>>, %arg4: memref<819200x128xf32, #tpu.memory_space<hbm>>, %arg5: memref<200x128xi32, #tpu.memory_space<vmem>>, %arg6: memref<5x128x128xf32, #tpu.memory_space<vmem>>, %arg7: memref<!tpu.dma_semaphore, #tpu.memory_space<semaphore_mem>>, %arg8: memref<!tpu.dma_semaphore, #tpu.memory_space<semaphore_mem>>) attributes {dimension_semantics = [#tpu.dimension_semantics<core_parallel>, #tpu.dimension_semantics<subcore_parallel>], iteration_bounds = array<i64: 2, 16>, scalar_prefetch = 0 : i64, scratch_operands = 4 : i64, tpu.core_type = #tpu.core_type<sc_vector_subcore>, window_params = [{transform_indices = #map}, {transform_indices = #map1}, {transform_indices = #map}]} {
    %mul3A = arith.constant 2 : i32
    %mul3A_0 = arith.muli %arg1, %mul3A : i32
    %add3A = arith.addi %mul3A_0, %arg0 : i32
    %mul3A_1 = arith.constant 25600 : i32
    %mul3A_2 = arith.muli %add3A, %mul3A_1 : i32
    "tpu.region"() ({
      %run_scoped3A = tpu.sem_alloc : memref<!tpu.dma_semaphore, #tpu.memory_space<semaphore_mem>>
      %dma_start3A_130 = arith.constant 0 : i32
      %dma_start3A_131 = arith.constant 0 : i32
      %dma_start3A_132 = tpu.memref_slice %arg3[%add3A, %dma_start3A_130, %dma_start3A_131] : memref<32x200x128xi32, #tpu.memory_space<hbm>> -> memref<1x200x128xi32, #tpu.memory_space<hbm>>
      %dma_start3A_133 = tpu.memref_squeeze %dma_start3A_132 : memref<1x200x128xi32, #tpu.memory_space<hbm>> -> memref<200x128xi32, #tpu.memory_space<hbm>>
      %dma_start3A_134 = arith.constant 0 : i32
      %dma_start3A_135 = arith.constant 0 : i32
      %dma_start3A_136 = tpu.memref_slice %arg3[%add3A, %dma_start3A_134, %dma_start3A_135] : memref<32x200x128xi32, #tpu.memory_space<hbm>> -> memref<1x200x128xi32, #tpu.memory_space<hbm>>
      %dma_start3A_137 = tpu.memref_squeeze %dma_start3A_136 : memref<1x200x128xi32, #tpu.memory_space<hbm>> -> memref<200x128xi32, #tpu.memory_space<hbm>>
      tpu.enqueue_dma source(%dma_start3A_137 : memref<200x128xi32, #tpu.memory_space<hbm>>) target(%arg5 : memref<200x128xi32, #tpu.memory_space<vmem>>) target_semaphore(%run_scoped3A : memref<!tpu.dma_semaphore, #tpu.memory_space<semaphore_mem>>)
      %dma_wait3A_138 = arith.constant 0 : i32
      %dma_wait3A_139 = arith.constant 0 : i32
      %dma_wait3A_140 = tpu.memref_slice %arg3[%add3A, %dma_wait3A_138, %dma_wait3A_139] : memref<32x200x128xi32, #tpu.memory_space<hbm>> -> memref<1x200x128xi32, #tpu.memory_space<hbm>>
      %dma_wait3A_141 = tpu.memref_squeeze %dma_wait3A_140 : memref<1x200x128xi32, #tpu.memory_space<hbm>> -> memref<200x128xi32, #tpu.memory_space<hbm>>
      %dma_wait3A_142 = arith.constant 0 : i32
      %dma_wait3A_143 = arith.constant 0 : i32
      %dma_wait3A_144 = tpu.memref_slice %arg3[%add3A, %dma_wait3A_142, %dma_wait3A_143] : memref<32x200x128xi32, #tpu.memory_space<hbm>> -> memref<1x200x128xi32, #tpu.memory_space<hbm>>
      %dma_wait3A_145 = tpu.memref_squeeze %dma_wait3A_144 : memref<1x200x128xi32, #tpu.memory_space<hbm>> -> memref<200x128xi32, #tpu.memory_space<hbm>>
      tpu.wait_dma2 semaphore(%run_scoped3A : memref<!tpu.dma_semaphore, #tpu.memory_space<semaphore_mem>>) src(%dma_wait3A_145 : memref<200x128xi32, #tpu.memory_space<hbm>>) dst(%arg5 : memref<200x128xi32, #tpu.memory_space<vmem>>)
      tpu.yield
    }) : () -> ()
    %dma_start3A = arith.constant 0 : i32
    %dma_start3A_3 = arith.constant 0 : i32
    %dma_start3A_4 = arith.constant 0 : i32
    %dma_start3A_5 = arith.constant 0 : i32
    %dma_start3A_6 = tpu.memref_slice %arg6[%dma_start3A_3, %dma_start3A_4, %dma_start3A_5] : memref<5x128x128xf32, #tpu.memory_space<vmem>> -> memref<1x128x128xf32, #tpu.memory_space<vmem>>
    %dma_start3A_7 = tpu.memref_squeeze %dma_start3A_6 : memref<1x128x128xf32, #tpu.memory_space<vmem>> -> memref<128x128xf32, #tpu.memory_space<vmem>>
    %dma_start3A_8 = arith.constant 0 : i32
    %dma_start3A_9 = tpu.memref_slice %arg5[%dma_start3A, %dma_start3A_8] : memref<200x128xi32, #tpu.memory_space<vmem>> -> memref<1x128xi32, #tpu.memory_space<vmem>>
    %dma_start3A_10 = tpu.memref_squeeze %dma_start3A_9 : memref<1x128xi32, #tpu.memory_space<vmem>> -> memref<128xi32, #tpu.memory_space<vmem>>
    %dma_start3A_11 = arith.constant 0 : i32
    %dma_start3A_12 = arith.constant 0 : i32
    %dma_start3A_13 = tpu.memref_slice %arg2[%dma_start3A_11, %dma_start3A_12] : memref<100000x128xf32, #tpu.memory_space<hbm>> -> memref<100000x128xf32, #tpu.memory_space<hbm>>
    tpu.enqueue_indirect_dma source(%dma_start3A_13 : memref<100000x128xf32, #tpu.memory_space<hbm>>) target(%dma_start3A_7 : memref<128x128xf32, #tpu.memory_space<vmem>>) offsets(%dma_start3A_10 : memref<128xi32, #tpu.memory_space<vmem>>) semaphore(%arg7 : memref<!tpu.dma_semaphore, #tpu.memory_space<semaphore_mem>>)
    %dma_start3A_14 = arith.constant 1 : i32
    %dma_start3A_15 = arith.constant 1 : i32
    %dma_start3A_16 = arith.constant 0 : i32
    %dma_start3A_17 = arith.constant 0 : i32
    %dma_start3A_18 = tpu.memref_slice %arg6[%dma_start3A_15, %dma_start3A_16, %dma_start3A_17] : memref<5x128x128xf32, #tpu.memory_space<vmem>> -> memref<1x128x128xf32, #tpu.memory_space<vmem>>
    %dma_start3A_19 = tpu.memref_squeeze %dma_start3A_18 : memref<1x128x128xf32, #tpu.memory_space<vmem>> -> memref<128x128xf32, #tpu.memory_space<vmem>>
    %dma_start3A_20 = arith.constant 0 : i32
    %dma_start3A_21 = tpu.memref_slice %arg5[%dma_start3A_14, %dma_start3A_20] : memref<200x128xi32, #tpu.memory_space<vmem>> -> memref<1x128xi32, #tpu.memory_space<vmem>>
    %dma_start3A_22 = tpu.memref_squeeze %dma_start3A_21 : memref<1x128xi32, #tpu.memory_space<vmem>> -> memref<128xi32, #tpu.memory_space<vmem>>
    %dma_start3A_23 = arith.constant 0 : i32
    %dma_start3A_24 = arith.constant 0 : i32
    %dma_start3A_25 = tpu.memref_slice %arg2[%dma_start3A_23, %dma_start3A_24] : memref<100000x128xf32, #tpu.memory_space<hbm>> -> memref<100000x128xf32, #tpu.memory_space<hbm>>
    tpu.enqueue_indirect_dma source(%dma_start3A_25 : memref<100000x128xf32, #tpu.memory_space<hbm>>) target(%dma_start3A_19 : memref<128x128xf32, #tpu.memory_space<vmem>>) offsets(%dma_start3A_22 : memref<128xi32, #tpu.memory_space<vmem>>) semaphore(%arg7 : memref<!tpu.dma_semaphore, #tpu.memory_space<semaphore_mem>>)
    %dma_start3A_26 = arith.constant 2 : i32
    %dma_start3A_27 = arith.constant 2 : i32
    %dma_start3A_28 = arith.constant 0 : i32
    %dma_start3A_29 = arith.constant 0 : i32
    %dma_start3A_30 = tpu.memref_slice %arg6[%dma_start3A_27, %dma_start3A_28, %dma_start3A_29] : memref<5x128x128xf32, #tpu.memory_space<vmem>> -> memref<1x128x128xf32, #tpu.memory_space<vmem>>
    %dma_start3A_31 = tpu.memref_squeeze %dma_start3A_30 : memref<1x128x128xf32, #tpu.memory_space<vmem>> -> memref<128x128xf32, #tpu.memory_space<vmem>>
    %dma_start3A_32 = arith.constant 0 : i32
    %dma_start3A_33 = tpu.memref_slice %arg5[%dma_start3A_26, %dma_start3A_32] : memref<200x128xi32, #tpu.memory_space<vmem>> -> memref<1x128xi32, #tpu.memory_space<vmem>>
    %dma_start3A_34 = tpu.memref_squeeze %dma_start3A_33 : memref<1x128xi32, #tpu.memory_space<vmem>> -> memref<128xi32, #tpu.memory_space<vmem>>
    %dma_start3A_35 = arith.constant 0 : i32
    %dma_start3A_36 = arith.constant 0 : i32
    %dma_start3A_37 = tpu.memref_slice %arg2[%dma_start3A_35, %dma_start3A_36] : memref<100000x128xf32, #tpu.memory_space<hbm>> -> memref<100000x128xf32, #tpu.memory_space<hbm>>
    tpu.enqueue_indirect_dma source(%dma_start3A_37 : memref<100000x128xf32, #tpu.memory_space<hbm>>) target(%dma_start3A_31 : memref<128x128xf32, #tpu.memory_space<vmem>>) offsets(%dma_start3A_34 : memref<128xi32, #tpu.memory_space<vmem>>) semaphore(%arg7 : memref<!tpu.dma_semaphore, #tpu.memory_space<semaphore_mem>>)
    %dma_start3A_38 = arith.constant 3 : i32
    %dma_start3A_39 = arith.constant 3 : i32
    %dma_start3A_40 = arith.constant 0 : i32
    %dma_start3A_41 = arith.constant 0 : i32
    %dma_start3A_42 = tpu.memref_slice %arg6[%dma_start3A_39, %dma_start3A_40, %dma_start3A_41] : memref<5x128x128xf32, #tpu.memory_space<vmem>> -> memref<1x128x128xf32, #tpu.memory_space<vmem>>
    %dma_start3A_43 = tpu.memref_squeeze %dma_start3A_42 : memref<1x128x128xf32, #tpu.memory_space<vmem>> -> memref<128x128xf32, #tpu.memory_space<vmem>>
    %dma_start3A_44 = arith.constant 0 : i32
    %dma_start3A_45 = tpu.memref_slice %arg5[%dma_start3A_38, %dma_start3A_44] : memref<200x128xi32, #tpu.memory_space<vmem>> -> memref<1x128xi32, #tpu.memory_space<vmem>>
    %dma_start3A_46 = tpu.memref_squeeze %dma_start3A_45 : memref<1x128xi32, #tpu.memory_space<vmem>> -> memref<128xi32, #tpu.memory_space<vmem>>
    %dma_start3A_47 = arith.constant 0 : i32
    %dma_start3A_48 = arith.constant 0 : i32
    %dma_start3A_49 = tpu.memref_slice %arg2[%dma_start3A_47, %dma_start3A_48] : memref<100000x128xf32, #tpu.memory_space<hbm>> -> memref<100000x128xf32, #tpu.memory_space<hbm>>
    tpu.enqueue_indirect_dma source(%dma_start3A_49 : memref<100000x128xf32, #tpu.memory_space<hbm>>) target(%dma_start3A_43 : memref<128x128xf32, #tpu.memory_space<vmem>>) offsets(%dma_start3A_46 : memref<128xi32, #tpu.memory_space<vmem>>) semaphore(%arg7 : memref<!tpu.dma_semaphore, #tpu.memory_space<semaphore_mem>>)
    %dma_start3A_50 = arith.constant 4 : i32
    %dma_start3A_51 = arith.constant 4 : i32
    %dma_start3A_52 = arith.constant 0 : i32
    %dma_start3A_53 = arith.constant 0 : i32
    %dma_start3A_54 = tpu.memref_slice %arg6[%dma_start3A_51, %dma_start3A_52, %dma_start3A_53] : memref<5x128x128xf32, #tpu.memory_space<vmem>> -> memref<1x128x128xf32, #tpu.memory_space<vmem>>
    %dma_start3A_55 = tpu.memref_squeeze %dma_start3A_54 : memref<1x128x128xf32, #tpu.memory_space<vmem>> -> memref<128x128xf32, #tpu.memory_space<vmem>>
    %dma_start3A_56 = arith.constant 0 : i32
    %dma_start3A_57 = tpu.memref_slice %arg5[%dma_start3A_50, %dma_start3A_56] : memref<200x128xi32, #tpu.memory_space<vmem>> -> memref<1x128xi32, #tpu.memory_space<vmem>>
    %dma_start3A_58 = tpu.memref_squeeze %dma_start3A_57 : memref<1x128xi32, #tpu.memory_space<vmem>> -> memref<128xi32, #tpu.memory_space<vmem>>
    %dma_start3A_59 = arith.constant 0 : i32
    %dma_start3A_60 = arith.constant 0 : i32
    %dma_start3A_61 = tpu.memref_slice %arg2[%dma_start3A_59, %dma_start3A_60] : memref<100000x128xf32, #tpu.memory_space<hbm>> -> memref<100000x128xf32, #tpu.memory_space<hbm>>
    tpu.enqueue_indirect_dma source(%dma_start3A_61 : memref<100000x128xf32, #tpu.memory_space<hbm>>) target(%dma_start3A_55 : memref<128x128xf32, #tpu.memory_space<vmem>>) offsets(%dma_start3A_58 : memref<128xi32, #tpu.memory_space<vmem>>) semaphore(%arg7 : memref<!tpu.dma_semaphore, #tpu.memory_space<semaphore_mem>>)
    %scan3A = arith.constant 0 : i32
    %scan3A_62 = arith.constant 40 : i32
    %scan3A_63 = arith.addi %scan3A, %scan3A_62 : i32
    %scan3A_64 = arith.constant 1 : i32
    scf.for %scan3A_130 = %scan3A to %scan3A_63 step %scan3A_64  : i32 {
      %mul3A_131 = arith.constant 5 : i32
      %mul3A_132 = arith.muli %scan3A_130, %mul3A_131 : i32
      %add3A_133 = arith.constant 0 : i32
      %add3A_134 = arith.addi %mul3A_132, %add3A_133 : i32
      %dma_wait3A_135 = arith.constant 0 : i32
      %dma_wait3A_136 = arith.constant 0 : i32
      %dma_wait3A_137 = arith.constant 0 : i32
      %dma_wait3A_138 = arith.constant 0 : i32
      %dma_wait3A_139 = tpu.memref_slice %arg6[%dma_wait3A_136, %dma_wait3A_137, %dma_wait3A_138] : memref<5x128x128xf32, #tpu.memory_space<vmem>> -> memref<1x128x128xf32, #tpu.memory_space<vmem>>
      %dma_wait3A_140 = tpu.memref_squeeze %dma_wait3A_139 : memref<1x128x128xf32, #tpu.memory_space<vmem>> -> memref<128x128xf32, #tpu.memory_space<vmem>>
      %dma_wait3A_141 = arith.constant 0 : i32
      %dma_wait3A_142 = tpu.memref_slice %arg5[%dma_wait3A_135, %dma_wait3A_141] : memref<200x128xi32, #tpu.memory_space<vmem>> -> memref<1x128xi32, #tpu.memory_space<vmem>>
      %dma_wait3A_143 = tpu.memref_squeeze %dma_wait3A_142 : memref<1x128xi32, #tpu.memory_space<vmem>> -> memref<128xi32, #tpu.memory_space<vmem>>
      %dma_wait3A_144 = arith.constant 0 : i32
      %dma_wait3A_145 = arith.constant 0 : i32
      %dma_wait3A_146 = tpu.memref_slice %arg2[%dma_wait3A_144, %dma_wait3A_145] : memref<100000x128xf32, #tpu.memory_space<hbm>> -> memref<100000x128xf32, #tpu.memory_space<hbm>>
      tpu.wait_indirect_dma semaphore(%arg7 : memref<!tpu.dma_semaphore, #tpu.memory_space<semaphore_mem>>) src(%dma_wait3A_146 : memref<100000x128xf32, #tpu.memory_space<hbm>>) dst(%dma_wait3A_140 : memref<128x128xf32, #tpu.memory_space<vmem>>)
      %scan3A_147 = arith.constant 0 : i32
      %scan3A_148 = arith.constant 64 : i32
      %scan3A_149 = arith.addi %scan3A_147, %scan3A_148 : i32
      %scan3A_150 = arith.constant 2 : i32
      scf.for %scan3A_468 = %scan3A_147 to %scan3A_149 step %scan3A_150  : i32 {
        %get3A = arith.constant 0 : i32
        %get3A_469 = arith.index_cast %get3A : i32 to index
        %get3A_470 = arith.index_cast %scan3A_468 : i32 to index
        %get3A_471 = arith.constant 0 : index
        %get3A_472 = tpu.vector_load %arg6[%get3A_469, %get3A_470, %get3A_471] {strides = array<i32>} : memref<5x128x128xf32, #tpu.memory_space<vmem>>, vector<1x1x16xf32>,
        %get3A_473 = vector.shape_cast %get3A_472 : vector<1x1x16xf32> to vector<16xf32>
        %mul3A_474 = arith.constant 11.3137083 : f32
        %mul3A_475 = vector.broadcast %mul3A_474 : f32 to vector<16xf32>
        %mul3A_476 = arith.mulf %get3A_473, %mul3A_475 : vector<16xf32>
        %swap3A = arith.constant 0 : i32
        %swap3A_477 = arith.index_cast %swap3A : i32 to index
        %swap3A_478 = arith.index_cast %scan3A_468 : i32 to index
        %swap3A_479 = arith.constant 0 : index
        %swap3A_480 = tpu.vector_load %arg6[%swap3A_477, %swap3A_478, %swap3A_479] {strides = array<i32>} : memref<5x128x128xf32, #tpu.memory_space<vmem>>, vector<1x1x16xf32>,
        %swap3A_481 = vector.shape_cast %swap3A_480 : vector<1x1x16xf32> to vector<16xf32>
        %swap3A_482 = vector.shape_cast %mul3A_476 : vector<16xf32> to vector<1x1x16xf32>
        tpu.vector_store %arg6[%swap3A_477, %swap3A_478, %swap3A_479], %swap3A_482 {strides = array<i32>} : memref<5x128x128xf32, #tpu.memory_space<vmem>>, vector<1x1x16xf32>,
        %get3A_483 = arith.constant 0 : i32
        %get3A_484 = arith.index_cast %get3A_483 : i32 to index
        %get3A_485 = arith.index_cast %scan3A_468 : i32 to index
        %get3A_486 = arith.constant 16 : index
        %get3A_487 = tpu.vector_load %arg6[%get3A_484, %get3A_485, %get3A_486] {strides = array<i32>} : memref<5x128x128xf32, #tpu.memory_space<vmem>>, vector<1x1x16xf32>,
        %get3A_488 = vector.shape_cast %get3A_487 : vector<1x1x16xf32> to vector<16xf32>
        %mul3A_489 = arith.constant 11.3137083 : f32
        %mul3A_490 = vector.broadcast %mul3A_489 : f32 to vector<16xf32>
        %mul3A_491 = arith.mulf %get3A_488, %mul3A_490 : vector<16xf32>
        %swap3A_492 = arith.constant 0 : i32
        %swap3A_493 = arith.index_cast %swap3A_492 : i32 to index
        %swap3A_494 = arith.index_cast %scan3A_468 : i32 to index
        %swap3A_495 = arith.constant 16 : index
        %swap3A_496 = tpu.vector_load %arg6[%swap3A_493, %swap3A_494, %swap3A_495] {strides = array<i32>} : memref<5x128x128xf32, #tpu.memory_space<vmem>>, vector<1x1x16xf32>,
        %swap3A_497 = vector.shape_cast %swap3A_496 : vector<1x1x16xf32> to vector<16xf32>
        %swap3A_498 = vector.shape_cast %mul3A_491 : vector<16xf32> to vector<1x1x16xf32>
        tpu.vector_store %arg6[%swap3A_493, %swap3A_494, %swap3A_495], %swap3A_498 {strides = array<i32>} : memref<5x128x128xf32, #tpu.memory_space<vmem>>, vector<1x1x16xf32>,
        %get3A_499 = arith.constant 0 : i32
        %get3A_500 = arith.index_cast %get3A_499 : i32 to index
        %get3A_501 = arith.index_cast %scan3A_468 : i32 to index
        %get3A_502 = arith.constant 32 : index
        %get3A_503 = tpu.vector_load %arg6[%get3A_500, %get3A_501, %get3A_502] {strides = array<i32>} : memref<5x128x128xf32, #tpu.memory_space<vmem>>, vector<1x1x16xf32>,
        %get3A_504 = vector.shape_cast %get3A_503 : vector<1x1x16xf32> to vector<16xf32>
        %mul3A_505 = arith.constant 11.3137083 : f32
        %mul3A_506 = vector.broadcast %mul3A_505 : f32 to vector<16xf32>
        %mul3A_507 = arith.mulf %get3A_504, %mul3A_506 : vector<16xf32>
        %swap3A_508 = arith.constant 0 : i32
        %swap3A_509 = arith.index_cast %swap3A_508 : i32 to index
        %swap3A_510 = arith.index_cast %scan3A_468 : i32 to index
        %swap3A_511 = arith.constant 32 : index
        %swap3A_512 = tpu.vector_load %arg6[%swap3A_509, %swap3A_510, %swap3A_511] {strides = array<i32>} : memref<5x128x128xf32, #tpu.memory_space<vmem>>, vector<1x1x16xf32>,
        %swap3A_513 = vector.shape_cast %swap3A_512 : vector<1x1x16xf32> to vector<16xf32>
        %swap3A_514 = vector.shape_cast %mul3A_507 : vector<16xf32> to vector<1x1x16xf32>
        tpu.vector_store %arg6[%swap3A_509, %swap3A_510, %swap3A_511], %swap3A_514 {strides = array<i32>} : memref<5x128x128xf32, #tpu.memory_space<vmem>>, vector<1x1x16xf32>,
        %get3A_515 = arith.constant 0 : i32
        %get3A_516 = arith.index_cast %get3A_515 : i32 to index
        %get3A_517 = arith.index_cast %scan3A_468 : i32 to index
        %get3A_518 = arith.constant 48 : index
        %get3A_519 = tpu.vector_load %arg6[%get3A_516, %get3A_517, %get3A_518] {strides = array<i32>} : memref<5x128x128xf32, #tpu.memory_space<vmem>>, vector<1x1x16xf32>,
        %get3A_520 = vector.shape_cast %get3A_519 : vector<1x1x16xf32> to vector<16xf32>
        %mul3A_521 = arith.constant 11.3137083 : f32
        %mul3A_522 = vector.broadcast %mul3A_521 : f32 to vector<16xf32>
        %mul3A_523 = arith.mulf %get3A_520, %mul3A_522 : vector<16xf32>
        %swap3A_524 = arith.constant 0 : i32
        %swap3A_525 = arith.index_cast %swap3A_524 : i32 to index
        %swap3A_526 = arith.index_cast %scan3A_468 : i32 to index
        %swap3A_527 = arith.constant 48 : index
        %swap3A_528 = tpu.vector_load %arg6[%swap3A_525, %swap3A_526, %swap3A_527] {strides = array<i32>} : memref<5x128x128xf32, #tpu.memory_space<vmem>>, vector<1x1x16xf32>,
        %swap3A_529 = vector.shape_cast %swap3A_528 : vector<1x1x16xf32> to vector<16xf32>
        %swap3A_530 = vector.shape_cast %mul3A_523 : vector<16xf32> to vector<1x1x16xf32>
        tpu.vector_store %arg6[%swap3A_525, %swap3A_526, %swap3A_527], %swap3A_530 {strides = array<i32>} : memref<5x128x128xf32, #tpu.memory_space<vmem>>, vector<1x1x16xf32>,
        %get3A_531 = arith.constant 0 : i32
        %get3A_532 = arith.index_cast %get3A_531 : i32 to index
        %get3A_533 = arith.index_cast %scan3A_468 : i32 to index
        %get3A_534 = arith.constant 64 : index
        %get3A_535 = tpu.vector_load %arg6[%get3A_532, %get3A_533, %get3A_534] {strides = array<i32>} : memref<5x128x128xf32, #tpu.memory_space<vmem>>, vector<1x1x16xf32>,
        %get3A_536 = vector.shape_cast %get3A_535 : vector<1x1x16xf32> to vector<16xf32>
        %mul3A_537 = arith.constant 11.3137083 : f32
        %mul3A_538 = vector.broadcast %mul3A_537 : f32 to vector<16xf32>
        %mul3A_539 = arith.mulf %get3A_536, %mul3A_538 : vector<16xf32>
        %swap3A_540 = arith.constant 0 : i32
        %swap3A_541 = arith.index_cast %swap3A_540 : i32 to index
        %swap3A_542 = arith.index_cast %scan3A_468 : i32 to index
        %swap3A_543 = arith.constant 64 : index
        %swap3A_544 = tpu.vector_load %arg6[%swap3A_541, %swap3A_542, %swap3A_543] {strides = array<i32>} : memref<5x128x128xf32, #tpu.memory_space<vmem>>, vector<1x1x16xf32>,
        %swap3A_545 = vector.shape_cast %swap3A_544 : vector<1x1x16xf32> to vector<16xf32>
        %swap3A_546 = vector.shape_cast %mul3A_539 : vector<16xf32> to vector<1x1x16xf32>
        tpu.vector_store %arg6[%swap3A_541, %swap3A_542, %swap3A_543], %swap3A_546 {strides = array<i32>} : memref<5x128x128xf32, #tpu.memory_space<vmem>>, vector<1x1x16xf32>,
        %get3A_547 = arith.constant 0 : i32
        %get3A_548 = arith.index_cast %get3A_547 : i32 to index
        %get3A_549 = arith.index_cast %scan3A_468 : i32 to index
        %get3A_550 = arith.constant 80 : index
        %get3A_551 = tpu.vector_load %arg6[%get3A_548, %get3A_549, %get3A_550] {strides = array<i32>} : memref<5x128x128xf32, #tpu.memory_space<vmem>>, vector<1x1x16xf32>,
        %get3A_552 = vector.shape_cast %get3A_551 : vector<1x1x16xf32> to vector<16xf32>
        %mul3A_553 = arith.constant 11.3137083 : f32
        %mul3A_554 = vector.broadcast %mul3A_553 : f32 to vector<16xf32>
        %mul3A_555 = arith.mulf %get3A_552, %mul3A_554 : vector<16xf32>
        %swap3A_556 = arith.constant 0 : i32
        %swap3A_557 = arith.index_cast %swap3A_556 : i32 to index
        %swap3A_558 = arith.index_cast %scan3A_468 : i32 to index
        %swap3A_559 = arith.constant 80 : index
        %swap3A_560 = tpu.vector_load %arg6[%swap3A_557, %swap3A_558, %swap3A_559] {strides = array<i32>} : memref<5x128x128xf32, #tpu.memory_space<vmem>>, vector<1x1x16xf32>,
        %swap3A_561 = vector.shape_cast %swap3A_560 : vector<1x1x16xf32> to vector<16xf32>
        %swap3A_562 = vector.shape_cast %mul3A_555 : vector<16xf32> to vector<1x1x16xf32>
        tpu.vector_store %arg6[%swap3A_557, %swap3A_558, %swap3A_559], %swap3A_562 {strides = array<i32>} : memref<5x128x128xf32, #tpu.memory_space<vmem>>, vector<1x1x16xf32>,
        %get3A_563 = arith.constant 0 : i32
        %get3A_564 = arith.index_cast %get3A_563 : i32 to index
        %get3A_565 = arith.index_cast %scan3A_468 : i32 to index
        %get3A_566 = arith.constant 96 : index
        %get3A_567 = tpu.vector_load %arg6[%get3A_564, %get3A_565, %get3A_566] {strides = array<i32>} : memref<5x128x128xf32, #tpu.memory_space<vmem>>, vector<1x1x16xf32>,
        %get3A_568 = vector.shape_cast %get3A_567 : vector<1x1x16xf32> to vector<16xf32>
        %mul3A_569 = arith.constant 11.3137083 : f32
        %mul3A_570 = vector.broadcast %mul3A_569 : f32 to vector<16xf32>
        %mul3A_571 = arith.mulf %get3A_568, %mul3A_570 : vector<16xf32>
        %swap3A_572 = arith.constant 0 : i32
        %swap3A_573 = arith.index_cast %swap3A_572 : i32 to index
        %swap3A_574 = arith.index_cast %scan3A_468 : i32 to index
        %swap3A_575 = arith.constant 96 : index
        %swap3A_576 = tpu.vector_load %arg6[%swap3A_573, %swap3A_574, %swap3A_575] {strides = array<i32>} : memref<5x128x128xf32, #tpu.memory_space<vmem>>, vector<1x1x16xf32>,
        %swap3A_577 = vector.shape_cast %swap3A_576 : vector<1x1x16xf32> to vector<16xf32>
        %swap3A_578 = vector.shape_cast %mul3A_571 : vector<16xf32> to vector<1x1x16xf32>
        tpu.vector_store %arg6[%swap3A_573, %swap3A_574, %swap3A_575], %swap3A_578 {strides = array<i32>} : memref<5x128x128xf32, #tpu.memory_space<vmem>>, vector<1x1x16xf32>,
        %get3A_579 = arith.constant 0 : i32
        %get3A_580 = arith.index_cast %get3A_579 : i32 to index
        %get3A_581 = arith.index_cast %scan3A_468 : i32 to index
        %get3A_582 = arith.constant 112 : index
        %get3A_583 = tpu.vector_load %arg6[%get3A_580, %get3A_581, %get3A_582] {strides = array<i32>} : memref<5x128x128xf32, #tpu.memory_space<vmem>>, vector<1x1x16xf32>,
        %get3A_584 = vector.shape_cast %get3A_583 : vector<1x1x16xf32> to vector<16xf32>
        %mul3A_585 = arith.constant 11.3137083 : f32
        %mul3A_586 = vector.broadcast %mul3A_585 : f32 to vector<16xf32>
        %mul3A_587 = arith.mulf %get3A_584, %mul3A_586 : vector<16xf32>
        %swap3A_588 = arith.constant 0 : i32
        %swap3A_589 = arith.index_cast %swap3A_588 : i32 to index
        %swap3A_590 = arith.index_cast %scan3A_468 : i32 to index
        %swap3A_591 = arith.constant 112 : index
        %swap3A_592 = tpu.vector_load %arg6[%swap3A_589, %swap3A_590, %swap3A_591] {strides = array<i32>} : memref<5x128x128xf32, #tpu.memory_space<vmem>>, vector<1x1x16xf32>,
        %swap3A_593 = vector.shape_cast %swap3A_592 : vector<1x1x16xf32> to vector<16xf32>
        %swap3A_594 = vector.shape_cast %mul3A_587 : vector<16xf32> to vector<1x1x16xf32>
        tpu.vector_store %arg6[%swap3A_589, %swap3A_590, %swap3A_591], %swap3A_594 {strides = array<i32>} : memref<5x128x128xf32, #tpu.memory_space<vmem>>, vector<1x1x16xf32>,
        %scan3A_595 = arith.constant 1 : i32
        %scan3A_596 = arith.addi %scan3A_468, %scan3A_595 : i32
        %get3A_597 = arith.constant 0 : i32
        %get3A_598 = arith.index_cast %get3A_597 : i32 to index
        %get3A_599 = arith.index_cast %scan3A_596 : i32 to index
        %get3A_600 = arith.constant 0 : index
        %get3A_601 = tpu.vector_load %arg6[%get3A_598, %get3A_599, %get3A_600] {strides = array<i32>} : memref<5x128x128xf32, #tpu.memory_space<vmem>>, vector<1x1x16xf32>,
        %get3A_602 = vector.shape_cast %get3A_601 : vector<1x1x16xf32> to vector<16xf32>
        %mul3A_603 = arith.constant 11.3137083 : f32
        %mul3A_604 = vector.broadcast %mul3A_603 : f32 to vector<16xf32>
        %mul3A_605 = arith.mulf %get3A_602, %mul3A_604 : vector<16xf32>
        %swap3A_606 = arith.constant 0 : i32
        %swap3A_607 = arith.index_cast %swap3A_606 : i32 to index
        %swap3A_608 = arith.index_cast %scan3A_596 : i32 to index
        %swap3A_609 = arith.constant 0 : index
        %swap3A_610 = tpu.vector_load %arg6[%swap3A_607, %swap3A_608, %swap3A_609] {strides = array<i32>} : memref<5x128x128xf32, #tpu.memory_space<vmem>>, vector<1x1x16xf32>,
        %swap3A_611 = vector.shape_cast %swap3A_610 : vector<1x1x16xf32> to vector<16xf32>
        %swap3A_612 = vector.shape_cast %mul3A_605 : vector<16xf32> to vector<1x1x16xf32>
        tpu.vector_store %arg6[%swap3A_607, %swap3A_608, %swap3A_609], %swap3A_612 {strides = array<i32>} : memref<5x128x128xf32, #tpu.memory_space<vmem>>, vector<1x1x16xf32>,
        %get3A_613 = arith.constant 0 : i32
        %get3A_614 = arith.index_cast %get3A_613 : i32 to index
        %get3A_615 = arith.index_cast %scan3A_596 : i32 to index
        %get3A_616 = arith.constant 16 : index
        %get3A_617 = tpu.vector_load %arg6[%get3A_614, %get3A_615, %get3A_616] {strides = array<i32>} : memref<5x128x128xf32, #tpu.memory_space<vmem>>, vector<1x1x16xf32>,
        %get3A_618 = vector.shape_cast %get3A_617 : vector<1x1x16xf32> to vector<16xf32>
        %mul3A_619 = arith.constant 11.3137083 : f32
        %mul3A_620 = vector.broadcast %mul3A_619 : f32 to vector<16xf32>
        %mul3A_621 = arith.mulf %get3A_618, %mul3A_620 : vector<16xf32>
        %swap3A_622 = arith.constant 0 : i32
        %swap3A_623 = arith.index_cast %swap3A_622 : i32 to index
        %swap3A_624 = arith.index_cast %scan3A_596 : i32 to index
        %swap3A_625 = arith.constant 16 : index
        %swap3A_626 = tpu.vector_load %arg6[%swap3A_623, %swap3A_624, %swap3A_625] {strides = array<i32>} : memref<5x128x128xf32, #tpu.memory_space<vmem>>, vector<1x1x16xf32>,
        %swap3A_627 = vector.shape_cast %swap3A_626 : vector<1x1x16xf32> to vector<16xf32>
        %swap3A_628 = vector.shape_cast %mul3A_621 : vector<16xf32> to vector<1x1x16xf32>
        tpu.vector_store %arg6[%swap3A_623, %swap3A_624, %swap3A_625], %swap3A_628 {strides = array<i32>} : memref<5x128x128xf32, #tpu.memory_space<vmem>>, vector<1x1x16xf32>,
        %get3A_629 = arith.constant 0 : i32
        %get3A_630 = arith.index_cast %get3A_629 : i32 to index
        %get3A_631 = arith.index_cast %scan3A_596 : i32 to index
        %get3A_632 = arith.constant 32 : index
        %get3A_633 = tpu.vector_load %arg6[%get3A_630, %get3A_631, %get3A_632] {strides = array<i32>} : memref<5x128x128xf32, #tpu.memory_space<vmem>>, vector<1x1x16xf32>,
        %get3A_634 = vector.shape_cast %get3A_633 : vector<1x1x16xf32> to vector<16xf32>
        %mul3A_635 = arith.constant 11.3137083 : f32
        %mul3A_636 = vector.broadcast %mul3A_635 : f32 to vector<16xf32>
        %mul3A_637 = arith.mulf %get3A_634, %mul3A_636 : vector<16xf32>
        %swap3A_638 = arith.constant 0 : i32
        %swap3A_639 = arith.index_cast %swap3A_638 : i32 to index
        %swap3A_640 = arith.index_cast %scan3A_596 : i32 to index
        %swap3A_641 = arith.constant 32 : index
        %swap3A_642 = tpu.vector_load %arg6[%swap3A_639, %swap3A_640, %swap3A_641] {strides = array<i32>} : memref<5x128x128xf32, #tpu.memory_space<vmem>>, vector<1x1x16xf32>,
        %swap3A_643 = vector.shape_cast %swap3A_642 : vector<1x1x16xf32> to vector<16xf32>
        %swap3A_644 = vector.shape_cast %mul3A_637 : vector<16xf32> to vector<1x1x16xf32>
        tpu.vector_store %arg6[%swap3A_639, %swap3A_640, %swap3A_641], %swap3A_644 {strides = array<i32>} : memref<5x128x128xf32, #tpu.memory_space<vmem>>, vector<1x1x16xf32>,
        %get3A_645 = arith.constant 0 : i32
        %get3A_646 = arith.index_cast %get3A_645 : i32 to index
        %get3A_647 = arith.index_cast %scan3A_596 : i32 to index
        %get3A_648 = arith.constant 48 : index
        %get3A_649 = tpu.vector_load %arg6[%get3A_646, %get3A_647, %get3A_648] {strides = array<i32>} : memref<5x128x128xf32, #tpu.memory_space<vmem>>, vector<1x1x16xf32>,
        %get3A_650 = vector.shape_cast %get3A_649 : vector<1x1x16xf32> to vector<16xf32>
        %mul3A_651 = arith.constant 11.3137083 : f32
        %mul3A_652 = vector.broadcast %mul3A_651 : f32 to vector<16xf32>
        %mul3A_653 = arith.mulf %get3A_650, %mul3A_652 : vector<16xf32>
        %swap3A_654 = arith.constant 0 : i32
        %swap3A_655 = arith.index_cast %swap3A_654 : i32 to index
        %swap3A_656 = arith.index_cast %scan3A_596 : i32 to index
        %swap3A_657 = arith.constant 48 : index
        %swap3A_658 = tpu.vector_load %arg6[%swap3A_655, %swap3A_656, %swap3A_657] {strides = array<i32>} : memref<5x128x128xf32, #tpu.memory_space<vmem>>, vector<1x1x16xf32>,
        %swap3A_659 = vector.shape_cast %swap3A_658 : vector<1x1x16xf32> to vector<16xf32>
        %swap3A_660 = vector.shape_cast %mul3A_653 : vector<16xf32> to vector<1x1x16xf32>
        tpu.vector_store %arg6[%swap3A_655, %swap3A_656, %swap3A_657], %swap3A_660 {strides = array<i32>} : memref<5x128x128xf32, #tpu.memory_space<vmem>>, vector<1x1x16xf32>,
        %get3A_661 = arith.constant 0 : i32
        %get3A_662 = arith.index_cast %get3A_661 : i32 to index
        %get3A_663 = arith.index_cast %scan3A_596 : i32 to index
        %get3A_664 = arith.constant 64 : index
        %get3A_665 = tpu.vector_load %arg6[%get3A_662, %get3A_663, %get3A_664] {strides = array<i32>} : memref<5x128x128xf32, #tpu.memory_space<vmem>>, vector<1x1x16xf32>,
        %get3A_666 = vector.shape_cast %get3A_665 : vector<1x1x16xf32> to vector<16xf32>
        %mul3A_667 = arith.constant 11.3137083 : f32
        %mul3A_668 = vector.broadcast %mul3A_667 : f32 to vector<16xf32>
        %mul3A_669 = arith.mulf %get3A_666, %mul3A_668 : vector<16xf32>
        %swap3A_670 = arith.constant 0 : i32
        %swap3A_671 = arith.index_cast %swap3A_670 : i32 to index
        %swap3A_672 = arith.index_cast %scan3A_596 : i32 to index
        %swap3A_673 = arith.constant 64 : index
        %swap3A_674 = tpu.vector_load %arg6[%swap3A_671, %swap3A_672, %swap3A_673] {strides = array<i32>} : memref<5x128x128xf32, #tpu.memory_space<vmem>>, vector<1x1x16xf32>,
        %swap3A_675 = vector.shape_cast %swap3A_674 : vector<1x1x16xf32> to vector<16xf32>
        %swap3A_676 = vector.shape_cast %mul3A_669 : vector<16xf32> to vector<1x1x16xf32>
        tpu.vector_store %arg6[%swap3A_671, %swap3A_672, %swap3A_673], %swap3A_676 {strides = array<i32>} : memref<5x128x128xf32, #tpu.memory_space<vmem>>, vector<1x1x16xf32>,
        %get3A_677 = arith.constant 0 : i32
        %get3A_678 = arith.index_cast %get3A_677 : i32 to index
        %get3A_679 = arith.index_cast %scan3A_596 : i32 to index
        %get3A_680 = arith.constant 80 : index
        %get3A_681 = tpu.vector_load %arg6[%get3A_678, %get3A_679, %get3A_680] {strides = array<i32>} : memref<5x128x128xf32, #tpu.memory_space<vmem>>, vector<1x1x16xf32>,
        %get3A_682 = vector.shape_cast %get3A_681 : vector<1x1x16xf32> to vector<16xf32>
        %mul3A_683 = arith.constant 11.3137083 : f32
        %mul3A_684 = vector.broadcast %mul3A_683 : f32 to vector<16xf32>
        %mul3A_685 = arith.mulf %get3A_682, %mul3A_684 : vector<16xf32>
        %swap3A_686 = arith.constant 0 : i32
        %swap3A_687 = arith.index_cast %swap3A_686 : i32 to index
        %swap3A_688 = arith.index_cast %scan3A_596 : i32 to index
        %swap3A_689 = arith.constant 80 : index
        %swap3A_690 = tpu.vector_load %arg6[%swap3A_687, %swap3A_688, %swap3A_689] {strides = array<i32>} : memref<5x128x128xf32, #tpu.memory_space<vmem>>, vector<1x1x16xf32>,
        %swap3A_691 = vector.shape_cast %swap3A_690 : vector<1x1x16xf32> to vector<16xf32>
        %swap3A_692 = vector.shape_cast %mul3A_685 : vector<16xf32> to vector<1x1x16xf32>
        tpu.vector_store %arg6[%swap3A_687, %swap3A_688, %swap3A_689], %swap3A_692 {strides = array<i32>} : memref<5x128x128xf32, #tpu.memory_space<vmem>>, vector<1x1x16xf32>,
        %get3A_693 = arith.constant 0 : i32
        %get3A_694 = arith.index_cast %get3A_693 : i32 to index
        %get3A_695 = arith.index_cast %scan3A_596 : i32 to index
        %get3A_696 = arith.constant 96 : index
        %get3A_697 = tpu.vector_load %arg6[%get3A_694, %get3A_695, %get3A_696] {strides = array<i32>} : memref<5x128x128xf32, #tpu.memory_space<vmem>>, vector<1x1x16xf32>,
        %get3A_698 = vector.shape_cast %get3A_697 : vector<1x1x16xf32> to vector<16xf32>
        %mul3A_699 = arith.constant 11.3137083 : f32
        %mul3A_700 = vector.broadcast %mul3A_699 : f32 to vector<16xf32>
        %mul3A_701 = arith.mulf %get3A_698, %mul3A_700 : vector<16xf32>
        %swap3A_702 = arith.constant 0 : i32
        %swap3A_703 = arith.index_cast %swap3A_702 : i32 to index
        %swap3A_704 = arith.index_cast %scan3A_596 : i32 to index
        %swap3A_705 = arith.constant 96 : index
        %swap3A_706 = tpu.vector_load %arg6[%swap3A_703, %swap3A_704, %swap3A_705] {strides = array<i32>} : memref<5x128x128xf32, #tpu.memory_space<vmem>>, vector<1x1x16xf32>,
        %swap3A_707 = vector.shape_cast %swap3A_706 : vector<1x1x16xf32> to vector<16xf32>
        %swap3A_708 = vector.shape_cast %mul3A_701 : vector<16xf32> to vector<1x1x16xf32>
        tpu.vector_store %arg6[%swap3A_703, %swap3A_704, %swap3A_705], %swap3A_708 {strides = array<i32>} : memref<5x128x128xf32, #tpu.memory_space<vmem>>, vector<1x1x16xf32>,
        %get3A_709 = arith.constant 0 : i32
        %get3A_710 = arith.index_cast %get3A_709 : i32 to index
        %get3A_711 = arith.index_cast %scan3A_596 : i32 to index
        %get3A_712 = arith.constant 112 : index
        %get3A_713 = tpu.vector_load %arg6[%get3A_710, %get3A_711, %get3A_712] {strides = array<i32>} : memref<5x128x128xf32, #tpu.memory_space<vmem>>, vector<1x1x16xf32>,
        %get3A_714 = vector.shape_cast %get3A_713 : vector<1x1x16xf32> to vector<16xf32>
        %mul3A_715 = arith.constant 11.3137083 : f32
        %mul3A_716 = vector.broadcast %mul3A_715 : f32 to vector<16xf32>
        %mul3A_717 = arith.mulf %get3A_714, %mul3A_716 : vector<16xf32>
        %swap3A_718 = arith.constant 0 : i32
        %swap3A_719 = arith.index_cast %swap3A_718 : i32 to index
        %swap3A_720 = arith.index_cast %scan3A_596 : i32 to index
        %swap3A_721 = arith.constant 112 : index
        %swap3A_722 = tpu.vector_load %arg6[%swap3A_719, %swap3A_720, %swap3A_721] {strides = array<i32>} : memref<5x128x128xf32, #tpu.memory_space<vmem>>, vector<1x1x16xf32>,
        %swap3A_723 = vector.shape_cast %swap3A_722 : vector<1x1x16xf32> to vector<16xf32>
        %swap3A_724 = vector.shape_cast %mul3A_717 : vector<16xf32> to vector<1x1x16xf32>
        tpu.vector_store %arg6[%swap3A_719, %swap3A_720, %swap3A_721], %swap3A_724 {strides = array<i32>} : memref<5x128x128xf32, #tpu.memory_space<vmem>>, vector<1x1x16xf32>,
      }
      %scan3A_151 = arith.constant 64 : i32
      %mul3A_152 = arith.constant 128 : i32
      %mul3A_153 = arith.muli %add3A_134, %mul3A_152 : i32
      %add3A_154 = arith.addi %mul3A_2, %mul3A_153 : i32
      %dma_start3A_155 = arith.constant 0 : i32
      %dma_start3A_156 = arith.constant 0 : i32
      %dma_start3A_157 = arith.constant 0 : i32
      %dma_start3A_158 = tpu.memref_slice %arg6[%dma_start3A_155, %dma_start3A_156, %dma_start3A_157] : memref<5x128x128xf32, #tpu.memory_space<vmem>> -> memref<1x64x128xf32, #tpu.memory_space<vmem>>
      %dma_start3A_159 = tpu.memref_squeeze %dma_start3A_158 : memref<1x64x128xf32, #tpu.memory_space<vmem>> -> memref<64x128xf32, #tpu.memory_space<vmem>>
      %dma_start3A_160 = arith.constant 0 : i32
      %dma_start3A_161 = tpu.memref_slice %arg4[%add3A_154, %dma_start3A_160] : memref<819200x128xf32, #tpu.memory_space<hbm>> -> memref<64x128xf32, #tpu.memory_space<hbm>>
      %dma_start3A_162 = arith.constant 0 : i32
      %dma_start3A_163 = tpu.memref_slice %arg4[%add3A_154, %dma_start3A_162] : memref<819200x128xf32, #tpu.memory_space<hbm>> -> memref<64x128xf32, #tpu.memory_space<hbm>>
      %dma_start3A_164 = arith.constant 0 : i32
      %dma_start3A_165 = arith.constant 0 : i32
      %dma_start3A_166 = tpu.memref_slice %arg6[%dma_start3A_155, %dma_start3A_164, %dma_start3A_165] : memref<5x128x128xf32, #tpu.memory_space<vmem>> -> memref<1x64x128xf32, #tpu.memory_space<vmem>>
      %dma_start3A_167 = tpu.memref_squeeze %dma_start3A_166 : memref<1x64x128xf32, #tpu.memory_space<vmem>> -> memref<64x128xf32, #tpu.memory_space<vmem>>
      tpu.enqueue_dma source(%dma_start3A_167 : memref<64x128xf32, #tpu.memory_space<vmem>>) target(%dma_start3A_163 : memref<64x128xf32, #tpu.memory_space<hbm>>) target_semaphore(%arg8 : memref<!tpu.dma_semaphore, #tpu.memory_space<semaphore_mem>>)
      %scan3A_168 = arith.constant 64 : i32
      %scan3A_169 = arith.constant 64 : i32
      %scan3A_170 = arith.addi %scan3A_168, %scan3A_169 : i32
      %scan3A_171 = arith.constant 2 : i32
      scf.for %scan3A_468 = %scan3A_168 to %scan3A_170 step %scan3A_171  : i32 {
        %get3A = arith.constant 0 : i32
        %get3A_469 = arith.index_cast %get3A : i32 to index
        %get3A_470 = arith.index_cast %scan3A_468 : i32 to index
        %get3A_471 = arith.constant 0 : index
        %get3A_472 = tpu.vector_load %arg6[%get3A_469, %get3A_470, %get3A_471] {strides = array<i32>} : memref<5x128x128xf32, #tpu.memory_space<vmem>>, vector<1x1x16xf32>,
        %get3A_473 = vector.shape_cast %get3A_472 : vector<1x1x16xf32> to vector<16xf32>
        %mul3A_474 = arith.constant 11.3137083 : f32
        %mul3A_475 = vector.broadcast %mul3A_474 : f32 to vector<16xf32>
        %mul3A_476 = arith.mulf %get3A_473, %mul3A_475 : vector<16xf32>
        %swap3A = arith.constant 0 : i32
        %swap3A_477 = arith.index_cast %swap3A : i32 to index
        %swap3A_478 = arith.index_cast %scan3A_468 : i32 to index
        %swap3A_479 = arith.constant 0 : index
        %swap3A_480 = tpu.vector_load %arg6[%swap3A_477, %swap3A_478, %swap3A_479] {strides = array<i32>} : memref<5x128x128xf32, #tpu.memory_space<vmem>>, vector<1x1x16xf32>,
        %swap3A_481 = vector.shape_cast %swap3A_480 : vector<1x1x16xf32> to vector<16xf32>
        %swap3A_482 = vector.shape_cast %mul3A_476 : vector<16xf32> to vector<1x1x16xf32>
        tpu.vector_store %arg6[%swap3A_477, %swap3A_478, %swap3A_479], %swap3A_482 {strides = array<i32>} : memref<5x128x128xf32, #tpu.memory_space<vmem>>, vector<1x1x16xf32>,
        %get3A_483 = arith.constant 0 : i32
        %get3A_484 = arith.index_cast %get3A_483 : i32 to index
        %get3A_485 = arith.index_cast %scan3A_468 : i32 to index
        %get3A_486 = arith.constant 16 : index
        %get3A_487 = tpu.vector_load %arg6[%get3A_484, %get3A_485, %get3A_486] {strides = array<i32>} : memref<5x128x128xf32, #tpu.memory_space<vmem>>, vector<1x1x16xf32>,
        %get3A_488 = vector.shape_cast %get3A_487 : vector<1x1x16xf32> to vector<16xf32>
        %mul3A_489 = arith.constant 11.3137083 : f32
        %mul3A_490 = vector.broadcast %mul3A_489 : f32 to vector<16xf32>
        %mul3A_491 = arith.mulf %get3A_488, %mul3A_490 : vector<16xf32>
        %swap3A_492 = arith.constant 0 : i32
        %swap3A_493 = arith.index_cast %swap3A_492 : i32 to index
        %swap3A_494 = arith.index_cast %scan3A_468 : i32 to index
        %swap3A_495 = arith.constant 16 : index
        %swap3A_496 = tpu.vector_load %arg6[%swap3A_493, %swap3A_494, %swap3A_495] {strides = array<i32>} : memref<5x128x128xf32, #tpu.memory_space<vmem>>, vector<1x1x16xf32>,
        %swap3A_497 = vector.shape_cast %swap3A_496 : vector<1x1x16xf32> to vector<16xf32>
        %swap3A_498 = vector.shape_cast %mul3A_491 : vector<16xf32> to vector<1x1x16xf32>
        tpu.vector_store %arg6[%swap3A_493, %swap3A_494, %swap3A_495], %swap3A_498 {strides = array<i32>} : memref<5x128x128xf32, #tpu.memory_space<vmem>>, vector<1x1x16xf32>,
        %get3A_499 = arith.constant 0 : i32
        %get3A_500 = arith.index_cast %get3A_499 : i32 to index
        %get3A_501 = arith.index_cast %scan3A_468 : i32 to index
        %get3A_502 = arith.constant 32 : index
        %get3A_503 = tpu.vector_load %arg6[%get3A_500, %get3A_501, %get3A_502] {strides = array<i32>} : memref<5x128x128xf32, #tpu.memory_space<vmem>>, vector<1x1x16xf32>,
        %get3A_504 = vector.shape_cast %get3A_503 : vector<1x1x16xf32> to vector<16xf32>
        %mul3A_505 = arith.constant 11.3137083 : f32
        %mul3A_506 = vector.broadcast %mul3A_505 : f32 to vector<16xf32>
        %mul3A_507 = arith.mulf %get3A_504, %mul3A_506 : vector<16xf32>
        %swap3A_508 = arith.constant 0 : i32
        %swap3A_509 = arith.index_cast %swap3A_508 : i32 to index
        %swap3A_510 = arith.index_cast %scan3A_468 : i32 to index
        %swap3A_511 = arith.constant 32 : index
        %swap3A_512 = tpu.vector_load %arg6[%swap3A_509, %swap3A_510, %swap3A_511] {strides = array<i32>} : memref<5x128x128xf32, #tpu.memory_space<vmem>>, vector<1x1x16xf32>,
        %swap3A_513 = vector.shape_cast %swap3A_512 : vector<1x1x16xf32> to vector<16xf32>
        %swap3A_514 = vector.shape_cast %mul3A_507 : vector<16xf32> to vector<1x1x16xf32>
        tpu.vector_store %arg6[%swap3A_509, %swap3A_510, %swap3A_511], %swap3A_514 {strides = array<i32>} : memref<5x128x128xf32, #tpu.memory_space<vmem>>, vector<1x1x16xf32>,
        %get3A_515 = arith.constant 0 : i32
        %get3A_516 = arith.index_cast %get3A_515 : i32 to index
        %get3A_517 = arith.index_cast %scan3A_468 : i32 to index
        %get3A_518 = arith.constant 48 : index
        %get3A_519 = tpu.vector_load %arg6[%get3A_516, %get3A_517, %get3A_518] {strides = array<i32>} : memref<5x128x128xf32, #tpu.memory_space<vmem>>, vector<1x1x16xf32>,
        %get3A_520 = vector.shape_cast %get3A_519 : vector<1x1x16xf32> to vector<16xf32>
        %mul3A_521 = arith.constant 11.3137083 : f32
        %mul3A_522 = vector.broadcast %mul3A_521 : f32 to vector<16xf32>
        %mul3A_523 = arith.mulf %get3A_520, %mul3A_522 : vector<16xf32>
        %swap3A_524 = arith.constant 0 : i32
        %swap3A_525 = arith.index_cast %swap3A_524 : i32 to index
        %swap3A_526 = arith.index_cast %scan3A_468 : i32 to index
        %swap3A_527 = arith.constant 48 : index
        %swap3A_528 = tpu.vector_load %arg6[%swap3A_525, %swap3A_526, %swap3A_527] {strides = array<i32>} : memref<5x128x128xf32, #tpu.memory_space<vmem>>, vector<1x1x16xf32>,
        %swap3A_529 = vector.shape_cast %swap3A_528 : vector<1x1x16xf32> to vector<16xf32>
        %swap3A_530 = vector.shape_cast %mul3A_523 : vector<16xf32> to vector<1x1x16xf32>
        tpu.vector_store %arg6[%swap3A_525, %swap3A_526, %swap3A_527], %swap3A_530 {strides = array<i32>} : memref<5x128x128xf32, #tpu.memory_space<vmem>>, vector<1x1x16xf32>,
        %get3A_531 = arith.constant 0 : i32
        %get3A_532 = arith.index_cast %get3A_531 : i32 to index
        %get3A_533 = arith.index_cast %scan3A_468 : i32 to index
        %get3A_534 = arith.constant 64 : index
        %get3A_535 = tpu.vector_load %arg6[%get3A_532, %get3A_533, %get3A_534] {strides = array<i32>} : memref<5x128x128xf32, #tpu.memory_space<vmem>>, vector<1x1x16xf32>,
        %get3A_536 = vector.shape_cast %get3A_535 : vector<1x1x16xf32> to vector<16xf32>
        %mul3A_537 = arith.constant 11.3137083 : f32
        %mul3A_538 = vector.broadcast %mul3A_537 : f32 to vector<16xf32>
        %mul3A_539 = arith.mulf %get3A_536, %mul3A_538 : vector<16xf32>
        %swap3A_540 = arith.constant 0 : i32
        %swap3A_541 = arith.index_cast %swap3A_540 : i32 to index
        %swap3A_542 = arith.index_cast %scan3A_468 : i32 to index
        %swap3A_543 = arith.constant 64 : index
        %swap3A_544 = tpu.vector_load %arg6[%swap3A_541, %swap3A_542, %swap3A_543] {strides = array<i32>} : memref<5x128x128xf32, #tpu.memory_space<vmem>>, vector<1x1x16xf32>,
        %swap3A_545 = vector.shape_cast %swap3A_544 : vector<1x1x16xf32> to vector<16xf32>
        %swap3A_546 = vector.shape_cast %mul3A_539 : vector<16xf32> to vector<1x1x16xf32>
        tpu.vector_store %arg6[%swap3A_541, %swap3A_542, %swap3A_543], %swap3A_546 {strides = array<i32>} : memref<5x128x128xf32, #tpu.memory_space<vmem>>, vector<1x1x16xf32>,
        %get3A_547 = arith.constant 0 : i32
        %get3A_548 = arith.index_cast %get3A_547 : i32 to index
        %get3A_549 = arith.index_cast %scan3A_468 : i32 to index
        %get3A_550 = arith.constant 80 : index
        %get3A_551 = tpu.vector_load %arg6[%get3A_548, %get3A_549, %get3A_550] {strides = array<i32>} : memref<5x128x128xf32, #tpu.memory_space<vmem>>, vector<1x1x16xf32>,
        %get3A_552 = vector.shape_cast %get3A_551 : vector<1x1x16xf32> to vector<16xf32>
        %mul3A_553 = arith.constant 11.3137083 : f32
        %mul3A_554 = vector.broadcast %mul3A_553 : f32 to vector<16xf32>
        %mul3A_555 = arith.mulf %get3A_552, %mul3A_554 : vector<16xf32>
        %swap3A_556 = arith.constant 0 : i32
        %swap3A_557 = arith.index_cast %swap3A_556 : i32 to index
        %swap3A_558 = arith.index_cast %scan3A_468 : i32 to index
        %swap3A_559 = arith.constant 80 : index
        %swap3A_560 = tpu.vector_load %arg6[%swap3A_557, %swap3A_558, %swap3A_559] {strides = array<i32>} : memref<5x128x128xf32, #tpu.memory_space<vmem>>, vector<1x1x16xf32>,
        %swap3A_561 = vector.shape_cast %swap3A_560 : vector<1x1x16xf32> to vector<16xf32>
        %swap3A_562 = vector.shape_cast %mul3A_555 : vector<16xf32> to vector<1x1x16xf32>
        tpu.vector_store %arg6[%swap3A_557, %swap3A_558, %swap3A_559], %swap3A_562 {strides = array<i32>} : memref<5x128x128xf32, #tpu.memory_space<vmem>>, vector<1x1x16xf32>,
        %get3A_563 = arith.constant 0 : i32
        %get3A_564 = arith.index_cast %get3A_563 : i32 to index
        %get3A_565 = arith.index_cast %scan3A_468 : i32 to index
        %get3A_566 = arith.constant 96 : index
        %get3A_567 = tpu.vector_load %arg6[%get3A_564, %get3A_565, %get3A_566] {strides = array<i32>} : memref<5x128x128xf32, #tpu.memory_space<vmem>>, vector<1x1x16xf32>,
        %get3A_568 = vector.shape_cast %get3A_567 : vector<1x1x16xf32> to vector<16xf32>
        %mul3A_569 = arith.constant 11.3137083 : f32
        %mul3A_570 = vector.broadcast %mul3A_569 : f32 to vector<16xf32>
        %mul3A_571 = arith.mulf %get3A_568, %mul3A_570 : vector<16xf32>
        %swap3A_572 = arith.constant 0 : i32
        %swap3A_573 = arith.index_cast %swap3A_572 : i32 to index
        %swap3A_574 = arith.index_cast %scan3A_468 : i32 to index
        %swap3A_575 = arith.constant 96 : index
        %swap3A_576 = tpu.vector_load %arg6[%swap3A_573, %swap3A_574, %swap3A_575] {strides = array<i32>} : memref<5x128x128xf32, #tpu.memory_space<vmem>>, vector<1x1x16xf32>,
        %swap3A_577 = vector.shape_cast %swap3A_576 : vector<1x1x16xf32> to vector<16xf32>
        %swap3A_578 = vector.shape_cast %mul3A_571 : vector<16xf32> to vector<1x1x16xf32>
        tpu.vector_store %arg6[%swap3A_573, %swap3A_574, %swap3A_575], %swap3A_578 {strides = array<i32>} : memref<5x128x128xf32, #tpu.memory_space<vmem>>, vector<1x1x16xf32>,
        %get3A_579 = arith.constant 0 : i32
        %get3A_580 = arith.index_cast %get3A_579 : i32 to index
        %get3A_581 = arith.index_cast %scan3A_468 : i32 to index
        %get3A_582 = arith.constant 112 : index
        %get3A_583 = tpu.vector_load %arg6[%get3A_580, %get3A_581, %get3A_582] {strides = array<i32>} : memref<5x128x128xf32, #tpu.memory_space<vmem>>, vector<1x1x16xf32>,
        %get3A_584 = vector.shape_cast %get3A_583 : vector<1x1x16xf32> to vector<16xf32>
        %mul3A_585 = arith.constant 11.3137083 : f32
        %mul3A_586 = vector.broadcast %mul3A_585 : f32 to vector<16xf32>
        %mul3A_587 = arith.mulf %get3A_584, %mul3A_586 : vector<16xf32>
        %swap3A_588 = arith.constant 0 : i32
        %swap3A_589 = arith.index_cast %swap3A_588 : i32 to index
        %swap3A_590 = arith.index_cast %scan3A_468 : i32 to index
        %swap3A_591 = arith.constant 112 : index
        %swap3A_592 = tpu.vector_load %arg6[%swap3A_589, %swap3A_590, %swap3A_591] {strides = array<i32>} : memref<5x128x128xf32, #tpu.memory_space<vmem>>, vector<1x1x16xf32>,
        %swap3A_593 = vector.shape_cast %swap3A_592 : vector<1x1x16xf32> to vector<16xf32>
        %swap3A_594 = vector.shape_cast %mul3A_587 : vector<16xf32> to vector<1x1x16xf32>
        tpu.vector_store %arg6[%swap3A_589, %swap3A_590, %swap3A_591], %swap3A_594 {strides = array<i32>} : memref<5x128x128xf32, #tpu.memory_space<vmem>>, vector<1x1x16xf32>,
        %scan3A_595 = arith.constant 1 : i32
        %scan3A_596 = arith.addi %scan3A_468, %scan3A_595 : i32
        %get3A_597 = arith.constant 0 : i32
        %get3A_598 = arith.index_cast %get3A_597 : i32 to index
        %get3A_599 = arith.index_cast %scan3A_596 : i32 to index
        %get3A_600 = arith.constant 0 : index
        %get3A_601 = tpu.vector_load %arg6[%get3A_598, %get3A_599, %get3A_600] {strides = array<i32>} : memref<5x128x128xf32, #tpu.memory_space<vmem>>, vector<1x1x16xf32>,
        %get3A_602 = vector.shape_cast %get3A_601 : vector<1x1x16xf32> to vector<16xf32>
        %mul3A_603 = arith.constant 11.3137083 : f32
        %mul3A_604 = vector.broadcast %mul3A_603 : f32 to vector<16xf32>
        %mul3A_605 = arith.mulf %get3A_602, %mul3A_604 : vector<16xf32>
        %swap3A_606 = arith.constant 0 : i32
        %swap3A_607 = arith.index_cast %swap3A_606 : i32 to index
        %swap3A_608 = arith.index_cast %scan3A_596 : i32 to index
        %swap3A_609 = arith.constant 0 : index
        %swap3A_610 = tpu.vector_load %arg6[%swap3A_607, %swap3A_608, %swap3A_609] {strides = array<i32>} : memref<5x128x128xf32, #tpu.memory_space<vmem>>, vector<1x1x16xf32>,
        %swap3A_611 = vector.shape_cast %swap3A_610 : vector<1x1x16xf32> to vector<16xf32>
        %swap3A_612 = vector.shape_cast %mul3A_605 : vector<16xf32> to vector<1x1x16xf32>
        tpu.vector_store %arg6[%swap3A_607, %swap3A_608, %swap3A_609], %swap3A_612 {strides = array<i32>} : memref<5x128x128xf32, #tpu.memory_space<vmem>>, vector<1x1x16xf32>,
        %get3A_613 = arith.constant 0 : i32
        %get3A_614 = arith.index_cast %get3A_613 : i32 to index
        %get3A_615 = arith.index_cast %scan3A_596 : i32 to index
        %get3A_616 = arith.constant 16 : index
        %get3A_617 = tpu.vector_load %arg6[%get3A_614, %get3A_615, %get3A_616] {strides = array<i32>} : memref<5x128x128xf32, #tpu.memory_space<vmem>>, vector<1x1x16xf32>,
        %get3A_618 = vector.shape_cast %get3A_617 : vector<1x1x16xf32> to vector<16xf32>
        %mul3A_619 = arith.constant 11.3137083 : f32
        %mul3A_620 = vector.broadcast %mul3A_619 : f32 to vector<16xf32>
        %mul3A_621 = arith.mulf %get3A_618, %mul3A_620 : vector<16xf32>
        %swap3A_622 = arith.constant 0 : i32
        %swap3A_623 = arith.index_cast %swap3A_622 : i32 to index
        %swap3A_624 = arith.index_cast %scan3A_596 : i32 to index
        %swap3A_625 = arith.constant 16 : index
        %swap3A_626 = tpu.vector_load %arg6[%swap3A_623, %swap3A_624, %swap3A_625] {strides = array<i32>} : memref<5x128x128xf32, #tpu.memory_space<vmem>>, vector<1x1x16xf32>,
        %swap3A_627 = vector.shape_cast %swap3A_626 : vector<1x1x16xf32> to vector<16xf32>
        %swap3A_628 = vector.shape_cast %mul3A_621 : vector<16xf32> to vector<1x1x16xf32>
        tpu.vector_store %arg6[%swap3A_623, %swap3A_624, %swap3A_625], %swap3A_628 {strides = array<i32>} : memref<5x128x128xf32, #tpu.memory_space<vmem>>, vector<1x1x16xf32>,
        %get3A_629 = arith.constant 0 : i32
        %get3A_630 = arith.index_cast %get3A_629 : i32 to index
        %get3A_631 = arith.index_cast %scan3A_596 : i32 to index
        %get3A_632 = arith.constant 32 : index
        %get3A_633 = tpu.vector_load %arg6[%get3A_630, %get3A_631, %get3A_632] {strides = array<i32>} : memref<5x128x128xf32, #tpu.memory_space<vmem>>, vector<1x1x16xf32>,
        %get3A_634 = vector.shape_cast %get3A_633 : vector<1x1x16xf32> to vector<16xf32>
        %mul3A_635 = arith.constant 11.3137083 : f32
        %mul3A_636 = vector.broadcast %mul3A_635 : f32 to vector<16xf32>
        %mul3A_637 = arith.mulf %get3A_634, %mul3A_636 : vector<16xf32>
        %swap3A_638 = arith.constant 0 : i32
        %swap3A_639 = arith.index_cast %swap3A_638 : i32 to index
        %swap3A_640 = arith.index_cast %scan3A_596 : i32 to index
        %swap3A_641 = arith.constant 32 : index
        %swap3A_642 = tpu.vector_load %arg6[%swap3A_639, %swap3A_640, %swap3A_641] {strides = array<i32>} : memref<5x128x128xf32, #tpu.memory_space<vmem>>, vector<1x1x16xf32>,
        %swap3A_643 = vector.shape_cast %swap3A_642 : vector<1x1x16xf32> to vector<16xf32>
        %swap3A_644 = vector.shape_cast %mul3A_637 : vector<16xf32> to vector<1x1x16xf32>
        tpu.vector_store %arg6[%swap3A_639, %swap3A_640, %swap3A_641], %swap3A_644 {strides = array<i32>} : memref<5x128x128xf32, #tpu.memory_space<vmem>>, vector<1x1x16xf32>,
        %get3A_645 = arith.constant 0 : i32
        %get3A_646 = arith.index_cast %get3A_645 : i32 to index
        %get3A_647 = arith.index_cast %scan3A_596 : i32 to index
        %get3A_648 = arith.constant 48 : index
        %get3A_649 = tpu.vector_load %arg6[%get3A_646, %get3A_647, %get3A_648] {strides = array<i32>} : memref<5x128x128xf32, #tpu.memory_space<vmem>>, vector<1x1x16xf32>,
        %get3A_650 = vector.shape_cast %get3A_649 : vector<1x1x16xf32> to vector<16xf32>
        %mul3A_651 = arith.constant 11.3137083 : f32
        %mul3A_652 = vector.broadcast %mul3A_651 : f32 to vector<16xf32>
        %mul3A_653 = arith.mulf %get3A_650, %mul3A_652 : vector<16xf32>
        %swap3A_654 = arith.constant 0 : i32
        %swap3A_655 = arith.index_cast %swap3A_654 : i32 to index
        %swap3A_656 = arith.index_cast %scan3A_596 : i32 to index
        %swap3A_657 = arith.constant 48 : index
        %swap3A_658 = tpu.vector_load %arg6[%swap3A_655, %swap3A_656, %swap3A_657] {strides = array<i32>} : memref<5x128x128xf32, #tpu.memory_space<vmem>>, vector<1x1x16xf32>,
        %swap3A_659 = vector.shape_cast %swap3A_658 : vector<1x1x16xf32> to vector<16xf32>
        %swap3A_660 = vector.shape_cast %mul3A_653 : vector<16xf32> to vector<1x1x16xf32>
        tpu.vector_store %arg6[%swap3A_655, %swap3A_656, %swap3A_657], %swap3A_660 {strides = array<i32>} : memref<5x128x128xf32, #tpu.memory_space<vmem>>, vector<1x1x16xf32>,
        %get3A_661 = arith.constant 0 : i32
        %get3A_662 = arith.index_cast %get3A_661 : i32 to index
        %get3A_663 = arith.index_cast %scan3A_596 : i32 to index
        %get3A_664 = arith.constant 64 : index
        %get3A_665 = tpu.vector_load %arg6[%get3A_662, %get3A_663, %get3A_664] {strides = array<i32>} : memref<5x128x128xf32, #tpu.memory_space<vmem>>, vector<1x1x16xf32>,
        %get3A_666 = vector.shape_cast %get3A_665 : vector<1x1x16xf32> to vector<16xf32>
        %mul3A_667 = arith.constant 11.3137083 : f32
        %mul3A_668 = vector.broadcast %mul3A_667 : f32 to vector<16xf32>
        %mul3A_669 = arith.mulf %get3A_666, %mul3A_668 : vector<16xf32>
        %swap3A_670 = arith.constant 0 : i32
        %swap3A_671 = arith.index_cast %swap3A_670 : i32 to index
        %swap3A_672 = arith.index_cast %scan3A_596 : i32 to index
        %swap3A_673 = arith.constant 64 : index
        %swap3A_674 = tpu.vector_load %arg6[%swap3A_671, %swap3A_672, %swap3A_673] {strides = array<i32>} : memref<5x128x128xf32, #tpu.memory_space<vmem>>, vector<1x1x16xf32>,
        %swap3A_675 = vector.shape_cast %swap3A_674 : vector<1x1x16xf32> to vector<16xf32>
        %swap3A_676 = vector.shape_cast %mul3A_669 : vector<16xf32> to vector<1x1x16xf32>
        tpu.vector_store %arg6[%swap3A_671, %swap3A_672, %swap3A_673], %swap3A_676 {strides = array<i32>} : memref<5x128x128xf32, #tpu.memory_space<vmem>>, vector<1x1x16xf32>,
        %get3A_677 = arith.constant 0 : i32
        %get3A_678 = arith.index_cast %get3A_677 : i32 to index
        %get3A_679 = arith.index_cast %scan3A_596 : i32 to index
        %get3A_680 = arith.constant 80 : index
        %get3A_681 = tpu.vector_load %arg6[%get3A_678, %get3A_679, %get3A_680] {strides = array<i32>} : memref<5x128x128xf32, #tpu.memory_space<vmem>>, vector<1x1x16xf32>,
        %get3A_682 = vector.shape_cast %get3A_681 : vector<1x1x16xf32> to vector<16xf32>
        %mul3A_683 = arith.constant 11.3137083 : f32
        %mul3A_684 = vector.broadcast %mul3A_683 : f32 to vector<16xf32>
        %mul3A_685 = arith.mulf %get3A_682, %mul3A_684 : vector<16xf32>
        %swap3A_686 = arith.constant 0 : i32
        %swap3A_687 = arith.index_cast %swap3A_686 : i32 to index
        %swap3A_688 = arith.index_cast %scan3A_596 : i32 to index
        %swap3A_689 = arith.constant 80 : index
        %swap3A_690 = tpu.vector_load %arg6[%swap3A_687, %swap3A_688, %swap3A_689] {strides = array<i32>} : memref<5x128x128xf32, #tpu.memory_space<vmem>>, vector<1x1x16xf32>,
        %swap3A_691 = vector.shape_cast %swap3A_690 : vector<1x1x16xf32> to vector<16xf32>
        %swap3A_692 = vector.shape_cast %mul3A_685 : vector<16xf32> to vector<1x1x16xf32>
        tpu.vector_store %arg6[%swap3A_687, %swap3A_688, %swap3A_689], %swap3A_692 {strides = array<i32>} : memref<5x128x128xf32, #tpu.memory_space<vmem>>, vector<1x1x16xf32>,
        %get3A_693 = arith.constant 0 : i32
        %get3A_694 = arith.index_cast %get3A_693 : i32 to index
        %get3A_695 = arith.index_cast %scan3A_596 : i32 to index
        %get3A_696 = arith.constant 96 : index
        %get3A_697 = tpu.vector_load %arg6[%get3A_694, %get3A_695, %get3A_696] {strides = array<i32>} : memref<5x128x128xf32, #tpu.memory_space<vmem>>, vector<1x1x16xf32>,
        %get3A_698 = vector.shape_cast %get3A_697 : vector<1x1x16xf32> to vector<16xf32>
        %mul3A_699 = arith.constant 11.3137083 : f32
        %mul3A_700 = vector.broadcast %mul3A_699 : f32 to vector<16xf32>
        %mul3A_701 = arith.mulf %get3A_698, %mul3A_700 : vector<16xf32>
        %swap3A_702 = arith.constant 0 : i32
        %swap3A_703 = arith.index_cast %swap3A_702 : i32 to index
        %swap3A_704 = arith.index_cast %scan3A_596 : i32 to index
        %swap3A_705 = arith.constant 96 : index
        %swap3A_706 = tpu.vector_load %arg6[%swap3A_703, %swap3A_704, %swap3A_705] {strides = array<i32>} : memref<5x128x128xf32, #tpu.memory_space<vmem>>, vector<1x1x16xf32>,
        %swap3A_707 = vector.shape_cast %swap3A_706 : vector<1x1x16xf32> to vector<16xf32>
        %swap3A_708 = vector.shape_cast %mul3A_701 : vector<16xf32> to vector<1x1x16xf32>
        tpu.vector_store %arg6[%swap3A_703, %swap3A_704, %swap3A_705], %swap3A_708 {strides = array<i32>} : memref<5x128x128xf32, #tpu.memory_space<vmem>>, vector<1x1x16xf32>,
        %get3A_709 = arith.constant 0 : i32
        %get3A_710 = arith.index_cast %get3A_709 : i32 to index
        %get3A_711 = arith.index_cast %scan3A_596 : i32 to index
        %get3A_712 = arith.constant 112 : index
        %get3A_713 = tpu.vector_load %arg6[%get3A_710, %get3A_711, %get3A_712] {strides = array<i32>} : memref<5x128x128xf32, #tpu.memory_space<vmem>>, vector<1x1x16xf32>,
        %get3A_714 = vector.shape_cast %get3A_713 : vector<1x1x16xf32> to vector<16xf32>
        %mul3A_715 = arith.constant 11.3137083 : f32
        %mul3A_716 = vector.broadcast %mul3A_715 : f32 to vector<16xf32>
        %mul3A_717 = arith.mulf %get3A_714, %mul3A_716 : vector<16xf32>
        %swap3A_718 = arith.constant 0 : i32
        %swap3A_719 = arith.index_cast %swap3A_718 : i32 to index
        %swap3A_720 = arith.index_cast %scan3A_596 : i32 to index
        %swap3A_721 = arith.constant 112 : index
        %swap3A_722 = tpu.vector_load %arg6[%swap3A_719, %swap3A_720, %swap3A_721] {strides = array<i32>} : memref<5x128x128xf32, #tpu.memory_space<vmem>>, vector<1x1x16xf32>,
        %swap3A_723 = vector.shape_cast %swap3A_722 : vector<1x1x16xf32> to vector<16xf32>
        %swap3A_724 = vector.shape_cast %mul3A_717 : vector<16xf32> to vector<1x1x16xf32>
        tpu.vector_store %arg6[%swap3A_719, %swap3A_720, %swap3A_721], %swap3A_724 {strides = array<i32>} : memref<5x128x128xf32, #tpu.memory_space<vmem>>, vector<1x1x16xf32>,
      }
      %scan3A_172 = arith.constant 64 : i32
      %mul3A_173 = arith.constant 128 : i32
      %mul3A_174 = arith.muli %add3A_134, %mul3A_173 : i32
      %add3A_175 = arith.addi %mul3A_2, %mul3A_174 : i32
      %add3A_176 = arith.constant 64 : i32
      %add3A_177 = arith.addi %add3A_175, %add3A_176 : i32
      %dma_start3A_178 = arith.constant 0 : i32
      %dma_start3A_179 = arith.constant 64 : i32
      %dma_start3A_180 = arith.constant 0 : i32
      %dma_start3A_181 = tpu.memref_slice %arg6[%dma_start3A_178, %dma_start3A_179, %dma_start3A_180] : memref<5x128x128xf32, #tpu.memory_space<vmem>> -> memref<1x64x128xf32, #tpu.memory_space<vmem>>
      %dma_start3A_182 = tpu.memref_squeeze %dma_start3A_181 : memref<1x64x128xf32, #tpu.memory_space<vmem>> -> memref<64x128xf32, #tpu.memory_space<vmem>>
      %dma_start3A_183 = arith.constant 0 : i32
      %dma_start3A_184 = tpu.memref_slice %arg4[%add3A_177, %dma_start3A_183] : memref<819200x128xf32, #tpu.memory_space<hbm>> -> memref<64x128xf32, #tpu.memory_space<hbm>>
      %dma_start3A_185 = arith.constant 0 : i32
      %dma_start3A_186 = tpu.memref_slice %arg4[%add3A_177, %dma_start3A_185] : memref<819200x128xf32, #tpu.memory_space<hbm>> -> memref<64x128xf32, #tpu.memory_space<hbm>>
      %dma_start3A_187 = arith.constant 64 : i32
      %dma_start3A_188 = arith.constant 0 : i32
      %dma_start3A_189 = tpu.memref_slice %arg6[%dma_start3A_178, %dma_start3A_187, %dma_start3A_188] : memref<5x128x128xf32, #tpu.memory_space<vmem>> -> memref<1x64x128xf32, #tpu.memory_space<vmem>>
      %dma_start3A_190 = tpu.memref_squeeze %dma_start3A_189 : memref<1x64x128xf32, #tpu.memory_space<vmem>> -> memref<64x128xf32, #tpu.memory_space<vmem>>
      tpu.enqueue_dma source(%dma_start3A_190 : memref<64x128xf32, #tpu.memory_space<vmem>>) target(%dma_start3A_186 : memref<64x128xf32, #tpu.memory_space<hbm>>) target_semaphore(%arg8 : memref<!tpu.dma_semaphore, #tpu.memory_space<semaphore_mem>>)
      %add3A_191 = arith.constant 2 : i32
      %add3A_192 = arith.addi %add3A_134, %add3A_191 : i32
      %ge3A = arith.constant 5 : i32
      %ge3A_193 = arith.cmpi sge, %add3A_192, %ge3A : i32
      %lt3A = arith.constant 200 : i32
      %lt3A_194 = arith.cmpi slt, %add3A_192, %lt3A : i32
      %and3A = arith.andi %ge3A_193, %lt3A_194 : i1
      %convert_element_type3A = arith.extui %and3A : i1 to i32
      %cond3A = arith.constant 0 : i32
      %cond3A_195 = arith.cmpi ne, %convert_element_type3A, %cond3A : i32
      scf.if %cond3A_195 {
        %dma_wait3A_468 = arith.constant 2 : i32
        %dma_wait3A_469 = arith.constant 0 : i32
        %dma_wait3A_470 = arith.constant 0 : i32
        %dma_wait3A_471 = tpu.memref_slice %arg6[%dma_wait3A_468, %dma_wait3A_469, %dma_wait3A_470] : memref<5x128x128xf32, #tpu.memory_space<vmem>> -> memref<1x128x128xf32, #tpu.memory_space<vmem>>
        %dma_wait3A_472 = tpu.memref_squeeze %dma_wait3A_471 : memref<1x128x128xf32, #tpu.memory_space<vmem>> -> memref<128x128xf32, #tpu.memory_space<vmem>>
        %dma_wait3A_473 = arith.constant 0 : i32
        %dma_wait3A_474 = tpu.memref_slice %arg4[%mul3A_2, %dma_wait3A_473] : memref<819200x128xf32, #tpu.memory_space<hbm>> -> memref<128x128xf32, #tpu.memory_space<hbm>>
        %dma_wait3A_475 = arith.constant 0 : i32
        %dma_wait3A_476 = tpu.memref_slice %arg4[%mul3A_2, %dma_wait3A_475] : memref<819200x128xf32, #tpu.memory_space<hbm>> -> memref<128x128xf32, #tpu.memory_space<hbm>>
        %dma_wait3A_477 = arith.constant 0 : i32
        %dma_wait3A_478 = arith.constant 0 : i32
        %dma_wait3A_479 = tpu.memref_slice %arg6[%dma_wait3A_468, %dma_wait3A_477, %dma_wait3A_478] : memref<5x128x128xf32, #tpu.memory_space<vmem>> -> memref<1x128x128xf32, #tpu.memory_space<vmem>>
        %dma_wait3A_480 = tpu.memref_squeeze %dma_wait3A_479 : memref<1x128x128xf32, #tpu.memory_space<vmem>> -> memref<128x128xf32, #tpu.memory_space<vmem>>
        tpu.wait_dma2 semaphore(%arg8 : memref<!tpu.dma_semaphore, #tpu.memory_space<semaphore_mem>>) src(%dma_wait3A_480 : memref<128x128xf32, #tpu.memory_space<vmem>>) dst(%dma_wait3A_476 : memref<128x128xf32, #tpu.memory_space<hbm>>)
        %dma_start3A_481 = arith.constant 2 : i32
        %dma_start3A_482 = arith.constant 0 : i32
        %dma_start3A_483 = arith.constant 0 : i32
        %dma_start3A_484 = tpu.memref_slice %arg6[%dma_start3A_481, %dma_start3A_482, %dma_start3A_483] : memref<5x128x128xf32, #tpu.memory_space<vmem>> -> memref<1x128x128xf32, #tpu.memory_space<vmem>>
        %dma_start3A_485 = tpu.memref_squeeze %dma_start3A_484 : memref<1x128x128xf32, #tpu.memory_space<vmem>> -> memref<128x128xf32, #tpu.memory_space<vmem>>
        %dma_start3A_486 = arith.constant 0 : i32
        %dma_start3A_487 = tpu.memref_slice %arg5[%add3A_192, %dma_start3A_486] : memref<200x128xi32, #tpu.memory_space<vmem>> -> memref<1x128xi32, #tpu.memory_space<vmem>>
        %dma_start3A_488 = tpu.memref_squeeze %dma_start3A_487 : memref<1x128xi32, #tpu.memory_space<vmem>> -> memref<128xi32, #tpu.memory_space<vmem>>
        %dma_start3A_489 = arith.constant 0 : i32
        %dma_start3A_490 = arith.constant 0 : i32
        %dma_start3A_491 = tpu.memref_slice %arg2[%dma_start3A_489, %dma_start3A_490] : memref<100000x128xf32, #tpu.memory_space<hbm>> -> memref<100000x128xf32, #tpu.memory_space<hbm>>
        tpu.enqueue_indirect_dma source(%dma_start3A_491 : memref<100000x128xf32, #tpu.memory_space<hbm>>) target(%dma_start3A_485 : memref<128x128xf32, #tpu.memory_space<vmem>>) offsets(%dma_start3A_488 : memref<128xi32, #tpu.memory_space<vmem>>) semaphore(%arg7 : memref<!tpu.dma_semaphore, #tpu.memory_space<semaphore_mem>>)
      } else {
      }
      %add3A_196 = arith.constant 1 : i32
      %add3A_197 = arith.addi %mul3A_132, %add3A_196 : i32
      %dma_wait3A_198 = arith.constant 0 : i32
      %dma_wait3A_199 = arith.constant 1 : i32
      %dma_wait3A_200 = arith.constant 0 : i32
      %dma_wait3A_201 = arith.constant 0 : i32
      %dma_wait3A_202 = tpu.memref_slice %arg6[%dma_wait3A_199, %dma_wait3A_200, %dma_wait3A_201] : memref<5x128x128xf32, #tpu.memory_space<vmem>> -> memref<1x128x128xf32, #tpu.memory_space<vmem>>
      %dma_wait3A_203 = tpu.memref_squeeze %dma_wait3A_202 : memref<1x128x128xf32, #tpu.memory_space<vmem>> -> memref<128x128xf32, #tpu.memory_space<vmem>>
      %dma_wait3A_204 = arith.constant 0 : i32
      %dma_wait3A_205 = tpu.memref_slice %arg5[%dma_wait3A_198, %dma_wait3A_204] : memref<200x128xi32, #tpu.memory_space<vmem>> -> memref<1x128xi32, #tpu.memory_space<vmem>>
      %dma_wait3A_206 = tpu.memref_squeeze %dma_wait3A_205 : memref<1x128xi32, #tpu.memory_space<vmem>> -> memref<128xi32, #tpu.memory_space<vmem>>
      %dma_wait3A_207 = arith.constant 0 : i32
      %dma_wait3A_208 = arith.constant 0 : i32
      %dma_wait3A_209 = tpu.memref_slice %arg2[%dma_wait3A_207, %dma_wait3A_208] : memref<100000x128xf32, #tpu.memory_space<hbm>> -> memref<100000x128xf32, #tpu.memory_space<hbm>>
      tpu.wait_indirect_dma semaphore(%arg7 : memref<!tpu.dma_semaphore, #tpu.memory_space<semaphore_mem>>) src(%dma_wait3A_209 : memref<100000x128xf32, #tpu.memory_space<hbm>>) dst(%dma_wait3A_203 : memref<128x128xf32, #tpu.memory_space<vmem>>)
      %scan3A_210 = arith.constant 0 : i32
      %scan3A_211 = arith.constant 64 : i32
      %scan3A_212 = arith.addi %scan3A_210, %scan3A_211 : i32
      %scan3A_213 = arith.constant 2 : i32
      scf.for %scan3A_468 = %scan3A_210 to %scan3A_212 step %scan3A_213  : i32 {
        %get3A = arith.constant 1 : i32
        %get3A_469 = arith.index_cast %get3A : i32 to index
        %get3A_470 = arith.index_cast %scan3A_468 : i32 to index
        %get3A_471 = arith.constant 0 : index
        %get3A_472 = tpu.vector_load %arg6[%get3A_469, %get3A_470, %get3A_471] {strides = array<i32>} : memref<5x128x128xf32, #tpu.memory_space<vmem>>, vector<1x1x16xf32>,
        %get3A_473 = vector.shape_cast %get3A_472 : vector<1x1x16xf32> to vector<16xf32>
        %mul3A_474 = arith.constant 11.3137083 : f32
        %mul3A_475 = vector.broadcast %mul3A_474 : f32 to vector<16xf32>
        %mul3A_476 = arith.mulf %get3A_473, %mul3A_475 : vector<16xf32>
        %swap3A = arith.constant 1 : i32
        %swap3A_477 = arith.index_cast %swap3A : i32 to index
        %swap3A_478 = arith.index_cast %scan3A_468 : i32 to index
        %swap3A_479 = arith.constant 0 : index
        %swap3A_480 = tpu.vector_load %arg6[%swap3A_477, %swap3A_478, %swap3A_479] {strides = array<i32>} : memref<5x128x128xf32, #tpu.memory_space<vmem>>, vector<1x1x16xf32>,
        %swap3A_481 = vector.shape_cast %swap3A_480 : vector<1x1x16xf32> to vector<16xf32>
        %swap3A_482 = vector.shape_cast %mul3A_476 : vector<16xf32> to vector<1x1x16xf32>
        tpu.vector_store %arg6[%swap3A_477, %swap3A_478, %swap3A_479], %swap3A_482 {strides = array<i32>} : memref<5x128x128xf32, #tpu.memory_space<vmem>>, vector<1x1x16xf32>,
        %get3A_483 = arith.constant 1 : i32
        %get3A_484 = arith.index_cast %get3A_483 : i32 to index
        %get3A_485 = arith.index_cast %scan3A_468 : i32 to index
        %get3A_486 = arith.constant 16 : index
        %get3A_487 = tpu.vector_load %arg6[%get3A_484, %get3A_485, %get3A_486] {strides = array<i32>} : memref<5x128x128xf32, #tpu.memory_space<vmem>>, vector<1x1x16xf32>,
        %get3A_488 = vector.shape_cast %get3A_487 : vector<1x1x16xf32> to vector<16xf32>
        %mul3A_489 = arith.constant 11.3137083 : f32
        %mul3A_490 = vector.broadcast %mul3A_489 : f32 to vector<16xf32>
        %mul3A_491 = arith.mulf %get3A_488, %mul3A_490 : vector<16xf32>
        %swap3A_492 = arith.constant 1 : i32
        %swap3A_493 = arith.index_cast %swap3A_492 : i32 to index
        %swap3A_494 = arith.index_cast %scan3A_468 : i32 to index
        %swap3A_495 = arith.constant 16 : index
        %swap3A_496 = tpu.vector_load %arg6[%swap3A_493, %swap3A_494, %swap3A_495] {strides = array<i32>} : memref<5x128x128xf32, #tpu.memory_space<vmem>>, vector<1x1x16xf32>,
        %swap3A_497 = vector.shape_cast %swap3A_496 : vector<1x1x16xf32> to vector<16xf32>
        %swap3A_498 = vector.shape_cast %mul3A_491 : vector<16xf32> to vector<1x1x16xf32>
        tpu.vector_store %arg6[%swap3A_493, %swap3A_494, %swap3A_495], %swap3A_498 {strides = array<i32>} : memref<5x128x128xf32, #tpu.memory_space<vmem>>, vector<1x1x16xf32>,
        %get3A_499 = arith.constant 1 : i32
        %get3A_500 = arith.index_cast %get3A_499 : i32 to index
        %get3A_501 = arith.index_cast %scan3A_468 : i32 to index
        %get3A_502 = arith.constant 32 : index
        %get3A_503 = tpu.vector_load %arg6[%get3A_500, %get3A_501, %get3A_502] {strides = array<i32>} : memref<5x128x128xf32, #tpu.memory_space<vmem>>, vector<1x1x16xf32>,
        %get3A_504 = vector.shape_cast %get3A_503 : vector<1x1x16xf32> to vector<16xf32>
        %mul3A_505 = arith.constant 11.3137083 : f32
        %mul3A_506 = vector.broadcast %mul3A_505 : f32 to vector<16xf32>
        %mul3A_507 = arith.mulf %get3A_504, %mul3A_506 : vector<16xf32>
        %swap3A_508 = arith.constant 1 : i32
        %swap3A_509 = arith.index_cast %swap3A_508 : i32 to index
        %swap3A_510 = arith.index_cast %scan3A_468 : i32 to index
        %swap3A_511 = arith.constant 32 : index
        %swap3A_512 = tpu.vector_load %arg6[%swap3A_509, %swap3A_510, %swap3A_511] {strides = array<i32>} : memref<5x128x128xf32, #tpu.memory_space<vmem>>, vector<1x1x16xf32>,
        %swap3A_513 = vector.shape_cast %swap3A_512 : vector<1x1x16xf32> to vector<16xf32>
        %swap3A_514 = vector.shape_cast %mul3A_507 : vector<16xf32> to vector<1x1x16xf32>
        tpu.vector_store %arg6[%swap3A_509, %swap3A_510, %swap3A_511], %swap3A_514 {strides = array<i32>} : memref<5x128x128xf32, #tpu.memory_space<vmem>>, vector<1x1x16xf32>,
        %get3A_515 = arith.constant 1 : i32
        %get3A_516 = arith.index_cast %get3A_515 : i32 to index
        %get3A_517 = arith.index_cast %scan3A_468 : i32 to index
        %get3A_518 = arith.constant 48 : index
        %get3A_519 = tpu.vector_load %arg6[%get3A_516, %get3A_517, %get3A_518] {strides = array<i32>} : memref<5x128x128xf32, #tpu.memory_space<vmem>>, vector<1x1x16xf32>,
        %get3A_520 = vector.shape_cast %get3A_519 : vector<1x1x16xf32> to vector<16xf32>
        %mul3A_521 = arith.constant 11.3137083 : f32
        %mul3A_522 = vector.broadcast %mul3A_521 : f32 to vector<16xf32>
        %mul3A_523 = arith.mulf %get3A_520, %mul3A_522 : vector<16xf32>
        %swap3A_524 = arith.constant 1 : i32
        %swap3A_525 = arith.index_cast %swap3A_524 : i32 to index
        %swap3A_526 = arith.index_cast %scan3A_468 : i32 to index
        %swap3A_527 = arith.constant 48 : index
        %swap3A_528 = tpu.vector_load %arg6[%swap3A_525, %swap3A_526, %swap3A_527] {strides = array<i32>} : memref<5x128x128xf32, #tpu.memory_space<vmem>>, vector<1x1x16xf32>,
        %swap3A_529 = vector.shape_cast %swap3A_528 : vector<1x1x16xf32> to vector<16xf32>
        %swap3A_530 = vector.shape_cast %mul3A_523 : vector<16xf32> to vector<1x1x16xf32>
        tpu.vector_store %arg6[%swap3A_525, %swap3A_526, %swap3A_527], %swap3A_530 {strides = array<i32>} : memref<5x128x128xf32, #tpu.memory_space<vmem>>, vector<1x1x16xf32>,
        %get3A_531 = arith.constant 1 : i32
        %get3A_532 = arith.index_cast %get3A_531 : i32 to index
        %get3A_533 = arith.index_cast %scan3A_468 : i32 to index
        %get3A_534 = arith.constant 64 : index
        %get3A_535 = tpu.vector_load %arg6[%get3A_532, %get3A_533, %get3A_534] {strides = array<i32>} : memref<5x128x128xf32, #tpu.memory_space<vmem>>, vector<1x1x16xf32>,
        %get3A_536 = vector.shape_cast %get3A_535 : vector<1x1x16xf32> to vector<16xf32>
        %mul3A_537 = arith.constant 11.3137083 : f32
        %mul3A_538 = vector.broadcast %mul3A_537 : f32 to vector<16xf32>
        %mul3A_539 = arith.mulf %get3A_536, %mul3A_538 : vector<16xf32>
        %swap3A_540 = arith.constant 1 : i32
        %swap3A_541 = arith.index_cast %swap3A_540 : i32 to index
        %swap3A_542 = arith.index_cast %scan3A_468 : i32 to index
        %swap3A_543 = arith.constant 64 : index
        %swap3A_544 = tpu.vector_load %arg6[%swap3A_541, %swap3A_542, %swap3A_543] {strides = array<i32>} : memref<5x128x128xf32, #tpu.memory_space<vmem>>, vector<1x1x16xf32>,
        %swap3A_545 = vector.shape_cast %swap3A_544 : vector<1x1x16xf32> to vector<16xf32>
        %swap3A_546 = vector.shape_cast %mul3A_539 : vector<16xf32> to vector<1x1x16xf32>
        tpu.vector_store %arg6[%swap3A_541, %swap3A_542, %swap3A_543], %swap3A_546 {strides = array<i32>} : memref<5x128x128xf32, #tpu.memory_space<vmem>>, vector<1x1x16xf32>,
        %get3A_547 = arith.constant 1 : i32
        %get3A_548 = arith.index_cast %get3A_547 : i32 to index
        %get3A_549 = arith.index_cast %scan3A_468 : i32 to index
        %get3A_550 = arith.constant 80 : index
        %get3A_551 = tpu.vector_load %arg6[%get3A_548, %get3A_549, %get3A_550] {strides = array<i32>} : memref<5x128x128xf32, #tpu.memory_space<vmem>>, vector<1x1x16xf32>,
        %get3A_552 = vector.shape_cast %get3A_551 : vector<1x1x16xf32> to vector<16xf32>
        %mul3A_553 = arith.constant 11.3137083 : f32
        %mul3A_554 = vector.broadcast %mul3A_553 : f32 to vector<16xf32>
        %mul3A_555 = arith.mulf %get3A_552, %mul3A_554 : vector<16xf32>
        %swap3A_556 = arith.constant 1 : i32
        %swap3A_557 = arith.index_cast %swap3A_556 : i32 to index
        %swap3A_558 = arith.index_cast %scan3A_468 : i32 to index
        %swap3A_559 = arith.constant 80 : index
        %swap3A_560 = tpu.vector_load %arg6[%swap3A_557, %swap3A_558, %swap3A_559] {strides = array<i32>} : memref<5x128x128xf32, #tpu.memory_space<vmem>>, vector<1x1x16xf32>,
        %swap3A_561 = vector.shape_cast %swap3A_560 : vector<1x1x16xf32> to vector<16xf32>
        %swap3A_562 = vector.shape_cast %mul3A_555 : vector<16xf32> to vector<1x1x16xf32>
        tpu.vector_store %arg6[%swap3A_557, %swap3A_558, %swap3A_559], %swap3A_562 {strides = array<i32>} : memref<5x128x128xf32, #tpu.memory_space<vmem>>, vector<1x1x16xf32>,
        %get3A_563 = arith.constant 1 : i32
        %get3A_564 = arith.index_cast %get3A_563 : i32 to index
        %get3A_565 = arith.index_cast %scan3A_468 : i32 to index
        %get3A_566 = arith.constant 96 : index
        %get3A_567 = tpu.vector_load %arg6[%get3A_564, %get3A_565, %get3A_566] {strides = array<i32>} : memref<5x128x128xf32, #tpu.memory_space<vmem>>, vector<1x1x16xf32>,
        %get3A_568 = vector.shape_cast %get3A_567 : vector<1x1x16xf32> to vector<16xf32>
        %mul3A_569 = arith.constant 11.3137083 : f32
        %mul3A_570 = vector.broadcast %mul3A_569 : f32 to vector<16xf32>
        %mul3A_571 = arith.mulf %get3A_568, %mul3A_570 : vector<16xf32>
        %swap3A_572 = arith.constant 1 : i32
        %swap3A_573 = arith.index_cast %swap3A_572 : i32 to index
        %swap3A_574 = arith.index_cast %scan3A_468 : i32 to index
        %swap3A_575 = arith.constant 96 : index
        %swap3A_576 = tpu.vector_load %arg6[%swap3A_573, %swap3A_574, %swap3A_575] {strides = array<i32>} : memref<5x128x128xf32, #tpu.memory_space<vmem>>, vector<1x1x16xf32>,
        %swap3A_577 = vector.shape_cast %swap3A_576 : vector<1x1x16xf32> to vector<16xf32>
        %swap3A_578 = vector.shape_cast %mul3A_571 : vector<16xf32> to vector<1x1x16xf32>
        tpu.vector_store %arg6[%swap3A_573, %swap3A_574, %swap3A_575], %swap3A_578 {strides = array<i32>} : memref<5x128x128xf32, #tpu.memory_space<vmem>>, vector<1x1x16xf32>,
        %get3A_579 = arith.constant 1 : i32
        %get3A_580 = arith.index_cast %get3A_579 : i32 to index
        %get3A_581 = arith.index_cast %scan3A_468 : i32 to index
        %get3A_582 = arith.constant 112 : index
        %get3A_583 = tpu.vector_load %arg6[%get3A_580, %get3A_581, %get3A_582] {strides = array<i32>} : memref<5x128x128xf32, #tpu.memory_space<vmem>>, vector<1x1x16xf32>,
        %get3A_584 = vector.shape_cast %get3A_583 : vector<1x1x16xf32> to vector<16xf32>
        %mul3A_585 = arith.constant 11.3137083 : f32
        %mul3A_586 = vector.broadcast %mul3A_585 : f32 to vector<16xf32>
        %mul3A_587 = arith.mulf %get3A_584, %mul3A_586 : vector<16xf32>
        %swap3A_588 = arith.constant 1 : i32
        %swap3A_589 = arith.index_cast %swap3A_588 : i32 to index
        %swap3A_590 = arith.index_cast %scan3A_468 : i32 to index
        %swap3A_591 = arith.constant 112 : index
        %swap3A_592 = tpu.vector_load %arg6[%swap3A_589, %swap3A_590, %swap3A_591] {strides = array<i32>} : memref<5x128x128xf32, #tpu.memory_space<vmem>>, vector<1x1x16xf32>,
        %swap3A_593 = vector.shape_cast %swap3A_592 : vector<1x1x16xf32> to vector<16xf32>
        %swap3A_594 = vector.shape_cast %mul3A_587 : vector<16xf32> to vector<1x1x16xf32>
        tpu.vector_store %arg6[%swap3A_589, %swap3A_590, %swap3A_591], %swap3A_594 {strides = array<i32>} : memref<5x128x128xf32, #tpu.memory_space<vmem>>, vector<1x1x16xf32>,
        %scan3A_595 = arith.constant 1 : i32
        %scan3A_596 = arith.addi %scan3A_468, %scan3A_595 : i32
        %get3A_597 = arith.constant 1 : i32
        %get3A_598 = arith.index_cast %get3A_597 : i32 to index
        %get3A_599 = arith.index_cast %scan3A_596 : i32 to index
        %get3A_600 = arith.constant 0 : index
        %get3A_601 = tpu.vector_load %arg6[%get3A_598, %get3A_599, %get3A_600] {strides = array<i32>} : memref<5x128x128xf32, #tpu.memory_space<vmem>>, vector<1x1x16xf32>,
        %get3A_602 = vector.shape_cast %get3A_601 : vector<1x1x16xf32> to vector<16xf32>
        %mul3A_603 = arith.constant 11.3137083 : f32
        %mul3A_604 = vector.broadcast %mul3A_603 : f32 to vector<16xf32>
        %mul3A_605 = arith.mulf %get3A_602, %mul3A_604 : vector<16xf32>
        %swap3A_606 = arith.constant 1 : i32
        %swap3A_607 = arith.index_cast %swap3A_606 : i32 to index
        %swap3A_608 = arith.index_cast %scan3A_596 : i32 to index
        %swap3A_609 = arith.constant 0 : index
        %swap3A_610 = tpu.vector_load %arg6[%swap3A_607, %swap3A_608, %swap3A_609] {strides = array<i32>} : memref<5x128x128xf32, #tpu.memory_space<vmem>>, vector<1x1x16xf32>,
        %swap3A_611 = vector.shape_cast %swap3A_610 : vector<1x1x16xf32> to vector<16xf32>
        %swap3A_612 = vector.shape_cast %mul3A_605 : vector<16xf32> to vector<1x1x16xf32>
        tpu.vector_store %arg6[%swap3A_607, %swap3A_608, %swap3A_609], %swap3A_612 {strides = array<i32>} : memref<5x128x128xf32, #tpu.memory_space<vmem>>, vector<1x1x16xf32>,
        %get3A_613 = arith.constant 1 : i32
        %get3A_614 = arith.index_cast %get3A_613 : i32 to index
        %get3A_615 = arith.index_cast %scan3A_596 : i32 to index
        %get3A_616 = arith.constant 16 : index
        %get3A_617 = tpu.vector_load %arg6[%get3A_614, %get3A_615, %get3A_616] {strides = array<i32>} : memref<5x128x128xf32, #tpu.memory_space<vmem>>, vector<1x1x16xf32>,
        %get3A_618 = vector.shape_cast %get3A_617 : vector<1x1x16xf32> to vector<16xf32>
        %mul3A_619 = arith.constant 11.3137083 : f32
        %mul3A_620 = vector.broadcast %mul3A_619 : f32 to vector<16xf32>
        %mul3A_621 = arith.mulf %get3A_618, %mul3A_620 : vector<16xf32>
        %swap3A_622 = arith.constant 1 : i32
        %swap3A_623 = arith.index_cast %swap3A_622 : i32 to index
        %swap3A_624 = arith.index_cast %scan3A_596 : i32 to index
        %swap3A_625 = arith.constant 16 : index
        %swap3A_626 = tpu.vector_load %arg6[%swap3A_623, %swap3A_624, %swap3A_625] {strides = array<i32>} : memref<5x128x128xf32, #tpu.memory_space<vmem>>, vector<1x1x16xf32>,
        %swap3A_627 = vector.shape_cast %swap3A_626 : vector<1x1x16xf32> to vector<16xf32>
        %swap3A_628 = vector.shape_cast %mul3A_621 : vector<16xf32> to vector<1x1x16xf32>
        tpu.vector_store %arg6[%swap3A_623, %swap3A_624, %swap3A_625], %swap3A_628 {strides = array<i32>} : memref<5x128x128xf32, #tpu.memory_space<vmem>>, vector<1x1x16xf32>,
        %get3A_629 = arith.constant 1 : i32
        %get3A_630 = arith.index_cast %get3A_629 : i32 to index
        %get3A_631 = arith.index_cast %scan3A_596 : i32 to index
        %get3A_632 = arith.constant 32 : index
        %get3A_633 = tpu.vector_load %arg6[%get3A_630, %get3A_631, %get3A_632] {strides = array<i32>} : memref<5x128x128xf32, #tpu.memory_space<vmem>>, vector<1x1x16xf32>,
        %get3A_634 = vector.shape_cast %get3A_633 : vector<1x1x16xf32> to vector<16xf32>
        %mul3A_635 = arith.constant 11.3137083 : f32
        %mul3A_636 = vector.broadcast %mul3A_635 : f32 to vector<16xf32>
        %mul3A_637 = arith.mulf %get3A_634, %mul3A_636 : vector<16xf32>
        %swap3A_638 = arith.constant 1 : i32
        %swap3A_639 = arith.index_cast %swap3A_638 : i32 to index
        %swap3A_640 = arith.index_cast %scan3A_596 : i32 to index
        %swap3A_641 = arith.constant 32 : index
        %swap3A_642 = tpu.vector_load %arg6[%swap3A_639, %swap3A_640, %swap3A_641] {strides = array<i32>} : memref<5x128x128xf32, #tpu.memory_space<vmem>>, vector<1x1x16xf32>,
        %swap3A_643 = vector.shape_cast %swap3A_642 : vector<1x1x16xf32> to vector<16xf32>
        %swap3A_644 = vector.shape_cast %mul3A_637 : vector<16xf32> to vector<1x1x16xf32>
        tpu.vector_store %arg6[%swap3A_639, %swap3A_640, %swap3A_641], %swap3A_644 {strides = array<i32>} : memref<5x128x128xf32, #tpu.memory_space<vmem>>, vector<1x1x16xf32>,
        %get3A_645 = arith.constant 1 : i32
        %get3A_646 = arith.index_cast %get3A_645 : i32 to index
        %get3A_647 = arith.index_cast %scan3A_596 : i32 to index
        %get3A_648 = arith.constant 48 : index
        %get3A_649 = tpu.vector_load %arg6[%get3A_646, %get3A_647, %get3A_648] {strides = array<i32>} : memref<5x128x128xf32, #tpu.memory_space<vmem>>, vector<1x1x16xf32>,
        %get3A_650 = vector.shape_cast %get3A_649 : vector<1x1x16xf32> to vector<16xf32>
        %mul3A_651 = arith.constant 11.3137083 : f32
        %mul3A_652 = vector.broadcast %mul3A_651 : f32 to vector<16xf32>
        %mul3A_653 = arith.mulf %get3A_650, %mul3A_652 : vector<16xf32>
        %swap3A_654 = arith.constant 1 : i32
        %swap3A_655 = arith.index_cast %swap3A_654 : i32 to index
        %swap3A_656 = arith.index_cast %scan3A_596 : i32 to index
        %swap3A_657 = arith.constant 48 : index
        %swap3A_658 = tpu.vector_load %arg6[%swap3A_655, %swap3A_656, %swap3A_657] {strides = array<i32>} : memref<5x128x128xf32, #tpu.memory_space<vmem>>, vector<1x1x16xf32>,
        %swap3A_659 = vector.shape_cast %swap3A_658 : vector<1x1x16xf32> to vector<16xf32>
        %swap3A_660 = vector.shape_cast %mul3A_653 : vector<16xf32> to vector<1x1x16xf32>
        tpu.vector_store %arg6[%swap3A_655, %swap3A_656, %swap3A_657], %swap3A_660 {strides = array<i32>} : memref<5x128x128xf32, #tpu.memory_space<vmem>>, vector<1x1x16xf32>,
        %get3A_661 = arith.constant 1 : i32
        %get3A_662 = arith.index_cast %get3A_661 : i32 to index
        %get3A_663 = arith.index_cast %scan3A_596 : i32 to index
        %get3A_664 = arith.constant 64 : index
        %get3A_665 = tpu.vector_load %arg6[%get3A_662, %get3A_663, %get3A_664] {strides = array<i32>} : memref<5x128x128xf32, #tpu.memory_space<vmem>>, vector<1x1x16xf32>,
        %get3A_666 = vector.shape_cast %get3A_665 : vector<1x1x16xf32> to vector<16xf32>
        %mul3A_667 = arith.constant 11.3137083 : f32
        %mul3A_668 = vector.broadcast %mul3A_667 : f32 to vector<16xf32>
        %mul3A_669 = arith.mulf %get3A_666, %mul3A_668 : vector<16xf32>
        %swap3A_670 = arith.constant 1 : i32
        %swap3A_671 = arith.index_cast %swap3A_670 : i32 to index
        %swap3A_672 = arith.index_cast %scan3A_596 : i32 to index
        %swap3A_673 = arith.constant 64 : index
        %swap3A_674 = tpu.vector_load %arg6[%swap3A_671, %swap3A_672, %swap3A_673] {strides = array<i32>} : memref<5x128x128xf32, #tpu.memory_space<vmem>>, vector<1x1x16xf32>,
        %swap3A_675 = vector.shape_cast %swap3A_674 : vector<1x1x16xf32> to vector<16xf32>
        %swap3A_676 = vector.shape_cast %mul3A_669 : vector<16xf32> to vector<1x1x16xf32>
        tpu.vector_store %arg6[%swap3A_671, %swap3A_672, %swap3A_673], %swap3A_676 {strides = array<i32>} : memref<5x128x128xf32, #tpu.memory_space<vmem>>, vector<1x1x16xf32>,
        %get3A_677 = arith.constant 1 : i32
        %get3A_678 = arith.index_cast %get3A_677 : i32 to index
        %get3A_679 = arith.index_cast %scan3A_596 : i32 to index
        %get3A_680 = arith.constant 80 : index
        %get3A_681 = tpu.vector_load %arg6[%get3A_678, %get3A_679, %get3A_680] {strides = array<i32>} : memref<5x128x128xf32, #tpu.memory_space<vmem>>, vector<1x1x16xf32>,
        %get3A_682 = vector.shape_cast %get3A_681 : vector<1x1x16xf32> to vector<16xf32>
        %mul3A_683 = arith.constant 11.3137083 : f32
        %mul3A_684 = vector.broadcast %mul3A_683 : f32 to vector<16xf32>
        %mul3A_685 = arith.mulf %get3A_682, %mul3A_684 : vector<16xf32>
        %swap3A_686 = arith.constant 1 : i32
        %swap3A_687 = arith.index_cast %swap3A_686 : i32 to index
        %swap3A_688 = arith.index_cast %scan3A_596 : i32 to index
        %swap3A_689 = arith.constant 80 : index
        %swap3A_690 = tpu.vector_load %arg6[%swap3A_687, %swap3A_688, %swap3A_689] {strides = array<i32>} : memref<5x128x128xf32, #tpu.memory_space<vmem>>, vector<1x1x16xf32>,
        %swap3A_691 = vector.shape_cast %swap3A_690 : vector<1x1x16xf32> to vector<16xf32>
        %swap3A_692 = vector.shape_cast %mul3A_685 : vector<16xf32> to vector<1x1x16xf32>
        tpu.vector_store %arg6[%swap3A_687, %swap3A_688, %swap3A_689], %swap3A_692 {strides = array<i32>} : memref<5x128x128xf32, #tpu.memory_space<vmem>>, vector<1x1x16xf32>,
        %get3A_693 = arith.constant 1 : i32
        %get3A_694 = arith.index_cast %get3A_693 : i32 to index
        %get3A_695 = arith.index_cast %scan3A_596 : i32 to index
        %get3A_696 = arith.constant 96 : index
        %get3A_697 = tpu.vector_load %arg6[%get3A_694, %get3A_695, %get3A_696] {strides = array<i32>} : memref<5x128x128xf32, #tpu.memory_space<vmem>>, vector<1x1x16xf32>,
        %get3A_698 = vector.shape_cast %get3A_697 : vector<1x1x16xf32> to vector<16xf32>
        %mul3A_699 = arith.constant 11.3137083 : f32
        %mul3A_700 = vector.broadcast %mul3A_699 : f32 to vector<16xf32>
        %mul3A_701 = arith.mulf %get3A_698, %mul3A_700 : vector<16xf32>
        %swap3A_702 = arith.constant 1 : i32
        %swap3A_703 = arith.index_cast %swap3A_702 : i32 to index
        %swap3A_704 = arith.index_cast %scan3A_596 : i32 to index
        %swap3A_705 = arith.constant 96 : index
        %swap3A_706 = tpu.vector_load %arg6[%swap3A_703, %swap3A_704, %swap3A_705] {strides = array<i32>} : memref<5x128x128xf32, #tpu.memory_space<vmem>>, vector<1x1x16xf32>,
        %swap3A_707 = vector.shape_cast %swap3A_706 : vector<1x1x16xf32> to vector<16xf32>
        %swap3A_708 = vector.shape_cast %mul3A_701 : vector<16xf32> to vector<1x1x16xf32>
        tpu.vector_store %arg6[%swap3A_703, %swap3A_704, %swap3A_705], %swap3A_708 {strides = array<i32>} : memref<5x128x128xf32, #tpu.memory_space<vmem>>, vector<1x1x16xf32>,
        %get3A_709 = arith.constant 1 : i32
        %get3A_710 = arith.index_cast %get3A_709 : i32 to index
        %get3A_711 = arith.index_cast %scan3A_596 : i32 to index
        %get3A_712 = arith.constant 112 : index
        %get3A_713 = tpu.vector_load %arg6[%get3A_710, %get3A_711, %get3A_712] {strides = array<i32>} : memref<5x128x128xf32, #tpu.memory_space<vmem>>, vector<1x1x16xf32>,
        %get3A_714 = vector.shape_cast %get3A_713 : vector<1x1x16xf32> to vector<16xf32>
        %mul3A_715 = arith.constant 11.3137083 : f32
        %mul3A_716 = vector.broadcast %mul3A_715 : f32 to vector<16xf32>
        %mul3A_717 = arith.mulf %get3A_714, %mul3A_716 : vector<16xf32>
        %swap3A_718 = arith.constant 1 : i32
        %swap3A_719 = arith.index_cast %swap3A_718 : i32 to index
        %swap3A_720 = arith.index_cast %scan3A_596 : i32 to index
        %swap3A_721 = arith.constant 112 : index
        %swap3A_722 = tpu.vector_load %arg6[%swap3A_719, %swap3A_720, %swap3A_721] {strides = array<i32>} : memref<5x128x128xf32, #tpu.memory_space<vmem>>, vector<1x1x16xf32>,
        %swap3A_723 = vector.shape_cast %swap3A_722 : vector<1x1x16xf32> to vector<16xf32>
        %swap3A_724 = vector.shape_cast %mul3A_717 : vector<16xf32> to vector<1x1x16xf32>
        tpu.vector_store %arg6[%swap3A_719, %swap3A_720, %swap3A_721], %swap3A_724 {strides = array<i32>} : memref<5x128x128xf32, #tpu.memory_space<vmem>>, vector<1x1x16xf32>,
      }
      %scan3A_214 = arith.constant 64 : i32
      %mul3A_215 = arith.constant 128 : i32
      %mul3A_216 = arith.muli %add3A_197, %mul3A_215 : i32
      %add3A_217 = arith.addi %mul3A_2, %mul3A_216 : i32
      %dma_start3A_218 = arith.constant 1 : i32
      %dma_start3A_219 = arith.constant 0 : i32
      %dma_start3A_220 = arith.constant 0 : i32
      %dma_start3A_221 = tpu.memref_slice %arg6[%dma_start3A_218, %dma_start3A_219, %dma_start3A_220] : memref<5x128x128xf32, #tpu.memory_space<vmem>> -> memref<1x64x128xf32, #tpu.memory_space<vmem>>
      %dma_start3A_222 = tpu.memref_squeeze %dma_start3A_221 : memref<1x64x128xf32, #tpu.memory_space<vmem>> -> memref<64x128xf32, #tpu.memory_space<vmem>>
      %dma_start3A_223 = arith.constant 0 : i32
      %dma_start3A_224 = tpu.memref_slice %arg4[%add3A_217, %dma_start3A_223] : memref<819200x128xf32, #tpu.memory_space<hbm>> -> memref<64x128xf32, #tpu.memory_space<hbm>>
      %dma_start3A_225 = arith.constant 0 : i32
      %dma_start3A_226 = tpu.memref_slice %arg4[%add3A_217, %dma_start3A_225] : memref<819200x128xf32, #tpu.memory_space<hbm>> -> memref<64x128xf32, #tpu.memory_space<hbm>>
      %dma_start3A_227 = arith.constant 0 : i32
      %dma_start3A_228 = arith.constant 0 : i32
      %dma_start3A_229 = tpu.memref_slice %arg6[%dma_start3A_218, %dma_start3A_227, %dma_start3A_228] : memref<5x128x128xf32, #tpu.memory_space<vmem>> -> memref<1x64x128xf32, #tpu.memory_space<vmem>>
      %dma_start3A_230 = tpu.memref_squeeze %dma_start3A_229 : memref<1x64x128xf32, #tpu.memory_space<vmem>> -> memref<64x128xf32, #tpu.memory_space<vmem>>
      tpu.enqueue_dma source(%dma_start3A_230 : memref<64x128xf32, #tpu.memory_space<vmem>>) target(%dma_start3A_226 : memref<64x128xf32, #tpu.memory_space<hbm>>) target_semaphore(%arg8 : memref<!tpu.dma_semaphore, #tpu.memory_space<semaphore_mem>>)
      %scan3A_231 = arith.constant 64 : i32
      %scan3A_232 = arith.constant 64 : i32
      %scan3A_233 = arith.addi %scan3A_231, %scan3A_232 : i32
      %scan3A_234 = arith.constant 2 : i32
      scf.for %scan3A_468 = %scan3A_231 to %scan3A_233 step %scan3A_234  : i32 {
        %get3A = arith.constant 1 : i32
        %get3A_469 = arith.index_cast %get3A : i32 to index
        %get3A_470 = arith.index_cast %scan3A_468 : i32 to index
        %get3A_471 = arith.constant 0 : index
        %get3A_472 = tpu.vector_load %arg6[%get3A_469, %get3A_470, %get3A_471] {strides = array<i32>} : memref<5x128x128xf32, #tpu.memory_space<vmem>>, vector<1x1x16xf32>,
        %get3A_473 = vector.shape_cast %get3A_472 : vector<1x1x16xf32> to vector<16xf32>
        %mul3A_474 = arith.constant 11.3137083 : f32
        %mul3A_475 = vector.broadcast %mul3A_474 : f32 to vector<16xf32>
        %mul3A_476 = arith.mulf %get3A_473, %mul3A_475 : vector<16xf32>
        %swap3A = arith.constant 1 : i32
        %swap3A_477 = arith.index_cast %swap3A : i32 to index
        %swap3A_478 = arith.index_cast %scan3A_468 : i32 to index
        %swap3A_479 = arith.constant 0 : index
        %swap3A_480 = tpu.vector_load %arg6[%swap3A_477, %swap3A_478, %swap3A_479] {strides = array<i32>} : memref<5x128x128xf32, #tpu.memory_space<vmem>>, vector<1x1x16xf32>,
        %swap3A_481 = vector.shape_cast %swap3A_480 : vector<1x1x16xf32> to vector<16xf32>
        %swap3A_482 = vector.shape_cast %mul3A_476 : vector<16xf32> to vector<1x1x16xf32>
        tpu.vector_store %arg6[%swap3A_477, %swap3A_478, %swap3A_479], %swap3A_482 {strides = array<i32>} : memref<5x128x128xf32, #tpu.memory_space<vmem>>, vector<1x1x16xf32>,
        %get3A_483 = arith.constant 1 : i32
        %get3A_484 = arith.index_cast %get3A_483 : i32 to index
        %get3A_485 = arith.index_cast %scan3A_468 : i32 to index
        %get3A_486 = arith.constant 16 : index
        %get3A_487 = tpu.vector_load %arg6[%get3A_484, %get3A_485, %get3A_486] {strides = array<i32>} : memref<5x128x128xf32, #tpu.memory_space<vmem>>, vector<1x1x16xf32>,
        %get3A_488 = vector.shape_cast %get3A_487 : vector<1x1x16xf32> to vector<16xf32>
        %mul3A_489 = arith.constant 11.3137083 : f32
        %mul3A_490 = vector.broadcast %mul3A_489 : f32 to vector<16xf32>
        %mul3A_491 = arith.mulf %get3A_488, %mul3A_490 : vector<16xf32>
        %swap3A_492 = arith.constant 1 : i32
        %swap3A_493 = arith.index_cast %swap3A_492 : i32 to index
        %swap3A_494 = arith.index_cast %scan3A_468 : i32 to index
        %swap3A_495 = arith.constant 16 : index
        %swap3A_496 = tpu.vector_load %arg6[%swap3A_493, %swap3A_494, %swap3A_495] {strides = array<i32>} : memref<5x128x128xf32, #tpu.memory_space<vmem>>, vector<1x1x16xf32>,
        %swap3A_497 = vector.shape_cast %swap3A_496 : vector<1x1x16xf32> to vector<16xf32>
        %swap3A_498 = vector.shape_cast %mul3A_491 : vector<16xf32> to vector<1x1x16xf32>
        tpu.vector_store %arg6[%swap3A_493, %swap3A_494, %swap3A_495], %swap3A_498 {strides = array<i32>} : memref<5x128x128xf32, #tpu.memory_space<vmem>>, vector<1x1x16xf32>,
        %get3A_499 = arith.constant 1 : i32
        %get3A_500 = arith.index_cast %get3A_499 : i32 to index
        %get3A_501 = arith.index_cast %scan3A_468 : i32 to index
        %get3A_502 = arith.constant 32 : index
        %get3A_503 = tpu.vector_load %arg6[%get3A_500, %get3A_501, %get3A_502] {strides = array<i32>} : memref<5x128x128xf32, #tpu.memory_space<vmem>>, vector<1x1x16xf32>,
        %get3A_504 = vector.shape_cast %get3A_503 : vector<1x1x16xf32> to vector<16xf32>
        %mul3A_505 = arith.constant 11.3137083 : f32
        %mul3A_506 = vector.broadcast %mul3A_505 : f32 to vector<16xf32>
        %mul3A_507 = arith.mulf %get3A_504, %mul3A_506 : vector<16xf32>
        %swap3A_508 = arith.constant 1 : i32
        %swap3A_509 = arith.index_cast %swap3A_508 : i32 to index
        %swap3A_510 = arith.index_cast %scan3A_468 : i32 to index
        %swap3A_511 = arith.constant 32 : index
        %swap3A_512 = tpu.vector_load %arg6[%swap3A_509, %swap3A_510, %swap3A_511] {strides = array<i32>} : memref<5x128x128xf32, #tpu.memory_space<vmem>>, vector<1x1x16xf32>,
        %swap3A_513 = vector.shape_cast %swap3A_512 : vector<1x1x16xf32> to vector<16xf32>
        %swap3A_514 = vector.shape_cast %mul3A_507 : vector<16xf32> to vector<1x1x16xf32>
        tpu.vector_store %arg6[%swap3A_509, %swap3A_510, %swap3A_511], %swap3A_514 {strides = array<i32>} : memref<5x128x128xf32, #tpu.memory_space<vmem>>, vector<1x1x16xf32>,
        %get3A_515 = arith.constant 1 : i32
        %get3A_516 = arith.index_cast %get3A_515 : i32 to index
        %get3A_517 = arith.index_cast %scan3A_468 : i32 to index
        %get3A_518 = arith.constant 48 : index
        %get3A_519 = tpu.vector_load %arg6[%get3A_516, %get3A_517, %get3A_518] {strides = array<i32>} : memref<5x128x128xf32, #tpu.memory_space<vmem>>, vector<1x1x16xf32>,
        %get3A_520 = vector.shape_cast %get3A_519 : vector<1x1x16xf32> to vector<16xf32>
        %mul3A_521 = arith.constant 11.3137083 : f32
        %mul3A_522 = vector.broadcast %mul3A_521 : f32 to vector<16xf32>
        %mul3A_523 = arith.mulf %get3A_520, %mul3A_522 : vector<16xf32>
        %swap3A_524 = arith.constant 1 : i32
        %swap3A_525 = arith.index_cast %swap3A_524 : i32 to index
        %swap3A_526 = arith.index_cast %scan3A_468 : i32 to index
        %swap3A_527 = arith.constant 48 : index
        %swap3A_528 = tpu.vector_load %arg6[%swap3A_525, %swap3A_526, %swap3A_527] {strides = array<i32>} : memref<5x128x128xf32, #tpu.memory_space<vmem>>, vector<1x1x16xf32>,
        %swap3A_529 = vector.shape_cast %swap3A_528 : vector<1x1x16xf32> to vector<16xf32>
        %swap3A_530 = vector.shape_cast %mul3A_523 : vector<16xf32> to vector<1x1x16xf32>
        tpu.vector_store %arg6[%swap3A_525, %swap3A_526, %swap3A_527], %swap3A_530 {strides = array<i32>} : memref<5x128x128xf32, #tpu.memory_space<vmem>>, vector<1x1x16xf32>,
        %get3A_531 = arith.constant 1 : i32
        %get3A_532 = arith.index_cast %get3A_531 : i32 to index
        %get3A_533 = arith.index_cast %scan3A_468 : i32 to index
        %get3A_534 = arith.constant 64 : index
        %get3A_535 = tpu.vector_load %arg6[%get3A_532, %get3A_533, %get3A_534] {strides = array<i32>} : memref<5x128x128xf32, #tpu.memory_space<vmem>>, vector<1x1x16xf32>,
        %get3A_536 = vector.shape_cast %get3A_535 : vector<1x1x16xf32> to vector<16xf32>
        %mul3A_537 = arith.constant 11.3137083 : f32
        %mul3A_538 = vector.broadcast %mul3A_537 : f32 to vector<16xf32>
        %mul3A_539 = arith.mulf %get3A_536, %mul3A_538 : vector<16xf32>
        %swap3A_540 = arith.constant 1 : i32
        %swap3A_541 = arith.index_cast %swap3A_540 : i32 to index
        %swap3A_542 = arith.index_cast %scan3A_468 : i32 to index
        %swap3A_543 = arith.constant 64 : index
        %swap3A_544 = tpu.vector_load %arg6[%swap3A_541, %swap3A_542, %swap3A_543] {strides = array<i32>} : memref<5x128x128xf32, #tpu.memory_space<vmem>>, vector<1x1x16xf32>,
        %swap3A_545 = vector.shape_cast %swap3A_544 : vector<1x1x16xf32> to vector<16xf32>
        %swap3A_546 = vector.shape_cast %mul3A_539 : vector<16xf32> to vector<1x1x16xf32>
        tpu.vector_store %arg6[%swap3A_541, %swap3A_542, %swap3A_543], %swap3A_546 {strides = array<i32>} : memref<5x128x128xf32, #tpu.memory_space<vmem>>, vector<1x1x16xf32>,
        %get3A_547 = arith.constant 1 : i32
        %get3A_548 = arith.index_cast %get3A_547 : i32 to index
        %get3A_549 = arith.index_cast %scan3A_468 : i32 to index
        %get3A_550 = arith.constant 80 : index
        %get3A_551 = tpu.vector_load %arg6[%get3A_548, %get3A_549, %get3A_550] {strides = array<i32>} : memref<5x128x128xf32, #tpu.memory_space<vmem>>, vector<1x1x16xf32>,
        %get3A_552 = vector.shape_cast %get3A_551 : vector<1x1x16xf32> to vector<16xf32>
        %mul3A_553 = arith.constant 11.3137083 : f32
        %mul3A_554 = vector.broadcast %mul3A_553 : f32 to vector<16xf32>
        %mul3A_555 = arith.mulf %get3A_552, %mul3A_554 : vector<16xf32>
        %swap3A_556 = arith.constant 1 : i32
        %swap3A_557 = arith.index_cast %swap3A_556 : i32 to index
        %swap3A_558 = arith.index_cast %scan3A_468 : i32 to index
        %swap3A_559 = arith.constant 80 : index
        %swap3A_560 = tpu.vector_load %arg6[%swap3A_557, %swap3A_558, %swap3A_559] {strides = array<i32>} : memref<5x128x128xf32, #tpu.memory_space<vmem>>, vector<1x1x16xf32>,
        %swap3A_561 = vector.shape_cast %swap3A_560 : vector<1x1x16xf32> to vector<16xf32>
        %swap3A_562 = vector.shape_cast %mul3A_555 : vector<16xf32> to vector<1x1x16xf32>
        tpu.vector_store %arg6[%swap3A_557, %swap3A_558, %swap3A_559], %swap3A_562 {strides = array<i32>} : memref<5x128x128xf32, #tpu.memory_space<vmem>>, vector<1x1x16xf32>,
        %get3A_563 = arith.constant 1 : i32
        %get3A_564 = arith.index_cast %get3A_563 : i32 to index
        %get3A_565 = arith.index_cast %scan3A_468 : i32 to index
        %get3A_566 = arith.constant 96 : index
        %get3A_567 = tpu.vector_load %arg6[%get3A_564, %get3A_565, %get3A_566] {strides = array<i32>} : memref<5x128x128xf32, #tpu.memory_space<vmem>>, vector<1x1x16xf32>,
        %get3A_568 = vector.shape_cast %get3A_567 : vector<1x1x16xf32> to vector<16xf32>
        %mul3A_569 = arith.constant 11.3137083 : f32
        %mul3A_570 = vector.broadcast %mul3A_569 : f32 to vector<16xf32>
        %mul3A_571 = arith.mulf %get3A_568, %mul3A_570 : vector<16xf32>
        %swap3A_572 = arith.constant 1 : i32
        %swap3A_573 = arith.index_cast %swap3A_572 : i32 to index
        %swap3A_574 = arith.index_cast %scan3A_468 : i32 to index
        %swap3A_575 = arith.constant 96 : index
        %swap3A_576 = tpu.vector_load %arg6[%swap3A_573, %swap3A_574, %swap3A_575] {strides = array<i32>} : memref<5x128x128xf32, #tpu.memory_space<vmem>>, vector<1x1x16xf32>,
        %swap3A_577 = vector.shape_cast %swap3A_576 : vector<1x1x16xf32> to vector<16xf32>
        %swap3A_578 = vector.shape_cast %mul3A_571 : vector<16xf32> to vector<1x1x16xf32>
        tpu.vector_store %arg6[%swap3A_573, %swap3A_574, %swap3A_575], %swap3A_578 {strides = array<i32>} : memref<5x128x128xf32, #tpu.memory_space<vmem>>, vector<1x1x16xf32>,
        %get3A_579 = arith.constant 1 : i32
        %get3A_580 = arith.index_cast %get3A_579 : i32 to index
        %get3A_581 = arith.index_cast %scan3A_468 : i32 to index
        %get3A_582 = arith.constant 112 : index
        %get3A_583 = tpu.vector_load %arg6[%get3A_580, %get3A_581, %get3A_582] {strides = array<i32>} : memref<5x128x128xf32, #tpu.memory_space<vmem>>, vector<1x1x16xf32>,
        %get3A_584 = vector.shape_cast %get3A_583 : vector<1x1x16xf32> to vector<16xf32>
        %mul3A_585 = arith.constant 11.3137083 : f32
        %mul3A_586 = vector.broadcast %mul3A_585 : f32 to vector<16xf32>
        %mul3A_587 = arith.mulf %get3A_584, %mul3A_586 : vector<16xf32>
        %swap3A_588 = arith.constant 1 : i32
        %swap3A_589 = arith.index_cast %swap3A_588 : i32 to index
        %swap3A_590 = arith.index_cast %scan3A_468 : i32 to index
        %swap3A_591 = arith.constant 112 : index
        %swap3A_592 = tpu.vector_load %arg6[%swap3A_589, %swap3A_590, %swap3A_591] {strides = array<i32>} : memref<5x128x128xf32, #tpu.memory_space<vmem>>, vector<1x1x16xf32>,
        %swap3A_593 = vector.shape_cast %swap3A_592 : vector<1x1x16xf32> to vector<16xf32>
        %swap3A_594 = vector.shape_cast %mul3A_587 : vector<16xf32> to vector<1x1x16xf32>
        tpu.vector_store %arg6[%swap3A_589, %swap3A_590, %swap3A_591], %swap3A_594 {strides = array<i32>} : memref<5x128x128xf32, #tpu.memory_space<vmem>>, vector<1x1x16xf32>,
        %scan3A_595 = arith.constant 1 : i32
        %scan3A_596 = arith.addi %scan3A_468, %scan3A_595 : i32
        %get3A_597 = arith.constant 1 : i32
        %get3A_598 = arith.index_cast %get3A_597 : i32 to index
        %get3A_599 = arith.index_cast %scan3A_596 : i32 to index
        %get3A_600 = arith.constant 0 : index
        %get3A_601 = tpu.vector_load %arg6[%get3A_598, %get3A_599, %get3A_600] {strides = array<i32>} : memref<5x128x128xf32, #tpu.memory_space<vmem>>, vector<1x1x16xf32>,
        %get3A_602 = vector.shape_cast %get3A_601 : vector<1x1x16xf32> to vector<16xf32>
        %mul3A_603 = arith.constant 11.3137083 : f32
        %mul3A_604 = vector.broadcast %mul3A_603 : f32 to vector<16xf32>
        %mul3A_605 = arith.mulf %get3A_602, %mul3A_604 : vector<16xf32>
        %swap3A_606 = arith.constant 1 : i32
        %swap3A_607 = arith.index_cast %swap3A_606 : i32 to index
        %swap3A_608 = arith.index_cast %scan3A_596 : i32 to index
        %swap3A_609 = arith.constant 0 : index
        %swap3A_610 = tpu.vector_load %arg6[%swap3A_607, %swap3A_608, %swap3A_609] {strides = array<i32>} : memref<5x128x128xf32, #tpu.memory_space<vmem>>, vector<1x1x16xf32>,
        %swap3A_611 = vector.shape_cast %swap3A_610 : vector<1x1x16xf32> to vector<16xf32>
        %swap3A_612 = vector.shape_cast %mul3A_605 : vector<16xf32> to vector<1x1x16xf32>
        tpu.vector_store %arg6[%swap3A_607, %swap3A_608, %swap3A_609], %swap3A_612 {strides = array<i32>} : memref<5x128x128xf32, #tpu.memory_space<vmem>>, vector<1x1x16xf32>,
        %get3A_613 = arith.constant 1 : i32
        %get3A_614 = arith.index_cast %get3A_613 : i32 to index
        %get3A_615 = arith.index_cast %scan3A_596 : i32 to index
        %get3A_616 = arith.constant 16 : index
        %get3A_617 = tpu.vector_load %arg6[%get3A_614, %get3A_615, %get3A_616] {strides = array<i32>} : memref<5x128x128xf32, #tpu.memory_space<vmem>>, vector<1x1x16xf32>,
        %get3A_618 = vector.shape_cast %get3A_617 : vector<1x1x16xf32> to vector<16xf32>
        %mul3A_619 = arith.constant 11.3137083 : f32
        %mul3A_620 = vector.broadcast %mul3A_619 : f32 to vector<16xf32>
        %mul3A_621 = arith.mulf %get3A_618, %mul3A_620 : vector<16xf32>
        %swap3A_622 = arith.constant 1 : i32
        %swap3A_623 = arith.index_cast %swap3A_622 : i32 to index
        %swap3A_624 = arith.index_cast %scan3A_596 : i32 to index
        %swap3A_625 = arith.constant 16 : index
        %swap3A_626 = tpu.vector_load %arg6[%swap3A_623, %swap3A_624, %swap3A_625] {strides = array<i32>} : memref<5x128x128xf32, #tpu.memory_space<vmem>>, vector<1x1x16xf32>,
        %swap3A_627 = vector.shape_cast %swap3A_626 : vector<1x1x16xf32> to vector<16xf32>
        %swap3A_628 = vector.shape_cast %mul3A_621 : vector<16xf32> to vector<1x1x16xf32>
        tpu.vector_store %arg6[%swap3A_623, %swap3A_624, %swap3A_625], %swap3A_628 {strides = array<i32>} : memref<5x128x128xf32, #tpu.memory_space<vmem>>, vector<1x1x16xf32>,
        %get3A_629 = arith.constant 1 : i32
        %get3A_630 = arith.index_cast %get3A_629 : i32 to index
        %get3A_631 = arith.index_cast %scan3A_596 : i32 to index
        %get3A_632 = arith.constant 32 : index
        %get3A_633 = tpu.vector_load %arg6[%get3A_630, %get3A_631, %get3A_632] {strides = array<i32>} : memref<5x128x128xf32, #tpu.memory_space<vmem>>, vector<1x1x16xf32>,
        %get3A_634 = vector.shape_cast %get3A_633 : vector<1x1x16xf32> to vector<16xf32>
        %mul3A_635 = arith.constant 11.3137083 : f32
        %mul3A_636 = vector.broadcast %mul3A_635 : f32 to vector<16xf32>
        %mul3A_637 = arith.mulf %get3A_634, %mul3A_636 : vector<16xf32>
        %swap3A_638 = arith.constant 1 : i32
        %swap3A_639 = arith.index_cast %swap3A_638 : i32 to index
        %swap3A_640 = arith.index_cast %scan3A_596 : i32 to index
        %swap3A_641 = arith.constant 32 : index
        %swap3A_642 = tpu.vector_load %arg6[%swap3A_639, %swap3A_640, %swap3A_641] {strides = array<i32>} : memref<5x128x128xf32, #tpu.memory_space<vmem>>, vector<1x1x16xf32>,
        %swap3A_643 = vector.shape_cast %swap3A_642 : vector<1x1x16xf32> to vector<16xf32>
        %swap3A_644 = vector.shape_cast %mul3A_637 : vector<16xf32> to vector<1x1x16xf32>
        tpu.vector_store %arg6[%swap3A_639, %swap3A_640, %swap3A_641], %swap3A_644 {strides = array<i32>} : memref<5x128x128xf32, #tpu.memory_space<vmem>>, vector<1x1x16xf32>,
        %get3A_645 = arith.constant 1 : i32
        %get3A_646 = arith.index_cast %get3A_645 : i32 to index
        %get3A_647 = arith.index_cast %scan3A_596 : i32 to index
        %get3A_648 = arith.constant 48 : index
        %get3A_649 = tpu.vector_load %arg6[%get3A_646, %get3A_647, %get3A_648] {strides = array<i32>} : memref<5x128x128xf32, #tpu.memory_space<vmem>>, vector<1x1x16xf32>,
        %get3A_650 = vector.shape_cast %get3A_649 : vector<1x1x16xf32> to vector<16xf32>
        %mul3A_651 = arith.constant 11.3137083 : f32
        %mul3A_652 = vector.broadcast %mul3A_651 : f32 to vector<16xf32>
        %mul3A_653 = arith.mulf %get3A_650, %mul3A_652 : vector<16xf32>
        %swap3A_654 = arith.constant 1 : i32
        %swap3A_655 = arith.index_cast %swap3A_654 : i32 to index
        %swap3A_656 = arith.index_cast %scan3A_596 : i32 to index
        %swap3A_657 = arith.constant 48 : index
        %swap3A_658 = tpu.vector_load %arg6[%swap3A_655, %swap3A_656, %swap3A_657] {strides = array<i32>} : memref<5x128x128xf32, #tpu.memory_space<vmem>>, vector<1x1x16xf32>,
        %swap3A_659 = vector.shape_cast %swap3A_658 : vector<1x1x16xf32> to vector<16xf32>
        %swap3A_660 = vector.shape_cast %mul3A_653 : vector<16xf32> to vector<1x1x16xf32>
        tpu.vector_store %arg6[%swap3A_655, %swap3A_656, %swap3A_657], %swap3A_660 {strides = array<i32>} : memref<5x128x128xf32, #tpu.memory_space<vmem>>, vector<1x1x16xf32>,
        %get3A_661 = arith.constant 1 : i32
        %get3A_662 = arith.index_cast %get3A_661 : i32 to index
        %get3A_663 = arith.index_cast %scan3A_596 : i32 to index
        %get3A_664 = arith.constant 64 : index
        %get3A_665 = tpu.vector_load %arg6[%get3A_662, %get3A_663, %get3A_664] {strides = array<i32>} : memref<5x128x128xf32, #tpu.memory_space<vmem>>, vector<1x1x16xf32>,
        %get3A_666 = vector.shape_cast %get3A_665 : vector<1x1x16xf32> to vector<16xf32>
        %mul3A_667 = arith.constant 11.3137083 : f32
        %mul3A_668 = vector.broadcast %mul3A_667 : f32 to vector<16xf32>
        %mul3A_669 = arith.mulf %get3A_666, %mul3A_668 : vector<16xf32>
        %swap3A_670 = arith.constant 1 : i32
        %swap3A_671 = arith.index_cast %swap3A_670 : i32 to index
        %swap3A_672 = arith.index_cast %scan3A_596 : i32 to index
        %swap3A_673 = arith.constant 64 : index
        %swap3A_674 = tpu.vector_load %arg6[%swap3A_671, %swap3A_672, %swap3A_673] {strides = array<i32>} : memref<5x128x128xf32, #tpu.memory_space<vmem>>, vector<1x1x16xf32>,
        %swap3A_675 = vector.shape_cast %swap3A_674 : vector<1x1x16xf32> to vector<16xf32>
        %swap3A_676 = vector.shape_cast %mul3A_669 : vector<16xf32> to vector<1x1x16xf32>
        tpu.vector_store %arg6[%swap3A_671, %swap3A_672, %swap3A_673], %swap3A_676 {strides = array<i32>} : memref<5x128x128xf32, #tpu.memory_space<vmem>>, vector<1x1x16xf32>,
        %get3A_677 = arith.constant 1 : i32
        %get3A_678 = arith.index_cast %get3A_677 : i32 to index
        %get3A_679 = arith.index_cast %scan3A_596 : i32 to index
        %get3A_680 = arith.constant 80 : index
        %get3A_681 = tpu.vector_load %arg6[%get3A_678, %get3A_679, %get3A_680] {strides = array<i32>} : memref<5x128x128xf32, #tpu.memory_space<vmem>>, vector<1x1x16xf32>,
        %get3A_682 = vector.shape_cast %get3A_681 : vector<1x1x16xf32> to vector<16xf32>
        %mul3A_683 = arith.constant 11.3137083 : f32
        %mul3A_684 = vector.broadcast %mul3A_683 : f32 to vector<16xf32>
        %mul3A_685 = arith.mulf %get3A_682, %mul3A_684 : vector<16xf32>
        %swap3A_686 = arith.constant 1 : i32
        %swap3A_687 = arith.index_cast %swap3A_686 : i32 to index
        %swap3A_688 = arith.index_cast %scan3A_596 : i32 to index
        %swap3A_689 = arith.constant 80 : index
        %swap3A_690 = tpu.vector_load %arg6[%swap3A_687, %swap3A_688, %swap3A_689] {strides = array<i32>} : memref<5x128x128xf32, #tpu.memory_space<vmem>>, vector<1x1x16xf32>,
        %swap3A_691 = vector.shape_cast %swap3A_690 : vector<1x1x16xf32> to vector<16xf32>
        %swap3A_692 = vector.shape_cast %mul3A_685 : vector<16xf32> to vector<1x1x16xf32>
        tpu.vector_store %arg6[%swap3A_687, %swap3A_688, %swap3A_689], %swap3A_692 {strides = array<i32>} : memref<5x128x128xf32, #tpu.memory_space<vmem>>, vector<1x1x16xf32>,
        %get3A_693 = arith.constant 1 : i32
        %get3A_694 = arith.index_cast %get3A_693 : i32 to index
        %get3A_695 = arith.index_cast %scan3A_596 : i32 to index
        %get3A_696 = arith.constant 96 : index
        %get3A_697 = tpu.vector_load %arg6[%get3A_694, %get3A_695, %get3A_696] {strides = array<i32>} : memref<5x128x128xf32, #tpu.memory_space<vmem>>, vector<1x1x16xf32>,
        %get3A_698 = vector.shape_cast %get3A_697 : vector<1x1x16xf32> to vector<16xf32>
        %mul3A_699 = arith.constant 11.3137083 : f32
        %mul3A_700 = vector.broadcast %mul3A_699 : f32 to vector<16xf32>
        %mul3A_701 = arith.mulf %get3A_698, %mul3A_700 : vector<16xf32>
        %swap3A_702 = arith.constant 1 : i32
        %swap3A_703 = arith.index_cast %swap3A_702 : i32 to index
        %swap3A_704 = arith.index_cast %scan3A_596 : i32 to index
        %swap3A_705 = arith.constant 96 : index
        %swap3A_706 = tpu.vector_load %arg6[%swap3A_703, %swap3A_704, %swap3A_705] {strides = array<i32>} : memref<5x128x128xf32, #tpu.memory_space<vmem>>, vector<1x1x16xf32>,
        %swap3A_707 = vector.shape_cast %swap3A_706 : vector<1x1x16xf32> to vector<16xf32>
        %swap3A_708 = vector.shape_cast %mul3A_701 : vector<16xf32> to vector<1x1x16xf32>
        tpu.vector_store %arg6[%swap3A_703, %swap3A_704, %swap3A_705], %swap3A_708 {strides = array<i32>} : memref<5x128x128xf32, #tpu.memory_space<vmem>>, vector<1x1x16xf32>,
        %get3A_709 = arith.constant 1 : i32
        %get3A_710 = arith.index_cast %get3A_709 : i32 to index
        %get3A_711 = arith.index_cast %scan3A_596 : i32 to index
        %get3A_712 = arith.constant 112 : index
        %get3A_713 = tpu.vector_load %arg6[%get3A_710, %get3A_711, %get3A_712] {strides = array<i32>} : memref<5x128x128xf32, #tpu.memory_space<vmem>>, vector<1x1x16xf32>,
        %get3A_714 = vector.shape_cast %get3A_713 : vector<1x1x16xf32> to vector<16xf32>
        %mul3A_715 = arith.constant 11.3137083 : f32
        %mul3A_716 = vector.broadcast %mul3A_715 : f32 to vector<16xf32>
        %mul3A_717 = arith.mulf %get3A_714, %mul3A_716 : vector<16xf32>
        %swap3A_718 = arith.constant 1 : i32
        %swap3A_719 = arith.index_cast %swap3A_718 : i32 to index
        %swap3A_720 = arith.index_cast %scan3A_596 : i32 to index
        %swap3A_721 = arith.constant 112 : index
        %swap3A_722 = tpu.vector_load %arg6[%swap3A_719, %swap3A_720, %swap3A_721] {strides = array<i32>} : memref<5x128x128xf32, #tpu.memory_space<vmem>>, vector<1x1x16xf32>,
        %swap3A_723 = vector.shape_cast %swap3A_722 : vector<1x1x16xf32> to vector<16xf32>
        %swap3A_724 = vector.shape_cast %mul3A_717 : vector<16xf32> to vector<1x1x16xf32>
        tpu.vector_store %arg6[%swap3A_719, %swap3A_720, %swap3A_721], %swap3A_724 {strides = array<i32>} : memref<5x128x128xf32, #tpu.memory_space<vmem>>, vector<1x1x16xf32>,
      }
      %scan3A_235 = arith.constant 64 : i32
      %mul3A_236 = arith.constant 128 : i32
      %mul3A_237 = arith.muli %add3A_197, %mul3A_236 : i32
      %add3A_238 = arith.addi %mul3A_2, %mul3A_237 : i32
      %add3A_239 = arith.constant 64 : i32
      %add3A_240 = arith.addi %add3A_238, %add3A_239 : i32
      %dma_start3A_241 = arith.constant 1 : i32
      %dma_start3A_242 = arith.constant 64 : i32
      %dma_start3A_243 = arith.constant 0 : i32
      %dma_start3A_244 = tpu.memref_slice %arg6[%dma_start3A_241, %dma_start3A_242, %dma_start3A_243] : memref<5x128x128xf32, #tpu.memory_space<vmem>> -> memref<1x64x128xf32, #tpu.memory_space<vmem>>
      %dma_start3A_245 = tpu.memref_squeeze %dma_start3A_244 : memref<1x64x128xf32, #tpu.memory_space<vmem>> -> memref<64x128xf32, #tpu.memory_space<vmem>>
      %dma_start3A_246 = arith.constant 0 : i32
      %dma_start3A_247 = tpu.memref_slice %arg4[%add3A_240, %dma_start3A_246] : memref<819200x128xf32, #tpu.memory_space<hbm>> -> memref<64x128xf32, #tpu.memory_space<hbm>>
      %dma_start3A_248 = arith.constant 0 : i32
      %dma_start3A_249 = tpu.memref_slice %arg4[%add3A_240, %dma_start3A_248] : memref<819200x128xf32, #tpu.memory_space<hbm>> -> memref<64x128xf32, #tpu.memory_space<hbm>>
      %dma_start3A_250 = arith.constant 64 : i32
      %dma_start3A_251 = arith.constant 0 : i32
      %dma_start3A_252 = tpu.memref_slice %arg6[%dma_start3A_241, %dma_start3A_250, %dma_start3A_251] : memref<5x128x128xf32, #tpu.memory_space<vmem>> -> memref<1x64x128xf32, #tpu.memory_space<vmem>>
      %dma_start3A_253 = tpu.memref_squeeze %dma_start3A_252 : memref<1x64x128xf32, #tpu.memory_space<vmem>> -> memref<64x128xf32, #tpu.memory_space<vmem>>
      tpu.enqueue_dma source(%dma_start3A_253 : memref<64x128xf32, #tpu.memory_space<vmem>>) target(%dma_start3A_249 : memref<64x128xf32, #tpu.memory_space<hbm>>) target_semaphore(%arg8 : memref<!tpu.dma_semaphore, #tpu.memory_space<semaphore_mem>>)
      %add3A_254 = arith.constant 2 : i32
      %add3A_255 = arith.addi %add3A_197, %add3A_254 : i32
      %ge3A_256 = arith.constant 5 : i32
      %ge3A_257 = arith.cmpi sge, %add3A_255, %ge3A_256 : i32
      %lt3A_258 = arith.constant 200 : i32
      %lt3A_259 = arith.cmpi slt, %add3A_255, %lt3A_258 : i32
      %and3A_260 = arith.andi %ge3A_257, %lt3A_259 : i1
      %convert_element_type3A_261 = arith.extui %and3A_260 : i1 to i32
      %cond3A_262 = arith.constant 0 : i32
      %cond3A_263 = arith.cmpi ne, %convert_element_type3A_261, %cond3A_262 : i32
      scf.if %cond3A_263 {
        %dma_wait3A_468 = arith.constant 3 : i32
        %dma_wait3A_469 = arith.constant 0 : i32
        %dma_wait3A_470 = arith.constant 0 : i32
        %dma_wait3A_471 = tpu.memref_slice %arg6[%dma_wait3A_468, %dma_wait3A_469, %dma_wait3A_470] : memref<5x128x128xf32, #tpu.memory_space<vmem>> -> memref<1x128x128xf32, #tpu.memory_space<vmem>>
        %dma_wait3A_472 = tpu.memref_squeeze %dma_wait3A_471 : memref<1x128x128xf32, #tpu.memory_space<vmem>> -> memref<128x128xf32, #tpu.memory_space<vmem>>
        %dma_wait3A_473 = arith.constant 0 : i32
        %dma_wait3A_474 = tpu.memref_slice %arg4[%mul3A_2, %dma_wait3A_473] : memref<819200x128xf32, #tpu.memory_space<hbm>> -> memref<128x128xf32, #tpu.memory_space<hbm>>
        %dma_wait3A_475 = arith.constant 0 : i32
        %dma_wait3A_476 = tpu.memref_slice %arg4[%mul3A_2, %dma_wait3A_475] : memref<819200x128xf32, #tpu.memory_space<hbm>> -> memref<128x128xf32, #tpu.memory_space<hbm>>
        %dma_wait3A_477 = arith.constant 0 : i32
        %dma_wait3A_478 = arith.constant 0 : i32
        %dma_wait3A_479 = tpu.memref_slice %arg6[%dma_wait3A_468, %dma_wait3A_477, %dma_wait3A_478] : memref<5x128x128xf32, #tpu.memory_space<vmem>> -> memref<1x128x128xf32, #tpu.memory_space<vmem>>
        %dma_wait3A_480 = tpu.memref_squeeze %dma_wait3A_479 : memref<1x128x128xf32, #tpu.memory_space<vmem>> -> memref<128x128xf32, #tpu.memory_space<vmem>>
        tpu.wait_dma2 semaphore(%arg8 : memref<!tpu.dma_semaphore, #tpu.memory_space<semaphore_mem>>) src(%dma_wait3A_480 : memref<128x128xf32, #tpu.memory_space<vmem>>) dst(%dma_wait3A_476 : memref<128x128xf32, #tpu.memory_space<hbm>>)
        %dma_start3A_481 = arith.constant 3 : i32
        %dma_start3A_482 = arith.constant 0 : i32
        %dma_start3A_483 = arith.constant 0 : i32
        %dma_start3A_484 = tpu.memref_slice %arg6[%dma_start3A_481, %dma_start3A_482, %dma_start3A_483] : memref<5x128x128xf32, #tpu.memory_space<vmem>> -> memref<1x128x128xf32, #tpu.memory_space<vmem>>
        %dma_start3A_485 = tpu.memref_squeeze %dma_start3A_484 : memref<1x128x128xf32, #tpu.memory_space<vmem>> -> memref<128x128xf32, #tpu.memory_space<vmem>>
        %dma_start3A_486 = arith.constant 0 : i32
        %dma_start3A_487 = tpu.memref_slice %arg5[%add3A_255, %dma_start3A_486] : memref<200x128xi32, #tpu.memory_space<vmem>> -> memref<1x128xi32, #tpu.memory_space<vmem>>
        %dma_start3A_488 = tpu.memref_squeeze %dma_start3A_487 : memref<1x128xi32, #tpu.memory_space<vmem>> -> memref<128xi32, #tpu.memory_space<vmem>>
        %dma_start3A_489 = arith.constant 0 : i32
        %dma_start3A_490 = arith.constant 0 : i32
        %dma_start3A_491 = tpu.memref_slice %arg2[%dma_start3A_489, %dma_start3A_490] : memref<100000x128xf32, #tpu.memory_space<hbm>> -> memref<100000x128xf32, #tpu.memory_space<hbm>>
        tpu.enqueue_indirect_dma source(%dma_start3A_491 : memref<100000x128xf32, #tpu.memory_space<hbm>>) target(%dma_start3A_485 : memref<128x128xf32, #tpu.memory_space<vmem>>) offsets(%dma_start3A_488 : memref<128xi32, #tpu.memory_space<vmem>>) semaphore(%arg7 : memref<!tpu.dma_semaphore, #tpu.memory_space<semaphore_mem>>)
      } else {
      }
      %add3A_264 = arith.constant 2 : i32
      %add3A_265 = arith.addi %mul3A_132, %add3A_264 : i32
      %dma_wait3A_266 = arith.constant 0 : i32
      %dma_wait3A_267 = arith.constant 2 : i32
      %dma_wait3A_268 = arith.constant 0 : i32
      %dma_wait3A_269 = arith.constant 0 : i32
      %dma_wait3A_270 = tpu.memref_slice %arg6[%dma_wait3A_267, %dma_wait3A_268, %dma_wait3A_269] : memref<5x128x128xf32, #tpu.memory_space<vmem>> -> memref<1x128x128xf32, #tpu.memory_space<vmem>>
      %dma_wait3A_271 = tpu.memref_squeeze %dma_wait3A_270 : memref<1x128x128xf32, #tpu.memory_space<vmem>> -> memref<128x128xf32, #tpu.memory_space<vmem>>
      %dma_wait3A_272 = arith.constant 0 : i32
      %dma_wait3A_273 = tpu.memref_slice %arg5[%dma_wait3A_266, %dma_wait3A_272] : memref<200x128xi32, #tpu.memory_space<vmem>> -> memref<1x128xi32, #tpu.memory_space<vmem>>
      %dma_wait3A_274 = tpu.memref_squeeze %dma_wait3A_273 : memref<1x128xi32, #tpu.memory_space<vmem>> -> memref<128xi32, #tpu.memory_space<vmem>>
      %dma_wait3A_275 = arith.constant 0 : i32
      %dma_wait3A_276 = arith.constant 0 : i32
      %dma_wait3A_277 = tpu.memref_slice %arg2[%dma_wait3A_275, %dma_wait3A_276] : memref<100000x128xf32, #tpu.memory_space<hbm>> -> memref<100000x128xf32, #tpu.memory_space<hbm>>
      tpu.wait_indirect_dma semaphore(%arg7 : memref<!tpu.dma_semaphore, #tpu.memory_space<semaphore_mem>>) src(%dma_wait3A_277 : memref<100000x128xf32, #tpu.memory_space<hbm>>) dst(%dma_wait3A_271 : memref<128x128xf32, #tpu.memory_space<vmem>>)
      %scan3A_278 = arith.constant 0 : i32
      %scan3A_279 = arith.constant 64 : i32
      %scan3A_280 = arith.addi %scan3A_278, %scan3A_279 : i32
      %scan3A_281 = arith.constant 2 : i32
      scf.for %scan3A_468 = %scan3A_278 to %scan3A_280 step %scan3A_281  : i32 {
        %get3A = arith.constant 2 : i32
        %get3A_469 = arith.index_cast %get3A : i32 to index
        %get3A_470 = arith.index_cast %scan3A_468 : i32 to index
        %get3A_471 = arith.constant 0 : index
        %get3A_472 = tpu.vector_load %arg6[%get3A_469, %get3A_470, %get3A_471] {strides = array<i32>} : memref<5x128x128xf32, #tpu.memory_space<vmem>>, vector<1x1x16xf32>,
        %get3A_473 = vector.shape_cast %get3A_472 : vector<1x1x16xf32> to vector<16xf32>
        %mul3A_474 = arith.constant 11.3137083 : f32
        %mul3A_475 = vector.broadcast %mul3A_474 : f32 to vector<16xf32>
        %mul3A_476 = arith.mulf %get3A_473, %mul3A_475 : vector<16xf32>
        %swap3A = arith.constant 2 : i32
        %swap3A_477 = arith.index_cast %swap3A : i32 to index
        %swap3A_478 = arith.index_cast %scan3A_468 : i32 to index
        %swap3A_479 = arith.constant 0 : index
        %swap3A_480 = tpu.vector_load %arg6[%swap3A_477, %swap3A_478, %swap3A_479] {strides = array<i32>} : memref<5x128x128xf32, #tpu.memory_space<vmem>>, vector<1x1x16xf32>,
        %swap3A_481 = vector.shape_cast %swap3A_480 : vector<1x1x16xf32> to vector<16xf32>
        %swap3A_482 = vector.shape_cast %mul3A_476 : vector<16xf32> to vector<1x1x16xf32>
        tpu.vector_store %arg6[%swap3A_477, %swap3A_478, %swap3A_479], %swap3A_482 {strides = array<i32>} : memref<5x128x128xf32, #tpu.memory_space<vmem>>, vector<1x1x16xf32>,
        %get3A_483 = arith.constant 2 : i32
        %get3A_484 = arith.index_cast %get3A_483 : i32 to index
        %get3A_485 = arith.index_cast %scan3A_468 : i32 to index
        %get3A_486 = arith.constant 16 : index
        %get3A_487 = tpu.vector_load %arg6[%get3A_484, %get3A_485, %get3A_486] {strides = array<i32>} : memref<5x128x128xf32, #tpu.memory_space<vmem>>, vector<1x1x16xf32>,
        %get3A_488 = vector.shape_cast %get3A_487 : vector<1x1x16xf32> to vector<16xf32>
        %mul3A_489 = arith.constant 11.3137083 : f32
        %mul3A_490 = vector.broadcast %mul3A_489 : f32 to vector<16xf32>
        %mul3A_491 = arith.mulf %get3A_488, %mul3A_490 : vector<16xf32>
        %swap3A_492 = arith.constant 2 : i32
        %swap3A_493 = arith.index_cast %swap3A_492 : i32 to index
        %swap3A_494 = arith.index_cast %scan3A_468 : i32 to index
        %swap3A_495 = arith.constant 16 : index
        %swap3A_496 = tpu.vector_load %arg6[%swap3A_493, %swap3A_494, %swap3A_495] {strides = array<i32>} : memref<5x128x128xf32, #tpu.memory_space<vmem>>, vector<1x1x16xf32>,
        %swap3A_497 = vector.shape_cast %swap3A_496 : vector<1x1x16xf32> to vector<16xf32>
        %swap3A_498 = vector.shape_cast %mul3A_491 : vector<16xf32> to vector<1x1x16xf32>
        tpu.vector_store %arg6[%swap3A_493, %swap3A_494, %swap3A_495], %swap3A_498 {strides = array<i32>} : memref<5x128x128xf32, #tpu.memory_space<vmem>>, vector<1x1x16xf32>,
        %get3A_499 = arith.constant 2 : i32
        %get3A_500 = arith.index_cast %get3A_499 : i32 to index
        %get3A_501 = arith.index_cast %scan3A_468 : i32 to index
        %get3A_502 = arith.constant 32 : index
        %get3A_503 = tpu.vector_load %arg6[%get3A_500, %get3A_501, %get3A_502] {strides = array<i32>} : memref<5x128x128xf32, #tpu.memory_space<vmem>>, vector<1x1x16xf32>,
        %get3A_504 = vector.shape_cast %get3A_503 : vector<1x1x16xf32> to vector<16xf32>
        %mul3A_505 = arith.constant 11.3137083 : f32
        %mul3A_506 = vector.broadcast %mul3A_505 : f32 to vector<16xf32>
        %mul3A_507 = arith.mulf %get3A_504, %mul3A_506 : vector<16xf32>
        %swap3A_508 = arith.constant 2 : i32
        %swap3A_509 = arith.index_cast %swap3A_508 : i32 to index
        %swap3A_510 = arith.index_cast %scan3A_468 : i32 to index
        %swap3A_511 = arith.constant 32 : index
        %swap3A_512 = tpu.vector_load %arg6[%swap3A_509, %swap3A_510, %swap3A_511] {strides = array<i32>} : memref<5x128x128xf32, #tpu.memory_space<vmem>>, vector<1x1x16xf32>,
        %swap3A_513 = vector.shape_cast %swap3A_512 : vector<1x1x16xf32> to vector<16xf32>
        %swap3A_514 = vector.shape_cast %mul3A_507 : vector<16xf32> to vector<1x1x16xf32>
        tpu.vector_store %arg6[%swap3A_509, %swap3A_510, %swap3A_511], %swap3A_514 {strides = array<i32>} : memref<5x128x128xf32, #tpu.memory_space<vmem>>, vector<1x1x16xf32>,
        %get3A_515 = arith.constant 2 : i32
        %get3A_516 = arith.index_cast %get3A_515 : i32 to index
        %get3A_517 = arith.index_cast %scan3A_468 : i32 to index
        %get3A_518 = arith.constant 48 : index
        %get3A_519 = tpu.vector_load %arg6[%get3A_516, %get3A_517, %get3A_518] {strides = array<i32>} : memref<5x128x128xf32, #tpu.memory_space<vmem>>, vector<1x1x16xf32>,
        %get3A_520 = vector.shape_cast %get3A_519 : vector<1x1x16xf32> to vector<16xf32>
        %mul3A_521 = arith.constant 11.3137083 : f32
        %mul3A_522 = vector.broadcast %mul3A_521 : f32 to vector<16xf32>
        %mul3A_523 = arith.mulf %get3A_520, %mul3A_522 : vector<16xf32>
        %swap3A_524 = arith.constant 2 : i32
        %swap3A_525 = arith.index_cast %swap3A_524 : i32 to index
        %swap3A_526 = arith.index_cast %scan3A_468 : i32 to index
        %swap3A_527 = arith.constant 48 : index
        %swap3A_528 = tpu.vector_load %arg6[%swap3A_525, %swap3A_526, %swap3A_527] {strides = array<i32>} : memref<5x128x128xf32, #tpu.memory_space<vmem>>, vector<1x1x16xf32>,
        %swap3A_529 = vector.shape_cast %swap3A_528 : vector<1x1x16xf32> to vector<16xf32>
        %swap3A_530 = vector.shape_cast %mul3A_523 : vector<16xf32> to vector<1x1x16xf32>
        tpu.vector_store %arg6[%swap3A_525, %swap3A_526, %swap3A_527], %swap3A_530 {strides = array<i32>} : memref<5x128x128xf32, #tpu.memory_space<vmem>>, vector<1x1x16xf32>,
        %get3A_531 = arith.constant 2 : i32
        %get3A_532 = arith.index_cast %get3A_531 : i32 to index
        %get3A_533 = arith.index_cast %scan3A_468 : i32 to index
        %get3A_534 = arith.constant 64 : index
        %get3A_535 = tpu.vector_load %arg6[%get3A_532, %get3A_533, %get3A_534] {strides = array<i32>} : memref<5x128x128xf32, #tpu.memory_space<vmem>>, vector<1x1x16xf32>,
        %get3A_536 = vector.shape_cast %get3A_535 : vector<1x1x16xf32> to vector<16xf32>
        %mul3A_537 = arith.constant 11.3137083 : f32
        %mul3A_538 = vector.broadcast %mul3A_537 : f32 to vector<16xf32>
        %mul3A_539 = arith.mulf %get3A_536, %mul3A_538 : vector<16xf32>
        %swap3A_540 = arith.constant 2 : i32
        %swap3A_541 = arith.index_cast %swap3A_540 : i32 to index
        %swap3A_542 = arith.index_cast %scan3A_468 : i32 to index
        %swap3A_543 = arith.constant 64 : index
        %swap3A_544 = tpu.vector_load %arg6[%swap3A_541, %swap3A_542, %swap3A_543] {strides = array<i32>} : memref<5x128x128xf32, #tpu.memory_space<vmem>>, vector<1x1x16xf32>,
        %swap3A_545 = vector.shape_cast %swap3A_544 : vector<1x1x16xf32> to vector<16xf32>
        %swap3A_546 = vector.shape_cast %mul3A_539 : vector<16xf32> to vector<1x1x16xf32>
        tpu.vector_store %arg6[%swap3A_541, %swap3A_542, %swap3A_543], %swap3A_546 {strides = array<i32>} : memref<5x128x128xf32, #tpu.memory_space<vmem>>, vector<1x1x16xf32>,
        %get3A_547 = arith.constant 2 : i32
        %get3A_548 = arith.index_cast %get3A_547 : i32 to index
        %get3A_549 = arith.index_cast %scan3A_468 : i32 to index
        %get3A_550 = arith.constant 80 : index
        %get3A_551 = tpu.vector_load %arg6[%get3A_548, %get3A_549, %get3A_550] {strides = array<i32>} : memref<5x128x128xf32, #tpu.memory_space<vmem>>, vector<1x1x16xf32>,
        %get3A_552 = vector.shape_cast %get3A_551 : vector<1x1x16xf32> to vector<16xf32>
        %mul3A_553 = arith.constant 11.3137083 : f32
        %mul3A_554 = vector.broadcast %mul3A_553 : f32 to vector<16xf32>
        %mul3A_555 = arith.mulf %get3A_552, %mul3A_554 : vector<16xf32>
        %swap3A_556 = arith.constant 2 : i32
        %swap3A_557 = arith.index_cast %swap3A_556 : i32 to index
        %swap3A_558 = arith.index_cast %scan3A_468 : i32 to index
        %swap3A_559 = arith.constant 80 : index
        %swap3A_560 = tpu.vector_load %arg6[%swap3A_557, %swap3A_558, %swap3A_559] {strides = array<i32>} : memref<5x128x128xf32, #tpu.memory_space<vmem>>, vector<1x1x16xf32>,
        %swap3A_561 = vector.shape_cast %swap3A_560 : vector<1x1x16xf32> to vector<16xf32>
        %swap3A_562 = vector.shape_cast %mul3A_555 : vector<16xf32> to vector<1x1x16xf32>
        tpu.vector_store %arg6[%swap3A_557, %swap3A_558, %swap3A_559], %swap3A_562 {strides = array<i32>} : memref<5x128x128xf32, #tpu.memory_space<vmem>>, vector<1x1x16xf32>,
        %get3A_563 = arith.constant 2 : i32
        %get3A_564 = arith.index_cast %get3A_563 : i32 to index
        %get3A_565 = arith.index_cast %scan3A_468 : i32 to index
        %get3A_566 = arith.constant 96 : index
        %get3A_567 = tpu.vector_load %arg6[%get3A_564, %get3A_565, %get3A_566] {strides = array<i32>} : memref<5x128x128xf32, #tpu.memory_space<vmem>>, vector<1x1x16xf32>,
        %get3A_568 = vector.shape_cast %get3A_567 : vector<1x1x16xf32> to vector<16xf32>
        %mul3A_569 = arith.constant 11.3137083 : f32
        %mul3A_570 = vector.broadcast %mul3A_569 : f32 to vector<16xf32>
        %mul3A_571 = arith.mulf %get3A_568, %mul3A_570 : vector<16xf32>
        %swap3A_572 = arith.constant 2 : i32
        %swap3A_573 = arith.index_cast %swap3A_572 : i32 to index
        %swap3A_574 = arith.index_cast %scan3A_468 : i32 to index
        %swap3A_575 = arith.constant 96 : index
        %swap3A_576 = tpu.vector_load %arg6[%swap3A_573, %swap3A_574, %swap3A_575] {strides = array<i32>} : memref<5x128x128xf32, #tpu.memory_space<vmem>>, vector<1x1x16xf32>,
        %swap3A_577 = vector.shape_cast %swap3A_576 : vector<1x1x16xf32> to vector<16xf32>
        %swap3A_578 = vector.shape_cast %mul3A_571 : vector<16xf32> to vector<1x1x16xf32>
        tpu.vector_store %arg6[%swap3A_573, %swap3A_574, %swap3A_575], %swap3A_578 {strides = array<i32>} : memref<5x128x128xf32, #tpu.memory_space<vmem>>, vector<1x1x16xf32>,
        %get3A_579 = arith.constant 2 : i32
        %get3A_580 = arith.index_cast %get3A_579 : i32 to index
        %get3A_581 = arith.index_cast %scan3A_468 : i32 to index
        %get3A_582 = arith.constant 112 : index
        %get3A_583 = tpu.vector_load %arg6[%get3A_580, %get3A_581, %get3A_582] {strides = array<i32>} : memref<5x128x128xf32, #tpu.memory_space<vmem>>, vector<1x1x16xf32>,
        %get3A_584 = vector.shape_cast %get3A_583 : vector<1x1x16xf32> to vector<16xf32>
        %mul3A_585 = arith.constant 11.3137083 : f32
        %mul3A_586 = vector.broadcast %mul3A_585 : f32 to vector<16xf32>
        %mul3A_587 = arith.mulf %get3A_584, %mul3A_586 : vector<16xf32>
        %swap3A_588 = arith.constant 2 : i32
        %swap3A_589 = arith.index_cast %swap3A_588 : i32 to index
        %swap3A_590 = arith.index_cast %scan3A_468 : i32 to index
        %swap3A_591 = arith.constant 112 : index
        %swap3A_592 = tpu.vector_load %arg6[%swap3A_589, %swap3A_590, %swap3A_591] {strides = array<i32>} : memref<5x128x128xf32, #tpu.memory_space<vmem>>, vector<1x1x16xf32>,
        %swap3A_593 = vector.shape_cast %swap3A_592 : vector<1x1x16xf32> to vector<16xf32>
        %swap3A_594 = vector.shape_cast %mul3A_587 : vector<16xf32> to vector<1x1x16xf32>
        tpu.vector_store %arg6[%swap3A_589, %swap3A_590, %swap3A_591], %swap3A_594 {strides = array<i32>} : memref<5x128x128xf32, #tpu.memory_space<vmem>>, vector<1x1x16xf32>,
        %scan3A_595 = arith.constant 1 : i32
        %scan3A_596 = arith.addi %scan3A_468, %scan3A_595 : i32
        %get3A_597 = arith.constant 2 : i32
        %get3A_598 = arith.index_cast %get3A_597 : i32 to index
        %get3A_599 = arith.index_cast %scan3A_596 : i32 to index
        %get3A_600 = arith.constant 0 : index
        %get3A_601 = tpu.vector_load %arg6[%get3A_598, %get3A_599, %get3A_600] {strides = array<i32>} : memref<5x128x128xf32, #tpu.memory_space<vmem>>, vector<1x1x16xf32>,
        %get3A_602 = vector.shape_cast %get3A_601 : vector<1x1x16xf32> to vector<16xf32>
        %mul3A_603 = arith.constant 11.3137083 : f32
        %mul3A_604 = vector.broadcast %mul3A_603 : f32 to vector<16xf32>
        %mul3A_605 = arith.mulf %get3A_602, %mul3A_604 : vector<16xf32>
        %swap3A_606 = arith.constant 2 : i32
        %swap3A_607 = arith.index_cast %swap3A_606 : i32 to index
        %swap3A_608 = arith.index_cast %scan3A_596 : i32 to index
        %swap3A_609 = arith.constant 0 : index
        %swap3A_610 = tpu.vector_load %arg6[%swap3A_607, %swap3A_608, %swap3A_609] {strides = array<i32>} : memref<5x128x128xf32, #tpu.memory_space<vmem>>, vector<1x1x16xf32>,
        %swap3A_611 = vector.shape_cast %swap3A_610 : vector<1x1x16xf32> to vector<16xf32>
        %swap3A_612 = vector.shape_cast %mul3A_605 : vector<16xf32> to vector<1x1x16xf32>
        tpu.vector_store %arg6[%swap3A_607, %swap3A_608, %swap3A_609], %swap3A_612 {strides = array<i32>} : memref<5x128x128xf32, #tpu.memory_space<vmem>>, vector<1x1x16xf32>,
        %get3A_613 = arith.constant 2 : i32
        %get3A_614 = arith.index_cast %get3A_613 : i32 to index
        %get3A_615 = arith.index_cast %scan3A_596 : i32 to index
        %get3A_616 = arith.constant 16 : index
        %get3A_617 = tpu.vector_load %arg6[%get3A_614, %get3A_615, %get3A_616] {strides = array<i32>} : memref<5x128x128xf32, #tpu.memory_space<vmem>>, vector<1x1x16xf32>,
        %get3A_618 = vector.shape_cast %get3A_617 : vector<1x1x16xf32> to vector<16xf32>
        %mul3A_619 = arith.constant 11.3137083 : f32
        %mul3A_620 = vector.broadcast %mul3A_619 : f32 to vector<16xf32>
        %mul3A_621 = arith.mulf %get3A_618, %mul3A_620 : vector<16xf32>
        %swap3A_622 = arith.constant 2 : i32
        %swap3A_623 = arith.index_cast %swap3A_622 : i32 to index
        %swap3A_624 = arith.index_cast %scan3A_596 : i32 to index
        %swap3A_625 = arith.constant 16 : index
        %swap3A_626 = tpu.vector_load %arg6[%swap3A_623, %swap3A_624, %swap3A_625] {strides = array<i32>} : memref<5x128x128xf32, #tpu.memory_space<vmem>>, vector<1x1x16xf32>,
        %swap3A_627 = vector.shape_cast %swap3A_626 : vector<1x1x16xf32> to vector<16xf32>
        %swap3A_628 = vector.shape_cast %mul3A_621 : vector<16xf32> to vector<1x1x16xf32>
        tpu.vector_store %arg6[%swap3A_623, %swap3A_624, %swap3A_625], %swap3A_628 {strides = array<i32>} : memref<5x128x128xf32, #tpu.memory_space<vmem>>, vector<1x1x16xf32>,
        %get3A_629 = arith.constant 2 : i32
        %get3A_630 = arith.index_cast %get3A_629 : i32 to index
        %get3A_631 = arith.index_cast %scan3A_596 : i32 to index
        %get3A_632 = arith.constant 32 : index
        %get3A_633 = tpu.vector_load %arg6[%get3A_630, %get3A_631, %get3A_632] {strides = array<i32>} : memref<5x128x128xf32, #tpu.memory_space<vmem>>, vector<1x1x16xf32>,
        %get3A_634 = vector.shape_cast %get3A_633 : vector<1x1x16xf32> to vector<16xf32>
        %mul3A_635 = arith.constant 11.3137083 : f32
        %mul3A_636 = vector.broadcast %mul3A_635 : f32 to vector<16xf32>
        %mul3A_637 = arith.mulf %get3A_634, %mul3A_636 : vector<16xf32>
        %swap3A_638 = arith.constant 2 : i32
        %swap3A_639 = arith.index_cast %swap3A_638 : i32 to index
        %swap3A_640 = arith.index_cast %scan3A_596 : i32 to index
        %swap3A_641 = arith.constant 32 : index
        %swap3A_642 = tpu.vector_load %arg6[%swap3A_639, %swap3A_640, %swap3A_641] {strides = array<i32>} : memref<5x128x128xf32, #tpu.memory_space<vmem>>, vector<1x1x16xf32>,
        %swap3A_643 = vector.shape_cast %swap3A_642 : vector<1x1x16xf32> to vector<16xf32>
        %swap3A_644 = vector.shape_cast %mul3A_637 : vector<16xf32> to vector<1x1x16xf32>
        tpu.vector_store %arg6[%swap3A_639, %swap3A_640, %swap3A_641], %swap3A_644 {strides = array<i32>} : memref<5x128x128xf32, #tpu.memory_space<vmem>>, vector<1x1x16xf32>,
        %get3A_645 = arith.constant 2 : i32
        %get3A_646 = arith.index_cast %get3A_645 : i32 to index
        %get3A_647 = arith.index_cast %scan3A_596 : i32 to index
        %get3A_648 = arith.constant 48 : index
        %get3A_649 = tpu.vector_load %arg6[%get3A_646, %get3A_647, %get3A_648] {strides = array<i32>} : memref<5x128x128xf32, #tpu.memory_space<vmem>>, vector<1x1x16xf32>,
        %get3A_650 = vector.shape_cast %get3A_649 : vector<1x1x16xf32> to vector<16xf32>
        %mul3A_651 = arith.constant 11.3137083 : f32
        %mul3A_652 = vector.broadcast %mul3A_651 : f32 to vector<16xf32>
        %mul3A_653 = arith.mulf %get3A_650, %mul3A_652 : vector<16xf32>
        %swap3A_654 = arith.constant 2 : i32
        %swap3A_655 = arith.index_cast %swap3A_654 : i32 to index
        %swap3A_656 = arith.index_cast %scan3A_596 : i32 to index
        %swap3A_657 = arith.constant 48 : index
        %swap3A_658 = tpu.vector_load %arg6[%swap3A_655, %swap3A_656, %swap3A_657] {strides = array<i32>} : memref<5x128x128xf32, #tpu.memory_space<vmem>>, vector<1x1x16xf32>,
        %swap3A_659 = vector.shape_cast %swap3A_658 : vector<1x1x16xf32> to vector<16xf32>
        %swap3A_660 = vector.shape_cast %mul3A_653 : vector<16xf32> to vector<1x1x16xf32>
        tpu.vector_store %arg6[%swap3A_655, %swap3A_656, %swap3A_657], %swap3A_660 {strides = array<i32>} : memref<5x128x128xf32, #tpu.memory_space<vmem>>, vector<1x1x16xf32>,
        %get3A_661 = arith.constant 2 : i32
        %get3A_662 = arith.index_cast %get3A_661 : i32 to index
        %get3A_663 = arith.index_cast %scan3A_596 : i32 to index
        %get3A_664 = arith.constant 64 : index
        %get3A_665 = tpu.vector_load %arg6[%get3A_662, %get3A_663, %get3A_664] {strides = array<i32>} : memref<5x128x128xf32, #tpu.memory_space<vmem>>, vector<1x1x16xf32>,
        %get3A_666 = vector.shape_cast %get3A_665 : vector<1x1x16xf32> to vector<16xf32>
        %mul3A_667 = arith.constant 11.3137083 : f32
        %mul3A_668 = vector.broadcast %mul3A_667 : f32 to vector<16xf32>
        %mul3A_669 = arith.mulf %get3A_666, %mul3A_668 : vector<16xf32>
        %swap3A_670 = arith.constant 2 : i32
        %swap3A_671 = arith.index_cast %swap3A_670 : i32 to index
        %swap3A_672 = arith.index_cast %scan3A_596 : i32 to index
        %swap3A_673 = arith.constant 64 : index
        %swap3A_674 = tpu.vector_load %arg6[%swap3A_671, %swap3A_672, %swap3A_673] {strides = array<i32>} : memref<5x128x128xf32, #tpu.memory_space<vmem>>, vector<1x1x16xf32>,
        %swap3A_675 = vector.shape_cast %swap3A_674 : vector<1x1x16xf32> to vector<16xf32>
        %swap3A_676 = vector.shape_cast %mul3A_669 : vector<16xf32> to vector<1x1x16xf32>
        tpu.vector_store %arg6[%swap3A_671, %swap3A_672, %swap3A_673], %swap3A_676 {strides = array<i32>} : memref<5x128x128xf32, #tpu.memory_space<vmem>>, vector<1x1x16xf32>,
        %get3A_677 = arith.constant 2 : i32
        %get3A_678 = arith.index_cast %get3A_677 : i32 to index
        %get3A_679 = arith.index_cast %scan3A_596 : i32 to index
        %get3A_680 = arith.constant 80 : index
        %get3A_681 = tpu.vector_load %arg6[%get3A_678, %get3A_679, %get3A_680] {strides = array<i32>} : memref<5x128x128xf32, #tpu.memory_space<vmem>>, vector<1x1x16xf32>,
        %get3A_682 = vector.shape_cast %get3A_681 : vector<1x1x16xf32> to vector<16xf32>
        %mul3A_683 = arith.constant 11.3137083 : f32
        %mul3A_684 = vector.broadcast %mul3A_683 : f32 to vector<16xf32>
        %mul3A_685 = arith.mulf %get3A_682, %mul3A_684 : vector<16xf32>
        %swap3A_686 = arith.constant 2 : i32
        %swap3A_687 = arith.index_cast %swap3A_686 : i32 to index
        %swap3A_688 = arith.index_cast %scan3A_596 : i32 to index
        %swap3A_689 = arith.constant 80 : index
        %swap3A_690 = tpu.vector_load %arg6[%swap3A_687, %swap3A_688, %swap3A_689] {strides = array<i32>} : memref<5x128x128xf32, #tpu.memory_space<vmem>>, vector<1x1x16xf32>,
        %swap3A_691 = vector.shape_cast %swap3A_690 : vector<1x1x16xf32> to vector<16xf32>
        %swap3A_692 = vector.shape_cast %mul3A_685 : vector<16xf32> to vector<1x1x16xf32>
        tpu.vector_store %arg6[%swap3A_687, %swap3A_688, %swap3A_689], %swap3A_692 {strides = array<i32>} : memref<5x128x128xf32, #tpu.memory_space<vmem>>, vector<1x1x16xf32>,
        %get3A_693 = arith.constant 2 : i32
        %get3A_694 = arith.index_cast %get3A_693 : i32 to index
        %get3A_695 = arith.index_cast %scan3A_596 : i32 to index
        %get3A_696 = arith.constant 96 : index
        %get3A_697 = tpu.vector_load %arg6[%get3A_694, %get3A_695, %get3A_696] {strides = array<i32>} : memref<5x128x128xf32, #tpu.memory_space<vmem>>, vector<1x1x16xf32>,
        %get3A_698 = vector.shape_cast %get3A_697 : vector<1x1x16xf32> to vector<16xf32>
        %mul3A_699 = arith.constant 11.3137083 : f32
        %mul3A_700 = vector.broadcast %mul3A_699 : f32 to vector<16xf32>
        %mul3A_701 = arith.mulf %get3A_698, %mul3A_700 : vector<16xf32>
        %swap3A_702 = arith.constant 2 : i32
        %swap3A_703 = arith.index_cast %swap3A_702 : i32 to index
        %swap3A_704 = arith.index_cast %scan3A_596 : i32 to index
        %swap3A_705 = arith.constant 96 : index
        %swap3A_706 = tpu.vector_load %arg6[%swap3A_703, %swap3A_704, %swap3A_705] {strides = array<i32>} : memref<5x128x128xf32, #tpu.memory_space<vmem>>, vector<1x1x16xf32>,
        %swap3A_707 = vector.shape_cast %swap3A_706 : vector<1x1x16xf32> to vector<16xf32>
        %swap3A_708 = vector.shape_cast %mul3A_701 : vector<16xf32> to vector<1x1x16xf32>
        tpu.vector_store %arg6[%swap3A_703, %swap3A_704, %swap3A_705], %swap3A_708 {strides = array<i32>} : memref<5x128x128xf32, #tpu.memory_space<vmem>>, vector<1x1x16xf32>,
        %get3A_709 = arith.constant 2 : i32
        %get3A_710 = arith.index_cast %get3A_709 : i32 to index
        %get3A_711 = arith.index_cast %scan3A_596 : i32 to index
        %get3A_712 = arith.constant 112 : index
        %get3A_713 = tpu.vector_load %arg6[%get3A_710, %get3A_711, %get3A_712] {strides = array<i32>} : memref<5x128x128xf32, #tpu.memory_space<vmem>>, vector<1x1x16xf32>,
        %get3A_714 = vector.shape_cast %get3A_713 : vector<1x1x16xf32> to vector<16xf32>
        %mul3A_715 = arith.constant 11.3137083 : f32
        %mul3A_716 = vector.broadcast %mul3A_715 : f32 to vector<16xf32>
        %mul3A_717 = arith.mulf %get3A_714, %mul3A_716 : vector<16xf32>
        %swap3A_718 = arith.constant 2 : i32
        %swap3A_719 = arith.index_cast %swap3A_718 : i32 to index
        %swap3A_720 = arith.index_cast %scan3A_596 : i32 to index
        %swap3A_721 = arith.constant 112 : index
        %swap3A_722 = tpu.vector_load %arg6[%swap3A_719, %swap3A_720, %swap3A_721] {strides = array<i32>} : memref<5x128x128xf32, #tpu.memory_space<vmem>>, vector<1x1x16xf32>,
        %swap3A_723 = vector.shape_cast %swap3A_722 : vector<1x1x16xf32> to vector<16xf32>
        %swap3A_724 = vector.shape_cast %mul3A_717 : vector<16xf32> to vector<1x1x16xf32>
        tpu.vector_store %arg6[%swap3A_719, %swap3A_720, %swap3A_721], %swap3A_724 {strides = array<i32>} : memref<5x128x128xf32, #tpu.memory_space<vmem>>, vector<1x1x16xf32>,
      }
      %scan3A_282 = arith.constant 64 : i32
      %mul3A_283 = arith.constant 128 : i32
      %mul3A_284 = arith.muli %add3A_265, %mul3A_283 : i32
      %add3A_285 = arith.addi %mul3A_2, %mul3A_284 : i32
      %dma_start3A_286 = arith.constant 2 : i32
      %dma_start3A_287 = arith.constant 0 : i32
      %dma_start3A_288 = arith.constant 0 : i32
      %dma_start3A_289 = tpu.memref_slice %arg6[%dma_start3A_286, %dma_start3A_287, %dma_start3A_288] : memref<5x128x128xf32, #tpu.memory_space<vmem>> -> memref<1x64x128xf32, #tpu.memory_space<vmem>>
      %dma_start3A_290 = tpu.memref_squeeze %dma_start3A_289 : memref<1x64x128xf32, #tpu.memory_space<vmem>> -> memref<64x128xf32, #tpu.memory_space<vmem>>
      %dma_start3A_291 = arith.constant 0 : i32
      %dma_start3A_292 = tpu.memref_slice %arg4[%add3A_285, %dma_start3A_291] : memref<819200x128xf32, #tpu.memory_space<hbm>> -> memref<64x128xf32, #tpu.memory_space<hbm>>
      %dma_start3A_293 = arith.constant 0 : i32
      %dma_start3A_294 = tpu.memref_slice %arg4[%add3A_285, %dma_start3A_293] : memref<819200x128xf32, #tpu.memory_space<hbm>> -> memref<64x128xf32, #tpu.memory_space<hbm>>
      %dma_start3A_295 = arith.constant 0 : i32
      %dma_start3A_296 = arith.constant 0 : i32
      %dma_start3A_297 = tpu.memref_slice %arg6[%dma_start3A_286, %dma_start3A_295, %dma_start3A_296] : memref<5x128x128xf32, #tpu.memory_space<vmem>> -> memref<1x64x128xf32, #tpu.memory_space<vmem>>
      %dma_start3A_298 = tpu.memref_squeeze %dma_start3A_297 : memref<1x64x128xf32, #tpu.memory_space<vmem>> -> memref<64x128xf32, #tpu.memory_space<vmem>>
      tpu.enqueue_dma source(%dma_start3A_298 : memref<64x128xf32, #tpu.memory_space<vmem>>) target(%dma_start3A_294 : memref<64x128xf32, #tpu.memory_space<hbm>>) target_semaphore(%arg8 : memref<!tpu.dma_semaphore, #tpu.memory_space<semaphore_mem>>)
      %scan3A_299 = arith.constant 64 : i32
      %scan3A_300 = arith.constant 64 : i32
      %scan3A_301 = arith.addi %scan3A_299, %scan3A_300 : i32
      %scan3A_302 = arith.constant 2 : i32
      scf.for %scan3A_468 = %scan3A_299 to %scan3A_301 step %scan3A_302  : i32 {
        %get3A = arith.constant 2 : i32
        %get3A_469 = arith.index_cast %get3A : i32 to index
        %get3A_470 = arith.index_cast %scan3A_468 : i32 to index
        %get3A_471 = arith.constant 0 : index
        %get3A_472 = tpu.vector_load %arg6[%get3A_469, %get3A_470, %get3A_471] {strides = array<i32>} : memref<5x128x128xf32, #tpu.memory_space<vmem>>, vector<1x1x16xf32>,
        %get3A_473 = vector.shape_cast %get3A_472 : vector<1x1x16xf32> to vector<16xf32>
        %mul3A_474 = arith.constant 11.3137083 : f32
        %mul3A_475 = vector.broadcast %mul3A_474 : f32 to vector<16xf32>
        %mul3A_476 = arith.mulf %get3A_473, %mul3A_475 : vector<16xf32>
        %swap3A = arith.constant 2 : i32
        %swap3A_477 = arith.index_cast %swap3A : i32 to index
        %swap3A_478 = arith.index_cast %scan3A_468 : i32 to index
        %swap3A_479 = arith.constant 0 : index
        %swap3A_480 = tpu.vector_load %arg6[%swap3A_477, %swap3A_478, %swap3A_479] {strides = array<i32>} : memref<5x128x128xf32, #tpu.memory_space<vmem>>, vector<1x1x16xf32>,
        %swap3A_481 = vector.shape_cast %swap3A_480 : vector<1x1x16xf32> to vector<16xf32>
        %swap3A_482 = vector.shape_cast %mul3A_476 : vector<16xf32> to vector<1x1x16xf32>
        tpu.vector_store %arg6[%swap3A_477, %swap3A_478, %swap3A_479], %swap3A_482 {strides = array<i32>} : memref<5x128x128xf32, #tpu.memory_space<vmem>>, vector<1x1x16xf32>,
        %get3A_483 = arith.constant 2 : i32
        %get3A_484 = arith.index_cast %get3A_483 : i32 to index
        %get3A_485 = arith.index_cast %scan3A_468 : i32 to index
        %get3A_486 = arith.constant 16 : index
        %get3A_487 = tpu.vector_load %arg6[%get3A_484, %get3A_485, %get3A_486] {strides = array<i32>} : memref<5x128x128xf32, #tpu.memory_space<vmem>>, vector<1x1x16xf32>,
        %get3A_488 = vector.shape_cast %get3A_487 : vector<1x1x16xf32> to vector<16xf32>
        %mul3A_489 = arith.constant 11.3137083 : f32
        %mul3A_490 = vector.broadcast %mul3A_489 : f32 to vector<16xf32>
        %mul3A_491 = arith.mulf %get3A_488, %mul3A_490 : vector<16xf32>
        %swap3A_492 = arith.constant 2 : i32
        %swap3A_493 = arith.index_cast %swap3A_492 : i32 to index
        %swap3A_494 = arith.index_cast %scan3A_468 : i32 to index
        %swap3A_495 = arith.constant 16 : index
        %swap3A_496 = tpu.vector_load %arg6[%swap3A_493, %swap3A_494, %swap3A_495] {strides = array<i32>} : memref<5x128x128xf32, #tpu.memory_space<vmem>>, vector<1x1x16xf32>,
        %swap3A_497 = vector.shape_cast %swap3A_496 : vector<1x1x16xf32> to vector<16xf32>
        %swap3A_498 = vector.shape_cast %mul3A_491 : vector<16xf32> to vector<1x1x16xf32>
        tpu.vector_store %arg6[%swap3A_493, %swap3A_494, %swap3A_495], %swap3A_498 {strides = array<i32>} : memref<5x128x128xf32, #tpu.memory_space<vmem>>, vector<1x1x16xf32>,
        %get3A_499 = arith.constant 2 : i32
        %get3A_500 = arith.index_cast %get3A_499 : i32 to index
        %get3A_501 = arith.index_cast %scan3A_468 : i32 to index
        %get3A_502 = arith.constant 32 : index
        %get3A_503 = tpu.vector_load %arg6[%get3A_500, %get3A_501, %get3A_502] {strides = array<i32>} : memref<5x128x128xf32, #tpu.memory_space<vmem>>, vector<1x1x16xf32>,
        %get3A_504 = vector.shape_cast %get3A_503 : vector<1x1x16xf32> to vector<16xf32>
        %mul3A_505 = arith.constant 11.3137083 : f32
        %mul3A_506 = vector.broadcast %mul3A_505 : f32 to vector<16xf32>
        %mul3A_507 = arith.mulf %get3A_504, %mul3A_506 : vector<16xf32>
        %swap3A_508 = arith.constant 2 : i32
        %swap3A_509 = arith.index_cast %swap3A_508 : i32 to index
        %swap3A_510 = arith.index_cast %scan3A_468 : i32 to index
        %swap3A_511 = arith.constant 32 : index
        %swap3A_512 = tpu.vector_load %arg6[%swap3A_509, %swap3A_510, %swap3A_511] {strides = array<i32>} : memref<5x128x128xf32, #tpu.memory_space<vmem>>, vector<1x1x16xf32>,
        %swap3A_513 = vector.shape_cast %swap3A_512 : vector<1x1x16xf32> to vector<16xf32>
        %swap3A_514 = vector.shape_cast %mul3A_507 : vector<16xf32> to vector<1x1x16xf32>
        tpu.vector_store %arg6[%swap3A_509, %swap3A_510, %swap3A_511], %swap3A_514 {strides = array<i32>} : memref<5x128x128xf32, #tpu.memory_space<vmem>>, vector<1x1x16xf32>,
        %get3A_515 = arith.constant 2 : i32
        %get3A_516 = arith.index_cast %get3A_515 : i32 to index
        %get3A_517 = arith.index_cast %scan3A_468 : i32 to index
        %get3A_518 = arith.constant 48 : index
        %get3A_519 = tpu.vector_load %arg6[%get3A_516, %get3A_517, %get3A_518] {strides = array<i32>} : memref<5x128x128xf32, #tpu.memory_space<vmem>>, vector<1x1x16xf32>,
        %get3A_520 = vector.shape_cast %get3A_519 : vector<1x1x16xf32> to vector<16xf32>
        %mul3A_521 = arith.constant 11.3137083 : f32
        %mul3A_522 = vector.broadcast %mul3A_521 : f32 to vector<16xf32>
        %mul3A_523 = arith.mulf %get3A_520, %mul3A_522 : vector<16xf32>
        %swap3A_524 = arith.constant 2 : i32
        %swap3A_525 = arith.index_cast %swap3A_524 : i32 to index
        %swap3A_526 = arith.index_cast %scan3A_468 : i32 to index
        %swap3A_527 = arith.constant 48 : index
        %swap3A_528 = tpu.vector_load %arg6[%swap3A_525, %swap3A_526, %swap3A_527] {strides = array<i32>} : memref<5x128x128xf32, #tpu.memory_space<vmem>>, vector<1x1x16xf32>,
        %swap3A_529 = vector.shape_cast %swap3A_528 : vector<1x1x16xf32> to vector<16xf32>
        %swap3A_530 = vector.shape_cast %mul3A_523 : vector<16xf32> to vector<1x1x16xf32>
        tpu.vector_store %arg6[%swap3A_525, %swap3A_526, %swap3A_527], %swap3A_530 {strides = array<i32>} : memref<5x128x128xf32, #tpu.memory_space<vmem>>, vector<1x1x16xf32>,
        %get3A_531 = arith.constant 2 : i32
        %get3A_532 = arith.index_cast %get3A_531 : i32 to index
        %get3A_533 = arith.index_cast %scan3A_468 : i32 to index
        %get3A_534 = arith.constant 64 : index
        %get3A_535 = tpu.vector_load %arg6[%get3A_532, %get3A_533, %get3A_534] {strides = array<i32>} : memref<5x128x128xf32, #tpu.memory_space<vmem>>, vector<1x1x16xf32>,
        %get3A_536 = vector.shape_cast %get3A_535 : vector<1x1x16xf32> to vector<16xf32>
        %mul3A_537 = arith.constant 11.3137083 : f32
        %mul3A_538 = vector.broadcast %mul3A_537 : f32 to vector<16xf32>
        %mul3A_539 = arith.mulf %get3A_536, %mul3A_538 : vector<16xf32>
        %swap3A_540 = arith.constant 2 : i32
        %swap3A_541 = arith.index_cast %swap3A_540 : i32 to index
        %swap3A_542 = arith.index_cast %scan3A_468 : i32 to index
        %swap3A_543 = arith.constant 64 : index
        %swap3A_544 = tpu.vector_load %arg6[%swap3A_541, %swap3A_542, %swap3A_543] {strides = array<i32>} : memref<5x128x128xf32, #tpu.memory_space<vmem>>, vector<1x1x16xf32>,
        %swap3A_545 = vector.shape_cast %swap3A_544 : vector<1x1x16xf32> to vector<16xf32>
        %swap3A_546 = vector.shape_cast %mul3A_539 : vector<16xf32> to vector<1x1x16xf32>
        tpu.vector_store %arg6[%swap3A_541, %swap3A_542, %swap3A_543], %swap3A_546 {strides = array<i32>} : memref<5x128x128xf32, #tpu.memory_space<vmem>>, vector<1x1x16xf32>,
        %get3A_547 = arith.constant 2 : i32
        %get3A_548 = arith.index_cast %get3A_547 : i32 to index
        %get3A_549 = arith.index_cast %scan3A_468 : i32 to index
        %get3A_550 = arith.constant 80 : index
        %get3A_551 = tpu.vector_load %arg6[%get3A_548, %get3A_549, %get3A_550] {strides = array<i32>} : memref<5x128x128xf32, #tpu.memory_space<vmem>>, vector<1x1x16xf32>,
        %get3A_552 = vector.shape_cast %get3A_551 : vector<1x1x16xf32> to vector<16xf32>
        %mul3A_553 = arith.constant 11.3137083 : f32
        %mul3A_554 = vector.broadcast %mul3A_553 : f32 to vector<16xf32>
        %mul3A_555 = arith.mulf %get3A_552, %mul3A_554 : vector<16xf32>
        %swap3A_556 = arith.constant 2 : i32
        %swap3A_557 = arith.index_cast %swap3A_556 : i32 to index
        %swap3A_558 = arith.index_cast %scan3A_468 : i32 to index
        %swap3A_559 = arith.constant 80 : index
        %swap3A_560 = tpu.vector_load %arg6[%swap3A_557, %swap3A_558, %swap3A_559] {strides = array<i32>} : memref<5x128x128xf32, #tpu.memory_space<vmem>>, vector<1x1x16xf32>,
        %swap3A_561 = vector.shape_cast %swap3A_560 : vector<1x1x16xf32> to vector<16xf32>
        %swap3A_562 = vector.shape_cast %mul3A_555 : vector<16xf32> to vector<1x1x16xf32>
        tpu.vector_store %arg6[%swap3A_557, %swap3A_558, %swap3A_559], %swap3A_562 {strides = array<i32>} : memref<5x128x128xf32, #tpu.memory_space<vmem>>, vector<1x1x16xf32>,
        %get3A_563 = arith.constant 2 : i32
        %get3A_564 = arith.index_cast %get3A_563 : i32 to index
        %get3A_565 = arith.index_cast %scan3A_468 : i32 to index
        %get3A_566 = arith.constant 96 : index
        %get3A_567 = tpu.vector_load %arg6[%get3A_564, %get3A_565, %get3A_566] {strides = array<i32>} : memref<5x128x128xf32, #tpu.memory_space<vmem>>, vector<1x1x16xf32>,
        %get3A_568 = vector.shape_cast %get3A_567 : vector<1x1x16xf32> to vector<16xf32>
        %mul3A_569 = arith.constant 11.3137083 : f32
        %mul3A_570 = vector.broadcast %mul3A_569 : f32 to vector<16xf32>
        %mul3A_571 = arith.mulf %get3A_568, %mul3A_570 : vector<16xf32>
        %swap3A_572 = arith.constant 2 : i32
        %swap3A_573 = arith.index_cast %swap3A_572 : i32 to index
        %swap3A_574 = arith.index_cast %scan3A_468 : i32 to index
        %swap3A_575 = arith.constant 96 : index
        %swap3A_576 = tpu.vector_load %arg6[%swap3A_573, %swap3A_574, %swap3A_575] {strides = array<i32>} : memref<5x128x128xf32, #tpu.memory_space<vmem>>, vector<1x1x16xf32>,
        %swap3A_577 = vector.shape_cast %swap3A_576 : vector<1x1x16xf32> to vector<16xf32>
        %swap3A_578 = vector.shape_cast %mul3A_571 : vector<16xf32> to vector<1x1x16xf32>
        tpu.vector_store %arg6[%swap3A_573, %swap3A_574, %swap3A_575], %swap3A_578 {strides = array<i32>} : memref<5x128x128xf32, #tpu.memory_space<vmem>>, vector<1x1x16xf32>,
        %get3A_579 = arith.constant 2 : i32
        %get3A_580 = arith.index_cast %get3A_579 : i32 to index
        %get3A_581 = arith.index_cast %scan3A_468 : i32 to index
        %get3A_582 = arith.constant 112 : index
        %get3A_583 = tpu.vector_load %arg6[%get3A_580, %get3A_581, %get3A_582] {strides = array<i32>} : memref<5x128x128xf32, #tpu.memory_space<vmem>>, vector<1x1x16xf32>,
        %get3A_584 = vector.shape_cast %get3A_583 : vector<1x1x16xf32> to vector<16xf32>
        %mul3A_585 = arith.constant 11.3137083 : f32
        %mul3A_586 = vector.broadcast %mul3A_585 : f32 to vector<16xf32>
        %mul3A_587 = arith.mulf %get3A_584, %mul3A_586 : vector<16xf32>
        %swap3A_588 = arith.constant 2 : i32
        %swap3A_589 = arith.index_cast %swap3A_588 : i32 to index
        %swap3A_590 = arith.index_cast %scan3A_468 : i32 to index
        %swap3A_591 = arith.constant 112 : index
        %swap3A_592 = tpu.vector_load %arg6[%swap3A_589, %swap3A_590, %swap3A_591] {strides = array<i32>} : memref<5x128x128xf32, #tpu.memory_space<vmem>>, vector<1x1x16xf32>,
        %swap3A_593 = vector.shape_cast %swap3A_592 : vector<1x1x16xf32> to vector<16xf32>
        %swap3A_594 = vector.shape_cast %mul3A_587 : vector<16xf32> to vector<1x1x16xf32>
        tpu.vector_store %arg6[%swap3A_589, %swap3A_590, %swap3A_591], %swap3A_594 {strides = array<i32>} : memref<5x128x128xf32, #tpu.memory_space<vmem>>, vector<1x1x16xf32>,
        %scan3A_595 = arith.constant 1 : i32
        %scan3A_596 = arith.addi %scan3A_468, %scan3A_595 : i32
        %get3A_597 = arith.constant 2 : i32
        %get3A_598 = arith.index_cast %get3A_597 : i32 to index
        %get3A_599 = arith.index_cast %scan3A_596 : i32 to index
        %get3A_600 = arith.constant 0 : index
        %get3A_601 = tpu.vector_load %arg6[%get3A_598, %get3A_599, %get3A_600] {strides = array<i32>} : memref<5x128x128xf32, #tpu.memory_space<vmem>>, vector<1x1x16xf32>,
        %get3A_602 = vector.shape_cast %get3A_601 : vector<1x1x16xf32> to vector<16xf32>
        %mul3A_603 = arith.constant 11.3137083 : f32
        %mul3A_604 = vector.broadcast %mul3A_603 : f32 to vector<16xf32>
        %mul3A_605 = arith.mulf %get3A_602, %mul3A_604 : vector<16xf32>
        %swap3A_606 = arith.constant 2 : i32
        %swap3A_607 = arith.index_cast %swap3A_606 : i32 to index
        %swap3A_608 = arith.index_cast %scan3A_596 : i32 to index
        %swap3A_609 = arith.constant 0 : index
        %swap3A_610 = tpu.vector_load %arg6[%swap3A_607, %swap3A_608, %swap3A_609] {strides = array<i32>} : memref<5x128x128xf32, #tpu.memory_space<vmem>>, vector<1x1x16xf32>,
        %swap3A_611 = vector.shape_cast %swap3A_610 : vector<1x1x16xf32> to vector<16xf32>
        %swap3A_612 = vector.shape_cast %mul3A_605 : vector<16xf32> to vector<1x1x16xf32>
        tpu.vector_store %arg6[%swap3A_607, %swap3A_608, %swap3A_609], %swap3A_612 {strides = array<i32>} : memref<5x128x128xf32, #tpu.memory_space<vmem>>, vector<1x1x16xf32>,
        %get3A_613 = arith.constant 2 : i32
        %get3A_614 = arith.index_cast %get3A_613 : i32 to index
        %get3A_615 = arith.index_cast %scan3A_596 : i32 to index
        %get3A_616 = arith.constant 16 : index
        %get3A_617 = tpu.vector_load %arg6[%get3A_614, %get3A_615, %get3A_616] {strides = array<i32>} : memref<5x128x128xf32, #tpu.memory_space<vmem>>, vector<1x1x16xf32>,
        %get3A_618 = vector.shape_cast %get3A_617 : vector<1x1x16xf32> to vector<16xf32>
        %mul3A_619 = arith.constant 11.3137083 : f32
        %mul3A_620 = vector.broadcast %mul3A_619 : f32 to vector<16xf32>
        %mul3A_621 = arith.mulf %get3A_618, %mul3A_620 : vector<16xf32>
        %swap3A_622 = arith.constant 2 : i32
        %swap3A_623 = arith.index_cast %swap3A_622 : i32 to index
        %swap3A_624 = arith.index_cast %scan3A_596 : i32 to index
        %swap3A_625 = arith.constant 16 : index
        %swap3A_626 = tpu.vector_load %arg6[%swap3A_623, %swap3A_624, %swap3A_625] {strides = array<i32>} : memref<5x128x128xf32, #tpu.memory_space<vmem>>, vector<1x1x16xf32>,
        %swap3A_627 = vector.shape_cast %swap3A_626 : vector<1x1x16xf32> to vector<16xf32>
        %swap3A_628 = vector.shape_cast %mul3A_621 : vector<16xf32> to vector<1x1x16xf32>
        tpu.vector_store %arg6[%swap3A_623, %swap3A_624, %swap3A_625], %swap3A_628 {strides = array<i32>} : memref<5x128x128xf32, #tpu.memory_space<vmem>>, vector<1x1x16xf32>,
        %get3A_629 = arith.constant 2 : i32
        %get3A_630 = arith.index_cast %get3A_629 : i32 to index
        %get3A_631 = arith.index_cast %scan3A_596 : i32 to index
        %get3A_632 = arith.constant 32 : index
        %get3A_633 = tpu.vector_load %arg6[%get3A_630, %get3A_631, %get3A_632] {strides = array<i32>} : memref<5x128x128xf32, #tpu.memory_space<vmem>>, vector<1x1x16xf32>,
        %get3A_634 = vector.shape_cast %get3A_633 : vector<1x1x16xf32> to vector<16xf32>
        %mul3A_635 = arith.constant 11.3137083 : f32
        %mul3A_636 = vector.broadcast %mul3A_635 : f32 to vector<16xf32>
        %mul3A_637 = arith.mulf %get3A_634, %mul3A_636 : vector<16xf32>
        %swap3A_638 = arith.constant 2 : i32
        %swap3A_639 = arith.index_cast %swap3A_638 : i32 to index
        %swap3A_640 = arith.index_cast %scan3A_596 : i32 to index
        %swap3A_641 = arith.constant 32 : index
        %swap3A_642 = tpu.vector_load %arg6[%swap3A_639, %swap3A_640, %swap3A_641] {strides = array<i32>} : memref<5x128x128xf32, #tpu.memory_space<vmem>>, vector<1x1x16xf32>,
        %swap3A_643 = vector.shape_cast %swap3A_642 : vector<1x1x16xf32> to vector<16xf32>
        %swap3A_644 = vector.shape_cast %mul3A_637 : vector<16xf32> to vector<1x1x16xf32>
        tpu.vector_store %arg6[%swap3A_639, %swap3A_640, %swap3A_641], %swap3A_644 {strides = array<i32>} : memref<5x128x128xf32, #tpu.memory_space<vmem>>, vector<1x1x16xf32>,
        %get3A_645 = arith.constant 2 : i32
        %get3A_646 = arith.index_cast %get3A_645 : i32 to index
        %get3A_647 = arith.index_cast %scan3A_596 : i32 to index
        %get3A_648 = arith.constant 48 : index
        %get3A_649 = tpu.vector_load %arg6[%get3A_646, %get3A_647, %get3A_648] {strides = array<i32>} : memref<5x128x128xf32, #tpu.memory_space<vmem>>, vector<1x1x16xf32>,
        %get3A_650 = vector.shape_cast %get3A_649 : vector<1x1x16xf32> to vector<16xf32>
        %mul3A_651 = arith.constant 11.3137083 : f32
        %mul3A_652 = vector.broadcast %mul3A_651 : f32 to vector<16xf32>
        %mul3A_653 = arith.mulf %get3A_650, %mul3A_652 : vector<16xf32>
        %swap3A_654 = arith.constant 2 : i32
        %swap3A_655 = arith.index_cast %swap3A_654 : i32 to index
        %swap3A_656 = arith.index_cast %scan3A_596 : i32 to index
        %swap3A_657 = arith.constant 48 : index
        %swap3A_658 = tpu.vector_load %arg6[%swap3A_655, %swap3A_656, %swap3A_657] {strides = array<i32>} : memref<5x128x128xf32, #tpu.memory_space<vmem>>, vector<1x1x16xf32>,
        %swap3A_659 = vector.shape_cast %swap3A_658 : vector<1x1x16xf32> to vector<16xf32>
        %swap3A_660 = vector.shape_cast %mul3A_653 : vector<16xf32> to vector<1x1x16xf32>
        tpu.vector_store %arg6[%swap3A_655, %swap3A_656, %swap3A_657], %swap3A_660 {strides = array<i32>} : memref<5x128x128xf32, #tpu.memory_space<vmem>>, vector<1x1x16xf32>,
        %get3A_661 = arith.constant 2 : i32
        %get3A_662 = arith.index_cast %get3A_661 : i32 to index
        %get3A_663 = arith.index_cast %scan3A_596 : i32 to index
        %get3A_664 = arith.constant 64 : index
        %get3A_665 = tpu.vector_load %arg6[%get3A_662, %get3A_663, %get3A_664] {strides = array<i32>} : memref<5x128x128xf32, #tpu.memory_space<vmem>>, vector<1x1x16xf32>,
        %get3A_666 = vector.shape_cast %get3A_665 : vector<1x1x16xf32> to vector<16xf32>
        %mul3A_667 = arith.constant 11.3137083 : f32
        %mul3A_668 = vector.broadcast %mul3A_667 : f32 to vector<16xf32>
        %mul3A_669 = arith.mulf %get3A_666, %mul3A_668 : vector<16xf32>
        %swap3A_670 = arith.constant 2 : i32
        %swap3A_671 = arith.index_cast %swap3A_670 : i32 to index
        %swap3A_672 = arith.index_cast %scan3A_596 : i32 to index
        %swap3A_673 = arith.constant 64 : index
        %swap3A_674 = tpu.vector_load %arg6[%swap3A_671, %swap3A_672, %swap3A_673] {strides = array<i32>} : memref<5x128x128xf32, #tpu.memory_space<vmem>>, vector<1x1x16xf32>,
        %swap3A_675 = vector.shape_cast %swap3A_674 : vector<1x1x16xf32> to vector<16xf32>
        %swap3A_676 = vector.shape_cast %mul3A_669 : vector<16xf32> to vector<1x1x16xf32>
        tpu.vector_store %arg6[%swap3A_671, %swap3A_672, %swap3A_673], %swap3A_676 {strides = array<i32>} : memref<5x128x128xf32, #tpu.memory_space<vmem>>, vector<1x1x16xf32>,
        %get3A_677 = arith.constant 2 : i32
        %get3A_678 = arith.index_cast %get3A_677 : i32 to index
        %get3A_679 = arith.index_cast %scan3A_596 : i32 to index
        %get3A_680 = arith.constant 80 : index
        %get3A_681 = tpu.vector_load %arg6[%get3A_678, %get3A_679, %get3A_680] {strides = array<i32>} : memref<5x128x128xf32, #tpu.memory_space<vmem>>, vector<1x1x16xf32>,
        %get3A_682 = vector.shape_cast %get3A_681 : vector<1x1x16xf32> to vector<16xf32>
        %mul3A_683 = arith.constant 11.3137083 : f32
        %mul3A_684 = vector.broadcast %mul3A_683 : f32 to vector<16xf32>
        %mul3A_685 = arith.mulf %get3A_682, %mul3A_684 : vector<16xf32>
        %swap3A_686 = arith.constant 2 : i32
        %swap3A_687 = arith.index_cast %swap3A_686 : i32 to index
        %swap3A_688 = arith.index_cast %scan3A_596 : i32 to index
        %swap3A_689 = arith.constant 80 : index
        %swap3A_690 = tpu.vector_load %arg6[%swap3A_687, %swap3A_688, %swap3A_689] {strides = array<i32>} : memref<5x128x128xf32, #tpu.memory_space<vmem>>, vector<1x1x16xf32>,
        %swap3A_691 = vector.shape_cast %swap3A_690 : vector<1x1x16xf32> to vector<16xf32>
        %swap3A_692 = vector.shape_cast %mul3A_685 : vector<16xf32> to vector<1x1x16xf32>
        tpu.vector_store %arg6[%swap3A_687, %swap3A_688, %swap3A_689], %swap3A_692 {strides = array<i32>} : memref<5x128x128xf32, #tpu.memory_space<vmem>>, vector<1x1x16xf32>,
        %get3A_693 = arith.constant 2 : i32
        %get3A_694 = arith.index_cast %get3A_693 : i32 to index
        %get3A_695 = arith.index_cast %scan3A_596 : i32 to index
        %get3A_696 = arith.constant 96 : index
        %get3A_697 = tpu.vector_load %arg6[%get3A_694, %get3A_695, %get3A_696] {strides = array<i32>} : memref<5x128x128xf32, #tpu.memory_space<vmem>>, vector<1x1x16xf32>,
        %get3A_698 = vector.shape_cast %get3A_697 : vector<1x1x16xf32> to vector<16xf32>
        %mul3A_699 = arith.constant 11.3137083 : f32
        %mul3A_700 = vector.broadcast %mul3A_699 : f32 to vector<16xf32>
        %mul3A_701 = arith.mulf %get3A_698, %mul3A_700 : vector<16xf32>
        %swap3A_702 = arith.constant 2 : i32
        %swap3A_703 = arith.index_cast %swap3A_702 : i32 to index
        %swap3A_704 = arith.index_cast %scan3A_596 : i32 to index
        %swap3A_705 = arith.constant 96 : index
        %swap3A_706 = tpu.vector_load %arg6[%swap3A_703, %swap3A_704, %swap3A_705] {strides = array<i32>} : memref<5x128x128xf32, #tpu.memory_space<vmem>>, vector<1x1x16xf32>,
        %swap3A_707 = vector.shape_cast %swap3A_706 : vector<1x1x16xf32> to vector<16xf32>
        %swap3A_708 = vector.shape_cast %mul3A_701 : vector<16xf32> to vector<1x1x16xf32>
        tpu.vector_store %arg6[%swap3A_703, %swap3A_704, %swap3A_705], %swap3A_708 {strides = array<i32>} : memref<5x128x128xf32, #tpu.memory_space<vmem>>, vector<1x1x16xf32>,
        %get3A_709 = arith.constant 2 : i32
        %get3A_710 = arith.index_cast %get3A_709 : i32 to index
        %get3A_711 = arith.index_cast %scan3A_596 : i32 to index
        %get3A_712 = arith.constant 112 : index
        %get3A_713 = tpu.vector_load %arg6[%get3A_710, %get3A_711, %get3A_712] {strides = array<i32>} : memref<5x128x128xf32, #tpu.memory_space<vmem>>, vector<1x1x16xf32>,
        %get3A_714 = vector.shape_cast %get3A_713 : vector<1x1x16xf32> to vector<16xf32>
        %mul3A_715 = arith.constant 11.3137083 : f32
        %mul3A_716 = vector.broadcast %mul3A_715 : f32 to vector<16xf32>
        %mul3A_717 = arith.mulf %get3A_714, %mul3A_716 : vector<16xf32>
        %swap3A_718 = arith.constant 2 : i32
        %swap3A_719 = arith.index_cast %swap3A_718 : i32 to index
        %swap3A_720 = arith.index_cast %scan3A_596 : i32 to index
        %swap3A_721 = arith.constant 112 : index
        %swap3A_722 = tpu.vector_load %arg6[%swap3A_719, %swap3A_720, %swap3A_721] {strides = array<i32>} : memref<5x128x128xf32, #tpu.memory_space<vmem>>, vector<1x1x16xf32>,
        %swap3A_723 = vector.shape_cast %swap3A_722 : vector<1x1x16xf32> to vector<16xf32>
        %swap3A_724 = vector.shape_cast %mul3A_717 : vector<16xf32> to vector<1x1x16xf32>
        tpu.vector_store %arg6[%swap3A_719, %swap3A_720, %swap3A_721], %swap3A_724 {strides = array<i32>} : memref<5x128x128xf32, #tpu.memory_space<vmem>>, vector<1x1x16xf32>,
      }
      %scan3A_303 = arith.constant 64 : i32
      %mul3A_304 = arith.constant 128 : i32
      %mul3A_305 = arith.muli %add3A_265, %mul3A_304 : i32
      %add3A_306 = arith.addi %mul3A_2, %mul3A_305 : i32
      %add3A_307 = arith.constant 64 : i32
      %add3A_308 = arith.addi %add3A_306, %add3A_307 : i32
      %dma_start3A_309 = arith.constant 2 : i32
      %dma_start3A_310 = arith.constant 64 : i32
      %dma_start3A_311 = arith.constant 0 : i32
      %dma_start3A_312 = tpu.memref_slice %arg6[%dma_start3A_309, %dma_start3A_310, %dma_start3A_311] : memref<5x128x128xf32, #tpu.memory_space<vmem>> -> memref<1x64x128xf32, #tpu.memory_space<vmem>>
      %dma_start3A_313 = tpu.memref_squeeze %dma_start3A_312 : memref<1x64x128xf32, #tpu.memory_space<vmem>> -> memref<64x128xf32, #tpu.memory_space<vmem>>
      %dma_start3A_314 = arith.constant 0 : i32
      %dma_start3A_315 = tpu.memref_slice %arg4[%add3A_308, %dma_start3A_314] : memref<819200x128xf32, #tpu.memory_space<hbm>> -> memref<64x128xf32, #tpu.memory_space<hbm>>
      %dma_start3A_316 = arith.constant 0 : i32
      %dma_start3A_317 = tpu.memref_slice %arg4[%add3A_308, %dma_start3A_316] : memref<819200x128xf32, #tpu.memory_space<hbm>> -> memref<64x128xf32, #tpu.memory_space<hbm>>
      %dma_start3A_318 = arith.constant 64 : i32
      %dma_start3A_319 = arith.constant 0 : i32
      %dma_start3A_320 = tpu.memref_slice %arg6[%dma_start3A_309, %dma_start3A_318, %dma_start3A_319] : memref<5x128x128xf32, #tpu.memory_space<vmem>> -> memref<1x64x128xf32, #tpu.memory_space<vmem>>
      %dma_start3A_321 = tpu.memref_squeeze %dma_start3A_320 : memref<1x64x128xf32, #tpu.memory_space<vmem>> -> memref<64x128xf32, #tpu.memory_space<vmem>>
      tpu.enqueue_dma source(%dma_start3A_321 : memref<64x128xf32, #tpu.memory_space<vmem>>) target(%dma_start3A_317 : memref<64x128xf32, #tpu.memory_space<hbm>>) target_semaphore(%arg8 : memref<!tpu.dma_semaphore, #tpu.memory_space<semaphore_mem>>)
      %add3A_322 = arith.constant 2 : i32
      %add3A_323 = arith.addi %add3A_265, %add3A_322 : i32
      %ge3A_324 = arith.constant 5 : i32
      %ge3A_325 = arith.cmpi sge, %add3A_323, %ge3A_324 : i32
      %lt3A_326 = arith.constant 200 : i32
      %lt3A_327 = arith.cmpi slt, %add3A_323, %lt3A_326 : i32
      %and3A_328 = arith.andi %ge3A_325, %lt3A_327 : i1
      %convert_element_type3A_329 = arith.extui %and3A_328 : i1 to i32
      %cond3A_330 = arith.constant 0 : i32
      %cond3A_331 = arith.cmpi ne, %convert_element_type3A_329, %cond3A_330 : i32
      scf.if %cond3A_331 {
        %dma_wait3A_468 = arith.constant 4 : i32
        %dma_wait3A_469 = arith.constant 0 : i32
        %dma_wait3A_470 = arith.constant 0 : i32
        %dma_wait3A_471 = tpu.memref_slice %arg6[%dma_wait3A_468, %dma_wait3A_469, %dma_wait3A_470] : memref<5x128x128xf32, #tpu.memory_space<vmem>> -> memref<1x128x128xf32, #tpu.memory_space<vmem>>
        %dma_wait3A_472 = tpu.memref_squeeze %dma_wait3A_471 : memref<1x128x128xf32, #tpu.memory_space<vmem>> -> memref<128x128xf32, #tpu.memory_space<vmem>>
        %dma_wait3A_473 = arith.constant 0 : i32
        %dma_wait3A_474 = tpu.memref_slice %arg4[%mul3A_2, %dma_wait3A_473] : memref<819200x128xf32, #tpu.memory_space<hbm>> -> memref<128x128xf32, #tpu.memory_space<hbm>>
        %dma_wait3A_475 = arith.constant 0 : i32
        %dma_wait3A_476 = tpu.memref_slice %arg4[%mul3A_2, %dma_wait3A_475] : memref<819200x128xf32, #tpu.memory_space<hbm>> -> memref<128x128xf32, #tpu.memory_space<hbm>>
        %dma_wait3A_477 = arith.constant 0 : i32
        %dma_wait3A_478 = arith.constant 0 : i32
        %dma_wait3A_479 = tpu.memref_slice %arg6[%dma_wait3A_468, %dma_wait3A_477, %dma_wait3A_478] : memref<5x128x128xf32, #tpu.memory_space<vmem>> -> memref<1x128x128xf32, #tpu.memory_space<vmem>>
        %dma_wait3A_480 = tpu.memref_squeeze %dma_wait3A_479 : memref<1x128x128xf32, #tpu.memory_space<vmem>> -> memref<128x128xf32, #tpu.memory_space<vmem>>
        tpu.wait_dma2 semaphore(%arg8 : memref<!tpu.dma_semaphore, #tpu.memory_space<semaphore_mem>>) src(%dma_wait3A_480 : memref<128x128xf32, #tpu.memory_space<vmem>>) dst(%dma_wait3A_476 : memref<128x128xf32, #tpu.memory_space<hbm>>)
        %dma_start3A_481 = arith.constant 4 : i32
        %dma_start3A_482 = arith.constant 0 : i32
        %dma_start3A_483 = arith.constant 0 : i32
        %dma_start3A_484 = tpu.memref_slice %arg6[%dma_start3A_481, %dma_start3A_482, %dma_start3A_483] : memref<5x128x128xf32, #tpu.memory_space<vmem>> -> memref<1x128x128xf32, #tpu.memory_space<vmem>>
        %dma_start3A_485 = tpu.memref_squeeze %dma_start3A_484 : memref<1x128x128xf32, #tpu.memory_space<vmem>> -> memref<128x128xf32, #tpu.memory_space<vmem>>
        %dma_start3A_486 = arith.constant 0 : i32
        %dma_start3A_487 = tpu.memref_slice %arg5[%add3A_323, %dma_start3A_486] : memref<200x128xi32, #tpu.memory_space<vmem>> -> memref<1x128xi32, #tpu.memory_space<vmem>>
        %dma_start3A_488 = tpu.memref_squeeze %dma_start3A_487 : memref<1x128xi32, #tpu.memory_space<vmem>> -> memref<128xi32, #tpu.memory_space<vmem>>
        %dma_start3A_489 = arith.constant 0 : i32
        %dma_start3A_490 = arith.constant 0 : i32
        %dma_start3A_491 = tpu.memref_slice %arg2[%dma_start3A_489, %dma_start3A_490] : memref<100000x128xf32, #tpu.memory_space<hbm>> -> memref<100000x128xf32, #tpu.memory_space<hbm>>
        tpu.enqueue_indirect_dma source(%dma_start3A_491 : memref<100000x128xf32, #tpu.memory_space<hbm>>) target(%dma_start3A_485 : memref<128x128xf32, #tpu.memory_space<vmem>>) offsets(%dma_start3A_488 : memref<128xi32, #tpu.memory_space<vmem>>) semaphore(%arg7 : memref<!tpu.dma_semaphore, #tpu.memory_space<semaphore_mem>>)
      } else {
      }
      %add3A_332 = arith.constant 3 : i32
      %add3A_333 = arith.addi %mul3A_132, %add3A_332 : i32
      %dma_wait3A_334 = arith.constant 0 : i32
      %dma_wait3A_335 = arith.constant 3 : i32
      %dma_wait3A_336 = arith.constant 0 : i32
      %dma_wait3A_337 = arith.constant 0 : i32
      %dma_wait3A_338 = tpu.memref_slice %arg6[%dma_wait3A_335, %dma_wait3A_336, %dma_wait3A_337] : memref<5x128x128xf32, #tpu.memory_space<vmem>> -> memref<1x128x128xf32, #tpu.memory_space<vmem>>
      %dma_wait3A_339 = tpu.memref_squeeze %dma_wait3A_338 : memref<1x128x128xf32, #tpu.memory_space<vmem>> -> memref<128x128xf32, #tpu.memory_space<vmem>>
      %dma_wait3A_340 = arith.constant 0 : i32
      %dma_wait3A_341 = tpu.memref_slice %arg5[%dma_wait3A_334, %dma_wait3A_340] : memref<200x128xi32, #tpu.memory_space<vmem>> -> memref<1x128xi32, #tpu.memory_space<vmem>>
      %dma_wait3A_342 = tpu.memref_squeeze %dma_wait3A_341 : memref<1x128xi32, #tpu.memory_space<vmem>> -> memref<128xi32, #tpu.memory_space<vmem>>
      %dma_wait3A_343 = arith.constant 0 : i32
      %dma_wait3A_344 = arith.constant 0 : i32
      %dma_wait3A_345 = tpu.memref_slice %arg2[%dma_wait3A_343, %dma_wait3A_344] : memref<100000x128xf32, #tpu.memory_space<hbm>> -> memref<100000x128xf32, #tpu.memory_space<hbm>>
      tpu.wait_indirect_dma semaphore(%arg7 : memref<!tpu.dma_semaphore, #tpu.memory_space<semaphore_mem>>) src(%dma_wait3A_345 : memref<100000x128xf32, #tpu.memory_space<hbm>>) dst(%dma_wait3A_339 : memref<128x128xf32, #tpu.memory_space<vmem>>)
      %scan3A_346 = arith.constant 0 : i32
      %scan3A_347 = arith.constant 64 : i32
      %scan3A_348 = arith.addi %scan3A_346, %scan3A_347 : i32
      %scan3A_349 = arith.constant 2 : i32
      scf.for %scan3A_468 = %scan3A_346 to %scan3A_348 step %scan3A_349  : i32 {
        %get3A = arith.constant 3 : i32
        %get3A_469 = arith.index_cast %get3A : i32 to index
        %get3A_470 = arith.index_cast %scan3A_468 : i32 to index
        %get3A_471 = arith.constant 0 : index
        %get3A_472 = tpu.vector_load %arg6[%get3A_469, %get3A_470, %get3A_471] {strides = array<i32>} : memref<5x128x128xf32, #tpu.memory_space<vmem>>, vector<1x1x16xf32>,
        %get3A_473 = vector.shape_cast %get3A_472 : vector<1x1x16xf32> to vector<16xf32>
        %mul3A_474 = arith.constant 11.3137083 : f32
        %mul3A_475 = vector.broadcast %mul3A_474 : f32 to vector<16xf32>
        %mul3A_476 = arith.mulf %get3A_473, %mul3A_475 : vector<16xf32>
        %swap3A = arith.constant 3 : i32
        %swap3A_477 = arith.index_cast %swap3A : i32 to index
        %swap3A_478 = arith.index_cast %scan3A_468 : i32 to index
        %swap3A_479 = arith.constant 0 : index
        %swap3A_480 = tpu.vector_load %arg6[%swap3A_477, %swap3A_478, %swap3A_479] {strides = array<i32>} : memref<5x128x128xf32, #tpu.memory_space<vmem>>, vector<1x1x16xf32>,
        %swap3A_481 = vector.shape_cast %swap3A_480 : vector<1x1x16xf32> to vector<16xf32>
        %swap3A_482 = vector.shape_cast %mul3A_476 : vector<16xf32> to vector<1x1x16xf32>
        tpu.vector_store %arg6[%swap3A_477, %swap3A_478, %swap3A_479], %swap3A_482 {strides = array<i32>} : memref<5x128x128xf32, #tpu.memory_space<vmem>>, vector<1x1x16xf32>,
        %get3A_483 = arith.constant 3 : i32
        %get3A_484 = arith.index_cast %get3A_483 : i32 to index
        %get3A_485 = arith.index_cast %scan3A_468 : i32 to index
        %get3A_486 = arith.constant 16 : index
        %get3A_487 = tpu.vector_load %arg6[%get3A_484, %get3A_485, %get3A_486] {strides = array<i32>} : memref<5x128x128xf32, #tpu.memory_space<vmem>>, vector<1x1x16xf32>,
        %get3A_488 = vector.shape_cast %get3A_487 : vector<1x1x16xf32> to vector<16xf32>
        %mul3A_489 = arith.constant 11.3137083 : f32
        %mul3A_490 = vector.broadcast %mul3A_489 : f32 to vector<16xf32>
        %mul3A_491 = arith.mulf %get3A_488, %mul3A_490 : vector<16xf32>
        %swap3A_492 = arith.constant 3 : i32
        %swap3A_493 = arith.index_cast %swap3A_492 : i32 to index
        %swap3A_494 = arith.index_cast %scan3A_468 : i32 to index
        %swap3A_495 = arith.constant 16 : index
        %swap3A_496 = tpu.vector_load %arg6[%swap3A_493, %swap3A_494, %swap3A_495] {strides = array<i32>} : memref<5x128x128xf32, #tpu.memory_space<vmem>>, vector<1x1x16xf32>,
        %swap3A_497 = vector.shape_cast %swap3A_496 : vector<1x1x16xf32> to vector<16xf32>
        %swap3A_498 = vector.shape_cast %mul3A_491 : vector<16xf32> to vector<1x1x16xf32>
        tpu.vector_store %arg6[%swap3A_493, %swap3A_494, %swap3A_495], %swap3A_498 {strides = array<i32>} : memref<5x128x128xf32, #tpu.memory_space<vmem>>, vector<1x1x16xf32>,
        %get3A_499 = arith.constant 3 : i32
        %get3A_500 = arith.index_cast %get3A_499 : i32 to index
        %get3A_501 = arith.index_cast %scan3A_468 : i32 to index
        %get3A_502 = arith.constant 32 : index
        %get3A_503 = tpu.vector_load %arg6[%get3A_500, %get3A_501, %get3A_502] {strides = array<i32>} : memref<5x128x128xf32, #tpu.memory_space<vmem>>, vector<1x1x16xf32>,
        %get3A_504 = vector.shape_cast %get3A_503 : vector<1x1x16xf32> to vector<16xf32>
        %mul3A_505 = arith.constant 11.3137083 : f32
        %mul3A_506 = vector.broadcast %mul3A_505 : f32 to vector<16xf32>
        %mul3A_507 = arith.mulf %get3A_504, %mul3A_506 : vector<16xf32>
        %swap3A_508 = arith.constant 3 : i32
        %swap3A_509 = arith.index_cast %swap3A_508 : i32 to index
        %swap3A_510 = arith.index_cast %scan3A_468 : i32 to index
        %swap3A_511 = arith.constant 32 : index
        %swap3A_512 = tpu.vector_load %arg6[%swap3A_509, %swap3A_510, %swap3A_511] {strides = array<i32>} : memref<5x128x128xf32, #tpu.memory_space<vmem>>, vector<1x1x16xf32>,
        %swap3A_513 = vector.shape_cast %swap3A_512 : vector<1x1x16xf32> to vector<16xf32>
        %swap3A_514 = vector.shape_cast %mul3A_507 : vector<16xf32> to vector<1x1x16xf32>
        tpu.vector_store %arg6[%swap3A_509, %swap3A_510, %swap3A_511], %swap3A_514 {strides = array<i32>} : memref<5x128x128xf32, #tpu.memory_space<vmem>>, vector<1x1x16xf32>,
        %get3A_515 = arith.constant 3 : i32
        %get3A_516 = arith.index_cast %get3A_515 : i32 to index
        %get3A_517 = arith.index_cast %scan3A_468 : i32 to index
        %get3A_518 = arith.constant 48 : index
        %get3A_519 = tpu.vector_load %arg6[%get3A_516, %get3A_517, %get3A_518] {strides = array<i32>} : memref<5x128x128xf32, #tpu.memory_space<vmem>>, vector<1x1x16xf32>,
        %get3A_520 = vector.shape_cast %get3A_519 : vector<1x1x16xf32> to vector<16xf32>
        %mul3A_521 = arith.constant 11.3137083 : f32
        %mul3A_522 = vector.broadcast %mul3A_521 : f32 to vector<16xf32>
        %mul3A_523 = arith.mulf %get3A_520, %mul3A_522 : vector<16xf32>
        %swap3A_524 = arith.constant 3 : i32
        %swap3A_525 = arith.index_cast %swap3A_524 : i32 to index
        %swap3A_526 = arith.index_cast %scan3A_468 : i32 to index
        %swap3A_527 = arith.constant 48 : index
        %swap3A_528 = tpu.vector_load %arg6[%swap3A_525, %swap3A_526, %swap3A_527] {strides = array<i32>} : memref<5x128x128xf32, #tpu.memory_space<vmem>>, vector<1x1x16xf32>,
        %swap3A_529 = vector.shape_cast %swap3A_528 : vector<1x1x16xf32> to vector<16xf32>
        %swap3A_530 = vector.shape_cast %mul3A_523 : vector<16xf32> to vector<1x1x16xf32>
        tpu.vector_store %arg6[%swap3A_525, %swap3A_526, %swap3A_527], %swap3A_530 {strides = array<i32>} : memref<5x128x128xf32, #tpu.memory_space<vmem>>, vector<1x1x16xf32>,
        %get3A_531 = arith.constant 3 : i32
        %get3A_532 = arith.index_cast %get3A_531 : i32 to index
        %get3A_533 = arith.index_cast %scan3A_468 : i32 to index
        %get3A_534 = arith.constant 64 : index
        %get3A_535 = tpu.vector_load %arg6[%get3A_532, %get3A_533, %get3A_534] {strides = array<i32>} : memref<5x128x128xf32, #tpu.memory_space<vmem>>, vector<1x1x16xf32>,
        %get3A_536 = vector.shape_cast %get3A_535 : vector<1x1x16xf32> to vector<16xf32>
        %mul3A_537 = arith.constant 11.3137083 : f32
        %mul3A_538 = vector.broadcast %mul3A_537 : f32 to vector<16xf32>
        %mul3A_539 = arith.mulf %get3A_536, %mul3A_538 : vector<16xf32>
        %swap3A_540 = arith.constant 3 : i32
        %swap3A_541 = arith.index_cast %swap3A_540 : i32 to index
        %swap3A_542 = arith.index_cast %scan3A_468 : i32 to index
        %swap3A_543 = arith.constant 64 : index
        %swap3A_544 = tpu.vector_load %arg6[%swap3A_541, %swap3A_542, %swap3A_543] {strides = array<i32>} : memref<5x128x128xf32, #tpu.memory_space<vmem>>, vector<1x1x16xf32>,
        %swap3A_545 = vector.shape_cast %swap3A_544 : vector<1x1x16xf32> to vector<16xf32>
        %swap3A_546 = vector.shape_cast %mul3A_539 : vector<16xf32> to vector<1x1x16xf32>
        tpu.vector_store %arg6[%swap3A_541, %swap3A_542, %swap3A_543], %swap3A_546 {strides = array<i32>} : memref<5x128x128xf32, #tpu.memory_space<vmem>>, vector<1x1x16xf32>,
        %get3A_547 = arith.constant 3 : i32
        %get3A_548 = arith.index_cast %get3A_547 : i32 to index
        %get3A_549 = arith.index_cast %scan3A_468 : i32 to index
        %get3A_550 = arith.constant 80 : index
        %get3A_551 = tpu.vector_load %arg6[%get3A_548, %get3A_549, %get3A_550] {strides = array<i32>} : memref<5x128x128xf32, #tpu.memory_space<vmem>>, vector<1x1x16xf32>,
        %get3A_552 = vector.shape_cast %get3A_551 : vector<1x1x16xf32> to vector<16xf32>
        %mul3A_553 = arith.constant 11.3137083 : f32
        %mul3A_554 = vector.broadcast %mul3A_553 : f32 to vector<16xf32>
        %mul3A_555 = arith.mulf %get3A_552, %mul3A_554 : vector<16xf32>
        %swap3A_556 = arith.constant 3 : i32
        %swap3A_557 = arith.index_cast %swap3A_556 : i32 to index
        %swap3A_558 = arith.index_cast %scan3A_468 : i32 to index
        %swap3A_559 = arith.constant 80 : index
        %swap3A_560 = tpu.vector_load %arg6[%swap3A_557, %swap3A_558, %swap3A_559] {strides = array<i32>} : memref<5x128x128xf32, #tpu.memory_space<vmem>>, vector<1x1x16xf32>,
        %swap3A_561 = vector.shape_cast %swap3A_560 : vector<1x1x16xf32> to vector<16xf32>
        %swap3A_562 = vector.shape_cast %mul3A_555 : vector<16xf32> to vector<1x1x16xf32>
        tpu.vector_store %arg6[%swap3A_557, %swap3A_558, %swap3A_559], %swap3A_562 {strides = array<i32>} : memref<5x128x128xf32, #tpu.memory_space<vmem>>, vector<1x1x16xf32>,
        %get3A_563 = arith.constant 3 : i32
        %get3A_564 = arith.index_cast %get3A_563 : i32 to index
        %get3A_565 = arith.index_cast %scan3A_468 : i32 to index
        %get3A_566 = arith.constant 96 : index
        %get3A_567 = tpu.vector_load %arg6[%get3A_564, %get3A_565, %get3A_566] {strides = array<i32>} : memref<5x128x128xf32, #tpu.memory_space<vmem>>, vector<1x1x16xf32>,
        %get3A_568 = vector.shape_cast %get3A_567 : vector<1x1x16xf32> to vector<16xf32>
        %mul3A_569 = arith.constant 11.3137083 : f32
        %mul3A_570 = vector.broadcast %mul3A_569 : f32 to vector<16xf32>
        %mul3A_571 = arith.mulf %get3A_568, %mul3A_570 : vector<16xf32>
        %swap3A_572 = arith.constant 3 : i32
        %swap3A_573 = arith.index_cast %swap3A_572 : i32 to index
        %swap3A_574 = arith.index_cast %scan3A_468 : i32 to index
        %swap3A_575 = arith.constant 96 : index
        %swap3A_576 = tpu.vector_load %arg6[%swap3A_573, %swap3A_574, %swap3A_575] {strides = array<i32>} : memref<5x128x128xf32, #tpu.memory_space<vmem>>, vector<1x1x16xf32>,
        %swap3A_577 = vector.shape_cast %swap3A_576 : vector<1x1x16xf32> to vector<16xf32>
        %swap3A_578 = vector.shape_cast %mul3A_571 : vector<16xf32> to vector<1x1x16xf32>
        tpu.vector_store %arg6[%swap3A_573, %swap3A_574, %swap3A_575], %swap3A_578 {strides = array<i32>} : memref<5x128x128xf32, #tpu.memory_space<vmem>>, vector<1x1x16xf32>,
        %get3A_579 = arith.constant 3 : i32
        %get3A_580 = arith.index_cast %get3A_579 : i32 to index
        %get3A_581 = arith.index_cast %scan3A_468 : i32 to index
        %get3A_582 = arith.constant 112 : index
        %get3A_583 = tpu.vector_load %arg6[%get3A_580, %get3A_581, %get3A_582] {strides = array<i32>} : memref<5x128x128xf32, #tpu.memory_space<vmem>>, vector<1x1x16xf32>,
        %get3A_584 = vector.shape_cast %get3A_583 : vector<1x1x16xf32> to vector<16xf32>
        %mul3A_585 = arith.constant 11.3137083 : f32
        %mul3A_586 = vector.broadcast %mul3A_585 : f32 to vector<16xf32>
        %mul3A_587 = arith.mulf %get3A_584, %mul3A_586 : vector<16xf32>
        %swap3A_588 = arith.constant 3 : i32
        %swap3A_589 = arith.index_cast %swap3A_588 : i32 to index
        %swap3A_590 = arith.index_cast %scan3A_468 : i32 to index
        %swap3A_591 = arith.constant 112 : index
        %swap3A_592 = tpu.vector_load %arg6[%swap3A_589, %swap3A_590, %swap3A_591] {strides = array<i32>} : memref<5x128x128xf32, #tpu.memory_space<vmem>>, vector<1x1x16xf32>,
        %swap3A_593 = vector.shape_cast %swap3A_592 : vector<1x1x16xf32> to vector<16xf32>
        %swap3A_594 = vector.shape_cast %mul3A_587 : vector<16xf32> to vector<1x1x16xf32>
        tpu.vector_store %arg6[%swap3A_589, %swap3A_590, %swap3A_591], %swap3A_594 {strides = array<i32>} : memref<5x128x128xf32, #tpu.memory_space<vmem>>, vector<1x1x16xf32>,
        %scan3A_595 = arith.constant 1 : i32
        %scan3A_596 = arith.addi %scan3A_468, %scan3A_595 : i32
        %get3A_597 = arith.constant 3 : i32
        %get3A_598 = arith.index_cast %get3A_597 : i32 to index
        %get3A_599 = arith.index_cast %scan3A_596 : i32 to index
        %get3A_600 = arith.constant 0 : index
        %get3A_601 = tpu.vector_load %arg6[%get3A_598, %get3A_599, %get3A_600] {strides = array<i32>} : memref<5x128x128xf32, #tpu.memory_space<vmem>>, vector<1x1x16xf32>,
        %get3A_602 = vector.shape_cast %get3A_601 : vector<1x1x16xf32> to vector<16xf32>
        %mul3A_603 = arith.constant 11.3137083 : f32
        %mul3A_604 = vector.broadcast %mul3A_603 : f32 to vector<16xf32>
        %mul3A_605 = arith.mulf %get3A_602, %mul3A_604 : vector<16xf32>
        %swap3A_606 = arith.constant 3 : i32
        %swap3A_607 = arith.index_cast %swap3A_606 : i32 to index
        %swap3A_608 = arith.index_cast %scan3A_596 : i32 to index
        %swap3A_609 = arith.constant 0 : index
        %swap3A_610 = tpu.vector_load %arg6[%swap3A_607, %swap3A_608, %swap3A_609] {strides = array<i32>} : memref<5x128x128xf32, #tpu.memory_space<vmem>>, vector<1x1x16xf32>,
        %swap3A_611 = vector.shape_cast %swap3A_610 : vector<1x1x16xf32> to vector<16xf32>
        %swap3A_612 = vector.shape_cast %mul3A_605 : vector<16xf32> to vector<1x1x16xf32>
        tpu.vector_store %arg6[%swap3A_607, %swap3A_608, %swap3A_609], %swap3A_612 {strides = array<i32>} : memref<5x128x128xf32, #tpu.memory_space<vmem>>, vector<1x1x16xf32>,
        %get3A_613 = arith.constant 3 : i32
        %get3A_614 = arith.index_cast %get3A_613 : i32 to index
        %get3A_615 = arith.index_cast %scan3A_596 : i32 to index
        %get3A_616 = arith.constant 16 : index
        %get3A_617 = tpu.vector_load %arg6[%get3A_614, %get3A_615, %get3A_616] {strides = array<i32>} : memref<5x128x128xf32, #tpu.memory_space<vmem>>, vector<1x1x16xf32>,
        %get3A_618 = vector.shape_cast %get3A_617 : vector<1x1x16xf32> to vector<16xf32>
        %mul3A_619 = arith.constant 11.3137083 : f32
        %mul3A_620 = vector.broadcast %mul3A_619 : f32 to vector<16xf32>
        %mul3A_621 = arith.mulf %get3A_618, %mul3A_620 : vector<16xf32>
        %swap3A_622 = arith.constant 3 : i32
        %swap3A_623 = arith.index_cast %swap3A_622 : i32 to index
        %swap3A_624 = arith.index_cast %scan3A_596 : i32 to index
        %swap3A_625 = arith.constant 16 : index
        %swap3A_626 = tpu.vector_load %arg6[%swap3A_623, %swap3A_624, %swap3A_625] {strides = array<i32>} : memref<5x128x128xf32, #tpu.memory_space<vmem>>, vector<1x1x16xf32>,
        %swap3A_627 = vector.shape_cast %swap3A_626 : vector<1x1x16xf32> to vector<16xf32>
        %swap3A_628 = vector.shape_cast %mul3A_621 : vector<16xf32> to vector<1x1x16xf32>
        tpu.vector_store %arg6[%swap3A_623, %swap3A_624, %swap3A_625], %swap3A_628 {strides = array<i32>} : memref<5x128x128xf32, #tpu.memory_space<vmem>>, vector<1x1x16xf32>,
        %get3A_629 = arith.constant 3 : i32
        %get3A_630 = arith.index_cast %get3A_629 : i32 to index
        %get3A_631 = arith.index_cast %scan3A_596 : i32 to index
        %get3A_632 = arith.constant 32 : index
        %get3A_633 = tpu.vector_load %arg6[%get3A_630, %get3A_631, %get3A_632] {strides = array<i32>} : memref<5x128x128xf32, #tpu.memory_space<vmem>>, vector<1x1x16xf32>,
        %get3A_634 = vector.shape_cast %get3A_633 : vector<1x1x16xf32> to vector<16xf32>
        %mul3A_635 = arith.constant 11.3137083 : f32
        %mul3A_636 = vector.broadcast %mul3A_635 : f32 to vector<16xf32>
        %mul3A_637 = arith.mulf %get3A_634, %mul3A_636 : vector<16xf32>
        %swap3A_638 = arith.constant 3 : i32
        %swap3A_639 = arith.index_cast %swap3A_638 : i32 to index
        %swap3A_640 = arith.index_cast %scan3A_596 : i32 to index
        %swap3A_641 = arith.constant 32 : index
        %swap3A_642 = tpu.vector_load %arg6[%swap3A_639, %swap3A_640, %swap3A_641] {strides = array<i32>} : memref<5x128x128xf32, #tpu.memory_space<vmem>>, vector<1x1x16xf32>,
        %swap3A_643 = vector.shape_cast %swap3A_642 : vector<1x1x16xf32> to vector<16xf32>
        %swap3A_644 = vector.shape_cast %mul3A_637 : vector<16xf32> to vector<1x1x16xf32>
        tpu.vector_store %arg6[%swap3A_639, %swap3A_640, %swap3A_641], %swap3A_644 {strides = array<i32>} : memref<5x128x128xf32, #tpu.memory_space<vmem>>, vector<1x1x16xf32>,
        %get3A_645 = arith.constant 3 : i32
        %get3A_646 = arith.index_cast %get3A_645 : i32 to index
        %get3A_647 = arith.index_cast %scan3A_596 : i32 to index
        %get3A_648 = arith.constant 48 : index
        %get3A_649 = tpu.vector_load %arg6[%get3A_646, %get3A_647, %get3A_648] {strides = array<i32>} : memref<5x128x128xf32, #tpu.memory_space<vmem>>, vector<1x1x16xf32>,
        %get3A_650 = vector.shape_cast %get3A_649 : vector<1x1x16xf32> to vector<16xf32>
        %mul3A_651 = arith.constant 11.3137083 : f32
        %mul3A_652 = vector.broadcast %mul3A_651 : f32 to vector<16xf32>
        %mul3A_653 = arith.mulf %get3A_650, %mul3A_652 : vector<16xf32>
        %swap3A_654 = arith.constant 3 : i32
        %swap3A_655 = arith.index_cast %swap3A_654 : i32 to index
        %swap3A_656 = arith.index_cast %scan3A_596 : i32 to index
        %swap3A_657 = arith.constant 48 : index
        %swap3A_658 = tpu.vector_load %arg6[%swap3A_655, %swap3A_656, %swap3A_657] {strides = array<i32>} : memref<5x128x128xf32, #tpu.memory_space<vmem>>, vector<1x1x16xf32>,
        %swap3A_659 = vector.shape_cast %swap3A_658 : vector<1x1x16xf32> to vector<16xf32>
        %swap3A_660 = vector.shape_cast %mul3A_653 : vector<16xf32> to vector<1x1x16xf32>
        tpu.vector_store %arg6[%swap3A_655, %swap3A_656, %swap3A_657], %swap3A_660 {strides = array<i32>} : memref<5x128x128xf32, #tpu.memory_space<vmem>>, vector<1x1x16xf32>,
        %get3A_661 = arith.constant 3 : i32
        %get3A_662 = arith.index_cast %get3A_661 : i32 to index
        %get3A_663 = arith.index_cast %scan3A_596 : i32 to index
        %get3A_664 = arith.constant 64 : index
        %get3A_665 = tpu.vector_load %arg6[%get3A_662, %get3A_663, %get3A_664] {strides = array<i32>} : memref<5x128x128xf32, #tpu.memory_space<vmem>>, vector<1x1x16xf32>,
        %get3A_666 = vector.shape_cast %get3A_665 : vector<1x1x16xf32> to vector<16xf32>
        %mul3A_667 = arith.constant 11.3137083 : f32
        %mul3A_668 = vector.broadcast %mul3A_667 : f32 to vector<16xf32>
        %mul3A_669 = arith.mulf %get3A_666, %mul3A_668 : vector<16xf32>
        %swap3A_670 = arith.constant 3 : i32
        %swap3A_671 = arith.index_cast %swap3A_670 : i32 to index
        %swap3A_672 = arith.index_cast %scan3A_596 : i32 to index
        %swap3A_673 = arith.constant 64 : index
        %swap3A_674 = tpu.vector_load %arg6[%swap3A_671, %swap3A_672, %swap3A_673] {strides = array<i32>} : memref<5x128x128xf32, #tpu.memory_space<vmem>>, vector<1x1x16xf32>,
        %swap3A_675 = vector.shape_cast %swap3A_674 : vector<1x1x16xf32> to vector<16xf32>
        %swap3A_676 = vector.shape_cast %mul3A_669 : vector<16xf32> to vector<1x1x16xf32>
        tpu.vector_store %arg6[%swap3A_671, %swap3A_672, %swap3A_673], %swap3A_676 {strides = array<i32>} : memref<5x128x128xf32, #tpu.memory_space<vmem>>, vector<1x1x16xf32>,
        %get3A_677 = arith.constant 3 : i32
        %get3A_678 = arith.index_cast %get3A_677 : i32 to index
        %get3A_679 = arith.index_cast %scan3A_596 : i32 to index
        %get3A_680 = arith.constant 80 : index
        %get3A_681 = tpu.vector_load %arg6[%get3A_678, %get3A_679, %get3A_680] {strides = array<i32>} : memref<5x128x128xf32, #tpu.memory_space<vmem>>, vector<1x1x16xf32>,
        %get3A_682 = vector.shape_cast %get3A_681 : vector<1x1x16xf32> to vector<16xf32>
        %mul3A_683 = arith.constant 11.3137083 : f32
        %mul3A_684 = vector.broadcast %mul3A_683 : f32 to vector<16xf32>
        %mul3A_685 = arith.mulf %get3A_682, %mul3A_684 : vector<16xf32>
        %swap3A_686 = arith.constant 3 : i32
        %swap3A_687 = arith.index_cast %swap3A_686 : i32 to index
        %swap3A_688 = arith.index_cast %scan3A_596 : i32 to index
        %swap3A_689 = arith.constant 80 : index
        %swap3A_690 = tpu.vector_load %arg6[%swap3A_687, %swap3A_688, %swap3A_689] {strides = array<i32>} : memref<5x128x128xf32, #tpu.memory_space<vmem>>, vector<1x1x16xf32>,
        %swap3A_691 = vector.shape_cast %swap3A_690 : vector<1x1x16xf32> to vector<16xf32>
        %swap3A_692 = vector.shape_cast %mul3A_685 : vector<16xf32> to vector<1x1x16xf32>
        tpu.vector_store %arg6[%swap3A_687, %swap3A_688, %swap3A_689], %swap3A_692 {strides = array<i32>} : memref<5x128x128xf32, #tpu.memory_space<vmem>>, vector<1x1x16xf32>,
        %get3A_693 = arith.constant 3 : i32
        %get3A_694 = arith.index_cast %get3A_693 : i32 to index
        %get3A_695 = arith.index_cast %scan3A_596 : i32 to index
        %get3A_696 = arith.constant 96 : index
        %get3A_697 = tpu.vector_load %arg6[%get3A_694, %get3A_695, %get3A_696] {strides = array<i32>} : memref<5x128x128xf32, #tpu.memory_space<vmem>>, vector<1x1x16xf32>,
        %get3A_698 = vector.shape_cast %get3A_697 : vector<1x1x16xf32> to vector<16xf32>
        %mul3A_699 = arith.constant 11.3137083 : f32
        %mul3A_700 = vector.broadcast %mul3A_699 : f32 to vector<16xf32>
        %mul3A_701 = arith.mulf %get3A_698, %mul3A_700 : vector<16xf32>
        %swap3A_702 = arith.constant 3 : i32
        %swap3A_703 = arith.index_cast %swap3A_702 : i32 to index
        %swap3A_704 = arith.index_cast %scan3A_596 : i32 to index
        %swap3A_705 = arith.constant 96 : index
        %swap3A_706 = tpu.vector_load %arg6[%swap3A_703, %swap3A_704, %swap3A_705] {strides = array<i32>} : memref<5x128x128xf32, #tpu.memory_space<vmem>>, vector<1x1x16xf32>,
        %swap3A_707 = vector.shape_cast %swap3A_706 : vector<1x1x16xf32> to vector<16xf32>
        %swap3A_708 = vector.shape_cast %mul3A_701 : vector<16xf32> to vector<1x1x16xf32>
        tpu.vector_store %arg6[%swap3A_703, %swap3A_704, %swap3A_705], %swap3A_708 {strides = array<i32>} : memref<5x128x128xf32, #tpu.memory_space<vmem>>, vector<1x1x16xf32>,
        %get3A_709 = arith.constant 3 : i32
        %get3A_710 = arith.index_cast %get3A_709 : i32 to index
        %get3A_711 = arith.index_cast %scan3A_596 : i32 to index
        %get3A_712 = arith.constant 112 : index
        %get3A_713 = tpu.vector_load %arg6[%get3A_710, %get3A_711, %get3A_712] {strides = array<i32>} : memref<5x128x128xf32, #tpu.memory_space<vmem>>, vector<1x1x16xf32>,
        %get3A_714 = vector.shape_cast %get3A_713 : vector<1x1x16xf32> to vector<16xf32>
        %mul3A_715 = arith.constant 11.3137083 : f32
        %mul3A_716 = vector.broadcast %mul3A_715 : f32 to vector<16xf32>
        %mul3A_717 = arith.mulf %get3A_714, %mul3A_716 : vector<16xf32>
        %swap3A_718 = arith.constant 3 : i32
        %swap3A_719 = arith.index_cast %swap3A_718 : i32 to index
        %swap3A_720 = arith.index_cast %scan3A_596 : i32 to index
        %swap3A_721 = arith.constant 112 : index
        %swap3A_722 = tpu.vector_load %arg6[%swap3A_719, %swap3A_720, %swap3A_721] {strides = array<i32>} : memref<5x128x128xf32, #tpu.memory_space<vmem>>, vector<1x1x16xf32>,
        %swap3A_723 = vector.shape_cast %swap3A_722 : vector<1x1x16xf32> to vector<16xf32>
        %swap3A_724 = vector.shape_cast %mul3A_717 : vector<16xf32> to vector<1x1x16xf32>
        tpu.vector_store %arg6[%swap3A_719, %swap3A_720, %swap3A_721], %swap3A_724 {strides = array<i32>} : memref<5x128x128xf32, #tpu.memory_space<vmem>>, vector<1x1x16xf32>,
      }
      %scan3A_350 = arith.constant 64 : i32
      %mul3A_351 = arith.constant 128 : i32
      %mul3A_352 = arith.muli %add3A_333, %mul3A_351 : i32
      %add3A_353 = arith.addi %mul3A_2, %mul3A_352 : i32
      %dma_start3A_354 = arith.constant 3 : i32
      %dma_start3A_355 = arith.constant 0 : i32
      %dma_start3A_356 = arith.constant 0 : i32
      %dma_start3A_357 = tpu.memref_slice %arg6[%dma_start3A_354, %dma_start3A_355, %dma_start3A_356] : memref<5x128x128xf32, #tpu.memory_space<vmem>> -> memref<1x64x128xf32, #tpu.memory_space<vmem>>
      %dma_start3A_358 = tpu.memref_squeeze %dma_start3A_357 : memref<1x64x128xf32, #tpu.memory_space<vmem>> -> memref<64x128xf32, #tpu.memory_space<vmem>>
      %dma_start3A_359 = arith.constant 0 : i32
      %dma_start3A_360 = tpu.memref_slice %arg4[%add3A_353, %dma_start3A_359] : memref<819200x128xf32, #tpu.memory_space<hbm>> -> memref<64x128xf32, #tpu.memory_space<hbm>>
      %dma_start3A_361 = arith.constant 0 : i32
      %dma_start3A_362 = tpu.memref_slice %arg4[%add3A_353, %dma_start3A_361] : memref<819200x128xf32, #tpu.memory_space<hbm>> -> memref<64x128xf32, #tpu.memory_space<hbm>>
      %dma_start3A_363 = arith.constant 0 : i32
      %dma_start3A_364 = arith.constant 0 : i32
      %dma_start3A_365 = tpu.memref_slice %arg6[%dma_start3A_354, %dma_start3A_363, %dma_start3A_364] : memref<5x128x128xf32, #tpu.memory_space<vmem>> -> memref<1x64x128xf32, #tpu.memory_space<vmem>>
      %dma_start3A_366 = tpu.memref_squeeze %dma_start3A_365 : memref<1x64x128xf32, #tpu.memory_space<vmem>> -> memref<64x128xf32, #tpu.memory_space<vmem>>
      tpu.enqueue_dma source(%dma_start3A_366 : memref<64x128xf32, #tpu.memory_space<vmem>>) target(%dma_start3A_362 : memref<64x128xf32, #tpu.memory_space<hbm>>) target_semaphore(%arg8 : memref<!tpu.dma_semaphore, #tpu.memory_space<semaphore_mem>>)
      %scan3A_367 = arith.constant 64 : i32
      %scan3A_368 = arith.constant 64 : i32
      %scan3A_369 = arith.addi %scan3A_367, %scan3A_368 : i32
      %scan3A_370 = arith.constant 2 : i32
      scf.for %scan3A_468 = %scan3A_367 to %scan3A_369 step %scan3A_370  : i32 {
        %get3A = arith.constant 3 : i32
        %get3A_469 = arith.index_cast %get3A : i32 to index
        %get3A_470 = arith.index_cast %scan3A_468 : i32 to index
        %get3A_471 = arith.constant 0 : index
        %get3A_472 = tpu.vector_load %arg6[%get3A_469, %get3A_470, %get3A_471] {strides = array<i32>} : memref<5x128x128xf32, #tpu.memory_space<vmem>>, vector<1x1x16xf32>,
        %get3A_473 = vector.shape_cast %get3A_472 : vector<1x1x16xf32> to vector<16xf32>
        %mul3A_474 = arith.constant 11.3137083 : f32
        %mul3A_475 = vector.broadcast %mul3A_474 : f32 to vector<16xf32>
        %mul3A_476 = arith.mulf %get3A_473, %mul3A_475 : vector<16xf32>
        %swap3A = arith.constant 3 : i32
        %swap3A_477 = arith.index_cast %swap3A : i32 to index
        %swap3A_478 = arith.index_cast %scan3A_468 : i32 to index
        %swap3A_479 = arith.constant 0 : index
        %swap3A_480 = tpu.vector_load %arg6[%swap3A_477, %swap3A_478, %swap3A_479] {strides = array<i32>} : memref<5x128x128xf32, #tpu.memory_space<vmem>>, vector<1x1x16xf32>,
        %swap3A_481 = vector.shape_cast %swap3A_480 : vector<1x1x16xf32> to vector<16xf32>
        %swap3A_482 = vector.shape_cast %mul3A_476 : vector<16xf32> to vector<1x1x16xf32>
        tpu.vector_store %arg6[%swap3A_477, %swap3A_478, %swap3A_479], %swap3A_482 {strides = array<i32>} : memref<5x128x128xf32, #tpu.memory_space<vmem>>, vector<1x1x16xf32>,
        %get3A_483 = arith.constant 3 : i32
        %get3A_484 = arith.index_cast %get3A_483 : i32 to index
        %get3A_485 = arith.index_cast %scan3A_468 : i32 to index
        %get3A_486 = arith.constant 16 : index
        %get3A_487 = tpu.vector_load %arg6[%get3A_484, %get3A_485, %get3A_486] {strides = array<i32>} : memref<5x128x128xf32, #tpu.memory_space<vmem>>, vector<1x1x16xf32>,
        %get3A_488 = vector.shape_cast %get3A_487 : vector<1x1x16xf32> to vector<16xf32>
        %mul3A_489 = arith.constant 11.3137083 : f32
        %mul3A_490 = vector.broadcast %mul3A_489 : f32 to vector<16xf32>
        %mul3A_491 = arith.mulf %get3A_488, %mul3A_490 : vector<16xf32>
        %swap3A_492 = arith.constant 3 : i32
        %swap3A_493 = arith.index_cast %swap3A_492 : i32 to index
        %swap3A_494 = arith.index_cast %scan3A_468 : i32 to index
        %swap3A_495 = arith.constant 16 : index
        %swap3A_496 = tpu.vector_load %arg6[%swap3A_493, %swap3A_494, %swap3A_495] {strides = array<i32>} : memref<5x128x128xf32, #tpu.memory_space<vmem>>, vector<1x1x16xf32>,
        %swap3A_497 = vector.shape_cast %swap3A_496 : vector<1x1x16xf32> to vector<16xf32>
        %swap3A_498 = vector.shape_cast %mul3A_491 : vector<16xf32> to vector<1x1x16xf32>
        tpu.vector_store %arg6[%swap3A_493, %swap3A_494, %swap3A_495], %swap3A_498 {strides = array<i32>} : memref<5x128x128xf32, #tpu.memory_space<vmem>>, vector<1x1x16xf32>,
        %get3A_499 = arith.constant 3 : i32
        %get3A_500 = arith.index_cast %get3A_499 : i32 to index
        %get3A_501 = arith.index_cast %scan3A_468 : i32 to index
        %get3A_502 = arith.constant 32 : index
        %get3A_503 = tpu.vector_load %arg6[%get3A_500, %get3A_501, %get3A_502] {strides = array<i32>} : memref<5x128x128xf32, #tpu.memory_space<vmem>>, vector<1x1x16xf32>,
        %get3A_504 = vector.shape_cast %get3A_503 : vector<1x1x16xf32> to vector<16xf32>
        %mul3A_505 = arith.constant 11.3137083 : f32
        %mul3A_506 = vector.broadcast %mul3A_505 : f32 to vector<16xf32>
        %mul3A_507 = arith.mulf %get3A_504, %mul3A_506 : vector<16xf32>
        %swap3A_508 = arith.constant 3 : i32
        %swap3A_509 = arith.index_cast %swap3A_508 : i32 to index
        %swap3A_510 = arith.index_cast %scan3A_468 : i32 to index
        %swap3A_511 = arith.constant 32 : index
        %swap3A_512 = tpu.vector_load %arg6[%swap3A_509, %swap3A_510, %swap3A_511] {strides = array<i32>} : memref<5x128x128xf32, #tpu.memory_space<vmem>>, vector<1x1x16xf32>,
        %swap3A_513 = vector.shape_cast %swap3A_512 : vector<1x1x16xf32> to vector<16xf32>
        %swap3A_514 = vector.shape_cast %mul3A_507 : vector<16xf32> to vector<1x1x16xf32>
        tpu.vector_store %arg6[%swap3A_509, %swap3A_510, %swap3A_511], %swap3A_514 {strides = array<i32>} : memref<5x128x128xf32, #tpu.memory_space<vmem>>, vector<1x1x16xf32>,
        %get3A_515 = arith.constant 3 : i32
        %get3A_516 = arith.index_cast %get3A_515 : i32 to index
        %get3A_517 = arith.index_cast %scan3A_468 : i32 to index
        %get3A_518 = arith.constant 48 : index
        %get3A_519 = tpu.vector_load %arg6[%get3A_516, %get3A_517, %get3A_518] {strides = array<i32>} : memref<5x128x128xf32, #tpu.memory_space<vmem>>, vector<1x1x16xf32>,
        %get3A_520 = vector.shape_cast %get3A_519 : vector<1x1x16xf32> to vector<16xf32>
        %mul3A_521 = arith.constant 11.3137083 : f32
        %mul3A_522 = vector.broadcast %mul3A_521 : f32 to vector<16xf32>
        %mul3A_523 = arith.mulf %get3A_520, %mul3A_522 : vector<16xf32>
        %swap3A_524 = arith.constant 3 : i32
        %swap3A_525 = arith.index_cast %swap3A_524 : i32 to index
        %swap3A_526 = arith.index_cast %scan3A_468 : i32 to index
        %swap3A_527 = arith.constant 48 : index
        %swap3A_528 = tpu.vector_load %arg6[%swap3A_525, %swap3A_526, %swap3A_527] {strides = array<i32>} : memref<5x128x128xf32, #tpu.memory_space<vmem>>, vector<1x1x16xf32>,
        %swap3A_529 = vector.shape_cast %swap3A_528 : vector<1x1x16xf32> to vector<16xf32>
        %swap3A_530 = vector.shape_cast %mul3A_523 : vector<16xf32> to vector<1x1x16xf32>
        tpu.vector_store %arg6[%swap3A_525, %swap3A_526, %swap3A_527], %swap3A_530 {strides = array<i32>} : memref<5x128x128xf32, #tpu.memory_space<vmem>>, vector<1x1x16xf32>,
        %get3A_531 = arith.constant 3 : i32
        %get3A_532 = arith.index_cast %get3A_531 : i32 to index
        %get3A_533 = arith.index_cast %scan3A_468 : i32 to index
        %get3A_534 = arith.constant 64 : index
        %get3A_535 = tpu.vector_load %arg6[%get3A_532, %get3A_533, %get3A_534] {strides = array<i32>} : memref<5x128x128xf32, #tpu.memory_space<vmem>>, vector<1x1x16xf32>,
        %get3A_536 = vector.shape_cast %get3A_535 : vector<1x1x16xf32> to vector<16xf32>
        %mul3A_537 = arith.constant 11.3137083 : f32
        %mul3A_538 = vector.broadcast %mul3A_537 : f32 to vector<16xf32>
        %mul3A_539 = arith.mulf %get3A_536, %mul3A_538 : vector<16xf32>
        %swap3A_540 = arith.constant 3 : i32
        %swap3A_541 = arith.index_cast %swap3A_540 : i32 to index
        %swap3A_542 = arith.index_cast %scan3A_468 : i32 to index
        %swap3A_543 = arith.constant 64 : index
        %swap3A_544 = tpu.vector_load %arg6[%swap3A_541, %swap3A_542, %swap3A_543] {strides = array<i32>} : memref<5x128x128xf32, #tpu.memory_space<vmem>>, vector<1x1x16xf32>,
        %swap3A_545 = vector.shape_cast %swap3A_544 : vector<1x1x16xf32> to vector<16xf32>
        %swap3A_546 = vector.shape_cast %mul3A_539 : vector<16xf32> to vector<1x1x16xf32>
        tpu.vector_store %arg6[%swap3A_541, %swap3A_542, %swap3A_543], %swap3A_546 {strides = array<i32>} : memref<5x128x128xf32, #tpu.memory_space<vmem>>, vector<1x1x16xf32>,
        %get3A_547 = arith.constant 3 : i32
        %get3A_548 = arith.index_cast %get3A_547 : i32 to index
        %get3A_549 = arith.index_cast %scan3A_468 : i32 to index
        %get3A_550 = arith.constant 80 : index
        %get3A_551 = tpu.vector_load %arg6[%get3A_548, %get3A_549, %get3A_550] {strides = array<i32>} : memref<5x128x128xf32, #tpu.memory_space<vmem>>, vector<1x1x16xf32>,
        %get3A_552 = vector.shape_cast %get3A_551 : vector<1x1x16xf32> to vector<16xf32>
        %mul3A_553 = arith.constant 11.3137083 : f32
        %mul3A_554 = vector.broadcast %mul3A_553 : f32 to vector<16xf32>
        %mul3A_555 = arith.mulf %get3A_552, %mul3A_554 : vector<16xf32>
        %swap3A_556 = arith.constant 3 : i32
        %swap3A_557 = arith.index_cast %swap3A_556 : i32 to index
        %swap3A_558 = arith.index_cast %scan3A_468 : i32 to index
        %swap3A_559 = arith.constant 80 : index
        %swap3A_560 = tpu.vector_load %arg6[%swap3A_557, %swap3A_558, %swap3A_559] {strides = array<i32>} : memref<5x128x128xf32, #tpu.memory_space<vmem>>, vector<1x1x16xf32>,
        %swap3A_561 = vector.shape_cast %swap3A_560 : vector<1x1x16xf32> to vector<16xf32>
        %swap3A_562 = vector.shape_cast %mul3A_555 : vector<16xf32> to vector<1x1x16xf32>
        tpu.vector_store %arg6[%swap3A_557, %swap3A_558, %swap3A_559], %swap3A_562 {strides = array<i32>} : memref<5x128x128xf32, #tpu.memory_space<vmem>>, vector<1x1x16xf32>,
        %get3A_563 = arith.constant 3 : i32
        %get3A_564 = arith.index_cast %get3A_563 : i32 to index
        %get3A_565 = arith.index_cast %scan3A_468 : i32 to index
        %get3A_566 = arith.constant 96 : index
        %get3A_567 = tpu.vector_load %arg6[%get3A_564, %get3A_565, %get3A_566] {strides = array<i32>} : memref<5x128x128xf32, #tpu.memory_space<vmem>>, vector<1x1x16xf32>,
        %get3A_568 = vector.shape_cast %get3A_567 : vector<1x1x16xf32> to vector<16xf32>
        %mul3A_569 = arith.constant 11.3137083 : f32
        %mul3A_570 = vector.broadcast %mul3A_569 : f32 to vector<16xf32>
        %mul3A_571 = arith.mulf %get3A_568, %mul3A_570 : vector<16xf32>
        %swap3A_572 = arith.constant 3 : i32
        %swap3A_573 = arith.index_cast %swap3A_572 : i32 to index
        %swap3A_574 = arith.index_cast %scan3A_468 : i32 to index
        %swap3A_575 = arith.constant 96 : index
        %swap3A_576 = tpu.vector_load %arg6[%swap3A_573, %swap3A_574, %swap3A_575] {strides = array<i32>} : memref<5x128x128xf32, #tpu.memory_space<vmem>>, vector<1x1x16xf32>,
        %swap3A_577 = vector.shape_cast %swap3A_576 : vector<1x1x16xf32> to vector<16xf32>
        %swap3A_578 = vector.shape_cast %mul3A_571 : vector<16xf32> to vector<1x1x16xf32>
        tpu.vector_store %arg6[%swap3A_573, %swap3A_574, %swap3A_575], %swap3A_578 {strides = array<i32>} : memref<5x128x128xf32, #tpu.memory_space<vmem>>, vector<1x1x16xf32>,
        %get3A_579 = arith.constant 3 : i32
        %get3A_580 = arith.index_cast %get3A_579 : i32 to index
        %get3A_581 = arith.index_cast %scan3A_468 : i32 to index
        %get3A_582 = arith.constant 112 : index
        %get3A_583 = tpu.vector_load %arg6[%get3A_580, %get3A_581, %get3A_582] {strides = array<i32>} : memref<5x128x128xf32, #tpu.memory_space<vmem>>, vector<1x1x16xf32>,
        %get3A_584 = vector.shape_cast %get3A_583 : vector<1x1x16xf32> to vector<16xf32>
        %mul3A_585 = arith.constant 11.3137083 : f32
        %mul3A_586 = vector.broadcast %mul3A_585 : f32 to vector<16xf32>
        %mul3A_587 = arith.mulf %get3A_584, %mul3A_586 : vector<16xf32>
        %swap3A_588 = arith.constant 3 : i32
        %swap3A_589 = arith.index_cast %swap3A_588 : i32 to index
        %swap3A_590 = arith.index_cast %scan3A_468 : i32 to index
        %swap3A_591 = arith.constant 112 : index
        %swap3A_592 = tpu.vector_load %arg6[%swap3A_589, %swap3A_590, %swap3A_591] {strides = array<i32>} : memref<5x128x128xf32, #tpu.memory_space<vmem>>, vector<1x1x16xf32>,
        %swap3A_593 = vector.shape_cast %swap3A_592 : vector<1x1x16xf32> to vector<16xf32>
        %swap3A_594 = vector.shape_cast %mul3A_587 : vector<16xf32> to vector<1x1x16xf32>
        tpu.vector_store %arg6[%swap3A_589, %swap3A_590, %swap3A_591], %swap3A_594 {strides = array<i32>} : memref<5x128x128xf32, #tpu.memory_space<vmem>>, vector<1x1x16xf32>,
        %scan3A_595 = arith.constant 1 : i32
        %scan3A_596 = arith.addi %scan3A_468, %scan3A_595 : i32
        %get3A_597 = arith.constant 3 : i32
        %get3A_598 = arith.index_cast %get3A_597 : i32 to index
        %get3A_599 = arith.index_cast %scan3A_596 : i32 to index
        %get3A_600 = arith.constant 0 : index
        %get3A_601 = tpu.vector_load %arg6[%get3A_598, %get3A_599, %get3A_600] {strides = array<i32>} : memref<5x128x128xf32, #tpu.memory_space<vmem>>, vector<1x1x16xf32>,
        %get3A_602 = vector.shape_cast %get3A_601 : vector<1x1x16xf32> to vector<16xf32>
        %mul3A_603 = arith.constant 11.3137083 : f32
        %mul3A_604 = vector.broadcast %mul3A_603 : f32 to vector<16xf32>
        %mul3A_605 = arith.mulf %get3A_602, %mul3A_604 : vector<16xf32>
        %swap3A_606 = arith.constant 3 : i32
        %swap3A_607 = arith.index_cast %swap3A_606 : i32 to index
        %swap3A_608 = arith.index_cast %scan3A_596 : i32 to index
        %swap3A_609 = arith.constant 0 : index
        %swap3A_610 = tpu.vector_load %arg6[%swap3A_607, %swap3A_608, %swap3A_609] {strides = array<i32>} : memref<5x128x128xf32, #tpu.memory_space<vmem>>, vector<1x1x16xf32>,
        %swap3A_611 = vector.shape_cast %swap3A_610 : vector<1x1x16xf32> to vector<16xf32>
        %swap3A_612 = vector.shape_cast %mul3A_605 : vector<16xf32> to vector<1x1x16xf32>
        tpu.vector_store %arg6[%swap3A_607, %swap3A_608, %swap3A_609], %swap3A_612 {strides = array<i32>} : memref<5x128x128xf32, #tpu.memory_space<vmem>>, vector<1x1x16xf32>,
        %get3A_613 = arith.constant 3 : i32
        %get3A_614 = arith.index_cast %get3A_613 : i32 to index
        %get3A_615 = arith.index_cast %scan3A_596 : i32 to index
        %get3A_616 = arith.constant 16 : index
        %get3A_617 = tpu.vector_load %arg6[%get3A_614, %get3A_615, %get3A_616] {strides = array<i32>} : memref<5x128x128xf32, #tpu.memory_space<vmem>>, vector<1x1x16xf32>,
        %get3A_618 = vector.shape_cast %get3A_617 : vector<1x1x16xf32> to vector<16xf32>
        %mul3A_619 = arith.constant 11.3137083 : f32
        %mul3A_620 = vector.broadcast %mul3A_619 : f32 to vector<16xf32>
        %mul3A_621 = arith.mulf %get3A_618, %mul3A_620 : vector<16xf32>
        %swap3A_622 = arith.constant 3 : i32
        %swap3A_623 = arith.index_cast %swap3A_622 : i32 to index
        %swap3A_624 = arith.index_cast %scan3A_596 : i32 to index
        %swap3A_625 = arith.constant 16 : index
        %swap3A_626 = tpu.vector_load %arg6[%swap3A_623, %swap3A_624, %swap3A_625] {strides = array<i32>} : memref<5x128x128xf32, #tpu.memory_space<vmem>>, vector<1x1x16xf32>,
        %swap3A_627 = vector.shape_cast %swap3A_626 : vector<1x1x16xf32> to vector<16xf32>
        %swap3A_628 = vector.shape_cast %mul3A_621 : vector<16xf32> to vector<1x1x16xf32>
        tpu.vector_store %arg6[%swap3A_623, %swap3A_624, %swap3A_625], %swap3A_628 {strides = array<i32>} : memref<5x128x128xf32, #tpu.memory_space<vmem>>, vector<1x1x16xf32>,
        %get3A_629 = arith.constant 3 : i32
        %get3A_630 = arith.index_cast %get3A_629 : i32 to index
        %get3A_631 = arith.index_cast %scan3A_596 : i32 to index
        %get3A_632 = arith.constant 32 : index
        %get3A_633 = tpu.vector_load %arg6[%get3A_630, %get3A_631, %get3A_632] {strides = array<i32>} : memref<5x128x128xf32, #tpu.memory_space<vmem>>, vector<1x1x16xf32>,
        %get3A_634 = vector.shape_cast %get3A_633 : vector<1x1x16xf32> to vector<16xf32>
        %mul3A_635 = arith.constant 11.3137083 : f32
        %mul3A_636 = vector.broadcast %mul3A_635 : f32 to vector<16xf32>
        %mul3A_637 = arith.mulf %get3A_634, %mul3A_636 : vector<16xf32>
        %swap3A_638 = arith.constant 3 : i32
        %swap3A_639 = arith.index_cast %swap3A_638 : i32 to index
        %swap3A_640 = arith.index_cast %scan3A_596 : i32 to index
        %swap3A_641 = arith.constant 32 : index
        %swap3A_642 = tpu.vector_load %arg6[%swap3A_639, %swap3A_640, %swap3A_641] {strides = array<i32>} : memref<5x128x128xf32, #tpu.memory_space<vmem>>, vector<1x1x16xf32>,
        %swap3A_643 = vector.shape_cast %swap3A_642 : vector<1x1x16xf32> to vector<16xf32>
        %swap3A_644 = vector.shape_cast %mul3A_637 : vector<16xf32> to vector<1x1x16xf32>
        tpu.vector_store %arg6[%swap3A_639, %swap3A_640, %swap3A_641], %swap3A_644 {strides = array<i32>} : memref<5x128x128xf32, #tpu.memory_space<vmem>>, vector<1x1x16xf32>,
        %get3A_645 = arith.constant 3 : i32
        %get3A_646 = arith.index_cast %get3A_645 : i32 to index
        %get3A_647 = arith.index_cast %scan3A_596 : i32 to index
        %get3A_648 = arith.constant 48 : index
        %get3A_649 = tpu.vector_load %arg6[%get3A_646, %get3A_647, %get3A_648] {strides = array<i32>} : memref<5x128x128xf32, #tpu.memory_space<vmem>>, vector<1x1x16xf32>,
        %get3A_650 = vector.shape_cast %get3A_649 : vector<1x1x16xf32> to vector<16xf32>
        %mul3A_651 = arith.constant 11.3137083 : f32
        %mul3A_652 = vector.broadcast %mul3A_651 : f32 to vector<16xf32>
        %mul3A_653 = arith.mulf %get3A_650, %mul3A_652 : vector<16xf32>
        %swap3A_654 = arith.constant 3 : i32
        %swap3A_655 = arith.index_cast %swap3A_654 : i32 to index
        %swap3A_656 = arith.index_cast %scan3A_596 : i32 to index
        %swap3A_657 = arith.constant 48 : index
        %swap3A_658 = tpu.vector_load %arg6[%swap3A_655, %swap3A_656, %swap3A_657] {strides = array<i32>} : memref<5x128x128xf32, #tpu.memory_space<vmem>>, vector<1x1x16xf32>,
        %swap3A_659 = vector.shape_cast %swap3A_658 : vector<1x1x16xf32> to vector<16xf32>
        %swap3A_660 = vector.shape_cast %mul3A_653 : vector<16xf32> to vector<1x1x16xf32>
        tpu.vector_store %arg6[%swap3A_655, %swap3A_656, %swap3A_657], %swap3A_660 {strides = array<i32>} : memref<5x128x128xf32, #tpu.memory_space<vmem>>, vector<1x1x16xf32>,
        %get3A_661 = arith.constant 3 : i32
        %get3A_662 = arith.index_cast %get3A_661 : i32 to index
        %get3A_663 = arith.index_cast %scan3A_596 : i32 to index
        %get3A_664 = arith.constant 64 : index
        %get3A_665 = tpu.vector_load %arg6[%get3A_662, %get3A_663, %get3A_664] {strides = array<i32>} : memref<5x128x128xf32, #tpu.memory_space<vmem>>, vector<1x1x16xf32>,
        %get3A_666 = vector.shape_cast %get3A_665 : vector<1x1x16xf32> to vector<16xf32>
        %mul3A_667 = arith.constant 11.3137083 : f32
        %mul3A_668 = vector.broadcast %mul3A_667 : f32 to vector<16xf32>
        %mul3A_669 = arith.mulf %get3A_666, %mul3A_668 : vector<16xf32>
        %swap3A_670 = arith.constant 3 : i32
        %swap3A_671 = arith.index_cast %swap3A_670 : i32 to index
        %swap3A_672 = arith.index_cast %scan3A_596 : i32 to index
        %swap3A_673 = arith.constant 64 : index
        %swap3A_674 = tpu.vector_load %arg6[%swap3A_671, %swap3A_672, %swap3A_673] {strides = array<i32>} : memref<5x128x128xf32, #tpu.memory_space<vmem>>, vector<1x1x16xf32>,
        %swap3A_675 = vector.shape_cast %swap3A_674 : vector<1x1x16xf32> to vector<16xf32>
        %swap3A_676 = vector.shape_cast %mul3A_669 : vector<16xf32> to vector<1x1x16xf32>
        tpu.vector_store %arg6[%swap3A_671, %swap3A_672, %swap3A_673], %swap3A_676 {strides = array<i32>} : memref<5x128x128xf32, #tpu.memory_space<vmem>>, vector<1x1x16xf32>,
        %get3A_677 = arith.constant 3 : i32
        %get3A_678 = arith.index_cast %get3A_677 : i32 to index
        %get3A_679 = arith.index_cast %scan3A_596 : i32 to index
        %get3A_680 = arith.constant 80 : index
        %get3A_681 = tpu.vector_load %arg6[%get3A_678, %get3A_679, %get3A_680] {strides = array<i32>} : memref<5x128x128xf32, #tpu.memory_space<vmem>>, vector<1x1x16xf32>,
        %get3A_682 = vector.shape_cast %get3A_681 : vector<1x1x16xf32> to vector<16xf32>
        %mul3A_683 = arith.constant 11.3137083 : f32
        %mul3A_684 = vector.broadcast %mul3A_683 : f32 to vector<16xf32>
        %mul3A_685 = arith.mulf %get3A_682, %mul3A_684 : vector<16xf32>
        %swap3A_686 = arith.constant 3 : i32
        %swap3A_687 = arith.index_cast %swap3A_686 : i32 to index
        %swap3A_688 = arith.index_cast %scan3A_596 : i32 to index
        %swap3A_689 = arith.constant 80 : index
        %swap3A_690 = tpu.vector_load %arg6[%swap3A_687, %swap3A_688, %swap3A_689] {strides = array<i32>} : memref<5x128x128xf32, #tpu.memory_space<vmem>>, vector<1x1x16xf32>,
        %swap3A_691 = vector.shape_cast %swap3A_690 : vector<1x1x16xf32> to vector<16xf32>
        %swap3A_692 = vector.shape_cast %mul3A_685 : vector<16xf32> to vector<1x1x16xf32>
        tpu.vector_store %arg6[%swap3A_687, %swap3A_688, %swap3A_689], %swap3A_692 {strides = array<i32>} : memref<5x128x128xf32, #tpu.memory_space<vmem>>, vector<1x1x16xf32>,
        %get3A_693 = arith.constant 3 : i32
        %get3A_694 = arith.index_cast %get3A_693 : i32 to index
        %get3A_695 = arith.index_cast %scan3A_596 : i32 to index
        %get3A_696 = arith.constant 96 : index
        %get3A_697 = tpu.vector_load %arg6[%get3A_694, %get3A_695, %get3A_696] {strides = array<i32>} : memref<5x128x128xf32, #tpu.memory_space<vmem>>, vector<1x1x16xf32>,
        %get3A_698 = vector.shape_cast %get3A_697 : vector<1x1x16xf32> to vector<16xf32>
        %mul3A_699 = arith.constant 11.3137083 : f32
        %mul3A_700 = vector.broadcast %mul3A_699 : f32 to vector<16xf32>
        %mul3A_701 = arith.mulf %get3A_698, %mul3A_700 : vector<16xf32>
        %swap3A_702 = arith.constant 3 : i32
        %swap3A_703 = arith.index_cast %swap3A_702 : i32 to index
        %swap3A_704 = arith.index_cast %scan3A_596 : i32 to index
        %swap3A_705 = arith.constant 96 : index
        %swap3A_706 = tpu.vector_load %arg6[%swap3A_703, %swap3A_704, %swap3A_705] {strides = array<i32>} : memref<5x128x128xf32, #tpu.memory_space<vmem>>, vector<1x1x16xf32>,
        %swap3A_707 = vector.shape_cast %swap3A_706 : vector<1x1x16xf32> to vector<16xf32>
        %swap3A_708 = vector.shape_cast %mul3A_701 : vector<16xf32> to vector<1x1x16xf32>
        tpu.vector_store %arg6[%swap3A_703, %swap3A_704, %swap3A_705], %swap3A_708 {strides = array<i32>} : memref<5x128x128xf32, #tpu.memory_space<vmem>>, vector<1x1x16xf32>,
        %get3A_709 = arith.constant 3 : i32
        %get3A_710 = arith.index_cast %get3A_709 : i32 to index
        %get3A_711 = arith.index_cast %scan3A_596 : i32 to index
        %get3A_712 = arith.constant 112 : index
        %get3A_713 = tpu.vector_load %arg6[%get3A_710, %get3A_711, %get3A_712] {strides = array<i32>} : memref<5x128x128xf32, #tpu.memory_space<vmem>>, vector<1x1x16xf32>,
        %get3A_714 = vector.shape_cast %get3A_713 : vector<1x1x16xf32> to vector<16xf32>
        %mul3A_715 = arith.constant 11.3137083 : f32
        %mul3A_716 = vector.broadcast %mul3A_715 : f32 to vector<16xf32>
        %mul3A_717 = arith.mulf %get3A_714, %mul3A_716 : vector<16xf32>
        %swap3A_718 = arith.constant 3 : i32
        %swap3A_719 = arith.index_cast %swap3A_718 : i32 to index
        %swap3A_720 = arith.index_cast %scan3A_596 : i32 to index
        %swap3A_721 = arith.constant 112 : index
        %swap3A_722 = tpu.vector_load %arg6[%swap3A_719, %swap3A_720, %swap3A_721] {strides = array<i32>} : memref<5x128x128xf32, #tpu.memory_space<vmem>>, vector<1x1x16xf32>,
        %swap3A_723 = vector.shape_cast %swap3A_722 : vector<1x1x16xf32> to vector<16xf32>
        %swap3A_724 = vector.shape_cast %mul3A_717 : vector<16xf32> to vector<1x1x16xf32>
        tpu.vector_store %arg6[%swap3A_719, %swap3A_720, %swap3A_721], %swap3A_724 {strides = array<i32>} : memref<5x128x128xf32, #tpu.memory_space<vmem>>, vector<1x1x16xf32>,
      }
      %scan3A_371 = arith.constant 64 : i32
      %mul3A_372 = arith.constant 128 : i32
      %mul3A_373 = arith.muli %add3A_333, %mul3A_372 : i32
      %add3A_374 = arith.addi %mul3A_2, %mul3A_373 : i32
      %add3A_375 = arith.constant 64 : i32
      %add3A_376 = arith.addi %add3A_374, %add3A_375 : i32
      %dma_start3A_377 = arith.constant 3 : i32
      %dma_start3A_378 = arith.constant 64 : i32
      %dma_start3A_379 = arith.constant 0 : i32
      %dma_start3A_380 = tpu.memref_slice %arg6[%dma_start3A_377, %dma_start3A_378, %dma_start3A_379] : memref<5x128x128xf32, #tpu.memory_space<vmem>> -> memref<1x64x128xf32, #tpu.memory_space<vmem>>
      %dma_start3A_381 = tpu.memref_squeeze %dma_start3A_380 : memref<1x64x128xf32, #tpu.memory_space<vmem>> -> memref<64x128xf32, #tpu.memory_space<vmem>>
      %dma_start3A_382 = arith.constant 0 : i32
      %dma_start3A_383 = tpu.memref_slice %arg4[%add3A_376, %dma_start3A_382] : memref<819200x128xf32, #tpu.memory_space<hbm>> -> memref<64x128xf32, #tpu.memory_space<hbm>>
      %dma_start3A_384 = arith.constant 0 : i32
      %dma_start3A_385 = tpu.memref_slice %arg4[%add3A_376, %dma_start3A_384] : memref<819200x128xf32, #tpu.memory_space<hbm>> -> memref<64x128xf32, #tpu.memory_space<hbm>>
      %dma_start3A_386 = arith.constant 64 : i32
      %dma_start3A_387 = arith.constant 0 : i32
      %dma_start3A_388 = tpu.memref_slice %arg6[%dma_start3A_377, %dma_start3A_386, %dma_start3A_387] : memref<5x128x128xf32, #tpu.memory_space<vmem>> -> memref<1x64x128xf32, #tpu.memory_space<vmem>>
      %dma_start3A_389 = tpu.memref_squeeze %dma_start3A_388 : memref<1x64x128xf32, #tpu.memory_space<vmem>> -> memref<64x128xf32, #tpu.memory_space<vmem>>
      tpu.enqueue_dma source(%dma_start3A_389 : memref<64x128xf32, #tpu.memory_space<vmem>>) target(%dma_start3A_385 : memref<64x128xf32, #tpu.memory_space<hbm>>) target_semaphore(%arg8 : memref<!tpu.dma_semaphore, #tpu.memory_space<semaphore_mem>>)
      %add3A_390 = arith.constant 2 : i32
      %add3A_391 = arith.addi %add3A_333, %add3A_390 : i32
      %ge3A_392 = arith.constant 5 : i32
      %ge3A_393 = arith.cmpi sge, %add3A_391, %ge3A_392 : i32
      %lt3A_394 = arith.constant 200 : i32
      %lt3A_395 = arith.cmpi slt, %add3A_391, %lt3A_394 : i32
      %and3A_396 = arith.andi %ge3A_393, %lt3A_395 : i1
      %convert_element_type3A_397 = arith.extui %and3A_396 : i1 to i32
      %cond3A_398 = arith.constant 0 : i32
      %cond3A_399 = arith.cmpi ne, %convert_element_type3A_397, %cond3A_398 : i32
      scf.if %cond3A_399 {
        %dma_wait3A_468 = arith.constant 0 : i32
        %dma_wait3A_469 = arith.constant 0 : i32
        %dma_wait3A_470 = arith.constant 0 : i32
        %dma_wait3A_471 = tpu.memref_slice %arg6[%dma_wait3A_468, %dma_wait3A_469, %dma_wait3A_470] : memref<5x128x128xf32, #tpu.memory_space<vmem>> -> memref<1x128x128xf32, #tpu.memory_space<vmem>>
        %dma_wait3A_472 = tpu.memref_squeeze %dma_wait3A_471 : memref<1x128x128xf32, #tpu.memory_space<vmem>> -> memref<128x128xf32, #tpu.memory_space<vmem>>
        %dma_wait3A_473 = arith.constant 0 : i32
        %dma_wait3A_474 = tpu.memref_slice %arg4[%mul3A_2, %dma_wait3A_473] : memref<819200x128xf32, #tpu.memory_space<hbm>> -> memref<128x128xf32, #tpu.memory_space<hbm>>
        %dma_wait3A_475 = arith.constant 0 : i32
        %dma_wait3A_476 = tpu.memref_slice %arg4[%mul3A_2, %dma_wait3A_475] : memref<819200x128xf32, #tpu.memory_space<hbm>> -> memref<128x128xf32, #tpu.memory_space<hbm>>
        %dma_wait3A_477 = arith.constant 0 : i32
        %dma_wait3A_478 = arith.constant 0 : i32
        %dma_wait3A_479 = tpu.memref_slice %arg6[%dma_wait3A_468, %dma_wait3A_477, %dma_wait3A_478] : memref<5x128x128xf32, #tpu.memory_space<vmem>> -> memref<1x128x128xf32, #tpu.memory_space<vmem>>
        %dma_wait3A_480 = tpu.memref_squeeze %dma_wait3A_479 : memref<1x128x128xf32, #tpu.memory_space<vmem>> -> memref<128x128xf32, #tpu.memory_space<vmem>>
        tpu.wait_dma2 semaphore(%arg8 : memref<!tpu.dma_semaphore, #tpu.memory_space<semaphore_mem>>) src(%dma_wait3A_480 : memref<128x128xf32, #tpu.memory_space<vmem>>) dst(%dma_wait3A_476 : memref<128x128xf32, #tpu.memory_space<hbm>>)
        %dma_start3A_481 = arith.constant 0 : i32
        %dma_start3A_482 = arith.constant 0 : i32
        %dma_start3A_483 = arith.constant 0 : i32
        %dma_start3A_484 = tpu.memref_slice %arg6[%dma_start3A_481, %dma_start3A_482, %dma_start3A_483] : memref<5x128x128xf32, #tpu.memory_space<vmem>> -> memref<1x128x128xf32, #tpu.memory_space<vmem>>
        %dma_start3A_485 = tpu.memref_squeeze %dma_start3A_484 : memref<1x128x128xf32, #tpu.memory_space<vmem>> -> memref<128x128xf32, #tpu.memory_space<vmem>>
        %dma_start3A_486 = arith.constant 0 : i32
        %dma_start3A_487 = tpu.memref_slice %arg5[%add3A_391, %dma_start3A_486] : memref<200x128xi32, #tpu.memory_space<vmem>> -> memref<1x128xi32, #tpu.memory_space<vmem>>
        %dma_start3A_488 = tpu.memref_squeeze %dma_start3A_487 : memref<1x128xi32, #tpu.memory_space<vmem>> -> memref<128xi32, #tpu.memory_space<vmem>>
        %dma_start3A_489 = arith.constant 0 : i32
        %dma_start3A_490 = arith.constant 0 : i32
        %dma_start3A_491 = tpu.memref_slice %arg2[%dma_start3A_489, %dma_start3A_490] : memref<100000x128xf32, #tpu.memory_space<hbm>> -> memref<100000x128xf32, #tpu.memory_space<hbm>>
        tpu.enqueue_indirect_dma source(%dma_start3A_491 : memref<100000x128xf32, #tpu.memory_space<hbm>>) target(%dma_start3A_485 : memref<128x128xf32, #tpu.memory_space<vmem>>) offsets(%dma_start3A_488 : memref<128xi32, #tpu.memory_space<vmem>>) semaphore(%arg7 : memref<!tpu.dma_semaphore, #tpu.memory_space<semaphore_mem>>)
      } else {
      }
      %add3A_400 = arith.constant 4 : i32
      %add3A_401 = arith.addi %mul3A_132, %add3A_400 : i32
      %dma_wait3A_402 = arith.constant 0 : i32
      %dma_wait3A_403 = arith.constant 4 : i32
      %dma_wait3A_404 = arith.constant 0 : i32
      %dma_wait3A_405 = arith.constant 0 : i32
      %dma_wait3A_406 = tpu.memref_slice %arg6[%dma_wait3A_403, %dma_wait3A_404, %dma_wait3A_405] : memref<5x128x128xf32, #tpu.memory_space<vmem>> -> memref<1x128x128xf32, #tpu.memory_space<vmem>>
      %dma_wait3A_407 = tpu.memref_squeeze %dma_wait3A_406 : memref<1x128x128xf32, #tpu.memory_space<vmem>> -> memref<128x128xf32, #tpu.memory_space<vmem>>
      %dma_wait3A_408 = arith.constant 0 : i32
      %dma_wait3A_409 = tpu.memref_slice %arg5[%dma_wait3A_402, %dma_wait3A_408] : memref<200x128xi32, #tpu.memory_space<vmem>> -> memref<1x128xi32, #tpu.memory_space<vmem>>
      %dma_wait3A_410 = tpu.memref_squeeze %dma_wait3A_409 : memref<1x128xi32, #tpu.memory_space<vmem>> -> memref<128xi32, #tpu.memory_space<vmem>>
      %dma_wait3A_411 = arith.constant 0 : i32
      %dma_wait3A_412 = arith.constant 0 : i32
      %dma_wait3A_413 = tpu.memref_slice %arg2[%dma_wait3A_411, %dma_wait3A_412] : memref<100000x128xf32, #tpu.memory_space<hbm>> -> memref<100000x128xf32, #tpu.memory_space<hbm>>
      tpu.wait_indirect_dma semaphore(%arg7 : memref<!tpu.dma_semaphore, #tpu.memory_space<semaphore_mem>>) src(%dma_wait3A_413 : memref<100000x128xf32, #tpu.memory_space<hbm>>) dst(%dma_wait3A_407 : memref<128x128xf32, #tpu.memory_space<vmem>>)
      %scan3A_414 = arith.constant 0 : i32
      %scan3A_415 = arith.constant 64 : i32
      %scan3A_416 = arith.addi %scan3A_414, %scan3A_415 : i32
      %scan3A_417 = arith.constant 2 : i32
      scf.for %scan3A_468 = %scan3A_414 to %scan3A_416 step %scan3A_417  : i32 {
        %get3A = arith.constant 4 : i32
        %get3A_469 = arith.index_cast %get3A : i32 to index
        %get3A_470 = arith.index_cast %scan3A_468 : i32 to index
        %get3A_471 = arith.constant 0 : index
        %get3A_472 = tpu.vector_load %arg6[%get3A_469, %get3A_470, %get3A_471] {strides = array<i32>} : memref<5x128x128xf32, #tpu.memory_space<vmem>>, vector<1x1x16xf32>,
        %get3A_473 = vector.shape_cast %get3A_472 : vector<1x1x16xf32> to vector<16xf32>
        %mul3A_474 = arith.constant 11.3137083 : f32
        %mul3A_475 = vector.broadcast %mul3A_474 : f32 to vector<16xf32>
        %mul3A_476 = arith.mulf %get3A_473, %mul3A_475 : vector<16xf32>
        %swap3A = arith.constant 4 : i32
        %swap3A_477 = arith.index_cast %swap3A : i32 to index
        %swap3A_478 = arith.index_cast %scan3A_468 : i32 to index
        %swap3A_479 = arith.constant 0 : index
        %swap3A_480 = tpu.vector_load %arg6[%swap3A_477, %swap3A_478, %swap3A_479] {strides = array<i32>} : memref<5x128x128xf32, #tpu.memory_space<vmem>>, vector<1x1x16xf32>,
        %swap3A_481 = vector.shape_cast %swap3A_480 : vector<1x1x16xf32> to vector<16xf32>
        %swap3A_482 = vector.shape_cast %mul3A_476 : vector<16xf32> to vector<1x1x16xf32>
        tpu.vector_store %arg6[%swap3A_477, %swap3A_478, %swap3A_479], %swap3A_482 {strides = array<i32>} : memref<5x128x128xf32, #tpu.memory_space<vmem>>, vector<1x1x16xf32>,
        %get3A_483 = arith.constant 4 : i32
        %get3A_484 = arith.index_cast %get3A_483 : i32 to index
        %get3A_485 = arith.index_cast %scan3A_468 : i32 to index
        %get3A_486 = arith.constant 16 : index
        %get3A_487 = tpu.vector_load %arg6[%get3A_484, %get3A_485, %get3A_486] {strides = array<i32>} : memref<5x128x128xf32, #tpu.memory_space<vmem>>, vector<1x1x16xf32>,
        %get3A_488 = vector.shape_cast %get3A_487 : vector<1x1x16xf32> to vector<16xf32>
        %mul3A_489 = arith.constant 11.3137083 : f32
        %mul3A_490 = vector.broadcast %mul3A_489 : f32 to vector<16xf32>
        %mul3A_491 = arith.mulf %get3A_488, %mul3A_490 : vector<16xf32>
        %swap3A_492 = arith.constant 4 : i32
        %swap3A_493 = arith.index_cast %swap3A_492 : i32 to index
        %swap3A_494 = arith.index_cast %scan3A_468 : i32 to index
        %swap3A_495 = arith.constant 16 : index
        %swap3A_496 = tpu.vector_load %arg6[%swap3A_493, %swap3A_494, %swap3A_495] {strides = array<i32>} : memref<5x128x128xf32, #tpu.memory_space<vmem>>, vector<1x1x16xf32>,
        %swap3A_497 = vector.shape_cast %swap3A_496 : vector<1x1x16xf32> to vector<16xf32>
        %swap3A_498 = vector.shape_cast %mul3A_491 : vector<16xf32> to vector<1x1x16xf32>
        tpu.vector_store %arg6[%swap3A_493, %swap3A_494, %swap3A_495], %swap3A_498 {strides = array<i32>} : memref<5x128x128xf32, #tpu.memory_space<vmem>>, vector<1x1x16xf32>,
        %get3A_499 = arith.constant 4 : i32
        %get3A_500 = arith.index_cast %get3A_499 : i32 to index
        %get3A_501 = arith.index_cast %scan3A_468 : i32 to index
        %get3A_502 = arith.constant 32 : index
        %get3A_503 = tpu.vector_load %arg6[%get3A_500, %get3A_501, %get3A_502] {strides = array<i32>} : memref<5x128x128xf32, #tpu.memory_space<vmem>>, vector<1x1x16xf32>,
        %get3A_504 = vector.shape_cast %get3A_503 : vector<1x1x16xf32> to vector<16xf32>
        %mul3A_505 = arith.constant 11.3137083 : f32
        %mul3A_506 = vector.broadcast %mul3A_505 : f32 to vector<16xf32>
        %mul3A_507 = arith.mulf %get3A_504, %mul3A_506 : vector<16xf32>
        %swap3A_508 = arith.constant 4 : i32
        %swap3A_509 = arith.index_cast %swap3A_508 : i32 to index
        %swap3A_510 = arith.index_cast %scan3A_468 : i32 to index
        %swap3A_511 = arith.constant 32 : index
        %swap3A_512 = tpu.vector_load %arg6[%swap3A_509, %swap3A_510, %swap3A_511] {strides = array<i32>} : memref<5x128x128xf32, #tpu.memory_space<vmem>>, vector<1x1x16xf32>,
        %swap3A_513 = vector.shape_cast %swap3A_512 : vector<1x1x16xf32> to vector<16xf32>
        %swap3A_514 = vector.shape_cast %mul3A_507 : vector<16xf32> to vector<1x1x16xf32>
        tpu.vector_store %arg6[%swap3A_509, %swap3A_510, %swap3A_511], %swap3A_514 {strides = array<i32>} : memref<5x128x128xf32, #tpu.memory_space<vmem>>, vector<1x1x16xf32>,
        %get3A_515 = arith.constant 4 : i32
        %get3A_516 = arith.index_cast %get3A_515 : i32 to index
        %get3A_517 = arith.index_cast %scan3A_468 : i32 to index
        %get3A_518 = arith.constant 48 : index
        %get3A_519 = tpu.vector_load %arg6[%get3A_516, %get3A_517, %get3A_518] {strides = array<i32>} : memref<5x128x128xf32, #tpu.memory_space<vmem>>, vector<1x1x16xf32>,
        %get3A_520 = vector.shape_cast %get3A_519 : vector<1x1x16xf32> to vector<16xf32>
        %mul3A_521 = arith.constant 11.3137083 : f32
        %mul3A_522 = vector.broadcast %mul3A_521 : f32 to vector<16xf32>
        %mul3A_523 = arith.mulf %get3A_520, %mul3A_522 : vector<16xf32>
        %swap3A_524 = arith.constant 4 : i32
        %swap3A_525 = arith.index_cast %swap3A_524 : i32 to index
        %swap3A_526 = arith.index_cast %scan3A_468 : i32 to index
        %swap3A_527 = arith.constant 48 : index
        %swap3A_528 = tpu.vector_load %arg6[%swap3A_525, %swap3A_526, %swap3A_527] {strides = array<i32>} : memref<5x128x128xf32, #tpu.memory_space<vmem>>, vector<1x1x16xf32>,
        %swap3A_529 = vector.shape_cast %swap3A_528 : vector<1x1x16xf32> to vector<16xf32>
        %swap3A_530 = vector.shape_cast %mul3A_523 : vector<16xf32> to vector<1x1x16xf32>
        tpu.vector_store %arg6[%swap3A_525, %swap3A_526, %swap3A_527], %swap3A_530 {strides = array<i32>} : memref<5x128x128xf32, #tpu.memory_space<vmem>>, vector<1x1x16xf32>,
        %get3A_531 = arith.constant 4 : i32
        %get3A_532 = arith.index_cast %get3A_531 : i32 to index
        %get3A_533 = arith.index_cast %scan3A_468 : i32 to index
        %get3A_534 = arith.constant 64 : index
        %get3A_535 = tpu.vector_load %arg6[%get3A_532, %get3A_533, %get3A_534] {strides = array<i32>} : memref<5x128x128xf32, #tpu.memory_space<vmem>>, vector<1x1x16xf32>,
        %get3A_536 = vector.shape_cast %get3A_535 : vector<1x1x16xf32> to vector<16xf32>
        %mul3A_537 = arith.constant 11.3137083 : f32
        %mul3A_538 = vector.broadcast %mul3A_537 : f32 to vector<16xf32>
        %mul3A_539 = arith.mulf %get3A_536, %mul3A_538 : vector<16xf32>
        %swap3A_540 = arith.constant 4 : i32
        %swap3A_541 = arith.index_cast %swap3A_540 : i32 to index
        %swap3A_542 = arith.index_cast %scan3A_468 : i32 to index
        %swap3A_543 = arith.constant 64 : index
        %swap3A_544 = tpu.vector_load %arg6[%swap3A_541, %swap3A_542, %swap3A_543] {strides = array<i32>} : memref<5x128x128xf32, #tpu.memory_space<vmem>>, vector<1x1x16xf32>,
        %swap3A_545 = vector.shape_cast %swap3A_544 : vector<1x1x16xf32> to vector<16xf32>
        %swap3A_546 = vector.shape_cast %mul3A_539 : vector<16xf32> to vector<1x1x16xf32>
        tpu.vector_store %arg6[%swap3A_541, %swap3A_542, %swap3A_543], %swap3A_546 {strides = array<i32>} : memref<5x128x128xf32, #tpu.memory_space<vmem>>, vector<1x1x16xf32>,
        %get3A_547 = arith.constant 4 : i32
        %get3A_548 = arith.index_cast %get3A_547 : i32 to index
        %get3A_549 = arith.index_cast %scan3A_468 : i32 to index
        %get3A_550 = arith.constant 80 : index
        %get3A_551 = tpu.vector_load %arg6[%get3A_548, %get3A_549, %get3A_550] {strides = array<i32>} : memref<5x128x128xf32, #tpu.memory_space<vmem>>, vector<1x1x16xf32>,
        %get3A_552 = vector.shape_cast %get3A_551 : vector<1x1x16xf32> to vector<16xf32>
        %mul3A_553 = arith.constant 11.3137083 : f32
        %mul3A_554 = vector.broadcast %mul3A_553 : f32 to vector<16xf32>
        %mul3A_555 = arith.mulf %get3A_552, %mul3A_554 : vector<16xf32>
        %swap3A_556 = arith.constant 4 : i32
        %swap3A_557 = arith.index_cast %swap3A_556 : i32 to index
        %swap3A_558 = arith.index_cast %scan3A_468 : i32 to index
        %swap3A_559 = arith.constant 80 : index
        %swap3A_560 = tpu.vector_load %arg6[%swap3A_557, %swap3A_558, %swap3A_559] {strides = array<i32>} : memref<5x128x128xf32, #tpu.memory_space<vmem>>, vector<1x1x16xf32>,
        %swap3A_561 = vector.shape_cast %swap3A_560 : vector<1x1x16xf32> to vector<16xf32>
        %swap3A_562 = vector.shape_cast %mul3A_555 : vector<16xf32> to vector<1x1x16xf32>
        tpu.vector_store %arg6[%swap3A_557, %swap3A_558, %swap3A_559], %swap3A_562 {strides = array<i32>} : memref<5x128x128xf32, #tpu.memory_space<vmem>>, vector<1x1x16xf32>,
        %get3A_563 = arith.constant 4 : i32
        %get3A_564 = arith.index_cast %get3A_563 : i32 to index
        %get3A_565 = arith.index_cast %scan3A_468 : i32 to index
        %get3A_566 = arith.constant 96 : index
        %get3A_567 = tpu.vector_load %arg6[%get3A_564, %get3A_565, %get3A_566] {strides = array<i32>} : memref<5x128x128xf32, #tpu.memory_space<vmem>>, vector<1x1x16xf32>,
        %get3A_568 = vector.shape_cast %get3A_567 : vector<1x1x16xf32> to vector<16xf32>
        %mul3A_569 = arith.constant 11.3137083 : f32
        %mul3A_570 = vector.broadcast %mul3A_569 : f32 to vector<16xf32>
        %mul3A_571 = arith.mulf %get3A_568, %mul3A_570 : vector<16xf32>
        %swap3A_572 = arith.constant 4 : i32
        %swap3A_573 = arith.index_cast %swap3A_572 : i32 to index
        %swap3A_574 = arith.index_cast %scan3A_468 : i32 to index
        %swap3A_575 = arith.constant 96 : index
        %swap3A_576 = tpu.vector_load %arg6[%swap3A_573, %swap3A_574, %swap3A_575] {strides = array<i32>} : memref<5x128x128xf32, #tpu.memory_space<vmem>>, vector<1x1x16xf32>,
        %swap3A_577 = vector.shape_cast %swap3A_576 : vector<1x1x16xf32> to vector<16xf32>
        %swap3A_578 = vector.shape_cast %mul3A_571 : vector<16xf32> to vector<1x1x16xf32>
        tpu.vector_store %arg6[%swap3A_573, %swap3A_574, %swap3A_575], %swap3A_578 {strides = array<i32>} : memref<5x128x128xf32, #tpu.memory_space<vmem>>, vector<1x1x16xf32>,
        %get3A_579 = arith.constant 4 : i32
        %get3A_580 = arith.index_cast %get3A_579 : i32 to index
        %get3A_581 = arith.index_cast %scan3A_468 : i32 to index
        %get3A_582 = arith.constant 112 : index
        %get3A_583 = tpu.vector_load %arg6[%get3A_580, %get3A_581, %get3A_582] {strides = array<i32>} : memref<5x128x128xf32, #tpu.memory_space<vmem>>, vector<1x1x16xf32>,
        %get3A_584 = vector.shape_cast %get3A_583 : vector<1x1x16xf32> to vector<16xf32>
        %mul3A_585 = arith.constant 11.3137083 : f32
        %mul3A_586 = vector.broadcast %mul3A_585 : f32 to vector<16xf32>
        %mul3A_587 = arith.mulf %get3A_584, %mul3A_586 : vector<16xf32>
        %swap3A_588 = arith.constant 4 : i32
        %swap3A_589 = arith.index_cast %swap3A_588 : i32 to index
        %swap3A_590 = arith.index_cast %scan3A_468 : i32 to index
        %swap3A_591 = arith.constant 112 : index
        %swap3A_592 = tpu.vector_load %arg6[%swap3A_589, %swap3A_590, %swap3A_591] {strides = array<i32>} : memref<5x128x128xf32, #tpu.memory_space<vmem>>, vector<1x1x16xf32>,
        %swap3A_593 = vector.shape_cast %swap3A_592 : vector<1x1x16xf32> to vector<16xf32>
        %swap3A_594 = vector.shape_cast %mul3A_587 : vector<16xf32> to vector<1x1x16xf32>
        tpu.vector_store %arg6[%swap3A_589, %swap3A_590, %swap3A_591], %swap3A_594 {strides = array<i32>} : memref<5x128x128xf32, #tpu.memory_space<vmem>>, vector<1x1x16xf32>,
        %scan3A_595 = arith.constant 1 : i32
        %scan3A_596 = arith.addi %scan3A_468, %scan3A_595 : i32
        %get3A_597 = arith.constant 4 : i32
        %get3A_598 = arith.index_cast %get3A_597 : i32 to index
        %get3A_599 = arith.index_cast %scan3A_596 : i32 to index
        %get3A_600 = arith.constant 0 : index
        %get3A_601 = tpu.vector_load %arg6[%get3A_598, %get3A_599, %get3A_600] {strides = array<i32>} : memref<5x128x128xf32, #tpu.memory_space<vmem>>, vector<1x1x16xf32>,
        %get3A_602 = vector.shape_cast %get3A_601 : vector<1x1x16xf32> to vector<16xf32>
        %mul3A_603 = arith.constant 11.3137083 : f32
        %mul3A_604 = vector.broadcast %mul3A_603 : f32 to vector<16xf32>
        %mul3A_605 = arith.mulf %get3A_602, %mul3A_604 : vector<16xf32>
        %swap3A_606 = arith.constant 4 : i32
        %swap3A_607 = arith.index_cast %swap3A_606 : i32 to index
        %swap3A_608 = arith.index_cast %scan3A_596 : i32 to index
        %swap3A_609 = arith.constant 0 : index
        %swap3A_610 = tpu.vector_load %arg6[%swap3A_607, %swap3A_608, %swap3A_609] {strides = array<i32>} : memref<5x128x128xf32, #tpu.memory_space<vmem>>, vector<1x1x16xf32>,
        %swap3A_611 = vector.shape_cast %swap3A_610 : vector<1x1x16xf32> to vector<16xf32>
        %swap3A_612 = vector.shape_cast %mul3A_605 : vector<16xf32> to vector<1x1x16xf32>
        tpu.vector_store %arg6[%swap3A_607, %swap3A_608, %swap3A_609], %swap3A_612 {strides = array<i32>} : memref<5x128x128xf32, #tpu.memory_space<vmem>>, vector<1x1x16xf32>,
        %get3A_613 = arith.constant 4 : i32
        %get3A_614 = arith.index_cast %get3A_613 : i32 to index
        %get3A_615 = arith.index_cast %scan3A_596 : i32 to index
        %get3A_616 = arith.constant 16 : index
        %get3A_617 = tpu.vector_load %arg6[%get3A_614, %get3A_615, %get3A_616] {strides = array<i32>} : memref<5x128x128xf32, #tpu.memory_space<vmem>>, vector<1x1x16xf32>,
        %get3A_618 = vector.shape_cast %get3A_617 : vector<1x1x16xf32> to vector<16xf32>
        %mul3A_619 = arith.constant 11.3137083 : f32
        %mul3A_620 = vector.broadcast %mul3A_619 : f32 to vector<16xf32>
        %mul3A_621 = arith.mulf %get3A_618, %mul3A_620 : vector<16xf32>
        %swap3A_622 = arith.constant 4 : i32
        %swap3A_623 = arith.index_cast %swap3A_622 : i32 to index
        %swap3A_624 = arith.index_cast %scan3A_596 : i32 to index
        %swap3A_625 = arith.constant 16 : index
        %swap3A_626 = tpu.vector_load %arg6[%swap3A_623, %swap3A_624, %swap3A_625] {strides = array<i32>} : memref<5x128x128xf32, #tpu.memory_space<vmem>>, vector<1x1x16xf32>,
        %swap3A_627 = vector.shape_cast %swap3A_626 : vector<1x1x16xf32> to vector<16xf32>
        %swap3A_628 = vector.shape_cast %mul3A_621 : vector<16xf32> to vector<1x1x16xf32>
        tpu.vector_store %arg6[%swap3A_623, %swap3A_624, %swap3A_625], %swap3A_628 {strides = array<i32>} : memref<5x128x128xf32, #tpu.memory_space<vmem>>, vector<1x1x16xf32>,
        %get3A_629 = arith.constant 4 : i32
        %get3A_630 = arith.index_cast %get3A_629 : i32 to index
        %get3A_631 = arith.index_cast %scan3A_596 : i32 to index
        %get3A_632 = arith.constant 32 : index
        %get3A_633 = tpu.vector_load %arg6[%get3A_630, %get3A_631, %get3A_632] {strides = array<i32>} : memref<5x128x128xf32, #tpu.memory_space<vmem>>, vector<1x1x16xf32>,
        %get3A_634 = vector.shape_cast %get3A_633 : vector<1x1x16xf32> to vector<16xf32>
        %mul3A_635 = arith.constant 11.3137083 : f32
        %mul3A_636 = vector.broadcast %mul3A_635 : f32 to vector<16xf32>
        %mul3A_637 = arith.mulf %get3A_634, %mul3A_636 : vector<16xf32>
        %swap3A_638 = arith.constant 4 : i32
        %swap3A_639 = arith.index_cast %swap3A_638 : i32 to index
        %swap3A_640 = arith.index_cast %scan3A_596 : i32 to index
        %swap3A_641 = arith.constant 32 : index
        %swap3A_642 = tpu.vector_load %arg6[%swap3A_639, %swap3A_640, %swap3A_641] {strides = array<i32>} : memref<5x128x128xf32, #tpu.memory_space<vmem>>, vector<1x1x16xf32>,
        %swap3A_643 = vector.shape_cast %swap3A_642 : vector<1x1x16xf32> to vector<16xf32>
        %swap3A_644 = vector.shape_cast %mul3A_637 : vector<16xf32> to vector<1x1x16xf32>
        tpu.vector_store %arg6[%swap3A_639, %swap3A_640, %swap3A_641], %swap3A_644 {strides = array<i32>} : memref<5x128x128xf32, #tpu.memory_space<vmem>>, vector<1x1x16xf32>,
        %get3A_645 = arith.constant 4 : i32
        %get3A_646 = arith.index_cast %get3A_645 : i32 to index
        %get3A_647 = arith.index_cast %scan3A_596 : i32 to index
        %get3A_648 = arith.constant 48 : index
        %get3A_649 = tpu.vector_load %arg6[%get3A_646, %get3A_647, %get3A_648] {strides = array<i32>} : memref<5x128x128xf32, #tpu.memory_space<vmem>>, vector<1x1x16xf32>,
        %get3A_650 = vector.shape_cast %get3A_649 : vector<1x1x16xf32> to vector<16xf32>
        %mul3A_651 = arith.constant 11.3137083 : f32
        %mul3A_652 = vector.broadcast %mul3A_651 : f32 to vector<16xf32>
        %mul3A_653 = arith.mulf %get3A_650, %mul3A_652 : vector<16xf32>
        %swap3A_654 = arith.constant 4 : i32
        %swap3A_655 = arith.index_cast %swap3A_654 : i32 to index
        %swap3A_656 = arith.index_cast %scan3A_596 : i32 to index
        %swap3A_657 = arith.constant 48 : index
        %swap3A_658 = tpu.vector_load %arg6[%swap3A_655, %swap3A_656, %swap3A_657] {strides = array<i32>} : memref<5x128x128xf32, #tpu.memory_space<vmem>>, vector<1x1x16xf32>,
        %swap3A_659 = vector.shape_cast %swap3A_658 : vector<1x1x16xf32> to vector<16xf32>
        %swap3A_660 = vector.shape_cast %mul3A_653 : vector<16xf32> to vector<1x1x16xf32>
        tpu.vector_store %arg6[%swap3A_655, %swap3A_656, %swap3A_657], %swap3A_660 {strides = array<i32>} : memref<5x128x128xf32, #tpu.memory_space<vmem>>, vector<1x1x16xf32>,
        %get3A_661 = arith.constant 4 : i32
        %get3A_662 = arith.index_cast %get3A_661 : i32 to index
        %get3A_663 = arith.index_cast %scan3A_596 : i32 to index
        %get3A_664 = arith.constant 64 : index
        %get3A_665 = tpu.vector_load %arg6[%get3A_662, %get3A_663, %get3A_664] {strides = array<i32>} : memref<5x128x128xf32, #tpu.memory_space<vmem>>, vector<1x1x16xf32>,
        %get3A_666 = vector.shape_cast %get3A_665 : vector<1x1x16xf32> to vector<16xf32>
        %mul3A_667 = arith.constant 11.3137083 : f32
        %mul3A_668 = vector.broadcast %mul3A_667 : f32 to vector<16xf32>
        %mul3A_669 = arith.mulf %get3A_666, %mul3A_668 : vector<16xf32>
        %swap3A_670 = arith.constant 4 : i32
        %swap3A_671 = arith.index_cast %swap3A_670 : i32 to index
        %swap3A_672 = arith.index_cast %scan3A_596 : i32 to index
        %swap3A_673 = arith.constant 64 : index
        %swap3A_674 = tpu.vector_load %arg6[%swap3A_671, %swap3A_672, %swap3A_673] {strides = array<i32>} : memref<5x128x128xf32, #tpu.memory_space<vmem>>, vector<1x1x16xf32>,
        %swap3A_675 = vector.shape_cast %swap3A_674 : vector<1x1x16xf32> to vector<16xf32>
        %swap3A_676 = vector.shape_cast %mul3A_669 : vector<16xf32> to vector<1x1x16xf32>
        tpu.vector_store %arg6[%swap3A_671, %swap3A_672, %swap3A_673], %swap3A_676 {strides = array<i32>} : memref<5x128x128xf32, #tpu.memory_space<vmem>>, vector<1x1x16xf32>,
        %get3A_677 = arith.constant 4 : i32
        %get3A_678 = arith.index_cast %get3A_677 : i32 to index
        %get3A_679 = arith.index_cast %scan3A_596 : i32 to index
        %get3A_680 = arith.constant 80 : index
        %get3A_681 = tpu.vector_load %arg6[%get3A_678, %get3A_679, %get3A_680] {strides = array<i32>} : memref<5x128x128xf32, #tpu.memory_space<vmem>>, vector<1x1x16xf32>,
        %get3A_682 = vector.shape_cast %get3A_681 : vector<1x1x16xf32> to vector<16xf32>
        %mul3A_683 = arith.constant 11.3137083 : f32
        %mul3A_684 = vector.broadcast %mul3A_683 : f32 to vector<16xf32>
        %mul3A_685 = arith.mulf %get3A_682, %mul3A_684 : vector<16xf32>
        %swap3A_686 = arith.constant 4 : i32
        %swap3A_687 = arith.index_cast %swap3A_686 : i32 to index
        %swap3A_688 = arith.index_cast %scan3A_596 : i32 to index
        %swap3A_689 = arith.constant 80 : index
        %swap3A_690 = tpu.vector_load %arg6[%swap3A_687, %swap3A_688, %swap3A_689] {strides = array<i32>} : memref<5x128x128xf32, #tpu.memory_space<vmem>>, vector<1x1x16xf32>,
        %swap3A_691 = vector.shape_cast %swap3A_690 : vector<1x1x16xf32> to vector<16xf32>
        %swap3A_692 = vector.shape_cast %mul3A_685 : vector<16xf32> to vector<1x1x16xf32>
        tpu.vector_store %arg6[%swap3A_687, %swap3A_688, %swap3A_689], %swap3A_692 {strides = array<i32>} : memref<5x128x128xf32, #tpu.memory_space<vmem>>, vector<1x1x16xf32>,
        %get3A_693 = arith.constant 4 : i32
        %get3A_694 = arith.index_cast %get3A_693 : i32 to index
        %get3A_695 = arith.index_cast %scan3A_596 : i32 to index
        %get3A_696 = arith.constant 96 : index
        %get3A_697 = tpu.vector_load %arg6[%get3A_694, %get3A_695, %get3A_696] {strides = array<i32>} : memref<5x128x128xf32, #tpu.memory_space<vmem>>, vector<1x1x16xf32>,
        %get3A_698 = vector.shape_cast %get3A_697 : vector<1x1x16xf32> to vector<16xf32>
        %mul3A_699 = arith.constant 11.3137083 : f32
        %mul3A_700 = vector.broadcast %mul3A_699 : f32 to vector<16xf32>
        %mul3A_701 = arith.mulf %get3A_698, %mul3A_700 : vector<16xf32>
        %swap3A_702 = arith.constant 4 : i32
        %swap3A_703 = arith.index_cast %swap3A_702 : i32 to index
        %swap3A_704 = arith.index_cast %scan3A_596 : i32 to index
        %swap3A_705 = arith.constant 96 : index
        %swap3A_706 = tpu.vector_load %arg6[%swap3A_703, %swap3A_704, %swap3A_705] {strides = array<i32>} : memref<5x128x128xf32, #tpu.memory_space<vmem>>, vector<1x1x16xf32>,
        %swap3A_707 = vector.shape_cast %swap3A_706 : vector<1x1x16xf32> to vector<16xf32>
        %swap3A_708 = vector.shape_cast %mul3A_701 : vector<16xf32> to vector<1x1x16xf32>
        tpu.vector_store %arg6[%swap3A_703, %swap3A_704, %swap3A_705], %swap3A_708 {strides = array<i32>} : memref<5x128x128xf32, #tpu.memory_space<vmem>>, vector<1x1x16xf32>,
        %get3A_709 = arith.constant 4 : i32
        %get3A_710 = arith.index_cast %get3A_709 : i32 to index
        %get3A_711 = arith.index_cast %scan3A_596 : i32 to index
        %get3A_712 = arith.constant 112 : index
        %get3A_713 = tpu.vector_load %arg6[%get3A_710, %get3A_711, %get3A_712] {strides = array<i32>} : memref<5x128x128xf32, #tpu.memory_space<vmem>>, vector<1x1x16xf32>,
        %get3A_714 = vector.shape_cast %get3A_713 : vector<1x1x16xf32> to vector<16xf32>
        %mul3A_715 = arith.constant 11.3137083 : f32
        %mul3A_716 = vector.broadcast %mul3A_715 : f32 to vector<16xf32>
        %mul3A_717 = arith.mulf %get3A_714, %mul3A_716 : vector<16xf32>
        %swap3A_718 = arith.constant 4 : i32
        %swap3A_719 = arith.index_cast %swap3A_718 : i32 to index
        %swap3A_720 = arith.index_cast %scan3A_596 : i32 to index
        %swap3A_721 = arith.constant 112 : index
        %swap3A_722 = tpu.vector_load %arg6[%swap3A_719, %swap3A_720, %swap3A_721] {strides = array<i32>} : memref<5x128x128xf32, #tpu.memory_space<vmem>>, vector<1x1x16xf32>,
        %swap3A_723 = vector.shape_cast %swap3A_722 : vector<1x1x16xf32> to vector<16xf32>
        %swap3A_724 = vector.shape_cast %mul3A_717 : vector<16xf32> to vector<1x1x16xf32>
        tpu.vector_store %arg6[%swap3A_719, %swap3A_720, %swap3A_721], %swap3A_724 {strides = array<i32>} : memref<5x128x128xf32, #tpu.memory_space<vmem>>, vector<1x1x16xf32>,
      }
      %scan3A_418 = arith.constant 64 : i32
      %mul3A_419 = arith.constant 128 : i32
      %mul3A_420 = arith.muli %add3A_401, %mul3A_419 : i32
      %add3A_421 = arith.addi %mul3A_2, %mul3A_420 : i32
      %dma_start3A_422 = arith.constant 4 : i32
      %dma_start3A_423 = arith.constant 0 : i32
      %dma_start3A_424 = arith.constant 0 : i32
      %dma_start3A_425 = tpu.memref_slice %arg6[%dma_start3A_422, %dma_start3A_423, %dma_start3A_424] : memref<5x128x128xf32, #tpu.memory_space<vmem>> -> memref<1x64x128xf32, #tpu.memory_space<vmem>>
      %dma_start3A_426 = tpu.memref_squeeze %dma_start3A_425 : memref<1x64x128xf32, #tpu.memory_space<vmem>> -> memref<64x128xf32, #tpu.memory_space<vmem>>
      %dma_start3A_427 = arith.constant 0 : i32
      %dma_start3A_428 = tpu.memref_slice %arg4[%add3A_421, %dma_start3A_427] : memref<819200x128xf32, #tpu.memory_space<hbm>> -> memref<64x128xf32, #tpu.memory_space<hbm>>
      %dma_start3A_429 = arith.constant 0 : i32
      %dma_start3A_430 = tpu.memref_slice %arg4[%add3A_421, %dma_start3A_429] : memref<819200x128xf32, #tpu.memory_space<hbm>> -> memref<64x128xf32, #tpu.memory_space<hbm>>
      %dma_start3A_431 = arith.constant 0 : i32
      %dma_start3A_432 = arith.constant 0 : i32
      %dma_start3A_433 = tpu.memref_slice %arg6[%dma_start3A_422, %dma_start3A_431, %dma_start3A_432] : memref<5x128x128xf32, #tpu.memory_space<vmem>> -> memref<1x64x128xf32, #tpu.memory_space<vmem>>
      %dma_start3A_434 = tpu.memref_squeeze %dma_start3A_433 : memref<1x64x128xf32, #tpu.memory_space<vmem>> -> memref<64x128xf32, #tpu.memory_space<vmem>>
      tpu.enqueue_dma source(%dma_start3A_434 : memref<64x128xf32, #tpu.memory_space<vmem>>) target(%dma_start3A_430 : memref<64x128xf32, #tpu.memory_space<hbm>>) target_semaphore(%arg8 : memref<!tpu.dma_semaphore, #tpu.memory_space<semaphore_mem>>)
      %scan3A_435 = arith.constant 64 : i32
      %scan3A_436 = arith.constant 64 : i32
      %scan3A_437 = arith.addi %scan3A_435, %scan3A_436 : i32
      %scan3A_438 = arith.constant 2 : i32
      scf.for %scan3A_468 = %scan3A_435 to %scan3A_437 step %scan3A_438  : i32 {
        %get3A = arith.constant 4 : i32
        %get3A_469 = arith.index_cast %get3A : i32 to index
        %get3A_470 = arith.index_cast %scan3A_468 : i32 to index
        %get3A_471 = arith.constant 0 : index
        %get3A_472 = tpu.vector_load %arg6[%get3A_469, %get3A_470, %get3A_471] {strides = array<i32>} : memref<5x128x128xf32, #tpu.memory_space<vmem>>, vector<1x1x16xf32>,
        %get3A_473 = vector.shape_cast %get3A_472 : vector<1x1x16xf32> to vector<16xf32>
        %mul3A_474 = arith.constant 11.3137083 : f32
        %mul3A_475 = vector.broadcast %mul3A_474 : f32 to vector<16xf32>
        %mul3A_476 = arith.mulf %get3A_473, %mul3A_475 : vector<16xf32>
        %swap3A = arith.constant 4 : i32
        %swap3A_477 = arith.index_cast %swap3A : i32 to index
        %swap3A_478 = arith.index_cast %scan3A_468 : i32 to index
        %swap3A_479 = arith.constant 0 : index
        %swap3A_480 = tpu.vector_load %arg6[%swap3A_477, %swap3A_478, %swap3A_479] {strides = array<i32>} : memref<5x128x128xf32, #tpu.memory_space<vmem>>, vector<1x1x16xf32>,
        %swap3A_481 = vector.shape_cast %swap3A_480 : vector<1x1x16xf32> to vector<16xf32>
        %swap3A_482 = vector.shape_cast %mul3A_476 : vector<16xf32> to vector<1x1x16xf32>
        tpu.vector_store %arg6[%swap3A_477, %swap3A_478, %swap3A_479], %swap3A_482 {strides = array<i32>} : memref<5x128x128xf32, #tpu.memory_space<vmem>>, vector<1x1x16xf32>,
        %get3A_483 = arith.constant 4 : i32
        %get3A_484 = arith.index_cast %get3A_483 : i32 to index
        %get3A_485 = arith.index_cast %scan3A_468 : i32 to index
        %get3A_486 = arith.constant 16 : index
        %get3A_487 = tpu.vector_load %arg6[%get3A_484, %get3A_485, %get3A_486] {strides = array<i32>} : memref<5x128x128xf32, #tpu.memory_space<vmem>>, vector<1x1x16xf32>,
        %get3A_488 = vector.shape_cast %get3A_487 : vector<1x1x16xf32> to vector<16xf32>
        %mul3A_489 = arith.constant 11.3137083 : f32
        %mul3A_490 = vector.broadcast %mul3A_489 : f32 to vector<16xf32>
        %mul3A_491 = arith.mulf %get3A_488, %mul3A_490 : vector<16xf32>
        %swap3A_492 = arith.constant 4 : i32
        %swap3A_493 = arith.index_cast %swap3A_492 : i32 to index
        %swap3A_494 = arith.index_cast %scan3A_468 : i32 to index
        %swap3A_495 = arith.constant 16 : index
        %swap3A_496 = tpu.vector_load %arg6[%swap3A_493, %swap3A_494, %swap3A_495] {strides = array<i32>} : memref<5x128x128xf32, #tpu.memory_space<vmem>>, vector<1x1x16xf32>,
        %swap3A_497 = vector.shape_cast %swap3A_496 : vector<1x1x16xf32> to vector<16xf32>
        %swap3A_498 = vector.shape_cast %mul3A_491 : vector<16xf32> to vector<1x1x16xf32>
        tpu.vector_store %arg6[%swap3A_493, %swap3A_494, %swap3A_495], %swap3A_498 {strides = array<i32>} : memref<5x128x128xf32, #tpu.memory_space<vmem>>, vector<1x1x16xf32>,
        %get3A_499 = arith.constant 4 : i32
        %get3A_500 = arith.index_cast %get3A_499 : i32 to index
        %get3A_501 = arith.index_cast %scan3A_468 : i32 to index
        %get3A_502 = arith.constant 32 : index
        %get3A_503 = tpu.vector_load %arg6[%get3A_500, %get3A_501, %get3A_502] {strides = array<i32>} : memref<5x128x128xf32, #tpu.memory_space<vmem>>, vector<1x1x16xf32>,
        %get3A_504 = vector.shape_cast %get3A_503 : vector<1x1x16xf32> to vector<16xf32>
        %mul3A_505 = arith.constant 11.3137083 : f32
        %mul3A_506 = vector.broadcast %mul3A_505 : f32 to vector<16xf32>
        %mul3A_507 = arith.mulf %get3A_504, %mul3A_506 : vector<16xf32>
        %swap3A_508 = arith.constant 4 : i32
        %swap3A_509 = arith.index_cast %swap3A_508 : i32 to index
        %swap3A_510 = arith.index_cast %scan3A_468 : i32 to index
        %swap3A_511 = arith.constant 32 : index
        %swap3A_512 = tpu.vector_load %arg6[%swap3A_509, %swap3A_510, %swap3A_511] {strides = array<i32>} : memref<5x128x128xf32, #tpu.memory_space<vmem>>, vector<1x1x16xf32>,
        %swap3A_513 = vector.shape_cast %swap3A_512 : vector<1x1x16xf32> to vector<16xf32>
        %swap3A_514 = vector.shape_cast %mul3A_507 : vector<16xf32> to vector<1x1x16xf32>
        tpu.vector_store %arg6[%swap3A_509, %swap3A_510, %swap3A_511], %swap3A_514 {strides = array<i32>} : memref<5x128x128xf32, #tpu.memory_space<vmem>>, vector<1x1x16xf32>,
        %get3A_515 = arith.constant 4 : i32
        %get3A_516 = arith.index_cast %get3A_515 : i32 to index
        %get3A_517 = arith.index_cast %scan3A_468 : i32 to index
        %get3A_518 = arith.constant 48 : index
        %get3A_519 = tpu.vector_load %arg6[%get3A_516, %get3A_517, %get3A_518] {strides = array<i32>} : memref<5x128x128xf32, #tpu.memory_space<vmem>>, vector<1x1x16xf32>,
        %get3A_520 = vector.shape_cast %get3A_519 : vector<1x1x16xf32> to vector<16xf32>
        %mul3A_521 = arith.constant 11.3137083 : f32
        %mul3A_522 = vector.broadcast %mul3A_521 : f32 to vector<16xf32>
        %mul3A_523 = arith.mulf %get3A_520, %mul3A_522 : vector<16xf32>
        %swap3A_524 = arith.constant 4 : i32
        %swap3A_525 = arith.index_cast %swap3A_524 : i32 to index
        %swap3A_526 = arith.index_cast %scan3A_468 : i32 to index
        %swap3A_527 = arith.constant 48 : index
        %swap3A_528 = tpu.vector_load %arg6[%swap3A_525, %swap3A_526, %swap3A_527] {strides = array<i32>} : memref<5x128x128xf32, #tpu.memory_space<vmem>>, vector<1x1x16xf32>,
        %swap3A_529 = vector.shape_cast %swap3A_528 : vector<1x1x16xf32> to vector<16xf32>
        %swap3A_530 = vector.shape_cast %mul3A_523 : vector<16xf32> to vector<1x1x16xf32>
        tpu.vector_store %arg6[%swap3A_525, %swap3A_526, %swap3A_527], %swap3A_530 {strides = array<i32>} : memref<5x128x128xf32, #tpu.memory_space<vmem>>, vector<1x1x16xf32>,
        %get3A_531 = arith.constant 4 : i32
        %get3A_532 = arith.index_cast %get3A_531 : i32 to index
        %get3A_533 = arith.index_cast %scan3A_468 : i32 to index
        %get3A_534 = arith.constant 64 : index
        %get3A_535 = tpu.vector_load %arg6[%get3A_532, %get3A_533, %get3A_534] {strides = array<i32>} : memref<5x128x128xf32, #tpu.memory_space<vmem>>, vector<1x1x16xf32>,
        %get3A_536 = vector.shape_cast %get3A_535 : vector<1x1x16xf32> to vector<16xf32>
        %mul3A_537 = arith.constant 11.3137083 : f32
        %mul3A_538 = vector.broadcast %mul3A_537 : f32 to vector<16xf32>
        %mul3A_539 = arith.mulf %get3A_536, %mul3A_538 : vector<16xf32>
        %swap3A_540 = arith.constant 4 : i32
        %swap3A_541 = arith.index_cast %swap3A_540 : i32 to index
        %swap3A_542 = arith.index_cast %scan3A_468 : i32 to index
        %swap3A_543 = arith.constant 64 : index
        %swap3A_544 = tpu.vector_load %arg6[%swap3A_541, %swap3A_542, %swap3A_543] {strides = array<i32>} : memref<5x128x128xf32, #tpu.memory_space<vmem>>, vector<1x1x16xf32>,
        %swap3A_545 = vector.shape_cast %swap3A_544 : vector<1x1x16xf32> to vector<16xf32>
        %swap3A_546 = vector.shape_cast %mul3A_539 : vector<16xf32> to vector<1x1x16xf32>
        tpu.vector_store %arg6[%swap3A_541, %swap3A_542, %swap3A_543], %swap3A_546 {strides = array<i32>} : memref<5x128x128xf32, #tpu.memory_space<vmem>>, vector<1x1x16xf32>,
        %get3A_547 = arith.constant 4 : i32
        %get3A_548 = arith.index_cast %get3A_547 : i32 to index
        %get3A_549 = arith.index_cast %scan3A_468 : i32 to index
        %get3A_550 = arith.constant 80 : index
        %get3A_551 = tpu.vector_load %arg6[%get3A_548, %get3A_549, %get3A_550] {strides = array<i32>} : memref<5x128x128xf32, #tpu.memory_space<vmem>>, vector<1x1x16xf32>,
        %get3A_552 = vector.shape_cast %get3A_551 : vector<1x1x16xf32> to vector<16xf32>
        %mul3A_553 = arith.constant 11.3137083 : f32
        %mul3A_554 = vector.broadcast %mul3A_553 : f32 to vector<16xf32>
        %mul3A_555 = arith.mulf %get3A_552, %mul3A_554 : vector<16xf32>
        %swap3A_556 = arith.constant 4 : i32
        %swap3A_557 = arith.index_cast %swap3A_556 : i32 to index
        %swap3A_558 = arith.index_cast %scan3A_468 : i32 to index
        %swap3A_559 = arith.constant 80 : index
        %swap3A_560 = tpu.vector_load %arg6[%swap3A_557, %swap3A_558, %swap3A_559] {strides = array<i32>} : memref<5x128x128xf32, #tpu.memory_space<vmem>>, vector<1x1x16xf32>,
        %swap3A_561 = vector.shape_cast %swap3A_560 : vector<1x1x16xf32> to vector<16xf32>
        %swap3A_562 = vector.shape_cast %mul3A_555 : vector<16xf32> to vector<1x1x16xf32>
        tpu.vector_store %arg6[%swap3A_557, %swap3A_558, %swap3A_559], %swap3A_562 {strides = array<i32>} : memref<5x128x128xf32, #tpu.memory_space<vmem>>, vector<1x1x16xf32>,
        %get3A_563 = arith.constant 4 : i32
        %get3A_564 = arith.index_cast %get3A_563 : i32 to index
        %get3A_565 = arith.index_cast %scan3A_468 : i32 to index
        %get3A_566 = arith.constant 96 : index
        %get3A_567 = tpu.vector_load %arg6[%get3A_564, %get3A_565, %get3A_566] {strides = array<i32>} : memref<5x128x128xf32, #tpu.memory_space<vmem>>, vector<1x1x16xf32>,
        %get3A_568 = vector.shape_cast %get3A_567 : vector<1x1x16xf32> to vector<16xf32>
        %mul3A_569 = arith.constant 11.3137083 : f32
        %mul3A_570 = vector.broadcast %mul3A_569 : f32 to vector<16xf32>
        %mul3A_571 = arith.mulf %get3A_568, %mul3A_570 : vector<16xf32>
        %swap3A_572 = arith.constant 4 : i32
        %swap3A_573 = arith.index_cast %swap3A_572 : i32 to index
        %swap3A_574 = arith.index_cast %scan3A_468 : i32 to index
        %swap3A_575 = arith.constant 96 : index
        %swap3A_576 = tpu.vector_load %arg6[%swap3A_573, %swap3A_574, %swap3A_575] {strides = array<i32>} : memref<5x128x128xf32, #tpu.memory_space<vmem>>, vector<1x1x16xf32>,
        %swap3A_577 = vector.shape_cast %swap3A_576 : vector<1x1x16xf32> to vector<16xf32>
        %swap3A_578 = vector.shape_cast %mul3A_571 : vector<16xf32> to vector<1x1x16xf32>
        tpu.vector_store %arg6[%swap3A_573, %swap3A_574, %swap3A_575], %swap3A_578 {strides = array<i32>} : memref<5x128x128xf32, #tpu.memory_space<vmem>>, vector<1x1x16xf32>,
        %get3A_579 = arith.constant 4 : i32
        %get3A_580 = arith.index_cast %get3A_579 : i32 to index
        %get3A_581 = arith.index_cast %scan3A_468 : i32 to index
        %get3A_582 = arith.constant 112 : index
        %get3A_583 = tpu.vector_load %arg6[%get3A_580, %get3A_581, %get3A_582] {strides = array<i32>} : memref<5x128x128xf32, #tpu.memory_space<vmem>>, vector<1x1x16xf32>,
        %get3A_584 = vector.shape_cast %get3A_583 : vector<1x1x16xf32> to vector<16xf32>
        %mul3A_585 = arith.constant 11.3137083 : f32
        %mul3A_586 = vector.broadcast %mul3A_585 : f32 to vector<16xf32>
        %mul3A_587 = arith.mulf %get3A_584, %mul3A_586 : vector<16xf32>
        %swap3A_588 = arith.constant 4 : i32
        %swap3A_589 = arith.index_cast %swap3A_588 : i32 to index
        %swap3A_590 = arith.index_cast %scan3A_468 : i32 to index
        %swap3A_591 = arith.constant 112 : index
        %swap3A_592 = tpu.vector_load %arg6[%swap3A_589, %swap3A_590, %swap3A_591] {strides = array<i32>} : memref<5x128x128xf32, #tpu.memory_space<vmem>>, vector<1x1x16xf32>,
        %swap3A_593 = vector.shape_cast %swap3A_592 : vector<1x1x16xf32> to vector<16xf32>
        %swap3A_594 = vector.shape_cast %mul3A_587 : vector<16xf32> to vector<1x1x16xf32>
        tpu.vector_store %arg6[%swap3A_589, %swap3A_590, %swap3A_591], %swap3A_594 {strides = array<i32>} : memref<5x128x128xf32, #tpu.memory_space<vmem>>, vector<1x1x16xf32>,
        %scan3A_595 = arith.constant 1 : i32
        %scan3A_596 = arith.addi %scan3A_468, %scan3A_595 : i32
        %get3A_597 = arith.constant 4 : i32
        %get3A_598 = arith.index_cast %get3A_597 : i32 to index
        %get3A_599 = arith.index_cast %scan3A_596 : i32 to index
        %get3A_600 = arith.constant 0 : index
        %get3A_601 = tpu.vector_load %arg6[%get3A_598, %get3A_599, %get3A_600] {strides = array<i32>} : memref<5x128x128xf32, #tpu.memory_space<vmem>>, vector<1x1x16xf32>,
        %get3A_602 = vector.shape_cast %get3A_601 : vector<1x1x16xf32> to vector<16xf32>
        %mul3A_603 = arith.constant 11.3137083 : f32
        %mul3A_604 = vector.broadcast %mul3A_603 : f32 to vector<16xf32>
        %mul3A_605 = arith.mulf %get3A_602, %mul3A_604 : vector<16xf32>
        %swap3A_606 = arith.constant 4 : i32
        %swap3A_607 = arith.index_cast %swap3A_606 : i32 to index
        %swap3A_608 = arith.index_cast %scan3A_596 : i32 to index
        %swap3A_609 = arith.constant 0 : index
        %swap3A_610 = tpu.vector_load %arg6[%swap3A_607, %swap3A_608, %swap3A_609] {strides = array<i32>} : memref<5x128x128xf32, #tpu.memory_space<vmem>>, vector<1x1x16xf32>,
        %swap3A_611 = vector.shape_cast %swap3A_610 : vector<1x1x16xf32> to vector<16xf32>
        %swap3A_612 = vector.shape_cast %mul3A_605 : vector<16xf32> to vector<1x1x16xf32>
        tpu.vector_store %arg6[%swap3A_607, %swap3A_608, %swap3A_609], %swap3A_612 {strides = array<i32>} : memref<5x128x128xf32, #tpu.memory_space<vmem>>, vector<1x1x16xf32>,
        %get3A_613 = arith.constant 4 : i32
        %get3A_614 = arith.index_cast %get3A_613 : i32 to index
        %get3A_615 = arith.index_cast %scan3A_596 : i32 to index
        %get3A_616 = arith.constant 16 : index
        %get3A_617 = tpu.vector_load %arg6[%get3A_614, %get3A_615, %get3A_616] {strides = array<i32>} : memref<5x128x128xf32, #tpu.memory_space<vmem>>, vector<1x1x16xf32>,
        %get3A_618 = vector.shape_cast %get3A_617 : vector<1x1x16xf32> to vector<16xf32>
        %mul3A_619 = arith.constant 11.3137083 : f32
        %mul3A_620 = vector.broadcast %mul3A_619 : f32 to vector<16xf32>
        %mul3A_621 = arith.mulf %get3A_618, %mul3A_620 : vector<16xf32>
        %swap3A_622 = arith.constant 4 : i32
        %swap3A_623 = arith.index_cast %swap3A_622 : i32 to index
        %swap3A_624 = arith.index_cast %scan3A_596 : i32 to index
        %swap3A_625 = arith.constant 16 : index
        %swap3A_626 = tpu.vector_load %arg6[%swap3A_623, %swap3A_624, %swap3A_625] {strides = array<i32>} : memref<5x128x128xf32, #tpu.memory_space<vmem>>, vector<1x1x16xf32>,
        %swap3A_627 = vector.shape_cast %swap3A_626 : vector<1x1x16xf32> to vector<16xf32>
        %swap3A_628 = vector.shape_cast %mul3A_621 : vector<16xf32> to vector<1x1x16xf32>
        tpu.vector_store %arg6[%swap3A_623, %swap3A_624, %swap3A_625], %swap3A_628 {strides = array<i32>} : memref<5x128x128xf32, #tpu.memory_space<vmem>>, vector<1x1x16xf32>,
        %get3A_629 = arith.constant 4 : i32
        %get3A_630 = arith.index_cast %get3A_629 : i32 to index
        %get3A_631 = arith.index_cast %scan3A_596 : i32 to index
        %get3A_632 = arith.constant 32 : index
        %get3A_633 = tpu.vector_load %arg6[%get3A_630, %get3A_631, %get3A_632] {strides = array<i32>} : memref<5x128x128xf32, #tpu.memory_space<vmem>>, vector<1x1x16xf32>,
        %get3A_634 = vector.shape_cast %get3A_633 : vector<1x1x16xf32> to vector<16xf32>
        %mul3A_635 = arith.constant 11.3137083 : f32
        %mul3A_636 = vector.broadcast %mul3A_635 : f32 to vector<16xf32>
        %mul3A_637 = arith.mulf %get3A_634, %mul3A_636 : vector<16xf32>
        %swap3A_638 = arith.constant 4 : i32
        %swap3A_639 = arith.index_cast %swap3A_638 : i32 to index
        %swap3A_640 = arith.index_cast %scan3A_596 : i32 to index
        %swap3A_641 = arith.constant 32 : index
        %swap3A_642 = tpu.vector_load %arg6[%swap3A_639, %swap3A_640, %swap3A_641] {strides = array<i32>} : memref<5x128x128xf32, #tpu.memory_space<vmem>>, vector<1x1x16xf32>,
        %swap3A_643 = vector.shape_cast %swap3A_642 : vector<1x1x16xf32> to vector<16xf32>
        %swap3A_644 = vector.shape_cast %mul3A_637 : vector<16xf32> to vector<1x1x16xf32>
        tpu.vector_store %arg6[%swap3A_639, %swap3A_640, %swap3A_641], %swap3A_644 {strides = array<i32>} : memref<5x128x128xf32, #tpu.memory_space<vmem>>, vector<1x1x16xf32>,
        %get3A_645 = arith.constant 4 : i32
        %get3A_646 = arith.index_cast %get3A_645 : i32 to index
        %get3A_647 = arith.index_cast %scan3A_596 : i32 to index
        %get3A_648 = arith.constant 48 : index
        %get3A_649 = tpu.vector_load %arg6[%get3A_646, %get3A_647, %get3A_648] {strides = array<i32>} : memref<5x128x128xf32, #tpu.memory_space<vmem>>, vector<1x1x16xf32>,
        %get3A_650 = vector.shape_cast %get3A_649 : vector<1x1x16xf32> to vector<16xf32>
        %mul3A_651 = arith.constant 11.3137083 : f32
        %mul3A_652 = vector.broadcast %mul3A_651 : f32 to vector<16xf32>
        %mul3A_653 = arith.mulf %get3A_650, %mul3A_652 : vector<16xf32>
        %swap3A_654 = arith.constant 4 : i32
        %swap3A_655 = arith.index_cast %swap3A_654 : i32 to index
        %swap3A_656 = arith.index_cast %scan3A_596 : i32 to index
        %swap3A_657 = arith.constant 48 : index
        %swap3A_658 = tpu.vector_load %arg6[%swap3A_655, %swap3A_656, %swap3A_657] {strides = array<i32>} : memref<5x128x128xf32, #tpu.memory_space<vmem>>, vector<1x1x16xf32>,
        %swap3A_659 = vector.shape_cast %swap3A_658 : vector<1x1x16xf32> to vector<16xf32>
        %swap3A_660 = vector.shape_cast %mul3A_653 : vector<16xf32> to vector<1x1x16xf32>
        tpu.vector_store %arg6[%swap3A_655, %swap3A_656, %swap3A_657], %swap3A_660 {strides = array<i32>} : memref<5x128x128xf32, #tpu.memory_space<vmem>>, vector<1x1x16xf32>,
        %get3A_661 = arith.constant 4 : i32
        %get3A_662 = arith.index_cast %get3A_661 : i32 to index
        %get3A_663 = arith.index_cast %scan3A_596 : i32 to index
        %get3A_664 = arith.constant 64 : index
        %get3A_665 = tpu.vector_load %arg6[%get3A_662, %get3A_663, %get3A_664] {strides = array<i32>} : memref<5x128x128xf32, #tpu.memory_space<vmem>>, vector<1x1x16xf32>,
        %get3A_666 = vector.shape_cast %get3A_665 : vector<1x1x16xf32> to vector<16xf32>
        %mul3A_667 = arith.constant 11.3137083 : f32
        %mul3A_668 = vector.broadcast %mul3A_667 : f32 to vector<16xf32>
        %mul3A_669 = arith.mulf %get3A_666, %mul3A_668 : vector<16xf32>
        %swap3A_670 = arith.constant 4 : i32
        %swap3A_671 = arith.index_cast %swap3A_670 : i32 to index
        %swap3A_672 = arith.index_cast %scan3A_596 : i32 to index
        %swap3A_673 = arith.constant 64 : index
        %swap3A_674 = tpu.vector_load %arg6[%swap3A_671, %swap3A_672, %swap3A_673] {strides = array<i32>} : memref<5x128x128xf32, #tpu.memory_space<vmem>>, vector<1x1x16xf32>,
        %swap3A_675 = vector.shape_cast %swap3A_674 : vector<1x1x16xf32> to vector<16xf32>
        %swap3A_676 = vector.shape_cast %mul3A_669 : vector<16xf32> to vector<1x1x16xf32>
        tpu.vector_store %arg6[%swap3A_671, %swap3A_672, %swap3A_673], %swap3A_676 {strides = array<i32>} : memref<5x128x128xf32, #tpu.memory_space<vmem>>, vector<1x1x16xf32>,
        %get3A_677 = arith.constant 4 : i32
        %get3A_678 = arith.index_cast %get3A_677 : i32 to index
        %get3A_679 = arith.index_cast %scan3A_596 : i32 to index
        %get3A_680 = arith.constant 80 : index
        %get3A_681 = tpu.vector_load %arg6[%get3A_678, %get3A_679, %get3A_680] {strides = array<i32>} : memref<5x128x128xf32, #tpu.memory_space<vmem>>, vector<1x1x16xf32>,
        %get3A_682 = vector.shape_cast %get3A_681 : vector<1x1x16xf32> to vector<16xf32>
        %mul3A_683 = arith.constant 11.3137083 : f32
        %mul3A_684 = vector.broadcast %mul3A_683 : f32 to vector<16xf32>
        %mul3A_685 = arith.mulf %get3A_682, %mul3A_684 : vector<16xf32>
        %swap3A_686 = arith.constant 4 : i32
        %swap3A_687 = arith.index_cast %swap3A_686 : i32 to index
        %swap3A_688 = arith.index_cast %scan3A_596 : i32 to index
        %swap3A_689 = arith.constant 80 : index
        %swap3A_690 = tpu.vector_load %arg6[%swap3A_687, %swap3A_688, %swap3A_689] {strides = array<i32>} : memref<5x128x128xf32, #tpu.memory_space<vmem>>, vector<1x1x16xf32>,
        %swap3A_691 = vector.shape_cast %swap3A_690 : vector<1x1x16xf32> to vector<16xf32>
        %swap3A_692 = vector.shape_cast %mul3A_685 : vector<16xf32> to vector<1x1x16xf32>
        tpu.vector_store %arg6[%swap3A_687, %swap3A_688, %swap3A_689], %swap3A_692 {strides = array<i32>} : memref<5x128x128xf32, #tpu.memory_space<vmem>>, vector<1x1x16xf32>,
        %get3A_693 = arith.constant 4 : i32
        %get3A_694 = arith.index_cast %get3A_693 : i32 to index
        %get3A_695 = arith.index_cast %scan3A_596 : i32 to index
        %get3A_696 = arith.constant 96 : index
        %get3A_697 = tpu.vector_load %arg6[%get3A_694, %get3A_695, %get3A_696] {strides = array<i32>} : memref<5x128x128xf32, #tpu.memory_space<vmem>>, vector<1x1x16xf32>,
        %get3A_698 = vector.shape_cast %get3A_697 : vector<1x1x16xf32> to vector<16xf32>
        %mul3A_699 = arith.constant 11.3137083 : f32
        %mul3A_700 = vector.broadcast %mul3A_699 : f32 to vector<16xf32>
        %mul3A_701 = arith.mulf %get3A_698, %mul3A_700 : vector<16xf32>
        %swap3A_702 = arith.constant 4 : i32
        %swap3A_703 = arith.index_cast %swap3A_702 : i32 to index
        %swap3A_704 = arith.index_cast %scan3A_596 : i32 to index
        %swap3A_705 = arith.constant 96 : index
        %swap3A_706 = tpu.vector_load %arg6[%swap3A_703, %swap3A_704, %swap3A_705] {strides = array<i32>} : memref<5x128x128xf32, #tpu.memory_space<vmem>>, vector<1x1x16xf32>,
        %swap3A_707 = vector.shape_cast %swap3A_706 : vector<1x1x16xf32> to vector<16xf32>
        %swap3A_708 = vector.shape_cast %mul3A_701 : vector<16xf32> to vector<1x1x16xf32>
        tpu.vector_store %arg6[%swap3A_703, %swap3A_704, %swap3A_705], %swap3A_708 {strides = array<i32>} : memref<5x128x128xf32, #tpu.memory_space<vmem>>, vector<1x1x16xf32>,
        %get3A_709 = arith.constant 4 : i32
        %get3A_710 = arith.index_cast %get3A_709 : i32 to index
        %get3A_711 = arith.index_cast %scan3A_596 : i32 to index
        %get3A_712 = arith.constant 112 : index
        %get3A_713 = tpu.vector_load %arg6[%get3A_710, %get3A_711, %get3A_712] {strides = array<i32>} : memref<5x128x128xf32, #tpu.memory_space<vmem>>, vector<1x1x16xf32>,
        %get3A_714 = vector.shape_cast %get3A_713 : vector<1x1x16xf32> to vector<16xf32>
        %mul3A_715 = arith.constant 11.3137083 : f32
        %mul3A_716 = vector.broadcast %mul3A_715 : f32 to vector<16xf32>
        %mul3A_717 = arith.mulf %get3A_714, %mul3A_716 : vector<16xf32>
        %swap3A_718 = arith.constant 4 : i32
        %swap3A_719 = arith.index_cast %swap3A_718 : i32 to index
        %swap3A_720 = arith.index_cast %scan3A_596 : i32 to index
        %swap3A_721 = arith.constant 112 : index
        %swap3A_722 = tpu.vector_load %arg6[%swap3A_719, %swap3A_720, %swap3A_721] {strides = array<i32>} : memref<5x128x128xf32, #tpu.memory_space<vmem>>, vector<1x1x16xf32>,
        %swap3A_723 = vector.shape_cast %swap3A_722 : vector<1x1x16xf32> to vector<16xf32>
        %swap3A_724 = vector.shape_cast %mul3A_717 : vector<16xf32> to vector<1x1x16xf32>
        tpu.vector_store %arg6[%swap3A_719, %swap3A_720, %swap3A_721], %swap3A_724 {strides = array<i32>} : memref<5x128x128xf32, #tpu.memory_space<vmem>>, vector<1x1x16xf32>,
      }
      %scan3A_439 = arith.constant 64 : i32
      %mul3A_440 = arith.constant 128 : i32
      %mul3A_441 = arith.muli %add3A_401, %mul3A_440 : i32
      %add3A_442 = arith.addi %mul3A_2, %mul3A_441 : i32
      %add3A_443 = arith.constant 64 : i32
      %add3A_444 = arith.addi %add3A_442, %add3A_443 : i32
      %dma_start3A_445 = arith.constant 4 : i32
      %dma_start3A_446 = arith.constant 64 : i32
      %dma_start3A_447 = arith.constant 0 : i32
      %dma_start3A_448 = tpu.memref_slice %arg6[%dma_start3A_445, %dma_start3A_446, %dma_start3A_447] : memref<5x128x128xf32, #tpu.memory_space<vmem>> -> memref<1x64x128xf32, #tpu.memory_space<vmem>>
      %dma_start3A_449 = tpu.memref_squeeze %dma_start3A_448 : memref<1x64x128xf32, #tpu.memory_space<vmem>> -> memref<64x128xf32, #tpu.memory_space<vmem>>
      %dma_start3A_450 = arith.constant 0 : i32
      %dma_start3A_451 = tpu.memref_slice %arg4[%add3A_444, %dma_start3A_450] : memref<819200x128xf32, #tpu.memory_space<hbm>> -> memref<64x128xf32, #tpu.memory_space<hbm>>
      %dma_start3A_452 = arith.constant 0 : i32
      %dma_start3A_453 = tpu.memref_slice %arg4[%add3A_444, %dma_start3A_452] : memref<819200x128xf32, #tpu.memory_space<hbm>> -> memref<64x128xf32, #tpu.memory_space<hbm>>
      %dma_start3A_454 = arith.constant 64 : i32
      %dma_start3A_455 = arith.constant 0 : i32
      %dma_start3A_456 = tpu.memref_slice %arg6[%dma_start3A_445, %dma_start3A_454, %dma_start3A_455] : memref<5x128x128xf32, #tpu.memory_space<vmem>> -> memref<1x64x128xf32, #tpu.memory_space<vmem>>
      %dma_start3A_457 = tpu.memref_squeeze %dma_start3A_456 : memref<1x64x128xf32, #tpu.memory_space<vmem>> -> memref<64x128xf32, #tpu.memory_space<vmem>>
      tpu.enqueue_dma source(%dma_start3A_457 : memref<64x128xf32, #tpu.memory_space<vmem>>) target(%dma_start3A_453 : memref<64x128xf32, #tpu.memory_space<hbm>>) target_semaphore(%arg8 : memref<!tpu.dma_semaphore, #tpu.memory_space<semaphore_mem>>)
      %add3A_458 = arith.constant 2 : i32
      %add3A_459 = arith.addi %add3A_401, %add3A_458 : i32
      %ge3A_460 = arith.constant 5 : i32
      %ge3A_461 = arith.cmpi sge, %add3A_459, %ge3A_460 : i32
      %lt3A_462 = arith.constant 200 : i32
      %lt3A_463 = arith.cmpi slt, %add3A_459, %lt3A_462 : i32
      %and3A_464 = arith.andi %ge3A_461, %lt3A_463 : i1
      %convert_element_type3A_465 = arith.extui %and3A_464 : i1 to i32
      %cond3A_466 = arith.constant 0 : i32
      %cond3A_467 = arith.cmpi ne, %convert_element_type3A_465, %cond3A_466 : i32
      scf.if %cond3A_467 {
        %dma_wait3A_468 = arith.constant 1 : i32
        %dma_wait3A_469 = arith.constant 0 : i32
        %dma_wait3A_470 = arith.constant 0 : i32
        %dma_wait3A_471 = tpu.memref_slice %arg6[%dma_wait3A_468, %dma_wait3A_469, %dma_wait3A_470] : memref<5x128x128xf32, #tpu.memory_space<vmem>> -> memref<1x128x128xf32, #tpu.memory_space<vmem>>
        %dma_wait3A_472 = tpu.memref_squeeze %dma_wait3A_471 : memref<1x128x128xf32, #tpu.memory_space<vmem>> -> memref<128x128xf32, #tpu.memory_space<vmem>>
        %dma_wait3A_473 = arith.constant 0 : i32
        %dma_wait3A_474 = tpu.memref_slice %arg4[%mul3A_2, %dma_wait3A_473] : memref<819200x128xf32, #tpu.memory_space<hbm>> -> memref<128x128xf32, #tpu.memory_space<hbm>>
        %dma_wait3A_475 = arith.constant 0 : i32
        %dma_wait3A_476 = tpu.memref_slice %arg4[%mul3A_2, %dma_wait3A_475] : memref<819200x128xf32, #tpu.memory_space<hbm>> -> memref<128x128xf32, #tpu.memory_space<hbm>>
        %dma_wait3A_477 = arith.constant 0 : i32
        %dma_wait3A_478 = arith.constant 0 : i32
        %dma_wait3A_479 = tpu.memref_slice %arg6[%dma_wait3A_468, %dma_wait3A_477, %dma_wait3A_478] : memref<5x128x128xf32, #tpu.memory_space<vmem>> -> memref<1x128x128xf32, #tpu.memory_space<vmem>>
        %dma_wait3A_480 = tpu.memref_squeeze %dma_wait3A_479 : memref<1x128x128xf32, #tpu.memory_space<vmem>> -> memref<128x128xf32, #tpu.memory_space<vmem>>
        tpu.wait_dma2 semaphore(%arg8 : memref<!tpu.dma_semaphore, #tpu.memory_space<semaphore_mem>>) src(%dma_wait3A_480 : memref<128x128xf32, #tpu.memory_space<vmem>>) dst(%dma_wait3A_476 : memref<128x128xf32, #tpu.memory_space<hbm>>)
        %dma_start3A_481 = arith.constant 1 : i32
        %dma_start3A_482 = arith.constant 0 : i32
        %dma_start3A_483 = arith.constant 0 : i32
        %dma_start3A_484 = tpu.memref_slice %arg6[%dma_start3A_481, %dma_start3A_482, %dma_start3A_483] : memref<5x128x128xf32, #tpu.memory_space<vmem>> -> memref<1x128x128xf32, #tpu.memory_space<vmem>>
        %dma_start3A_485 = tpu.memref_squeeze %dma_start3A_484 : memref<1x128x128xf32, #tpu.memory_space<vmem>> -> memref<128x128xf32, #tpu.memory_space<vmem>>
        %dma_start3A_486 = arith.constant 0 : i32
        %dma_start3A_487 = tpu.memref_slice %arg5[%add3A_459, %dma_start3A_486] : memref<200x128xi32, #tpu.memory_space<vmem>> -> memref<1x128xi32, #tpu.memory_space<vmem>>
        %dma_start3A_488 = tpu.memref_squeeze %dma_start3A_487 : memref<1x128xi32, #tpu.memory_space<vmem>> -> memref<128xi32, #tpu.memory_space<vmem>>
        %dma_start3A_489 = arith.constant 0 : i32
        %dma_start3A_490 = arith.constant 0 : i32
        %dma_start3A_491 = tpu.memref_slice %arg2[%dma_start3A_489, %dma_start3A_490] : memref<100000x128xf32, #tpu.memory_space<hbm>> -> memref<100000x128xf32, #tpu.memory_space<hbm>>
        tpu.enqueue_indirect_dma source(%dma_start3A_491 : memref<100000x128xf32, #tpu.memory_space<hbm>>) target(%dma_start3A_485 : memref<128x128xf32, #tpu.memory_space<vmem>>) offsets(%dma_start3A_488 : memref<128xi32, #tpu.memory_space<vmem>>) semaphore(%arg7 : memref<!tpu.dma_semaphore, #tpu.memory_space<semaphore_mem>>)
      } else {
      }
    }
    %scan3A_65 = arith.constant 40 : i32
    %dma_wait3A = arith.constant 0 : i32
    %dma_wait3A_66 = arith.constant 0 : i32
    %dma_wait3A_67 = arith.constant 0 : i32
    %dma_wait3A_68 = tpu.memref_slice %arg6[%dma_wait3A, %dma_wait3A_66, %dma_wait3A_67] : memref<5x128x128xf32, #tpu.memory_space<vmem>> -> memref<1x128x128xf32, #tpu.memory_space<vmem>>
    %dma_wait3A_69 = tpu.memref_squeeze %dma_wait3A_68 : memref<1x128x128xf32, #tpu.memory_space<vmem>> -> memref<128x128xf32, #tpu.memory_space<vmem>>
    %dma_wait3A_70 = arith.constant 0 : i32
    %dma_wait3A_71 = tpu.memref_slice %arg4[%mul3A_2, %dma_wait3A_70] : memref<819200x128xf32, #tpu.memory_space<hbm>> -> memref<128x128xf32, #tpu.memory_space<hbm>>
    %dma_wait3A_72 = arith.constant 0 : i32
    %dma_wait3A_73 = tpu.memref_slice %arg4[%mul3A_2, %dma_wait3A_72] : memref<819200x128xf32, #tpu.memory_space<hbm>> -> memref<128x128xf32, #tpu.memory_space<hbm>>
    %dma_wait3A_74 = arith.constant 0 : i32
    %dma_wait3A_75 = arith.constant 0 : i32
    %dma_wait3A_76 = tpu.memref_slice %arg6[%dma_wait3A, %dma_wait3A_74, %dma_wait3A_75] : memref<5x128x128xf32, #tpu.memory_space<vmem>> -> memref<1x128x128xf32, #tpu.memory_space<vmem>>
    %dma_wait3A_77 = tpu.memref_squeeze %dma_wait3A_76 : memref<1x128x128xf32, #tpu.memory_space<vmem>> -> memref<128x128xf32, #tpu.memory_space<vmem>>
    tpu.wait_dma2 semaphore(%arg8 : memref<!tpu.dma_semaphore, #tpu.memory_space<semaphore_mem>>) src(%dma_wait3A_77 : memref<128x128xf32, #tpu.memory_space<vmem>>) dst(%dma_wait3A_73 : memref<128x128xf32, #tpu.memory_space<hbm>>)
    %dma_wait3A_78 = arith.constant 1 : i32
    %dma_wait3A_79 = arith.constant 0 : i32
    %dma_wait3A_80 = arith.constant 0 : i32
    %dma_wait3A_81 = tpu.memref_slice %arg6[%dma_wait3A_78, %dma_wait3A_79, %dma_wait3A_80] : memref<5x128x128xf32, #tpu.memory_space<vmem>> -> memref<1x128x128xf32, #tpu.memory_space<vmem>>
    %dma_wait3A_82 = tpu.memref_squeeze %dma_wait3A_81 : memref<1x128x128xf32, #tpu.memory_space<vmem>> -> memref<128x128xf32, #tpu.memory_space<vmem>>
    %dma_wait3A_83 = arith.constant 0 : i32
    %dma_wait3A_84 = tpu.memref_slice %arg4[%mul3A_2, %dma_wait3A_83] : memref<819200x128xf32, #tpu.memory_space<hbm>> -> memref<128x128xf32, #tpu.memory_space<hbm>>
    %dma_wait3A_85 = arith.constant 0 : i32
    %dma_wait3A_86 = tpu.memref_slice %arg4[%mul3A_2, %dma_wait3A_85] : memref<819200x128xf32, #tpu.memory_space<hbm>> -> memref<128x128xf32, #tpu.memory_space<hbm>>
    %dma_wait3A_87 = arith.constant 0 : i32
    %dma_wait3A_88 = arith.constant 0 : i32
    %dma_wait3A_89 = tpu.memref_slice %arg6[%dma_wait3A_78, %dma_wait3A_87, %dma_wait3A_88] : memref<5x128x128xf32, #tpu.memory_space<vmem>> -> memref<1x128x128xf32, #tpu.memory_space<vmem>>
    %dma_wait3A_90 = tpu.memref_squeeze %dma_wait3A_89 : memref<1x128x128xf32, #tpu.memory_space<vmem>> -> memref<128x128xf32, #tpu.memory_space<vmem>>
    tpu.wait_dma2 semaphore(%arg8 : memref<!tpu.dma_semaphore, #tpu.memory_space<semaphore_mem>>) src(%dma_wait3A_90 : memref<128x128xf32, #tpu.memory_space<vmem>>) dst(%dma_wait3A_86 : memref<128x128xf32, #tpu.memory_space<hbm>>)
    %dma_wait3A_91 = arith.constant 2 : i32
    %dma_wait3A_92 = arith.constant 0 : i32
    %dma_wait3A_93 = arith.constant 0 : i32
    %dma_wait3A_94 = tpu.memref_slice %arg6[%dma_wait3A_91, %dma_wait3A_92, %dma_wait3A_93] : memref<5x128x128xf32, #tpu.memory_space<vmem>> -> memref<1x128x128xf32, #tpu.memory_space<vmem>>
    %dma_wait3A_95 = tpu.memref_squeeze %dma_wait3A_94 : memref<1x128x128xf32, #tpu.memory_space<vmem>> -> memref<128x128xf32, #tpu.memory_space<vmem>>
    %dma_wait3A_96 = arith.constant 0 : i32
    %dma_wait3A_97 = tpu.memref_slice %arg4[%mul3A_2, %dma_wait3A_96] : memref<819200x128xf32, #tpu.memory_space<hbm>> -> memref<128x128xf32, #tpu.memory_space<hbm>>
    %dma_wait3A_98 = arith.constant 0 : i32
    %dma_wait3A_99 = tpu.memref_slice %arg4[%mul3A_2, %dma_wait3A_98] : memref<819200x128xf32, #tpu.memory_space<hbm>> -> memref<128x128xf32, #tpu.memory_space<hbm>>
    %dma_wait3A_100 = arith.constant 0 : i32
    %dma_wait3A_101 = arith.constant 0 : i32
    %dma_wait3A_102 = tpu.memref_slice %arg6[%dma_wait3A_91, %dma_wait3A_100, %dma_wait3A_101] : memref<5x128x128xf32, #tpu.memory_space<vmem>> -> memref<1x128x128xf32, #tpu.memory_space<vmem>>
    %dma_wait3A_103 = tpu.memref_squeeze %dma_wait3A_102 : memref<1x128x128xf32, #tpu.memory_space<vmem>> -> memref<128x128xf32, #tpu.memory_space<vmem>>
    tpu.wait_dma2 semaphore(%arg8 : memref<!tpu.dma_semaphore, #tpu.memory_space<semaphore_mem>>) src(%dma_wait3A_103 : memref<128x128xf32, #tpu.memory_space<vmem>>) dst(%dma_wait3A_99 : memref<128x128xf32, #tpu.memory_space<hbm>>)
    %dma_wait3A_104 = arith.constant 3 : i32
    %dma_wait3A_105 = arith.constant 0 : i32
    %dma_wait3A_106 = arith.constant 0 : i32
    %dma_wait3A_107 = tpu.memref_slice %arg6[%dma_wait3A_104, %dma_wait3A_105, %dma_wait3A_106] : memref<5x128x128xf32, #tpu.memory_space<vmem>> -> memref<1x128x128xf32, #tpu.memory_space<vmem>>
    %dma_wait3A_108 = tpu.memref_squeeze %dma_wait3A_107 : memref<1x128x128xf32, #tpu.memory_space<vmem>> -> memref<128x128xf32, #tpu.memory_space<vmem>>
    %dma_wait3A_109 = arith.constant 0 : i32
    %dma_wait3A_110 = tpu.memref_slice %arg4[%mul3A_2, %dma_wait3A_109] : memref<819200x128xf32, #tpu.memory_space<hbm>> -> memref<128x128xf32, #tpu.memory_space<hbm>>
    %dma_wait3A_111 = arith.constant 0 : i32
    %dma_wait3A_112 = tpu.memref_slice %arg4[%mul3A_2, %dma_wait3A_111] : memref<819200x128xf32, #tpu.memory_space<hbm>> -> memref<128x128xf32, #tpu.memory_space<hbm>>
    %dma_wait3A_113 = arith.constant 0 : i32
    %dma_wait3A_114 = arith.constant 0 : i32
    %dma_wait3A_115 = tpu.memref_slice %arg6[%dma_wait3A_104, %dma_wait3A_113, %dma_wait3A_114] : memref<5x128x128xf32, #tpu.memory_space<vmem>> -> memref<1x128x128xf32, #tpu.memory_space<vmem>>
    %dma_wait3A_116 = tpu.memref_squeeze %dma_wait3A_115 : memref<1x128x128xf32, #tpu.memory_space<vmem>> -> memref<128x128xf32, #tpu.memory_space<vmem>>
    tpu.wait_dma2 semaphore(%arg8 : memref<!tpu.dma_semaphore, #tpu.memory_space<semaphore_mem>>) src(%dma_wait3A_116 : memref<128x128xf32, #tpu.memory_space<vmem>>) dst(%dma_wait3A_112 : memref<128x128xf32, #tpu.memory_space<hbm>>)
    %dma_wait3A_117 = arith.constant 4 : i32
    %dma_wait3A_118 = arith.constant 0 : i32
    %dma_wait3A_119 = arith.constant 0 : i32
    %dma_wait3A_120 = tpu.memref_slice %arg6[%dma_wait3A_117, %dma_wait3A_118, %dma_wait3A_119] : memref<5x128x128xf32, #tpu.memory_space<vmem>> -> memref<1x128x128xf32, #tpu.memory_space<vmem>>
    %dma_wait3A_121 = tpu.memref_squeeze %dma_wait3A_120 : memref<1x128x128xf32, #tpu.memory_space<vmem>> -> memref<128x128xf32, #tpu.memory_space<vmem>>
    %dma_wait3A_122 = arith.constant 0 : i32
    %dma_wait3A_123 = tpu.memref_slice %arg4[%mul3A_2, %dma_wait3A_122] : memref<819200x128xf32, #tpu.memory_space<hbm>> -> memref<128x128xf32, #tpu.memory_space<hbm>>
    %dma_wait3A_124 = arith.constant 0 : i32
    %dma_wait3A_125 = tpu.memref_slice %arg4[%mul3A_2, %dma_wait3A_124] : memref<819200x128xf32, #tpu.memory_space<hbm>> -> memref<128x128xf32, #tpu.memory_space<hbm>>
    %dma_wait3A_126 = arith.constant 0 : i32
    %dma_wait3A_127 = arith.constant 0 : i32
    %dma_wait3A_128 = tpu.memref_slice %arg6[%dma_wait3A_117, %dma_wait3A_126, %dma_wait3A_127] : memref<5x128x128xf32, #tpu.memory_space<vmem>> -> memref<1x128x128xf32, #tpu.memory_space<vmem>>
    %dma_wait3A_129 = tpu.memref_squeeze %dma_wait3A_128 : memref<1x128x128xf32, #tpu.memory_space<vmem>> -> memref<128x128xf32, #tpu.memory_space<vmem>>
    tpu.wait_dma2 semaphore(%arg8 : memref<!tpu.dma_semaphore, #tpu.memory_space<semaphore_mem>>) src(%dma_wait3A_129 : memref<128x128xf32, #tpu.memory_space<vmem>>) dst(%dma_wait3A_125 : memref<128x128xf32, #tpu.memory_space<hbm>>)
    return
  }
}

</mosaic_0001>

<sc_bundles>
// kernel: kernel.3.cloned.1.call-start
scs
__scs_entry_jumppad:
0x0: {  	(pc) =	sbr.rel $0x88, $3  }
0x1: {  	(tag) =	ssettag $0x0;
	lr =	simm.s32 $0x1  }
0x2: {  	[smem:$0x3F9F] =	sst lr;
	_ =	strace $0xD0000000  }
0x3: {  	_ = 	snop  }
0x4: {  	_ = 	snop  }
0x5: {  	_ = 	snop  }
0x6: {  	_ = 	snop  }
0x7: {  	_ = 	snop  }
__scs_overlays_trampoline_lowered:
0x8: {  	[smem:$0x3FAE] =	sst s0  }
0x9: {  	[smem:$0x3FAF] =	sst s1  }
0xa: {  	[smem:$0x3FB0] =	sst s2  }
0xb: {  	[smem:$0x3FB1] =	sst s3  }
0xc: {  	[smem:$0x3FB2] =	sst s4  }
0xd: {  	[smem:$0x3FB3] =	sst s5  }
0xe: {  	[smem:$0x3FB4] =	sst s6  }
0xf: {  	[smem:$0x3FB5] =	sst s7  }
0x10: {  	[smem:$0x3FB6] =	sst s8  }
0x11: {  	[smem:$0x3FB7] =	sst s9;
	s0 =	simm.s32 @!p0 $0x0  }
0x12: {  	s1 =	sld [smem:$0x3F9D];
	s0 =	simm.s32 @p0 $0x1  }
0x13: {  	[smem:$0x3FB8] =	sst s0;
	s0 =	simm.s32 @!p1 $0x0  }
0x14: {  	s2 =	sld [smem:$0x3F9C];
	s0 =	simm.s32 @p1 $0x1  }
0x15: {  	[smem:$0x3FB9] =	sst s0;
	s0 =	simm.s32 @!p2 $0x0  }
0x16: {  	s3 =	sld [smem:$0x3FDB];
	s0 =	simm.s32 @p2 $0x1  }
0x17: {  	s4 =	simm.s32 $0x1BF5;
	[smem:$0x3FBB] =	sst s0  }
0x18: {  	s0 =	sld [smem:$0x3F9E];
	_ =	swait.ge [sflag:s4], $0x0  }
0x19: {  	s7 =	sld [smem:$0x3F9F]  }
0x1a: {  	s8 =	sadd.s32 $0xFFFFE003, lr  }
0x1b: {  	s9 =	sadd.s32 $0xFFFFFEF7, lr;
	s5 =	simm.s32 $0xFFFFFFFF;
	p2 =	slt.u32 s8, $0xFFFFF086  }
0x1c: {  	p1 =	slt.u32 s9, $0xF7A;
	s5 =	simm.s32 @!p2 $0x0  }
0x1d: {  	s5 =	simm.s32 @p1 $0x1;
	p0 =	seq.s32 s7, s2  }
0x1e: {  	s7 =	smul.u32 @!p0 $0xF7A, s2;
	p2 =	seq.s32 @!p0 s5, $0x0  }
0x1f: {  	s9 =	smul.u32 $0xF7A, s1;
	s8 =	simm.s32 @!p0 $0x1BF5;
	p2 =	por !p2, p0  }
0x20: {  	[sflag:s8] =	ssyncset.s32 @!p0 $0xFFFFF086;
	s6 =	sadd.s32 @!p0 s3, s7;
	s7 =	simm.s32 @!p0 $0x108  }
0x21: {  	s3 =	sadd.s32 s3, s9;
	s6 =	sadd.s32 @!p0 $0x88, s6;
	s7 =	simm.s32 @p2 $0x1082  }
0x22: {  	[simem:s7], [sflag:s8] =	dma.local @!p0 [hbm:s6], $0xF7A  }
0x23: {  	s9 =	sor.u32 $0xD0000000, s2;
	s6 =	simm.s32 $0x108;
	_ =	swait.ge @!p0 [sflag:s8], $0x0  }
0x24: {  	s3 =	sadd.s32 $0x88, s3;
	s6 =	simm.s32 @!p1 $0x1082;
	[sflag:s4] =	ssyncset.s32 $0xFFFFF086  }
0x25: {  	[simem:s6], [sflag:s4] =	dma.local [hbm:s3], $0xF7A  }
0x26: {  	[smem:$0x3F9F] =	sst s1;
	(tag) =	ssettag s2;
	_ =	strace s9  }
0x27: {  	s1 =	sld [smem:$0x3FAF]  }
0x28: {  	s2 =	sld [smem:$0x3FB0]  }
0x29: {  	s4 =	sld [smem:$0x3FB2]  }
0x2a: {  	p0 =	seq.s32 s5, $0x0;
	s5 =	sld [smem:$0x3FB3]  }
0x2b: {  	s6 =	sld [smem:$0x3FB4]  }
0x2c: {  	s7 =	sld [smem:$0x3FB5]  }
0x2d: {  	s3 =	simm.s32 $0x108;
	s8 =	sld [smem:$0x3FB6]  }
0x2e: {  	s3 =	simm.s32 @!p0 $0x1082;
	s9 =	sld [smem:$0x3FB7]  }
0x2f: {  	lr =	sadd.s32 s0, s3;
	s0 =	sld [smem:$0x3FAE]  }
0x30: {  	s3 =	sld [smem:$0x3FB1]  }
0x31: {  	[smem:$0x3FBA] =	sst s10  }
0x32: {  	s10 =	sld [smem:$0x3FB8];
	_ =	sdelay $0x3  }
0x33: {  	p0 =	seq.s32 s10, $0x1;
	s10 =	sld [smem:$0x3FBA];
	_ =	sdelay $0x3  }
0x34: {  	[smem:$0x3FBA] =	sst s10  }
0x35: {  	s10 =	sld [smem:$0x3FB9];
	_ =	sdelay $0x3  }
0x36: {  	p1 =	seq.s32 s10, $0x1;
	s10 =	sld [smem:$0x3FBA];
	_ =	sdelay $0x3  }
0x37: {  	[smem:$0x3FBA] =	sst s10  }
0x38: {  	s10 =	sld [smem:$0x3FBB]  }
0x39: {  	_ = 	snop;
	(pc) =	sbr.ind lr, $3  }
0x3a: {  	_ = 	snop  }
0x3b: {  	_ = 	snop  }
0x3c: {  	p2 =	seq.s32 s10, $0x1;
	s10 =	sld [smem:$0x3FBA]  }
0x3d: {  	_ =	shalt  }
0x3e: {  	_ =	shalt  }
0x3f: {  	_ =	shalt  }
0x40: {  	_ =	shalt  }
0x41: {  	_ =	shalt  }
0x42: {  	_ =	shalt  }
0x43: {  	_ =	shalt  }
0x44: {  	_ =	shalt  }
0x45: {  	_ =	shalt  }
0x46: {  	_ =	shalt  }
0x47: {  	_ =	shalt  }
0x48: {  	_ =	shalt  }
0x49: {  	_ =	shalt  }
0x4a: {  	_ =	shalt  }
0x4b: {  	_ =	shalt  }
0x4c: {  	_ =	shalt  }
0x4d: {  	_ =	shalt  }
0x4e: {  	_ =	shalt  }
0x4f: {  	_ =	shalt  }
0x50: {  	_ =	shalt  }
0x51: {  	_ =	shalt  }
0x52: {  	_ =	shalt  }
0x53: {  	_ =	shalt  }
0x54: {  	_ =	shalt  }
0x55: {  	_ =	shalt  }
0x56: {  	_ =	shalt  }
0x57: {  	_ =	shalt  }
0x58: {  	_ =	shalt  }
0x59: {  	_ =	shalt  }
0x5a: {  	_ =	shalt  }
0x5b: {  	_ =	shalt  }
0x5c: {  	_ =	shalt  }
0x5d: {  	_ =	shalt  }
0x5e: {  	_ =	shalt  }
0x5f: {  	_ =	shalt  }
0x60: {  	_ =	shalt  }
0x61: {  	_ =	shalt  }
0x62: {  	_ =	shalt  }
0x63: {  	_ =	shalt  }
0x64: {  	_ =	shalt  }
0x65: {  	_ =	shalt  }
0x66: {  	_ =	shalt  }
0x67: {  	_ =	shalt  }
0x68: {  	_ =	shalt  }
0x69: {  	_ =	shalt  }
0x6a: {  	_ =	shalt  }
0x6b: {  	_ =	shalt  }
0x6c: {  	_ =	shalt  }
0x6d: {  	_ =	shalt  }
0x6e: {  	_ =	shalt  }
0x6f: {  	_ =	shalt  }
0x70: {  	_ =	shalt  }
0x71: {  	_ =	shalt  }
0x72: {  	_ =	shalt  }
0x73: {  	_ =	shalt  }
0x74: {  	_ =	shalt  }
0x75: {  	_ =	shalt  }
0x76: {  	_ =	shalt  }
0x77: {  	_ =	shalt  }
0x78: {  	_ =	shalt  }
0x79: {  	_ =	shalt  }
0x7a: {  	_ =	shalt  }
0x7b: {  	_ =	shalt  }
0x7c: {  	_ =	shalt  }
0x7d: {  	_ =	shalt  }
0x7e: {  	_ =	shalt  }
0x7f: {  	_ =	shalt  }
0x80: {  	_ =	shalt  }
0x81: {  	_ =	shalt  }
0x82: {  	_ =	shalt  }
0x83: {  	_ =	shalt  }
0x84: {  	_ =	shalt  }
0x85: {  	_ =	shalt  }
0x86: {  	_ =	shalt  }
0x87: {  	_ =	shalt  }
.Lfunc_end0:
.L_simem_size_0:
called_computation_lowered:
.L_overlay_start_0:
0x88: {  	s2 =	sld [smem:$0x3FD9]  }
0x89: {  	s3 =	sld [smem:$0x3FFE];
	_ =	sdelay $0x1  }
0x8a: {  	s1 =	srdreg.scid  }
0x8b: {  	s0 =	sand.u32 $0x1, s1  }
0x8c: {  	s17 =	sshll.u32 s0, $0xA;
	s2 =	sadd.s32 s3, s2  }
0x8d: {  	s2 =	sadd.s32 s2, s17  }
0x8e: {  	[smem:$0x3FC6] =	sst s2  }
0x8f: {  	_ = 	snop  }
0x90: {  	s2 =	sld [smem:$0x3FC8]  }
0x91: {  	s18 =	sld [smem:$0x3FD0];
	(tm) =	ssettm $0x1  }
0x92: {  	s4 =	sld [smem:$0x3FFB];
	_ =	sdelay $0x3  }
0x93: {  	_ =	strace s4  }
0x94: {  	s4 =	sld [smem:$0x3FFC];
	_ =	sdelay $0x3  }
0x95: {  	_ =	strace s4  }
0x96: {  	s4 =	sld [smem:$0x3FFD];
	_ =	sdelay $0x3  }
0x97: {  	_ =	strace s4  }
0x98: {  	_ =	strace $0x8FFFFFFF  }
0x99: {  	s19 =	sld [smem:$0x3FDB];
	_ =	sdelay $0x1  }
0x9a: {  	s5 =	simm.s32 $_scs_section_size  }
0x9b: {  	s6 =	simm.s32 $_size__tile_overlayer_lowered;
	s7 =	simm.s32 $_tile_overlayer_lowered  }
0x9c: {  	s22 =	simm.s32 $0x1BFF;
	s21 =	sshll.u32 s7, $0x1;
	s4 =	sadd.s32 s5, s19  }
0x9d: {  	s8 =	simm.s32 $0x0;
	s20 =	sshll.u32 s6, $0x1;
	s6 =	sadd.s32 s21, s4  }
0x9e: {  	[timem:s8], [sflag:s22] =	dma.local [hbm:s6], s20  }
0x9f: {  	_ =	swait.ge [sflag:s22], s20  }
0xa0: {  	s5 =	ssub.s32 $0x0, s20;
	[sflag:s22] =	ssyncset.done $0x0  }
0xa1: {  	[sflag:s22] =	ssyncadd.s32 s5;
	_ =	sdelay $0x1  }
0xa2: {  	s23 =	simm.s32 $0x1B8B  }
0xa3: {  	_ =	swait.ge [sflag:s23], $0x1  }
0xa4: {  	[sflag:s23] =	ssyncset.done $0x0  }
0xa5: {  	s25 =	simm.s32 $0x1B8E;
	s24 =	sld [smem:$0x3FFE];
	[sflag:s23] =	ssyncadd.s32 $0xFFFFFFFF  }
0xa6: {  	s26 =	simm.s32 $execute0_lowered;
	[smem:$0x3FD2] =	sst s25  }
0xa7: {  	s6 =	sshll.u32 s26, $0x1;
	_ =	strace $0x80000046;
	[dreg:$0x1] =	wrdreg $0xFFFFFFFF  }
0xa8: {  	s28 =	simm.s32 $_size_execute0_lowered;
	s4 =	sadd.s32 s4, s6;
	[dreg:$0x0] =	wrdreg $0x0  }
0xa9: {  	s6 =	sshll.u32 s28, $0x1;
	[dreg:$0x2] =	wrdreg s4  }
0xaa: {  	[dreg:$0x3] =	wrdreg s6  }
0xab: {  	[dreg:$0x4] =	wrdreg $0xC0  }
0xac: {  	_ =	task [dreg:s8], $0x5FFFF  }
0xad: {  	[dreg:$0x1] =	wrdreg $0xFFFFFFFF  }
0xae: {  	[dreg:$0x0] =	wrdreg $0x60  }
0xaf: {  	[dreg:$0x2] =	wrdreg s2  }
0xb0: {  	[dreg:$0x3] =	wrdreg s24  }
0xb1: {  	[dreg:$0x4] =	wrdreg s18  }
0xb2: {  	[dreg:$0x5] =	wrdreg $0x9  }
0xb3: {  	_ =	task.clear_ibuf [dreg:s8], $0x6FFFF;
	_ =	strace $0x90000046  }
0xb4: {  	s29 =	simm.s32 $0x9;
	_ =	strace $0x80000048  }
0xb5: {  	_ =	swait.ge [sflag:s29], $0x1  }
0xb6: {  	[sflag:s29] =	ssyncadd.s32 $0xFFFFFFFF  }
0xb7: {  	_ =	strace $0x90000048  }
0xb8: {  	_ =	sfence  }
0xb9: {  	s30 =	sld [smem:$0x0];
	_ =	sdelay $0x2  }
0xba: {  	s31 =	sshll.u32 s1, $0xD;
	s1 =	sshrl.u32 s1, $0x2  }
0xbb: {  	s3 =	sand.u32 $0x4000, s31;
	s1 =	sadd.s32 s1, s30  }
0xbc: {  	s0 =	sor.u32 s3, s0;
	s1 =	sshll.u32 s1, $0x11  }
0xbd: {  	s0 =	sor.u32 s1, s0  }
0xbe: {  	s0 =	sadd.s32 $0x8F2B, s0  }
0xbf: {  	[sflag:s0] =	ssyncadd.remote.s32 $0x1  }
0xc0: {  	_ =	sfence.sel $0xFFFF  }
0xc1: {  	[dreg:$0x0] =	wrdreg $0xFFFFFFFF;
	(pc) =	sbr.abs _section_cstart, $3  }
0xc2: {  	[dreg:$0x1] =	wrdreg $0xFFFFFFFF  }
0xc3: {  	_ =	task.clear_ibuf [dreg:s8], $0x2FFFF;
	_ =	strace $0x9FFFFFFF  }
0xc4: {  	(tm) =	ssettm $0x7FFFFFFF  }
0xc5: {  	_ =	shalt  }
tec
execute0_lowered:
.L_overlay_start_1:
0x0: {  	(tag) =	ssettag $0x1  }
0x1: {  	s1 =	rddreg [dreg:$0x0]  }
0x2: {  	s0 =	srdreg.scid;
	s6 =	rddreg [dreg:$0x1]  }
0x3: {  	s2 =	stileid.u32;
	s3 =	rddreg [dreg:$0x2]  }
0x4: {  	s5 =	simm.s32 $0x0;
	s11 =	simm.s32 $0x3;
	s12 =	simm.s32 $0x80  }
0x5: {  	s13 =	simm.s32 $0x6400;
	s14 =	simm.s32 $0xA400;
	s16 =	simm.s32 $0xE400  }
0x6: {  	s18 =	simm.s32 $0x12400;
	s20 =	simm.s32 $0x16400;
	s21 =	simm.s32 $0x1  }
0x7: {  	s22 =	simm.s32 $0x8400;
	s0 =	sand.u32 $0x1, s0;
	s2 =	sshll.u32 s2, $0x1  }
0x8: {  	s23 =	simm.s32 $0xC400;
	s24 =	simm.s32 $0x10400;
	s2 =	sor.u32 s0, s2  }
0x9: {  	s25 =	simm.s32 $0x14400;
	s26 =	simm.s32 $0x18400;
	s4 =	smul.u32 $0x6400, s2  }
.Ltmp0:
0xa: {  	s28 =	simm.s32 $0x2;
	[smem:$0x7FF] =	sst s5;
	(pc) =	sbr.rel .LBB2_1-.Ltmp0, $4  }
0xb: {  	s29 =	simm.s32 $0x0;
	s0 =	ssub.s32 $0x2, s0;
	_ =	strace $0x80000047  }
0xc: {  	s31 =	sshrl.u32 s0, $0x1;
	s9 =	smul.u32 $0x64000, s2;
	s7 =	sshrl.u32 s4, $0x3  }
0xd: {  	s0 =	ssub.s32 s0, s31;
	s8 =	sor.u32 $0x80, s4;
	s6 =	sadd.s32 s7, s6  }
0xe: {  	s10 =	smax.u32 s0, $0x1;
	s7 =	sadd.s32 $0x400, s3;
	s6 =	sadd.s32 $0x400, s6  }
.LBB2_24:
0xf: {  	_ =	swait.ge [sflag:s28], $0x4000  }
0x10: {  	[sflag:s28] =	ssyncset.done $0x0  }
0x11: {  	[sflag:s28] =	ssyncadd.s32 $0xFFFFC000  }
0x12: {  	_ =	swait.ge [sflag:s28], $0x4000  }
0x13: {  	[sflag:s28] =	ssyncset.done $0x0  }
0x14: {  	s29 =	sadd.s32 $0x1, s29;
	[sflag:s28] =	ssyncadd.s32 $0xFFFFC000  }
0x15: {  	p0 =	sne.s32 s29, s10;
	_ =	swait.ge [sflag:s28], $0x4000  }
.Ltmp1:
0x16: {  	[sflag:s28] =	ssyncset.done $0x0;
	(pc) =	sbr.rel @!p0 .LBB2_25-.Ltmp1, $4  }
0x17: {  	[sflag:s28] =	ssyncadd.s32 $0xFFFFC000  }
0x18: {  	_ =	swait.ge [sflag:s28], $0x4000  }
0x19: {  	[sflag:s28] =	ssyncset.done $0x0  }
0x1a: {  	[sflag:s28] =	ssyncadd.s32 $0xFFFFC000  }
.LBB2_1:
0x1b: {  	[tilespmem:s5], [sflag:$0x3] =	stream.linear.gather [hbm4b:s6+s5], $0x6400, $0x38;
	[tilespmem:$0x1A400] =	vst v63  }
0x1c: {  	_ =	swait.ge [sflag:s11], $0x6400  }
0x1d: {  	[sflag:s11] =	ssyncset.done $0x0  }
0x1e: {  	[sflag:s11] =	ssyncadd.s32 $0xFFFF9C00  }
0x1f: {  	[tilespmem:s13], [sflag:$0x1] =	stream.indirect.gather [hbm4b:s1+s12], $0x80, s5, s12, $0xb8;
	[tilespmem:$0x1A400] =	vst v63  }
0x20: {  	_ = 	snop  }
0x21: {  	[tilespmem:s14], [sflag:$0x1] =	stream.indirect.gather [hbm4b:s1+s12], $0x80, s12, s12, $0xb8;
	[tilespmem:$0x1A400] =	vst v63  }
0x22: {  	s0 =	simm.s32 $0x100  }
0x23: {  	[tilespmem:s16], [sflag:$0x1] =	stream.indirect.gather [hbm4b:s1+s12], $0x80, s0, s12, $0xb8;
	[tilespmem:$0x1A400] =	vst v63  }
0x24: {  	s19 =	simm.s32 $0x180  }
0x25: {  	[tilespmem:s18], [sflag:$0x1] =	stream.indirect.gather [hbm4b:s1+s12], $0x80, s19, s12, $0xb8;
	[tilespmem:$0x1A400] =	vst v63  }
0x26: {  	s31 =	simm.s32 $0x200;
	s30 =	simm.s32 $0x0  }
0x27: {  	[tilespmem:s20], [sflag:$0x1] =	stream.indirect.gather [hbm4b:s1+s12], $0x80, s31, s12, $0xb8;
	[tilespmem:$0x1A400] =	vst v63  }
.LBB2_2:
0x28: {  	_ =	swait.ge [sflag:s21], $0x4000  }
0x29: {  	[sflag:s21] =	ssyncset.done $0x0  }
0x2a: {  	s31 =	simm.s32 $0x6480;
	[sflag:s21] =	ssyncadd.s32 $0xFFFFC000  }
0x2b: {  	v0 =	vld [tilespmem:s31+$0xFFFFFF80]  }
0x2c: {  	v1 =	vld [tilespmem:s31+$0xFFFFFF90]  }
0x2d: {  	v2 =	vld [tilespmem:s31+$0xFFFFFFA0]  }
0x2e: {  	v3 =	vld [tilespmem:s31+$0xFFFFFFB0]  }
0x2f: {  	v4 =	vld [tilespmem:s31+$0xFFFFFFC0]  }
0x30: {  	v5 =	vld [tilespmem:s31+$0xFFFFFFD0];
	v0 =	vmul.f32 $1.131370830e+01, v0  }
0x31: {  	v6 =	vld [tilespmem:s31+$0xFFFFFFE0];
	v1 =	vmul.f32 $1.131370830e+01, v1  }
0x32: {  	[tilespmem:s31+$0xFFFFFF80] =	vst v0;
	v0 =	vmul.f32 $1.131370830e+01, v2;
	v2 =	vld [tilespmem:s31+$0x0]  }
0x33: {  	[tilespmem:s31+$0xFFFFFF90] =	vst v1;
	v1 =	vmul.f32 $1.131370830e+01, v3;
	v3 =	vld [tilespmem:s31+$0x10]  }
0x34: {  	[tilespmem:s31+$0xFFFFFFA0] =	vst v0;
	v0 =	vmul.f32 $1.131370830e+01, v4;
	v4 =	vld [tilespmem:s31+$0x20]  }
0x35: {  	v7 =	vld [tilespmem:s31+$0x30];
	[tilespmem:s31+$0xFFFFFFB0] =	vst v1;
	v1 =	vmul.f32 $1.131370830e+01, v5  }
0x36: {  	v5 =	vmul.f32 $1.131370830e+01, v6;
	[tilespmem:s31+$0xFFFFFFC0] =	vst v0;
	v0 =	vld [tilespmem:s31+$0x40]  }
0x37: {  	[tilespmem:s31+$0xFFFFFFD0] =	vst v1;
	v1 =	vmul.f32 $1.131370830e+01, v2;
	v2 =	vld [tilespmem:s31+$0x50]  }
0x38: {  	[tilespmem:s31+$0xFFFFFFE0] =	vst v5;
	v6 =	vmul.f32 $1.131370830e+01, v3;
	v3 =	vld [tilespmem:s31+$0x60]  }
0x39: {  	[tilespmem:s31+$0x0] =	vst v1;
	v5 =	vmul.f32 $1.131370830e+01, v4;
	v4 =	vld [tilespmem:s31+$0x70]  }
0x3a: {  	s0 =	simm.s32 $0x0;
	s2 =	simm.s32 $0x6580;
	v1 =	vld [tilespmem:s31+$0xFFFFFFF0];
	[tilespmem:s31+$0x10] =	vst v6;
	v6 =	vmul.f32 $1.131370830e+01, v7  }
.LBB2_3:
0x3b: {  	v7 =	vld [tilespmem:s2+$0xFFFFFF80];
	[tilespmem:s31+$0x20] =	vst v5;
	v0 =	vmul.f32 $1.131370830e+01, v0  }
0x3c: {  	v5 =	vld [tilespmem:s2+$0xFFFFFF90];
	[tilespmem:s31+$0x30] =	vst v6;
	v2 =	vmul.f32 $1.131370830e+01, v2  }
0x3d: {  	v6 =	vld [tilespmem:s2+$0xFFFFFFA0];
	[tilespmem:s31+$0x40] =	vst v0;
	v0 =	vmul.f32 $1.131370830e+01, v3  }
0x3e: {  	v3 =	vld [tilespmem:s2+$0xFFFFFFB0];
	[tilespmem:s31+$0x50] =	vst v2;
	v2 =	vmul.f32 $1.131370830e+01, v4  }
0x3f: {  	v4 =	vld [tilespmem:s2+$0xFFFFFFC0];
	v1 =	vmul.f32 $1.131370830e+01, v1;
	[tilespmem:s31+$0x60] =	vst v0  }
0x40: {  	v0 =	vmul.f32 $1.131370830e+01, v7;
	v7 =	vld [tilespmem:s2+$0xFFFFFFD0];
	[tilespmem:s31+$0x70] =	vst v2  }
0x41: {  	v2 =	vmul.f32 $1.131370830e+01, v5;
	v5 =	vld [tilespmem:s2+$0xFFFFFFE0];
	[tilespmem:s31+$0xFFFFFFF0] =	vst v1;
	s31 =	smov.u32 s2  }
0x42: {  	[tilespmem:s2+$0xFFFFFF80] =	vst v0;
	v0 =	vmul.f32 $1.131370830e+01, v6;
	v1 =	vld [tilespmem:s2+$0x0]  }
0x43: {  	[tilespmem:s2+$0xFFFFFF90] =	vst v2;
	v2 =	vmul.f32 $1.131370830e+01, v3;
	v3 =	vld [tilespmem:s2+$0x10]  }
0x44: {  	s0 =	sadd.s32 $0x2, s0;
	[tilespmem:s2+$0xFFFFFFA0] =	vst v0;
	v0 =	vmul.f32 $1.131370830e+01, v4;
	v4 =	vld [tilespmem:s2+$0x20]  }
0x45: {  	p0 =	slt.u32 s0, $0x3E;
	[tilespmem:s2+$0xFFFFFFB0] =	vst v2;
	v2 =	vmul.f32 $1.131370830e+01, v7;
	v6 =	vld [tilespmem:s2+$0x30]  }
.Ltmp2:
0x46: {  	[tilespmem:s2+$0xFFFFFFC0] =	vst v0;
	v5 =	vmul.f32 $1.131370830e+01, v5;
	v0 =	vld [tilespmem:s2+$0x40];
	(pc) =	sbr.rel @p0 .LBB2_3-.Ltmp2, $4  }
0x47: {  	[tilespmem:s2+$0xFFFFFFD0] =	vst v2;
	v1 =	vmul.f32 $1.131370830e+01, v1;
	v2 =	vld [tilespmem:s2+$0x50]  }
0x48: {  	[tilespmem:s2+$0xFFFFFFE0] =	vst v5;
	v7 =	vmul.f32 $1.131370830e+01, v3;
	v3 =	vld [tilespmem:s2+$0x60]  }
0x49: {  	[tilespmem:s2+$0x0] =	vst v1;
	v5 =	vmul.f32 $1.131370830e+01, v4;
	v4 =	vld [tilespmem:s2+$0x70]  }
0x4a: {  	s2 =	sadd.s32 $0x100, s2;
	v1 =	vld [tilespmem:s31+$0xFFFFFFF0];
	[tilespmem:s31+$0x10] =	vst v7;
	v6 =	vmul.f32 $1.131370830e+01, v6  }
0x4b: {  	[tilespmem:s31+$0x20] =	vst v5;
	v0 =	vmul.f32 $1.131370830e+01, v0  }
0x4c: {  	[tilespmem:s31+$0x30] =	vst v6;
	v2 =	vmul.f32 $1.131370830e+01, v2  }
0x4d: {  	s0 =	smul.u32 $0x280, s30;
	[tilespmem:s31+$0x40] =	vst v0;
	v0 =	vmul.f32 $1.131370830e+01, v3  }
0x4e: {  	[tilespmem:s31+$0x50] =	vst v2;
	v2 =	vmul.f32 $1.131370830e+01, v4  }
0x4f: {  	s2 =	sadd.s32 s4, s0;
	v1 =	vmul.f32 $1.131370830e+01, v1;
	[tilespmem:s31+$0x60] =	vst v0  }
0x50: {  	s2 =	sshll.u32 s2, $0x4;
	[tilespmem:s31+$0x70] =	vst v2  }
0x51: {  	s15 =	sadd.s32 s3, s2;
	[tilespmem:s31+$0xFFFFFFF0] =	vst v1  }
0x52: {  	[hbm4b:s15+s5] =	stream.linear.scatter [tilespmem:s13], [sflag:$0x2], $0x2000, $0x38;
	[tilespmem:$0x1A400] =	vst v63  }
0x53: {  	s15 =	simm.s32 $0x84F0  }
0x54: {  	v0 =	vld [tilespmem:s15+$0xFFFFFF10]  }
0x55: {  	v1 =	vld [tilespmem:s15+$0xFFFFFF20]  }
0x56: {  	v2 =	vld [tilespmem:s15+$0xFFFFFF30]  }
0x57: {  	v3 =	vld [tilespmem:s15+$0xFFFFFF40]  }
0x58: {  	v4 =	vld [tilespmem:s15+$0xFFFFFF50]  }
0x59: {  	v5 =	vld [tilespmem:s15+$0xFFFFFF60];
	v0 =	vmul.f32 $1.131370830e+01, v0  }
0x5a: {  	v6 =	vld [tilespmem:s15+$0xFFFFFF70];
	v1 =	vmul.f32 $1.131370830e+01, v1  }
0x5b: {  	[tilespmem:s15+$0xFFFFFF10] =	vst v0;
	v0 =	vmul.f32 $1.131370830e+01, v2;
	v2 =	vld [tilespmem:s15+$0xFFFFFF80]  }
0x5c: {  	[tilespmem:s15+$0xFFFFFF20] =	vst v1;
	v1 =	vmul.f32 $1.131370830e+01, v3;
	v3 =	vld [tilespmem:s15+$0xFFFFFF90]  }
0x5d: {  	[tilespmem:s15+$0xFFFFFF30] =	vst v0;
	v0 =	vmul.f32 $1.131370830e+01, v4;
	v4 =	vld [tilespmem:s15+$0xFFFFFFA0]  }
0x5e: {  	v7 =	vld [tilespmem:s15+$0xFFFFFFB0];
	[tilespmem:s15+$0xFFFFFF40] =	vst v1;
	v1 =	vmul.f32 $1.131370830e+01, v5  }
0x5f: {  	v5 =	vmul.f32 $1.131370830e+01, v6;
	[tilespmem:s15+$0xFFFFFF50] =	vst v0;
	v0 =	vld [tilespmem:s15+$0xFFFFFFC0]  }
0x60: {  	[tilespmem:s15+$0xFFFFFF60] =	vst v1;
	v1 =	vld [tilespmem:s15+$0xFFFFFFD0];
	v6 =	vmul.f32 $1.131370830e+01, v2  }
0x61: {  	[tilespmem:s15+$0xFFFFFF70] =	vst v5;
	v8 =	vmul.f32 $1.131370830e+01, v3;
	v2 =	vld [tilespmem:s15+$0xFFFFFFE0]  }
0x62: {  	v3 =	vld [tilespmem:s15+$0x0];
	[tilespmem:s15+$0xFFFFFF80] =	vst v6;
	v5 =	vmul.f32 $1.131370830e+01, v4  }
0x63: {  	s17 =	simm.s32 $0x40;
	s31 =	simm.s32 $0x85F0;
	[tilespmem:s15+$0xFFFFFF90] =	vst v8;
	v6 =	vmul.f32 $1.131370830e+01, v7;
	v4 =	vld [tilespmem:s15+$0xFFFFFFF0]  }
.LBB2_5:
0x64: {  	v7 =	vld [tilespmem:s31+$0xFFFFFF10];
	[tilespmem:s15+$0xFFFFFFA0] =	vst v5;
	v0 =	vmul.f32 $1.131370830e+01, v0  }
0x65: {  	v5 =	vld [tilespmem:s31+$0xFFFFFF20];
	[tilespmem:s15+$0xFFFFFFB0] =	vst v6;
	v1 =	vmul.f32 $1.131370830e+01, v1  }
0x66: {  	v6 =	vld [tilespmem:s31+$0xFFFFFF30];
	[tilespmem:s15+$0xFFFFFFC0] =	vst v0;
	v0 =	vmul.f32 $1.131370830e+01, v2  }
0x67: {  	v2 =	vld [tilespmem:s31+$0xFFFFFF40];
	[tilespmem:s15+$0xFFFFFFD0] =	vst v1;
	v1 =	vmul.f32 $1.131370830e+01, v3  }
0x68: {  	v3 =	vld [tilespmem:s31+$0xFFFFFF50];
	[tilespmem:s15+$0xFFFFFFE0] =	vst v0;
	v0 =	vmul.f32 $1.131370830e+01, v4  }
0x69: {  	v4 =	vmul.f32 $1.131370830e+01, v7;
	v7 =	vld [tilespmem:s31+$0xFFFFFF60];
	[tilespmem:s15+$0x0] =	vst v1  }
0x6a: {  	v1 =	vmul.f32 $1.131370830e+01, v5;
	v5 =	vld [tilespmem:s31+$0xFFFFFF70];
	[tilespmem:s15+$0xFFFFFFF0] =	vst v0;
	s15 =	smov.u32 s31  }
0x6b: {  	[tilespmem:s31+$0xFFFFFF10] =	vst v4;
	v0 =	vmul.f32 $1.131370830e+01, v6;
	v4 =	vld [tilespmem:s31+$0xFFFFFF80]  }
0x6c: {  	[tilespmem:s31+$0xFFFFFF20] =	vst v1;
	v1 =	vmul.f32 $1.131370830e+01, v2;
	v2 =	vld [tilespmem:s31+$0xFFFFFF90]  }
0x6d: {  	s17 =	sadd.s32 $0x2, s17;
	[tilespmem:s31+$0xFFFFFF30] =	vst v0;
	v0 =	vmul.f32 $1.131370830e+01, v3;
	v3 =	vld [tilespmem:s31+$0xFFFFFFA0]  }
0x6e: {  	p0 =	slt.u32 s17, $0x7E;
	[tilespmem:s31+$0xFFFFFF40] =	vst v1;
	v1 =	vmul.f32 $1.131370830e+01, v7;
	v6 =	vld [tilespmem:s31+$0xFFFFFFB0]  }
.Ltmp3:
0x6f: {  	[tilespmem:s31+$0xFFFFFF50] =	vst v0;
	v5 =	vmul.f32 $1.131370830e+01, v5;
	v0 =	vld [tilespmem:s31+$0xFFFFFFC0];
	(pc) =	sbr.rel @p0 .LBB2_5-.Ltmp3, $4  }
0x70: {  	[tilespmem:s31+$0xFFFFFF60] =	vst v1;
	v4 =	vmul.f32 $1.131370830e+01, v4;
	v1 =	vld [tilespmem:s31+$0xFFFFFFD0]  }
0x71: {  	[tilespmem:s31+$0xFFFFFF70] =	vst v5;
	v7 =	vmul.f32 $1.131370830e+01, v2;
	v2 =	vld [tilespmem:s31+$0xFFFFFFE0]  }
0x72: {  	[tilespmem:s31+$0xFFFFFF80] =	vst v4;
	v5 =	vmul.f32 $1.131370830e+01, v3;
	v3 =	vld [tilespmem:s31+$0x0]  }
0x73: {  	s31 =	sadd.s32 $0x100, s31;
	[tilespmem:s15+$0xFFFFFF90] =	vst v7;
	v6 =	vmul.f32 $1.131370830e+01, v6;
	v4 =	vld [tilespmem:s15+$0xFFFFFFF0]  }
0x74: {  	[tilespmem:s15+$0xFFFFFFA0] =	vst v5;
	v0 =	vmul.f32 $1.131370830e+01, v0  }
0x75: {  	[tilespmem:s15+$0xFFFFFFB0] =	vst v6;
	v1 =	vmul.f32 $1.131370830e+01, v1  }
0x76: {  	s31 =	smul.u32 $0x5, s30;
	[tilespmem:s15+$0xFFFFFFC0] =	vst v0;
	v0 =	vmul.f32 $1.131370830e+01, v2  }
0x77: {  	[tilespmem:s15+$0xFFFFFFD0] =	vst v1;
	v1 =	vmul.f32 $1.131370830e+01, v3  }
0x78: {  	s19 =	sadd.s32 $0xFFFFFFFD, s31;
	[tilespmem:s15+$0xFFFFFFE0] =	vst v0;
	v0 =	vmul.f32 $1.131370830e+01, v4  }
0x79: {  	p0 =	sgt.u32 s19, $0xC2;
	[tilespmem:s15+$0x0] =	vst v1  }
0x7a: {  	s2 =	sadd.s32 s2, s7;
	[tilespmem:s15+$0xFFFFFFF0] =	vst v0;
	s15 =	simm.s32 @!p0 $0x2  }
0x7b: {  	[hbm4b:s2+s5] =	stream.linear.scatter [tilespmem:s22], [sflag:$0x2], $0x2000, $0x38;
	[tilespmem:$0x1A400] =	vst v63  }
0x7c: {  	_ =	swait.ge @!p0 [sflag:s15], $0x4000  }
0x7d: {  	s2 =	sadd.s32 $0x2, s31;
	[sflag:s15] =	ssyncset.done @!p0 $0x0  }
0x7e: {  	[sflag:s15] =	ssyncadd.s32 @!p0 $0xFFFFC000;
	s15 =	sshll.u32 @!p0 s2, $0x7  }
0x7f: {  	s17 =	simm.s32 @!p0 $0x80;
	s19 =	simm.s32 @!p0 $0xE400;
	s15 =	sand.u32 @!p0 $0x3FFFFF80, s15  }
0x80: {  	[tilespmem:s19], [sflag:$0x1] =	stream.indirect.gather @!p0 [hbm4b:s1+s17], $0x80, s15, s17, $0xb8;
	[tilespmem:$0x1A400] =	vst v63  }
0x81: {  	_ =	swait.ge [sflag:s21], $0x4000  }
0x82: {  	[sflag:s21] =	ssyncset.done $0x0  }
0x83: {  	s15 =	simm.s32 $0xA400;
	[sflag:s21] =	ssyncadd.s32 $0xFFFFC000  }
0x84: {  	v1 =	vld [tilespmem:s15+$0xA0]  }
0x85: {  	v2 =	vld [tilespmem:s15+$0x40]  }
0x86: {  	v3 =	vld [tilespmem:s15+$0xE0]  }
0x87: {  	v4 =	vld [tilespmem:s15+$0xD0]  }
0x88: {  	v5 =	vld [tilespmem:s15+$0x20]  }
0x89: {  	v0 =	vld [tilespmem:s15+$0x90]  }
0x8a: {  	v8 =	vld [tilespmem:s15+$0xC0]  }
0x8b: {  	v7 =	vld [tilespmem:s15+$0x10]  }
0x8c: {  	v9 =	vld [tilespmem:s15+$0x0];
	v1 =	vmul.f32 $1.131370830e+01, v1  }
0x8d: {  	v11 =	vld [tilespmem:s15+$0x50];
	v4 =	vmul.f32 $1.131370830e+01, v4  }
0x8e: {  	v10 =	vld [tilespmem:s15+$0xB0];
	v12 =	vmul.f32 $1.131370830e+01, v5;
	[tilespmem:s15+$0xA0] =	vst v1  }
0x8f: {  	v6 =	vld [tilespmem:s15+$0xF0];
	v13 =	vmul.f32 $1.131370830e+01, v8;
	[tilespmem:s15+$0xD0] =	vst v4  }
0x90: {  	v1 =	vmul.f32 $1.131370830e+01, v2;
	v2 =	vmul.f32 $1.131370830e+01, v3;
	v3 =	vld [tilespmem:s15+$0x80];
	[tilespmem:s15+$0x20] =	vst v12  }
0x91: {  	v4 =	vld [tilespmem:s15+$0x70];
	[tilespmem:s15+$0xC0] =	vst v13  }
0x92: {  	v8 =	vmul.f32 $1.131370830e+01, v9;
	v5 =	vld [tilespmem:s15+$0x60];
	v9 =	vmul.f32 $1.131370830e+01, v11;
	[tilespmem:s15+$0x40] =	vst v1  }
0x93: {  	s17 =	simm.s32 $0x0;
	s19 =	simm.s32 $0xA500;
	[tilespmem:s15+$0xE0] =	vst v2;
	v1 =	vmul.f32 $1.131370830e+01, v7;
	v7 =	vld [tilespmem:s15+$0x30];
	v2 =	vmul.f32 $1.131370830e+01, v10  }
.LBB2_7:
0x94: {  	v10 =	vld [tilespmem:s19+$0xA0];
	s17 =	sadd.s32 $0x2, s17;
	[tilespmem:s15+$0x0] =	vst v8;
	v0 =	vmul.f32 $1.131370830e+01, v0;
	v6 =	vmul.f32 $1.131370830e+01, v6  }
0x95: {  	v8 =	vld [tilespmem:s19+$0x40];
	p0 =	slt.u32 s17, $0x3E;
	[tilespmem:s15+$0x50] =	vst v9;
	v3 =	vmul.f32 $1.131370830e+01, v3  }
0x96: {  	v9 =	vld [tilespmem:s19+$0xE0];
	v4 =	vmul.f32 $1.131370830e+01, v4;
	[tilespmem:s15+$0xF0] =	vst v6  }
0x97: {  	v11 =	vld [tilespmem:s19+$0x20];
	v5 =	vmul.f32 $1.131370830e+01, v5;
	[tilespmem:s15+$0x80] =	vst v3  }
0x98: {  	v3 =	vld [tilespmem:s19+$0xD0];
	v6 =	vmul.f32 $1.131370830e+01, v7;
	[tilespmem:s15+$0x90] =	vst v0  }
0x99: {  	v0 =	vld [tilespmem:s19+$0x90];
	v7 =	vmul.f32 $1.131370830e+01, v10;
	[tilespmem:s15+$0x10] =	vst v1  }
0x9a: {  	v1 =	vld [tilespmem:s19+$0x10];
	[tilespmem:s15+$0x30] =	vst v6  }
0x9b: {  	v10 =	vld [tilespmem:s19+$0xC0];
	v9 =	vmul.f32 $1.131370830e+01, v9;
	[tilespmem:s15+$0xB0] =	vst v2  }
0x9c: {  	v2 =	vld [tilespmem:s19+$0x0];
	[tilespmem:s15+$0x70] =	vst v4  }
0x9d: {  	v12 =	vld [tilespmem:s19+$0xB0];
	v3 =	vmul.f32 $1.131370830e+01, v3;
	[tilespmem:s15+$0x60] =	vst v5;
	s15 =	smov.u32 s19  }
0x9e: {  	v13 =	vld [tilespmem:s19+$0x50];
	[tilespmem:s19+$0xA0] =	vst v7  }
.Ltmp4:
0x9f: {  	v4 =	vmul.f32 $1.131370830e+01, v8;
	[tilespmem:s19+$0xD0] =	vst v3;
	v6 =	vld [tilespmem:s19+$0xF0];
	(pc) =	sbr.rel @p0 .LBB2_7-.Ltmp4, $4  }
0xa0: {  	v3 =	vld [tilespmem:s19+$0x80];
	v7 =	vmul.f32 $1.131370830e+01, v10;
	[tilespmem:s19+$0xE0] =	vst v9  }
0xa1: {  	v9 =	vmul.f32 $1.131370830e+01, v11;
	[tilespmem:s19+$0x40] =	vst v4;
	v4 =	vld [tilespmem:s19+$0x70]  }
0xa2: {  	v1 =	vmul.f32 $1.131370830e+01, v1;
	v8 =	vmul.f32 $1.131370830e+01, v2;
	v5 =	vld [tilespmem:s19+$0x60];
	[tilespmem:s19+$0xC0] =	vst v7  }
0xa3: {  	v2 =	vmul.f32 $1.131370830e+01, v12;
	s19 =	sadd.s32 $0x100, s19;
	[tilespmem:s15+$0x20] =	vst v9;
	v7 =	vld [tilespmem:s15+$0x30];
	v9 =	vmul.f32 $1.131370830e+01, v13  }
0xa4: {  	[tilespmem:s15+$0x0] =	vst v8  }
0xa5: {  	[tilespmem:s15+$0x10] =	vst v1  }
0xa6: {  	v6 =	vmul.f32 $1.131370830e+01, v6;
	[tilespmem:s15+$0x50] =	vst v9  }
0xa7: {  	v0 =	vmul.f32 $1.131370830e+01, v0;
	[tilespmem:s15+$0xB0] =	vst v2  }
0xa8: {  	v3 =	vmul.f32 $1.131370830e+01, v3;
	[tilespmem:s15+$0xF0] =	vst v6  }
0xa9: {  	[tilespmem:s15+$0x90] =	vst v0;
	v0 =	vmul.f32 $1.131370830e+01, v4  }
0xaa: {  	[tilespmem:s15+$0x80] =	vst v3;
	v1 =	vmul.f32 $1.131370830e+01, v5  }
0xab: {  	s0 =	sadd.s32 s0, s8;
	v3 =	vmul.f32 $1.131370830e+01, v7;
	[tilespmem:s15+$0x70] =	vst v0  }
0xac: {  	s0 =	sshll.u32 s0, $0x4;
	[tilespmem:s15+$0x60] =	vst v1  }
0xad: {  	s19 =	sadd.s32 s3, s0;
	[tilespmem:s15+$0x30] =	vst v3;
	s15 =	simm.s32 $0xC400  }
0xae: {  	[hbm4b:s19+s5] =	stream.linear.scatter [tilespmem:s14], [sflag:$0x2], $0x2000, $0x38;
	[tilespmem:$0x1A400] =	vst v63  }
0xaf: {  	v1 =	vld [tilespmem:s15+$0xA0]  }
0xb0: {  	v2 =	vld [tilespmem:s15+$0x40]  }
0xb1: {  	v3 =	vld [tilespmem:s15+$0xE0]  }
0xb2: {  	v4 =	vld [tilespmem:s15+$0xD0]  }
0xb3: {  	v5 =	vld [tilespmem:s15+$0x20]  }
0xb4: {  	v0 =	vld [tilespmem:s15+$0x90]  }
0xb5: {  	v8 =	vld [tilespmem:s15+$0xC0]  }
0xb6: {  	v7 =	vld [tilespmem:s15+$0x10]  }
0xb7: {  	v9 =	vld [tilespmem:s15+$0x0];
	v1 =	vmul.f32 $1.131370830e+01, v1  }
0xb8: {  	v11 =	vld [tilespmem:s15+$0x50];
	v4 =	vmul.f32 $1.131370830e+01, v4  }
0xb9: {  	v10 =	vld [tilespmem:s15+$0xB0];
	v12 =	vmul.f32 $1.131370830e+01, v5;
	[tilespmem:s15+$0xA0] =	vst v1  }
0xba: {  	v6 =	vld [tilespmem:s15+$0xF0];
	v13 =	vmul.f32 $1.131370830e+01, v8;
	[tilespmem:s15+$0xD0] =	vst v4  }
0xbb: {  	v1 =	vmul.f32 $1.131370830e+01, v2;
	v2 =	vmul.f32 $1.131370830e+01, v3;
	v3 =	vld [tilespmem:s15+$0x80];
	[tilespmem:s15+$0x20] =	vst v12  }
0xbc: {  	v4 =	vld [tilespmem:s15+$0x70];
	[tilespmem:s15+$0xC0] =	vst v13  }
0xbd: {  	v8 =	vmul.f32 $1.131370830e+01, v9;
	v5 =	vld [tilespmem:s15+$0x60];
	v9 =	vmul.f32 $1.131370830e+01, v11;
	[tilespmem:s15+$0x40] =	vst v1  }
0xbe: {  	s17 =	simm.s32 $0x40;
	s19 =	simm.s32 $0xC500;
	[tilespmem:s15+$0xE0] =	vst v2;
	v1 =	vmul.f32 $1.131370830e+01, v7;
	v7 =	vld [tilespmem:s15+$0x30];
	v2 =	vmul.f32 $1.131370830e+01, v10  }
.LBB2_9:
0xbf: {  	v10 =	vld [tilespmem:s19+$0xA0];
	s17 =	sadd.s32 $0x2, s17;
	[tilespmem:s15+$0x0] =	vst v8;
	v0 =	vmul.f32 $1.131370830e+01, v0;
	v6 =	vmul.f32 $1.131370830e+01, v6  }
0xc0: {  	v8 =	vld [tilespmem:s19+$0x40];
	p0 =	slt.u32 s17, $0x7E;
	[tilespmem:s15+$0x50] =	vst v9;
	v3 =	vmul.f32 $1.131370830e+01, v3  }
0xc1: {  	v9 =	vld [tilespmem:s19+$0xE0];
	v4 =	vmul.f32 $1.131370830e+01, v4;
	[tilespmem:s15+$0xF0] =	vst v6  }
0xc2: {  	v11 =	vld [tilespmem:s19+$0x20];
	v5 =	vmul.f32 $1.131370830e+01, v5;
	[tilespmem:s15+$0x80] =	vst v3  }
0xc3: {  	v3 =	vld [tilespmem:s19+$0xD0];
	v6 =	vmul.f32 $1.131370830e+01, v7;
	[tilespmem:s15+$0x90] =	vst v0  }
0xc4: {  	v0 =	vld [tilespmem:s19+$0x90];
	v7 =	vmul.f32 $1.131370830e+01, v10;
	[tilespmem:s15+$0x10] =	vst v1  }
0xc5: {  	v1 =	vld [tilespmem:s19+$0x10];
	[tilespmem:s15+$0x30] =	vst v6  }
0xc6: {  	v10 =	vld [tilespmem:s19+$0xC0];
	v9 =	vmul.f32 $1.131370830e+01, v9;
	[tilespmem:s15+$0xB0] =	vst v2  }
0xc7: {  	v2 =	vld [tilespmem:s19+$0x0];
	[tilespmem:s15+$0x70] =	vst v4  }
0xc8: {  	v12 =	vld [tilespmem:s19+$0xB0];
	v3 =	vmul.f32 $1.131370830e+01, v3;
	[tilespmem:s15+$0x60] =	vst v5;
	s15 =	smov.u32 s19  }
0xc9: {  	v13 =	vld [tilespmem:s19+$0x50];
	[tilespmem:s19+$0xA0] =	vst v7  }
.Ltmp5:
0xca: {  	v4 =	vmul.f32 $1.131370830e+01, v8;
	[tilespmem:s19+$0xD0] =	vst v3;
	v6 =	vld [tilespmem:s19+$0xF0];
	(pc) =	sbr.rel @p0 .LBB2_9-.Ltmp5, $4  }
0xcb: {  	v3 =	vld [tilespmem:s19+$0x80];
	v7 =	vmul.f32 $1.131370830e+01, v10;
	[tilespmem:s19+$0xE0] =	vst v9  }
0xcc: {  	v9 =	vmul.f32 $1.131370830e+01, v11;
	[tilespmem:s19+$0x40] =	vst v4;
	v4 =	vld [tilespmem:s19+$0x70]  }
0xcd: {  	v1 =	vmul.f32 $1.131370830e+01, v1;
	v8 =	vmul.f32 $1.131370830e+01, v2;
	v5 =	vld [tilespmem:s19+$0x60];
	[tilespmem:s19+$0xC0] =	vst v7  }
0xce: {  	v2 =	vmul.f32 $1.131370830e+01, v12;
	s19 =	sadd.s32 $0x100, s19;
	[tilespmem:s15+$0x20] =	vst v9;
	v7 =	vld [tilespmem:s15+$0x30];
	v9 =	vmul.f32 $1.131370830e+01, v13  }
0xcf: {  	[tilespmem:s15+$0x0] =	vst v8  }
0xd0: {  	[tilespmem:s15+$0x10] =	vst v1  }
0xd1: {  	v6 =	vmul.f32 $1.131370830e+01, v6;
	[tilespmem:s15+$0x50] =	vst v9  }
0xd2: {  	v0 =	vmul.f32 $1.131370830e+01, v0;
	[tilespmem:s15+$0xB0] =	vst v2  }
0xd3: {  	v3 =	vmul.f32 $1.131370830e+01, v3;
	[tilespmem:s15+$0xF0] =	vst v6  }
0xd4: {  	[tilespmem:s15+$0x90] =	vst v0;
	v0 =	vmul.f32 $1.131370830e+01, v4  }
0xd5: {  	[tilespmem:s15+$0x80] =	vst v3;
	v1 =	vmul.f32 $1.131370830e+01, v5  }
0xd6: {  	s19 =	sadd.s32 $0xFFFFFFFE, s31;
	v3 =	vmul.f32 $1.131370830e+01, v7;
	[tilespmem:s15+$0x70] =	vst v0  }
0xd7: {  	s0 =	sand.u32 $0x1FFFF800, s0;
	p0 =	sgt.u32 s19, $0xC2;
	[tilespmem:s15+$0x60] =	vst v1  }
0xd8: {  	s0 =	sadd.s32 s0, s7;
	[tilespmem:s15+$0x30] =	vst v3;
	s15 =	simm.s32 @!p0 $0x2  }
0xd9: {  	[hbm4b:s0+s5] =	stream.linear.scatter [tilespmem:s23], [sflag:$0x2], $0x2000, $0x38;
	[tilespmem:$0x1A400] =	vst v63  }
0xda: {  	_ =	swait.ge @!p0 [sflag:s15], $0x4000  }
0xdb: {  	s0 =	sadd.s32 $0x3, s31;
	[sflag:s15] =	ssyncset.done @!p0 $0x0  }
0xdc: {  	[sflag:s15] =	ssyncadd.s32 @!p0 $0xFFFFC000;
	s15 =	sshll.u32 @!p0 s0, $0x7  }
0xdd: {  	s17 =	simm.s32 @!p0 $0x80;
	s19 =	simm.s32 @!p0 $0x12400;
	s15 =	sand.u32 @!p0 $0x3FFFFF80, s15  }
0xde: {  	[tilespmem:s19], [sflag:$0x1] =	stream.indirect.gather @!p0 [hbm4b:s1+s17], $0x80, s15, s17, $0xb8;
	[tilespmem:$0x1A400] =	vst v63  }
0xdf: {  	_ =	swait.ge [sflag:s21], $0x4000  }
0xe0: {  	[sflag:s21] =	ssyncset.done $0x0  }
0xe1: {  	s15 =	simm.s32 $0xE400;
	[sflag:s21] =	ssyncadd.s32 $0xFFFFC000  }
0xe2: {  	v1 =	vld [tilespmem:s15+$0xA0]  }
0xe3: {  	v2 =	vld [tilespmem:s15+$0x40]  }
0xe4: {  	v3 =	vld [tilespmem:s15+$0xE0]  }
0xe5: {  	v4 =	vld [tilespmem:s15+$0xD0]  }
0xe6: {  	v5 =	vld [tilespmem:s15+$0x20]  }
0xe7: {  	v0 =	vld [tilespmem:s15+$0x90]  }
0xe8: {  	v8 =	vld [tilespmem:s15+$0xC0]  }
0xe9: {  	v7 =	vld [tilespmem:s15+$0x10]  }
0xea: {  	v9 =	vld [tilespmem:s15+$0x0];
	v1 =	vmul.f32 $1.131370830e+01, v1  }
0xeb: {  	v11 =	vld [tilespmem:s15+$0x50];
	v4 =	vmul.f32 $1.131370830e+01, v4  }
0xec: {  	v10 =	vld [tilespmem:s15+$0xB0];
	v12 =	vmul.f32 $1.131370830e+01, v5;
	[tilespmem:s15+$0xA0] =	vst v1  }
0xed: {  	v6 =	vld [tilespmem:s15+$0xF0];
	v13 =	vmul.f32 $1.131370830e+01, v8;
	[tilespmem:s15+$0xD0] =	vst v4  }
0xee: {  	v1 =	vmul.f32 $1.131370830e+01, v2;
	v2 =	vmul.f32 $1.131370830e+01, v3;
	v3 =	vld [tilespmem:s15+$0x80];
	[tilespmem:s15+$0x20] =	vst v12  }
0xef: {  	v4 =	vld [tilespmem:s15+$0x70];
	[tilespmem:s15+$0xC0] =	vst v13  }
0xf0: {  	v8 =	vmul.f32 $1.131370830e+01, v9;
	v5 =	vld [tilespmem:s15+$0x60];
	v9 =	vmul.f32 $1.131370830e+01, v11;
	[tilespmem:s15+$0x40] =	vst v1  }
0xf1: {  	s17 =	simm.s32 $0x0;
	s19 =	simm.s32 $0xE500;
	[tilespmem:s15+$0xE0] =	vst v2;
	v1 =	vmul.f32 $1.131370830e+01, v7;
	v7 =	vld [tilespmem:s15+$0x30];
	v2 =	vmul.f32 $1.131370830e+01, v10  }
.LBB2_11:
0xf2: {  	v10 =	vld [tilespmem:s19+$0xA0];
	s17 =	sadd.s32 $0x2, s17;
	[tilespmem:s15+$0x0] =	vst v8;
	v0 =	vmul.f32 $1.131370830e+01, v0;
	v6 =	vmul.f32 $1.131370830e+01, v6  }
0xf3: {  	v8 =	vld [tilespmem:s19+$0x40];
	p0 =	slt.u32 s17, $0x3E;
	[tilespmem:s15+$0x50] =	vst v9;
	v3 =	vmul.f32 $1.131370830e+01, v3  }
0xf4: {  	v9 =	vld [tilespmem:s19+$0xE0];
	v4 =	vmul.f32 $1.131370830e+01, v4;
	[tilespmem:s15+$0xF0] =	vst v6  }
0xf5: {  	v11 =	vld [tilespmem:s19+$0x20];
	v5 =	vmul.f32 $1.131370830e+01, v5;
	[tilespmem:s15+$0x80] =	vst v3  }
0xf6: {  	v3 =	vld [tilespmem:s19+$0xD0];
	v6 =	vmul.f32 $1.131370830e+01, v7;
	[tilespmem:s15+$0x90] =	vst v0  }
0xf7: {  	v0 =	vld [tilespmem:s19+$0x90];
	v7 =	vmul.f32 $1.131370830e+01, v10;
	[tilespmem:s15+$0x10] =	vst v1  }
0xf8: {  	v1 =	vld [tilespmem:s19+$0x10];
	[tilespmem:s15+$0x30] =	vst v6  }
0xf9: {  	v10 =	vld [tilespmem:s19+$0xC0];
	v9 =	vmul.f32 $1.131370830e+01, v9;
	[tilespmem:s15+$0xB0] =	vst v2  }
0xfa: {  	v2 =	vld [tilespmem:s19+$0x0];
	[tilespmem:s15+$0x70] =	vst v4  }
0xfb: {  	v12 =	vld [tilespmem:s19+$0xB0];
	v3 =	vmul.f32 $1.131370830e+01, v3;
	[tilespmem:s15+$0x60] =	vst v5;
	s15 =	smov.u32 s19  }
0xfc: {  	v13 =	vld [tilespmem:s19+$0x50];
	[tilespmem:s19+$0xA0] =	vst v7  }
.Ltmp6:
0xfd: {  	v4 =	vmul.f32 $1.131370830e+01, v8;
	[tilespmem:s19+$0xD0] =	vst v3;
	v6 =	vld [tilespmem:s19+$0xF0];
	(pc) =	sbr.rel @p0 .LBB2_11-.Ltmp6, $4  }
0xfe: {  	v3 =	vld [tilespmem:s19+$0x80];
	v7 =	vmul.f32 $1.131370830e+01, v10;
	[tilespmem:s19+$0xE0] =	vst v9  }
0xff: {  	v9 =	vmul.f32 $1.131370830e+01, v11;
	[tilespmem:s19+$0x40] =	vst v4;
	v4 =	vld [tilespmem:s19+$0x70]  }
0x100: {  	v1 =	vmul.f32 $1.131370830e+01, v1;
	v8 =	vmul.f32 $1.131370830e+01, v2;
	v5 =	vld [tilespmem:s19+$0x60];
	[tilespmem:s19+$0xC0] =	vst v7  }
0x101: {  	v2 =	vmul.f32 $1.131370830e+01, v12;
	s19 =	sadd.s32 $0x100, s19;
	[tilespmem:s15+$0x20] =	vst v9;
	v7 =	vld [tilespmem:s15+$0x30];
	v9 =	vmul.f32 $1.131370830e+01, v13  }
0x102: {  	[tilespmem:s15+$0x0] =	vst v8  }
0x103: {  	[tilespmem:s15+$0x10] =	vst v1  }
0x104: {  	v6 =	vmul.f32 $1.131370830e+01, v6;
	[tilespmem:s15+$0x50] =	vst v9  }
0x105: {  	v0 =	vmul.f32 $1.131370830e+01, v0;
	[tilespmem:s15+$0xB0] =	vst v2  }
0x106: {  	v3 =	vmul.f32 $1.131370830e+01, v3;
	[tilespmem:s15+$0xF0] =	vst v6  }
0x107: {  	[tilespmem:s15+$0x90] =	vst v0;
	v0 =	vmul.f32 $1.131370830e+01, v4  }
0x108: {  	[tilespmem:s15+$0x80] =	vst v3;
	v1 =	vmul.f32 $1.131370830e+01, v5  }
0x109: {  	s2 =	sshll.u32 s2, $0xB;
	v3 =	vmul.f32 $1.131370830e+01, v7;
	[tilespmem:s15+$0x70] =	vst v0  }
0x10a: {  	s2 =	sadd.s32 s9, s2;
	[tilespmem:s15+$0x60] =	vst v1  }
0x10b: {  	s19 =	sadd.s32 s3, s2;
	[tilespmem:s15+$0x30] =	vst v3;
	s15 =	simm.s32 $0x10400  }
0x10c: {  	[hbm4b:s19+s5] =	stream.linear.scatter [tilespmem:s16], [sflag:$0x2], $0x2000, $0x38;
	[tilespmem:$0x1A400] =	vst v63  }
0x10d: {  	v1 =	vld [tilespmem:s15+$0xA0]  }
0x10e: {  	v2 =	vld [tilespmem:s15+$0x40]  }
0x10f: {  	v3 =	vld [tilespmem:s15+$0xE0]  }
0x110: {  	v4 =	vld [tilespmem:s15+$0xD0]  }
0x111: {  	v5 =	vld [tilespmem:s15+$0x20]  }
0x112: {  	v0 =	vld [tilespmem:s15+$0x90]  }
0x113: {  	v8 =	vld [tilespmem:s15+$0xC0]  }
0x114: {  	v7 =	vld [tilespmem:s15+$0x10]  }
0x115: {  	v9 =	vld [tilespmem:s15+$0x0];
	v1 =	vmul.f32 $1.131370830e+01, v1  }
0x116: {  	v11 =	vld [tilespmem:s15+$0x50];
	v4 =	vmul.f32 $1.131370830e+01, v4  }
0x117: {  	v10 =	vld [tilespmem:s15+$0xB0];
	v12 =	vmul.f32 $1.131370830e+01, v5;
	[tilespmem:s15+$0xA0] =	vst v1  }
0x118: {  	v6 =	vld [tilespmem:s15+$0xF0];
	v13 =	vmul.f32 $1.131370830e+01, v8;
	[tilespmem:s15+$0xD0] =	vst v4  }
0x119: {  	v1 =	vmul.f32 $1.131370830e+01, v2;
	v2 =	vmul.f32 $1.131370830e+01, v3;
	v3 =	vld [tilespmem:s15+$0x80];
	[tilespmem:s15+$0x20] =	vst v12  }
0x11a: {  	v4 =	vld [tilespmem:s15+$0x70];
	[tilespmem:s15+$0xC0] =	vst v13  }
0x11b: {  	v8 =	vmul.f32 $1.131370830e+01, v9;
	v5 =	vld [tilespmem:s15+$0x60];
	v9 =	vmul.f32 $1.131370830e+01, v11;
	[tilespmem:s15+$0x40] =	vst v1  }
0x11c: {  	s17 =	simm.s32 $0x40;
	s19 =	simm.s32 $0x10500;
	[tilespmem:s15+$0xE0] =	vst v2;
	v1 =	vmul.f32 $1.131370830e+01, v7;
	v7 =	vld [tilespmem:s15+$0x30];
	v2 =	vmul.f32 $1.131370830e+01, v10  }
.LBB2_13:
0x11d: {  	v10 =	vld [tilespmem:s19+$0xA0];
	s17 =	sadd.s32 $0x2, s17;
	[tilespmem:s15+$0x0] =	vst v8;
	v0 =	vmul.f32 $1.131370830e+01, v0;
	v6 =	vmul.f32 $1.131370830e+01, v6  }
0x11e: {  	v8 =	vld [tilespmem:s19+$0x40];
	p0 =	slt.u32 s17, $0x7E;
	[tilespmem:s15+$0x50] =	vst v9;
	v3 =	vmul.f32 $1.131370830e+01, v3  }
0x11f: {  	v9 =	vld [tilespmem:s19+$0xE0];
	v4 =	vmul.f32 $1.131370830e+01, v4;
	[tilespmem:s15+$0xF0] =	vst v6  }
0x120: {  	v11 =	vld [tilespmem:s19+$0x20];
	v5 =	vmul.f32 $1.131370830e+01, v5;
	[tilespmem:s15+$0x80] =	vst v3  }
0x121: {  	v3 =	vld [tilespmem:s19+$0xD0];
	v6 =	vmul.f32 $1.131370830e+01, v7;
	[tilespmem:s15+$0x90] =	vst v0  }
0x122: {  	v0 =	vld [tilespmem:s19+$0x90];
	v7 =	vmul.f32 $1.131370830e+01, v10;
	[tilespmem:s15+$0x10] =	vst v1  }
0x123: {  	v1 =	vld [tilespmem:s19+$0x10];
	[tilespmem:s15+$0x30] =	vst v6  }
0x124: {  	v10 =	vld [tilespmem:s19+$0xC0];
	v9 =	vmul.f32 $1.131370830e+01, v9;
	[tilespmem:s15+$0xB0] =	vst v2  }
0x125: {  	v2 =	vld [tilespmem:s19+$0x0];
	[tilespmem:s15+$0x70] =	vst v4  }
0x126: {  	v12 =	vld [tilespmem:s19+$0xB0];
	v3 =	vmul.f32 $1.131370830e+01, v3;
	[tilespmem:s15+$0x60] =	vst v5;
	s15 =	smov.u32 s19  }
0x127: {  	v13 =	vld [tilespmem:s19+$0x50];
	[tilespmem:s19+$0xA0] =	vst v7  }
.Ltmp7:
0x128: {  	v4 =	vmul.f32 $1.131370830e+01, v8;
	[tilespmem:s19+$0xD0] =	vst v3;
	v6 =	vld [tilespmem:s19+$0xF0];
	(pc) =	sbr.rel @p0 .LBB2_13-.Ltmp7, $4  }
0x129: {  	v3 =	vld [tilespmem:s19+$0x80];
	v7 =	vmul.f32 $1.131370830e+01, v10;
	[tilespmem:s19+$0xE0] =	vst v9  }
0x12a: {  	v9 =	vmul.f32 $1.131370830e+01, v11;
	[tilespmem:s19+$0x40] =	vst v4;
	v4 =	vld [tilespmem:s19+$0x70]  }
0x12b: {  	v1 =	vmul.f32 $1.131370830e+01, v1;
	v8 =	vmul.f32 $1.131370830e+01, v2;
	v5 =	vld [tilespmem:s19+$0x60];
	[tilespmem:s19+$0xC0] =	vst v7  }
0x12c: {  	v2 =	vmul.f32 $1.131370830e+01, v12;
	s19 =	sadd.s32 $0x100, s19;
	[tilespmem:s15+$0x20] =	vst v9;
	v7 =	vld [tilespmem:s15+$0x30];
	v9 =	vmul.f32 $1.131370830e+01, v13  }
0x12d: {  	[tilespmem:s15+$0x0] =	vst v8  }
0x12e: {  	[tilespmem:s15+$0x10] =	vst v1  }
0x12f: {  	v6 =	vmul.f32 $1.131370830e+01, v6;
	[tilespmem:s15+$0x50] =	vst v9  }
0x130: {  	v0 =	vmul.f32 $1.131370830e+01, v0;
	[tilespmem:s15+$0xB0] =	vst v2  }
0x131: {  	v3 =	vmul.f32 $1.131370830e+01, v3;
	[tilespmem:s15+$0xF0] =	vst v6  }
0x132: {  	[tilespmem:s15+$0x90] =	vst v0;
	v0 =	vmul.f32 $1.131370830e+01, v4  }
0x133: {  	[tilespmem:s15+$0x80] =	vst v3;
	v1 =	vmul.f32 $1.131370830e+01, v5  }
0x134: {  	s19 =	sadd.s32 $0xFFFFFFFF, s31;
	v3 =	vmul.f32 $1.131370830e+01, v7;
	[tilespmem:s15+$0x70] =	vst v0  }
0x135: {  	p0 =	sgt.u32 s19, $0xC2;
	[tilespmem:s15+$0x60] =	vst v1  }
0x136: {  	s2 =	sadd.s32 s2, s7;
	[tilespmem:s15+$0x30] =	vst v3;
	s15 =	simm.s32 @!p0 $0x2  }
0x137: {  	[hbm4b:s2+s5] =	stream.linear.scatter [tilespmem:s24], [sflag:$0x2], $0x2000, $0x38;
	[tilespmem:$0x1A400] =	vst v63  }
0x138: {  	_ =	swait.ge @!p0 [sflag:s15], $0x4000  }
0x139: {  	s2 =	sadd.s32 $0x4, s31;
	[sflag:s15] =	ssyncset.done @!p0 $0x0  }
0x13a: {  	[sflag:s15] =	ssyncadd.s32 @!p0 $0xFFFFC000;
	s15 =	sshll.u32 @!p0 s2, $0x7  }
0x13b: {  	s17 =	simm.s32 @!p0 $0x80;
	s19 =	simm.s32 @!p0 $0x16400;
	s15 =	sand.u32 @!p0 $0x3FFFFF80, s15  }
0x13c: {  	[tilespmem:s19], [sflag:$0x1] =	stream.indirect.gather @!p0 [hbm4b:s1+s17], $0x80, s15, s17, $0xb8;
	[tilespmem:$0x1A400] =	vst v63  }
0x13d: {  	_ =	swait.ge [sflag:s21], $0x4000  }
0x13e: {  	[sflag:s21] =	ssyncset.done $0x0  }
0x13f: {  	s15 =	simm.s32 $0x12400;
	[sflag:s21] =	ssyncadd.s32 $0xFFFFC000  }
0x140: {  	v1 =	vld [tilespmem:s15+$0xA0]  }
0x141: {  	v2 =	vld [tilespmem:s15+$0x40]  }
0x142: {  	v3 =	vld [tilespmem:s15+$0xE0]  }
0x143: {  	v4 =	vld [tilespmem:s15+$0xD0]  }
0x144: {  	v5 =	vld [tilespmem:s15+$0x20]  }
0x145: {  	v0 =	vld [tilespmem:s15+$0x90]  }
0x146: {  	v8 =	vld [tilespmem:s15+$0xC0]  }
0x147: {  	v7 =	vld [tilespmem:s15+$0x10]  }
0x148: {  	v9 =	vld [tilespmem:s15+$0x0];
	v1 =	vmul.f32 $1.131370830e+01, v1  }
0x149: {  	v11 =	vld [tilespmem:s15+$0x50];
	v4 =	vmul.f32 $1.131370830e+01, v4  }
0x14a: {  	v10 =	vld [tilespmem:s15+$0xB0];
	v12 =	vmul.f32 $1.131370830e+01, v5;
	[tilespmem:s15+$0xA0] =	vst v1  }
0x14b: {  	v6 =	vld [tilespmem:s15+$0xF0];
	v13 =	vmul.f32 $1.131370830e+01, v8;
	[tilespmem:s15+$0xD0] =	vst v4  }
0x14c: {  	v1 =	vmul.f32 $1.131370830e+01, v2;
	v2 =	vmul.f32 $1.131370830e+01, v3;
	v3 =	vld [tilespmem:s15+$0x80];
	[tilespmem:s15+$0x20] =	vst v12  }
0x14d: {  	v4 =	vld [tilespmem:s15+$0x70];
	[tilespmem:s15+$0xC0] =	vst v13  }
0x14e: {  	v8 =	vmul.f32 $1.131370830e+01, v9;
	v5 =	vld [tilespmem:s15+$0x60];
	v9 =	vmul.f32 $1.131370830e+01, v11;
	[tilespmem:s15+$0x40] =	vst v1  }
0x14f: {  	s17 =	simm.s32 $0x0;
	s19 =	simm.s32 $0x12500;
	[tilespmem:s15+$0xE0] =	vst v2;
	v1 =	vmul.f32 $1.131370830e+01, v7;
	v7 =	vld [tilespmem:s15+$0x30];
	v2 =	vmul.f32 $1.131370830e+01, v10  }
.LBB2_15:
0x150: {  	v10 =	vld [tilespmem:s19+$0xA0];
	s17 =	sadd.s32 $0x2, s17;
	[tilespmem:s15+$0x0] =	vst v8;
	v0 =	vmul.f32 $1.131370830e+01, v0;
	v6 =	vmul.f32 $1.131370830e+01, v6  }
0x151: {  	v8 =	vld [tilespmem:s19+$0x40];
	p0 =	slt.u32 s17, $0x3E;
	[tilespmem:s15+$0x50] =	vst v9;
	v3 =	vmul.f32 $1.131370830e+01, v3  }
0x152: {  	v9 =	vld [tilespmem:s19+$0xE0];
	v4 =	vmul.f32 $1.131370830e+01, v4;
	[tilespmem:s15+$0xF0] =	vst v6  }
0x153: {  	v11 =	vld [tilespmem:s19+$0x20];
	v5 =	vmul.f32 $1.131370830e+01, v5;
	[tilespmem:s15+$0x80] =	vst v3  }
0x154: {  	v3 =	vld [tilespmem:s19+$0xD0];
	v6 =	vmul.f32 $1.131370830e+01, v7;
	[tilespmem:s15+$0x90] =	vst v0  }
0x155: {  	v0 =	vld [tilespmem:s19+$0x90];
	v7 =	vmul.f32 $1.131370830e+01, v10;
	[tilespmem:s15+$0x10] =	vst v1  }
0x156: {  	v1 =	vld [tilespmem:s19+$0x10];
	[tilespmem:s15+$0x30] =	vst v6  }
0x157: {  	v10 =	vld [tilespmem:s19+$0xC0];
	v9 =	vmul.f32 $1.131370830e+01, v9;
	[tilespmem:s15+$0xB0] =	vst v2  }
0x158: {  	v2 =	vld [tilespmem:s19+$0x0];
	[tilespmem:s15+$0x70] =	vst v4  }
0x159: {  	v12 =	vld [tilespmem:s19+$0xB0];
	v3 =	vmul.f32 $1.131370830e+01, v3;
	[tilespmem:s15+$0x60] =	vst v5;
	s15 =	smov.u32 s19  }
0x15a: {  	v13 =	vld [tilespmem:s19+$0x50];
	[tilespmem:s19+$0xA0] =	vst v7  }
.Ltmp8:
0x15b: {  	v4 =	vmul.f32 $1.131370830e+01, v8;
	[tilespmem:s19+$0xD0] =	vst v3;
	v6 =	vld [tilespmem:s19+$0xF0];
	(pc) =	sbr.rel @p0 .LBB2_15-.Ltmp8, $4  }
0x15c: {  	v3 =	vld [tilespmem:s19+$0x80];
	v7 =	vmul.f32 $1.131370830e+01, v10;
	[tilespmem:s19+$0xE0] =	vst v9  }
0x15d: {  	v9 =	vmul.f32 $1.131370830e+01, v11;
	[tilespmem:s19+$0x40] =	vst v4;
	v4 =	vld [tilespmem:s19+$0x70]  }
0x15e: {  	v1 =	vmul.f32 $1.131370830e+01, v1;
	v8 =	vmul.f32 $1.131370830e+01, v2;
	v5 =	vld [tilespmem:s19+$0x60];
	[tilespmem:s19+$0xC0] =	vst v7  }
0x15f: {  	v2 =	vmul.f32 $1.131370830e+01, v12;
	s19 =	sadd.s32 $0x100, s19;
	[tilespmem:s15+$0x20] =	vst v9;
	v7 =	vld [tilespmem:s15+$0x30];
	v9 =	vmul.f32 $1.131370830e+01, v13  }
0x160: {  	[tilespmem:s15+$0x0] =	vst v8  }
0x161: {  	[tilespmem:s15+$0x10] =	vst v1  }
0x162: {  	v6 =	vmul.f32 $1.131370830e+01, v6;
	[tilespmem:s15+$0x50] =	vst v9  }
0x163: {  	v0 =	vmul.f32 $1.131370830e+01, v0;
	[tilespmem:s15+$0xB0] =	vst v2  }
0x164: {  	v3 =	vmul.f32 $1.131370830e+01, v3;
	[tilespmem:s15+$0xF0] =	vst v6  }
0x165: {  	[tilespmem:s15+$0x90] =	vst v0;
	v0 =	vmul.f32 $1.131370830e+01, v4  }
0x166: {  	[tilespmem:s15+$0x80] =	vst v3;
	v1 =	vmul.f32 $1.131370830e+01, v5  }
0x167: {  	s0 =	sshll.u32 s0, $0xB;
	v3 =	vmul.f32 $1.131370830e+01, v7;
	[tilespmem:s15+$0x70] =	vst v0  }
0x168: {  	s0 =	sadd.s32 s9, s0;
	[tilespmem:s15+$0x60] =	vst v1  }
0x169: {  	s31 =	sadd.s32 s3, s0;
	[tilespmem:s15+$0x30] =	vst v3;
	s15 =	simm.s32 $0x14400  }
0x16a: {  	[hbm4b:s31+s5] =	stream.linear.scatter [tilespmem:s18], [sflag:$0x2], $0x2000, $0x38;
	[tilespmem:$0x1A400] =	vst v63  }
0x16b: {  	v1 =	vld [tilespmem:s15+$0xA0]  }
0x16c: {  	v2 =	vld [tilespmem:s15+$0x40]  }
0x16d: {  	v3 =	vld [tilespmem:s15+$0xE0]  }
0x16e: {  	v4 =	vld [tilespmem:s15+$0xD0]  }
0x16f: {  	v5 =	vld [tilespmem:s15+$0x20]  }
0x170: {  	v0 =	vld [tilespmem:s15+$0x90]  }
0x171: {  	v8 =	vld [tilespmem:s15+$0xC0]  }
0x172: {  	v7 =	vld [tilespmem:s15+$0x10]  }
0x173: {  	v9 =	vld [tilespmem:s15+$0x0];
	v1 =	vmul.f32 $1.131370830e+01, v1  }
0x174: {  	v11 =	vld [tilespmem:s15+$0x50];
	v4 =	vmul.f32 $1.131370830e+01, v4  }
0x175: {  	v10 =	vld [tilespmem:s15+$0xB0];
	v12 =	vmul.f32 $1.131370830e+01, v5;
	[tilespmem:s15+$0xA0] =	vst v1  }
0x176: {  	v6 =	vld [tilespmem:s15+$0xF0];
	v13 =	vmul.f32 $1.131370830e+01, v8;
	[tilespmem:s15+$0xD0] =	vst v4  }
0x177: {  	v1 =	vmul.f32 $1.131370830e+01, v2;
	v2 =	vmul.f32 $1.131370830e+01, v3;
	v3 =	vld [tilespmem:s15+$0x80];
	[tilespmem:s15+$0x20] =	vst v12  }
0x178: {  	v4 =	vld [tilespmem:s15+$0x70];
	[tilespmem:s15+$0xC0] =	vst v13  }
0x179: {  	v8 =	vmul.f32 $1.131370830e+01, v9;
	v5 =	vld [tilespmem:s15+$0x60];
	v9 =	vmul.f32 $1.131370830e+01, v11;
	[tilespmem:s15+$0x40] =	vst v1  }
0x17a: {  	s17 =	simm.s32 $0x40;
	s19 =	simm.s32 $0x14500;
	[tilespmem:s15+$0xE0] =	vst v2;
	v1 =	vmul.f32 $1.131370830e+01, v7;
	v7 =	vld [tilespmem:s15+$0x30];
	v2 =	vmul.f32 $1.131370830e+01, v10  }
.LBB2_17:
0x17b: {  	v10 =	vld [tilespmem:s19+$0xA0];
	s17 =	sadd.s32 $0x2, s17;
	[tilespmem:s15+$0x0] =	vst v8;
	v0 =	vmul.f32 $1.131370830e+01, v0;
	v6 =	vmul.f32 $1.131370830e+01, v6  }
0x17c: {  	v8 =	vld [tilespmem:s19+$0x40];
	p0 =	slt.u32 s17, $0x7E;
	[tilespmem:s15+$0x50] =	vst v9;
	v3 =	vmul.f32 $1.131370830e+01, v3  }
0x17d: {  	v9 =	vld [tilespmem:s19+$0xE0];
	v4 =	vmul.f32 $1.131370830e+01, v4;
	[tilespmem:s15+$0xF0] =	vst v6  }
0x17e: {  	v11 =	vld [tilespmem:s19+$0x20];
	v5 =	vmul.f32 $1.131370830e+01, v5;
	[tilespmem:s15+$0x80] =	vst v3  }
0x17f: {  	v3 =	vld [tilespmem:s19+$0xD0];
	v6 =	vmul.f32 $1.131370830e+01, v7;
	[tilespmem:s15+$0x90] =	vst v0  }
0x180: {  	v0 =	vld [tilespmem:s19+$0x90];
	v7 =	vmul.f32 $1.131370830e+01, v10;
	[tilespmem:s15+$0x10] =	vst v1  }
0x181: {  	v1 =	vld [tilespmem:s19+$0x10];
	[tilespmem:s15+$0x30] =	vst v6  }
0x182: {  	v10 =	vld [tilespmem:s19+$0xC0];
	v9 =	vmul.f32 $1.131370830e+01, v9;
	[tilespmem:s15+$0xB0] =	vst v2  }
0x183: {  	v2 =	vld [tilespmem:s19+$0x0];
	[tilespmem:s15+$0x70] =	vst v4  }
0x184: {  	v12 =	vld [tilespmem:s19+$0xB0];
	v3 =	vmul.f32 $1.131370830e+01, v3;
	[tilespmem:s15+$0x60] =	vst v5;
	s15 =	smov.u32 s19  }
0x185: {  	v13 =	vld [tilespmem:s19+$0x50];
	[tilespmem:s19+$0xA0] =	vst v7  }
.Ltmp9:
0x186: {  	v4 =	vmul.f32 $1.131370830e+01, v8;
	[tilespmem:s19+$0xD0] =	vst v3;
	v6 =	vld [tilespmem:s19+$0xF0];
	(pc) =	sbr.rel @p0 .LBB2_17-.Ltmp9, $4  }
0x187: {  	v3 =	vld [tilespmem:s19+$0x80];
	v7 =	vmul.f32 $1.131370830e+01, v10;
	[tilespmem:s19+$0xE0] =	vst v9  }
0x188: {  	v9 =	vmul.f32 $1.131370830e+01, v11;
	[tilespmem:s19+$0x40] =	vst v4;
	v4 =	vld [tilespmem:s19+$0x70]  }
0x189: {  	v1 =	vmul.f32 $1.131370830e+01, v1;
	v8 =	vmul.f32 $1.131370830e+01, v2;
	v5 =	vld [tilespmem:s19+$0x60];
	[tilespmem:s19+$0xC0] =	vst v7  }
0x18a: {  	v2 =	vmul.f32 $1.131370830e+01, v12;
	s19 =	sadd.s32 $0x100, s19;
	[tilespmem:s15+$0x20] =	vst v9;
	v7 =	vld [tilespmem:s15+$0x30];
	v9 =	vmul.f32 $1.131370830e+01, v13  }
0x18b: {  	[tilespmem:s15+$0x0] =	vst v8  }
0x18c: {  	[tilespmem:s15+$0x10] =	vst v1  }
0x18d: {  	v6 =	vmul.f32 $1.131370830e+01, v6;
	[tilespmem:s15+$0x50] =	vst v9  }
0x18e: {  	v0 =	vmul.f32 $1.131370830e+01, v0;
	[tilespmem:s15+$0xB0] =	vst v2  }
0x18f: {  	v3 =	vmul.f32 $1.131370830e+01, v3;
	[tilespmem:s15+$0xF0] =	vst v6  }
0x190: {  	[tilespmem:s15+$0x90] =	vst v0;
	v0 =	vmul.f32 $1.131370830e+01, v4  }
0x191: {  	[tilespmem:s15+$0x80] =	vst v3;
	v1 =	vmul.f32 $1.131370830e+01, v5  }
0x192: {  	v3 =	vmul.f32 $1.131370830e+01, v7;
	[tilespmem:s15+$0x70] =	vst v0  }
0x193: {  	[tilespmem:s15+$0x60] =	vst v1  }
0x194: {  	s0 =	sadd.s32 s0, s7;
	p0 =	seq.s32 s30, $0x27;
	[tilespmem:s15+$0x30] =	vst v3  }
0x195: {  	[hbm4b:s0+s5] =	stream.linear.scatter [tilespmem:s25], [sflag:$0x2], $0x2000, $0x38;
	[tilespmem:$0x1A400] =	vst v63  }
0x196: {  	s0 =	simm.s32 @!p0 $0x2  }
0x197: {  	s15 =	smul.u32 @!p0 $0xA00, s30;
	_ =	swait.ge @!p0 [sflag:s0], $0x4000  }
0x198: {  	[sflag:s0] =	ssyncset.done @!p0 $0x0  }
0x199: {  	[sflag:s0] =	ssyncadd.s32 @!p0 $0xFFFFC000;
	s0 =	sshra.s32 @!p0 s15, $0x2  }
0x19a: {  	s17 =	simm.s32 @!p0 $0x6400;
	s15 =	simm.s32 @!p0 $0x80;
	s0 =	sadd.s32 @!p0 $0x280, s0  }
0x19b: {  	[tilespmem:s17], [sflag:$0x1] =	stream.indirect.gather @!p0 [hbm4b:s1+s15], $0x80, s0, s15, $0xb8;
	[tilespmem:$0x1A400] =	vst v63  }
0x19c: {  	_ =	swait.ge [sflag:s21], $0x4000  }
0x19d: {  	[sflag:s21] =	ssyncset.done $0x0  }
0x19e: {  	s15 =	simm.s32 $0x16400;
	[sflag:s21] =	ssyncadd.s32 $0xFFFFC000  }
0x19f: {  	v1 =	vld [tilespmem:s15+$0xA0]  }
0x1a0: {  	v2 =	vld [tilespmem:s15+$0x40]  }
0x1a1: {  	v3 =	vld [tilespmem:s15+$0xE0]  }
0x1a2: {  	v4 =	vld [tilespmem:s15+$0xD0]  }
0x1a3: {  	v5 =	vld [tilespmem:s15+$0x20]  }
0x1a4: {  	v0 =	vld [tilespmem:s15+$0x90]  }
0x1a5: {  	v8 =	vld [tilespmem:s15+$0xC0]  }
0x1a6: {  	v7 =	vld [tilespmem:s15+$0x10]  }
0x1a7: {  	v9 =	vld [tilespmem:s15+$0x0];
	v1 =	vmul.f32 $1.131370830e+01, v1  }
0x1a8: {  	v11 =	vld [tilespmem:s15+$0x50];
	v4 =	vmul.f32 $1.131370830e+01, v4  }
0x1a9: {  	v10 =	vld [tilespmem:s15+$0xB0];
	v12 =	vmul.f32 $1.131370830e+01, v5;
	[tilespmem:s15+$0xA0] =	vst v1  }
0x1aa: {  	v6 =	vld [tilespmem:s15+$0xF0];
	v13 =	vmul.f32 $1.131370830e+01, v8;
	[tilespmem:s15+$0xD0] =	vst v4  }
0x1ab: {  	v1 =	vmul.f32 $1.131370830e+01, v2;
	v2 =	vmul.f32 $1.131370830e+01, v3;
	v3 =	vld [tilespmem:s15+$0x80];
	[tilespmem:s15+$0x20] =	vst v12  }
0x1ac: {  	v4 =	vld [tilespmem:s15+$0x70];
	[tilespmem:s15+$0xC0] =	vst v13  }
0x1ad: {  	v8 =	vmul.f32 $1.131370830e+01, v9;
	v5 =	vld [tilespmem:s15+$0x60];
	v9 =	vmul.f32 $1.131370830e+01, v11;
	[tilespmem:s15+$0x40] =	vst v1  }
0x1ae: {  	s0 =	simm.s32 $0x0;
	s17 =	simm.s32 $0x16500;
	[tilespmem:s15+$0xE0] =	vst v2;
	v1 =	vmul.f32 $1.131370830e+01, v7;
	v7 =	vld [tilespmem:s15+$0x30];
	v2 =	vmul.f32 $1.131370830e+01, v10  }
.LBB2_19:
0x1af: {  	v10 =	vld [tilespmem:s17+$0xA0];
	s0 =	sadd.s32 $0x2, s0;
	[tilespmem:s15+$0x0] =	vst v8;
	v0 =	vmul.f32 $1.131370830e+01, v0;
	v6 =	vmul.f32 $1.131370830e+01, v6  }
0x1b0: {  	v8 =	vld [tilespmem:s17+$0x40];
	p1 =	slt.u32 s0, $0x3E;
	[tilespmem:s15+$0x50] =	vst v9;
	v3 =	vmul.f32 $1.131370830e+01, v3  }
0x1b1: {  	v9 =	vld [tilespmem:s17+$0xE0];
	v4 =	vmul.f32 $1.131370830e+01, v4;
	[tilespmem:s15+$0xF0] =	vst v6  }
0x1b2: {  	v11 =	vld [tilespmem:s17+$0x20];
	v5 =	vmul.f32 $1.131370830e+01, v5;
	[tilespmem:s15+$0x80] =	vst v3  }
0x1b3: {  	v3 =	vld [tilespmem:s17+$0xD0];
	v6 =	vmul.f32 $1.131370830e+01, v7;
	[tilespmem:s15+$0x90] =	vst v0  }
0x1b4: {  	v0 =	vld [tilespmem:s17+$0x90];
	v7 =	vmul.f32 $1.131370830e+01, v10;
	[tilespmem:s15+$0x10] =	vst v1  }
0x1b5: {  	v1 =	vld [tilespmem:s17+$0x10];
	[tilespmem:s15+$0x30] =	vst v6  }
0x1b6: {  	v10 =	vld [tilespmem:s17+$0xC0];
	v9 =	vmul.f32 $1.131370830e+01, v9;
	[tilespmem:s15+$0xB0] =	vst v2  }
0x1b7: {  	v2 =	vld [tilespmem:s17+$0x0];
	[tilespmem:s15+$0x70] =	vst v4  }
0x1b8: {  	v12 =	vld [tilespmem:s17+$0xB0];
	v3 =	vmul.f32 $1.131370830e+01, v3;
	[tilespmem:s15+$0x60] =	vst v5;
	s15 =	smov.u32 s17  }
0x1b9: {  	v13 =	vld [tilespmem:s17+$0x50];
	[tilespmem:s17+$0xA0] =	vst v7  }
.Ltmp10:
0x1ba: {  	v4 =	vmul.f32 $1.131370830e+01, v8;
	[tilespmem:s17+$0xD0] =	vst v3;
	v6 =	vld [tilespmem:s17+$0xF0];
	(pc) =	sbr.rel @p1 .LBB2_19-.Ltmp10, $4  }
0x1bb: {  	v3 =	vld [tilespmem:s17+$0x80];
	v7 =	vmul.f32 $1.131370830e+01, v10;
	[tilespmem:s17+$0xE0] =	vst v9  }
0x1bc: {  	v9 =	vmul.f32 $1.131370830e+01, v11;
	[tilespmem:s17+$0x40] =	vst v4;
	v4 =	vld [tilespmem:s17+$0x70]  }
0x1bd: {  	v1 =	vmul.f32 $1.131370830e+01, v1;
	v8 =	vmul.f32 $1.131370830e+01, v2;
	v5 =	vld [tilespmem:s17+$0x60];
	[tilespmem:s17+$0xC0] =	vst v7  }
0x1be: {  	v2 =	vmul.f32 $1.131370830e+01, v12;
	s17 =	sadd.s32 $0x100, s17;
	[tilespmem:s15+$0x20] =	vst v9;
	v7 =	vld [tilespmem:s15+$0x30];
	v9 =	vmul.f32 $1.131370830e+01, v13  }
0x1bf: {  	[tilespmem:s15+$0x0] =	vst v8  }
0x1c0: {  	[tilespmem:s15+$0x10] =	vst v1  }
0x1c1: {  	v6 =	vmul.f32 $1.131370830e+01, v6;
	[tilespmem:s15+$0x50] =	vst v9  }
0x1c2: {  	v0 =	vmul.f32 $1.131370830e+01, v0;
	[tilespmem:s15+$0xB0] =	vst v2  }
0x1c3: {  	v3 =	vmul.f32 $1.131370830e+01, v3;
	[tilespmem:s15+$0xF0] =	vst v6  }
0x1c4: {  	[tilespmem:s15+$0x90] =	vst v0;
	v0 =	vmul.f32 $1.131370830e+01, v4  }
0x1c5: {  	[tilespmem:s15+$0x80] =	vst v3;
	v1 =	vmul.f32 $1.131370830e+01, v5  }
0x1c6: {  	s0 =	sshll.u32 s2, $0xB;
	v3 =	vmul.f32 $1.131370830e+01, v7;
	[tilespmem:s15+$0x70] =	vst v0  }
0x1c7: {  	s0 =	sadd.s32 s9, s0;
	[tilespmem:s15+$0x60] =	vst v1  }
0x1c8: {  	s2 =	simm.s32 $0x18400;
	s31 =	sadd.s32 s3, s0;
	[tilespmem:s15+$0x30] =	vst v3  }
0x1c9: {  	[hbm4b:s31+s5] =	stream.linear.scatter [tilespmem:s20], [sflag:$0x2], $0x2000, $0x38;
	[tilespmem:$0x1A400] =	vst v63  }
0x1ca: {  	v1 =	vld [tilespmem:s2+$0xA0]  }
0x1cb: {  	v2 =	vld [tilespmem:s2+$0x40]  }
0x1cc: {  	v3 =	vld [tilespmem:s2+$0xE0]  }
0x1cd: {  	v4 =	vld [tilespmem:s2+$0xD0]  }
0x1ce: {  	v5 =	vld [tilespmem:s2+$0x20]  }
0x1cf: {  	v0 =	vld [tilespmem:s2+$0x90]  }
0x1d0: {  	v8 =	vld [tilespmem:s2+$0xC0]  }
0x1d1: {  	v7 =	vld [tilespmem:s2+$0x10]  }
0x1d2: {  	v9 =	vld [tilespmem:s2+$0x0];
	v1 =	vmul.f32 $1.131370830e+01, v1  }
0x1d3: {  	v11 =	vld [tilespmem:s2+$0x50];
	v4 =	vmul.f32 $1.131370830e+01, v4  }
0x1d4: {  	v10 =	vld [tilespmem:s2+$0xB0];
	v12 =	vmul.f32 $1.131370830e+01, v5;
	[tilespmem:s2+$0xA0] =	vst v1  }
0x1d5: {  	v6 =	vld [tilespmem:s2+$0xF0];
	v13 =	vmul.f32 $1.131370830e+01, v8;
	[tilespmem:s2+$0xD0] =	vst v4  }
0x1d6: {  	v1 =	vmul.f32 $1.131370830e+01, v2;
	v2 =	vmul.f32 $1.131370830e+01, v3;
	v3 =	vld [tilespmem:s2+$0x80];
	[tilespmem:s2+$0x20] =	vst v12  }
0x1d7: {  	v4 =	vld [tilespmem:s2+$0x70];
	[tilespmem:s2+$0xC0] =	vst v13  }
0x1d8: {  	v8 =	vmul.f32 $1.131370830e+01, v9;
	v5 =	vld [tilespmem:s2+$0x60];
	v9 =	vmul.f32 $1.131370830e+01, v11;
	[tilespmem:s2+$0x40] =	vst v1  }
0x1d9: {  	s17 =	simm.s32 $0x18500;
	s15 =	simm.s32 $0x40;
	[tilespmem:s2+$0xE0] =	vst v2;
	v1 =	vmul.f32 $1.131370830e+01, v7;
	v7 =	vld [tilespmem:s2+$0x30];
	v2 =	vmul.f32 $1.131370830e+01, v10  }
.LBB2_21:
0x1da: {  	v10 =	vld [tilespmem:s17+$0xA0];
	s15 =	sadd.s32 $0x2, s15;
	[tilespmem:s2+$0x0] =	vst v8;
	v0 =	vmul.f32 $1.131370830e+01, v0;
	v6 =	vmul.f32 $1.131370830e+01, v6  }
0x1db: {  	v8 =	vld [tilespmem:s17+$0x40];
	p1 =	slt.u32 s15, $0x7E;
	[tilespmem:s2+$0x50] =	vst v9;
	v3 =	vmul.f32 $1.131370830e+01, v3  }
0x1dc: {  	v9 =	vld [tilespmem:s17+$0xE0];
	v4 =	vmul.f32 $1.131370830e+01, v4;
	[tilespmem:s2+$0xF0] =	vst v6  }
0x1dd: {  	v11 =	vld [tilespmem:s17+$0x20];
	v5 =	vmul.f32 $1.131370830e+01, v5;
	[tilespmem:s2+$0x80] =	vst v3  }
0x1de: {  	v3 =	vld [tilespmem:s17+$0xD0];
	v6 =	vmul.f32 $1.131370830e+01, v7;
	[tilespmem:s2+$0x90] =	vst v0  }
0x1df: {  	v0 =	vld [tilespmem:s17+$0x90];
	v7 =	vmul.f32 $1.131370830e+01, v10;
	[tilespmem:s2+$0x10] =	vst v1  }
0x1e0: {  	v1 =	vld [tilespmem:s17+$0x10];
	[tilespmem:s2+$0x30] =	vst v6  }
0x1e1: {  	v10 =	vld [tilespmem:s17+$0xC0];
	v9 =	vmul.f32 $1.131370830e+01, v9;
	[tilespmem:s2+$0xB0] =	vst v2  }
0x1e2: {  	v2 =	vld [tilespmem:s17+$0x0];
	[tilespmem:s2+$0x70] =	vst v4  }
0x1e3: {  	v12 =	vld [tilespmem:s17+$0xB0];
	v3 =	vmul.f32 $1.131370830e+01, v3;
	[tilespmem:s2+$0x60] =	vst v5;
	s2 =	smov.u32 s17  }
0x1e4: {  	v13 =	vld [tilespmem:s17+$0x50];
	[tilespmem:s17+$0xA0] =	vst v7  }
.Ltmp11:
0x1e5: {  	v4 =	vmul.f32 $1.131370830e+01, v8;
	[tilespmem:s17+$0xD0] =	vst v3;
	v6 =	vld [tilespmem:s17+$0xF0];
	(pc) =	sbr.rel @p1 .LBB2_21-.Ltmp11, $4  }
0x1e6: {  	v3 =	vld [tilespmem:s17+$0x80];
	v7 =	vmul.f32 $1.131370830e+01, v10;
	[tilespmem:s17+$0xE0] =	vst v9  }
0x1e7: {  	v9 =	vmul.f32 $1.131370830e+01, v11;
	[tilespmem:s17+$0x40] =	vst v4;
	v4 =	vld [tilespmem:s17+$0x70]  }
0x1e8: {  	v1 =	vmul.f32 $1.131370830e+01, v1;
	v8 =	vmul.f32 $1.131370830e+01, v2;
	v5 =	vld [tilespmem:s17+$0x60];
	[tilespmem:s17+$0xC0] =	vst v7  }
0x1e9: {  	v2 =	vmul.f32 $1.131370830e+01, v12;
	s17 =	sadd.s32 $0x100, s17;
	[tilespmem:s2+$0x20] =	vst v9;
	v7 =	vld [tilespmem:s2+$0x30];
	v9 =	vmul.f32 $1.131370830e+01, v13  }
0x1ea: {  	[tilespmem:s2+$0x0] =	vst v8  }
0x1eb: {  	[tilespmem:s2+$0x10] =	vst v1  }
0x1ec: {  	v6 =	vmul.f32 $1.131370830e+01, v6;
	[tilespmem:s2+$0x50] =	vst v9  }
0x1ed: {  	v0 =	vmul.f32 $1.131370830e+01, v0;
	[tilespmem:s2+$0xB0] =	vst v2  }
0x1ee: {  	v3 =	vmul.f32 $1.131370830e+01, v3;
	[tilespmem:s2+$0xF0] =	vst v6  }
0x1ef: {  	[tilespmem:s2+$0x90] =	vst v0;
	v62 =	vmul.f32 $1.131370830e+01, v4  }
0x1f0: {  	[tilespmem:s2+$0x80] =	vst v3;
	v63 =	vmul.f32 $1.131370830e+01, v5  }
0x1f1: {  	v61 =	vmul.f32 $1.131370830e+01, v7;
	[tilespmem:s2+$0x70] =	vst v62  }
0x1f2: {  	[tilespmem:s2+$0x60] =	vst v63  }
.Ltmp12:
0x1f3: {  	s0 =	sadd.s32 s0, s7;
	[tilespmem:s2+$0x30] =	vst v61;
	(pc) =	sbr.rel @p0 .LBB2_24-.Ltmp12, $4  }
0x1f4: {  	[hbm4b:s0+s5] =	stream.linear.scatter [tilespmem:s26], [sflag:$0x2], $0x2000, $0x38;
	[tilespmem:$0x1A400] =	vst v63  }
0x1f5: {  	_ =	swait.ge [sflag:s28], $0x4000  }
0x1f6: {  	[sflag:s28] =	ssyncset.done $0x0  }
0x1f7: {  	[sflag:s28] =	ssyncadd.s32 $0xFFFFC000  }
0x1f8: {  	s0 =	smul.u32 $0xA00, s30  }
.Ltmp13:
0x1f9: {  	_ = 	snop;
	(pc) =	sbr.rel .LBB2_2-.Ltmp13, $4  }
0x1fa: {  	_ = 	snop  }
0x1fb: {  	s0 =	sshra.s32 s0, $0x2  }
0x1fc: {  	s30 =	sadd.s32 $0x1, s30;
	s0 =	sadd.s32 $0x300, s0  }
0x1fd: {  	[tilespmem:s14], [sflag:$0x1] =	stream.indirect.gather [hbm4b:s1+s12], $0x80, s0, s12, $0xb8;
	[tilespmem:$0x1A400] =	vst v63  }
.LBB2_25:
0x1fe: {  	_ =	sfence.sel $0x180000  }
0x1ff: {  	[bflag:$0x0] =	sbarrier.arrive $0xFFFF  }
0x200: {  	_ =	strace $0x90000047  }
0x201: {  	s0 =	stileid.u32;
	[bflag:$0x2] =	sbarrier.arrive $0xFFFF  }
0x202: {  	p0 =	sne.s32 s0, $0x0;
	s0 =	rddreg [dreg:$0x3]  }
0x203: {  	s0 =	sadd.s32 @!p0 $0x100000, s0  }
0x204: {  	[sflag:s0] =	ssyncadd.tile.s32 @!p0 $0x1;
	_ =	shalt  }
.Lfunc_end2:
_tile_overlayer_lowered:
.L_overlay_start_2:
0x205: {  	(tag) =	ssettag $0x2  }
0x206: {  	s0 =	rddreg [dreg:$0x0];
	s2 =	stileid.u32  }
0x207: {  	s1 =	rddreg [dreg:$0x1];
	p0 =	sne.s32 s2, $0x0  }
0x208: {  	s3 =	rddreg [dreg:$0x2];
	[bflag:$0x3] =	sbarrier.arrive $0xFFFF;
	s2 =	simm.s32 @!p0 $0x1C03  }
0x209: {  	[timem:s3], [sflag:s2] =	dma.local @!p0 [hbm:s0], s1  }
0x20a: {  	s0 =	simm.s32 @!p0 $0x3  }
0x20b: {  	_ =	swait.ge @!p0 [sflag:s0], s1  }
0x20c: {  	s1 =	ssub.s32 @!p0 $0x0, s1;
	[sflag:s0] =	ssyncset.done @!p0 $0x0  }
0x20d: {  	[sflag:s0] =	ssyncadd.s32 @!p0 s1  }
0x20e: {  	[bflag:$0x3] =	sbarrier.arrive $0xFFFF  }
0x20f: {  	_ =	shalt  }

</sc_bundles>
